<compile_context>
chip_gen: v7x
topology: tpu7x:2x2x1
jax: 0.10.2.dev20260603
libtpu: 0.0.44.dev20260713+nightly
codegen_flags: <defaults>
</compile_context>

<pallas_src>
import functools

import jax
import jax.numpy as jnp
from jax import lax
from jax.experimental import pallas as pl
from jax.experimental.pallas import tpu as pltpu
from jax.experimental.pallas import tpu_sc as plsc

N_NODES = 10000
N_EDGES = 320000
D_IN = 128
D_H = 64
N_STEPS = 3
N_BLOCKS = 3
N_OUT = 1

NW = 32
EPW = N_EDGES // NW
CH = 80
NCH = EPW // CH

_MESH = plsc.VectorSubcoreMesh(core_axis_name="c", subcore_axis_name="s",
                               num_cores=2, num_subcores=16)

f32 = jnp.float32


def _gate(z):
    v, g = jnp.split(z, 2, axis=-1)
    return (0.25 * v) * (1.0 + jnp.tanh(0.5 * v)) * (1.0 + jnp.tanh(0.5 * g))


@functools.partial(
    pl.kernel,
    out_type=(
        jax.ShapeDtypeStruct((N_EDGES, 2 * D_H), f32),
        jax.ShapeDtypeStruct((N_EDGES, 2 * D_H), f32),
    ),
    mesh=_MESH,
    scratch_types=[
        pltpu.VMEM((NCH, CH), jnp.int32),
        pltpu.VMEM((NCH, CH), jnp.int32),
        pltpu.VMEM((3, CH, 2 * D_H), f32),
        pltpu.VMEM((3, CH, 2 * D_H), f32),
        pltpu.SemaphoreType.DMA((3,)),
        pltpu.SemaphoreType.DMA((3,)),
        pltpu.SemaphoreType.DMA((3,)),
        pltpu.SemaphoreType.DMA((3,)),
    ],
)
def _sc_gather(a_hbm, b_hbm, src_hbm, dst_hbm, gs_hbm, gd_hbm,
               src_v, dst_v, bufs, bufd, gsem_s, gsem_d, wsem_s, wsem_d):
    wid = lax.axis_index("s") * 2 + lax.axis_index("c")
    pltpu.sync_copy(src_hbm.at[wid], src_v)
    pltpu.sync_copy(dst_hbm.at[wid], dst_v)

    def start_gather(j, p):
        pltpu.async_copy(a_hbm.at[src_v.at[j]], bufs.at[p], gsem_s.at[p])
        pltpu.async_copy(b_hbm.at[dst_v.at[j]], bufd.at[p], gsem_d.at[p])

    def wait_gather(p):
        pltpu.make_async_copy(a_hbm.at[src_v.at[0]], bufs.at[p],
                              gsem_s.at[p]).wait()
        pltpu.make_async_copy(b_hbm.at[dst_v.at[0]], bufd.at[p],
                              gsem_d.at[p]).wait()

    def start_write(j, p):
        base = wid * EPW + j * CH
        pltpu.async_copy(bufs.at[p], gs_hbm.at[pl.ds(base, CH)], wsem_s.at[p])
        pltpu.async_copy(bufd.at[p], gd_hbm.at[pl.ds(base, CH)], wsem_d.at[p])

    def wait_write(p):
        pltpu.make_async_copy(bufs.at[p], gs_hbm.at[pl.ds(0, CH)],
                              wsem_s.at[p]).wait()
        pltpu.make_async_copy(bufd.at[p], gd_hbm.at[pl.ds(0, CH)],
                              wsem_d.at[p]).wait()

    for jj in range(2):
        start_gather(jj, jj)

    def body(j, _):
        p = lax.rem(j, 3)
        q = lax.rem(j + 2, 3)
        wait_gather(p)

        @pl.when(j + 2 < NCH)
        def _():
            @pl.when(j >= 1)
            def _():
                wait_write(q)

            start_gather(j + 2, q)

        start_write(j, p)
        return 0

    lax.fori_loop(0, NCH, body, 0)
    for jj in range(3):
        wait_write(jj)


@functools.partial(
    pl.kernel,
    out_type=jax.ShapeDtypeStruct((2, N_NODES, D_H), f32),
    mesh=_MESH,
    scratch_types=[
        pltpu.VMEM((NCH, CH), jnp.int32),
        pltpu.VMEM((3, CH, D_H), f32),
        pltpu.VMEM_SHARED((N_NODES, D_H), f32),
        pltpu.SemaphoreType.DMA((3,)),
        pltpu.SemaphoreType.DMA((3,)),
    ],
)
def _sc_scatter(m_hbm, dst_hbm, zero_hbm, out_hbm, dst_v, buf, acc,
                rsem, ssem):
    cid = lax.axis_index("c")
    sid = lax.axis_index("s")
    wid = sid * 2 + cid

    @pl.when(sid == 0)
    def _():
        pltpu.sync_copy(zero_hbm, acc)

    pltpu.sync_copy(dst_hbm.at[wid], dst_v)
    plsc.subcore_barrier()

    def start_read(j, p):
        base = wid * EPW + j * CH
        pltpu.async_copy(m_hbm.at[pl.ds(base, CH)], buf.at[p], rsem.at[p])

    def wait_read(p):
        pltpu.make_async_copy(m_hbm.at[pl.ds(0, CH)], buf.at[p],
                              rsem.at[p]).wait()

    def wait_scatter(p):
        pltpu.make_async_copy(buf.at[p], acc.at[dst_v.at[0]],
                              ssem.at[p]).wait()

    for jj in range(2):
        start_read(jj, jj)

    def body(j, _):
        p = lax.rem(j, 3)
        q = lax.rem(j + 2, 3)
        wait_read(p)

        @pl.when(j + 2 < NCH)
        def _():
            @pl.when(j >= 1)
            def _():
                wait_scatter(q)

            start_read(j + 2, q)

        pltpu.async_copy(buf.at[p], acc.at[dst_v.at[j]], ssem.at[p],
                         add=True)
        return 0

    lax.fori_loop(0, NCH, body, 0)
    for jj in range(3):
        wait_scatter(jj)
    plsc.subcore_barrier()

    @pl.when(sid == 0)
    def _():
        pltpu.sync_copy(acc, out_hbm.at[cid])


def _ab(h, w1, b1):
    a = jnp.dot(h, w1[:D_H], preferred_element_type=f32) + b1
    b = jnp.dot(h, w1[D_H:], preferred_element_type=f32)
    return a, b


def _embed_body(x_ref, w_ref, b_ref, w1_ref, b1_ref, h_ref, a_ref, bb_ref):
    h = jnp.dot(x_ref[...], w_ref[...], preferred_element_type=f32) + b_ref[...]
    h_ref[...] = h
    a_ref[...], bb_ref[...] = _ab(h, w1_ref[...], b1_ref[...])


def _embed_pre(x, Wemb, bemb, W1, b1):
    return pl.pallas_call(
        _embed_body,
        out_shape=(
            jax.ShapeDtypeStruct((N_NODES, D_H), f32),
            jax.ShapeDtypeStruct((N_NODES, 2 * D_H), f32),
            jax.ShapeDtypeStruct((N_NODES, 2 * D_H), f32),
        ),
    )(x, Wemb, bemb.reshape(1, D_H), W1, b1.reshape(1, 2 * D_H))


BE = 8000


def _edge_body(gs_ref, gd_ref, w2_ref, b2_ref, w3_ref, b3_ref, o_ref):
    m1 = _gate(gs_ref[...] + gd_ref[...])
    m2 = _gate(jnp.dot(m1, w2_ref[...], preferred_element_type=f32)
               + b2_ref[...])
    o_ref[...] = (jnp.dot(m2, w3_ref[...], preferred_element_type=f32)
                  + b3_ref[...])


def _edge_mlp(gs, gd, W2, b2, W3, b3):
    nblk = N_EDGES // BE
    eb = pl.BlockSpec((BE, 2 * D_H), lambda i: (i, 0))
    full = lambda *shape: pl.BlockSpec(shape, lambda i: (0,) * len(shape))
    return pl.pallas_call(
        _edge_body,
        grid=(nblk,),
        in_specs=[eb, eb,
                  full(D_H, 2 * D_H), full(1, 2 * D_H),
                  full(D_H, D_H), full(1, D_H)],
        out_specs=pl.BlockSpec((BE, D_H), lambda i: (i, 0)),
        out_shape=jax.ShapeDtypeStruct((N_EDGES, D_H), f32),
    )(gs, gd, W2, b2.reshape(1, -1), W3, b3.reshape(1, -1))


def _node_body(s_ref, h_ref, wn_ref, bn_ref, w1_ref, b1_ref,
               o_ref, a_ref, bb_ref):
    scale = 1.0 / (N_EDGES - 1)
    m_i = (s_ref[0] + s_ref[1]) * scale
    h = h_ref[...]
    wn = wn_ref[...]
    h_new = (jnp.dot(m_i, wn[:D_H], preferred_element_type=f32)
             + jnp.dot(h, wn[D_H:], preferred_element_type=f32)
             + bn_ref[...] + h)
    o_ref[...] = h_new
    a_ref[...], bb_ref[...] = _ab(h_new, w1_ref[...], b1_ref[...])


def _node_update_pre(s_parts, h, Wn, bn, W1, b1):
    return pl.pallas_call(
        _node_body,
        out_shape=(
            jax.ShapeDtypeStruct((N_NODES, D_H), f32),
            jax.ShapeDtypeStruct((N_NODES, 2 * D_H), f32),
            jax.ShapeDtypeStruct((N_NODES, 2 * D_H), f32),
        ),
    )(s_parts, h, Wn, bn.reshape(1, D_H), W1, b1.reshape(1, 2 * D_H))


def _final_body(s_ref, h_ref, wn_ref, bn_ref, wd_ref, bd_ref,
                wdf_ref, bdf_ref, o_ref):
    scale = 1.0 / (N_EDGES - 1)
    m_i = (s_ref[0] + s_ref[1]) * scale
    h = h_ref[...]
    wn = wn_ref[...]
    h = (jnp.dot(m_i, wn[:D_H], preferred_element_type=f32)
         + jnp.dot(h, wn[D_H:], preferred_element_type=f32)
         + bn_ref[...] + h)
    for b in range(N_BLOCKS):
        h = _gate(jnp.dot(h, wd_ref[b], preferred_element_type=f32)
                  + bd_ref[b])
    o_ref[...] = (jnp.sum(h * wdf_ref[...], axis=1, keepdims=True)
                  + bdf_ref[...])


def _final_decode(s_parts, h, Wn, bn, Wd, bd, Wdf, bdf):
    return pl.pallas_call(
        _final_body,
        out_shape=jax.ShapeDtypeStruct((N_NODES, N_OUT), f32),
    )(s_parts, h, Wn, bn.reshape(1, D_H), Wd,
      bd.reshape(N_BLOCKS, 1, 2 * D_H), Wdf.reshape(1, D_H),
      bdf.reshape(1, N_OUT))


def kernel(x, edge_index, Wemb, bemb, We1, be1, We2, be2, We3, be3,
           Wn, bn, Wd, bd, Wdf, bdf):
    src = edge_index[0].astype(jnp.int32).reshape(NW, NCH, CH)
    dst = edge_index[1].astype(jnp.int32).reshape(NW, NCH, CH)
    zeros = jnp.zeros((N_NODES, D_H), dtype=f32)

    h, a, b = _embed_pre(x, Wemb, bemb, We1[0], be1[0])
    for s in range(N_STEPS):
        gs, gd = _sc_gather(a, b, src, dst)
        m3 = _edge_mlp(gs, gd, We2[s], be2[s], We3[s], be3[s])
        s_parts = _sc_scatter(m3, dst, zeros)
        if s + 1 < N_STEPS:
            h, a, b = _node_update_pre(s_parts, h, Wn[s], bn[s],
                                       We1[s + 1], be1[s + 1])
        else:
            return _final_decode(s_parts, h, Wn[s], bn[s], Wd, bd, Wdf, bdf)

# --- scband reference (transcript-rebuilt; emitter-appended) ---
"""Pipeline reference for scband-segnn-53188874993854 (READ-ONLY COPY).

The authoritative reference and input builder live on the scoring server;
editing this copy changes nothing except your own understanding.
"""

import jax, jax.numpy as jnp
import numpy as np

N_NODES = 10000
N_EDGES = 320000
D_IN = 128
D_H = 64
N_STEPS = 3
N_BLOCKS = 3
N_OUT = 1


def _gate(h):
    # e3nn-style gate approximation: scalar activation (silu) on values,
    # sigmoid on gate scalars, elementwise product.
    v, g = jnp.split(h, 2, axis=-1)
    return jax.nn.silu(v) * jax.nn.sigmoid(g)


def setup_inputs(seed: int = 0) -> dict:
    key = jax.random.key(seed)
    ks = jax.random.split(key, 20)
    x = jax.random.normal(ks[0], (N_NODES, D_IN), dtype=jnp.float32)
    edge_index = jax.random.randint(ks[1], (2, N_EDGES), 0, N_NODES, dtype=jnp.int64)
    s = 0.1
    # Embedding (TensorProductLinearGate, activation=False)
    Wemb = jax.random.normal(ks[2], (D_IN, D_H), dtype=jnp.float32) * s
    bemb = jnp.zeros((D_H,), dtype=jnp.float32)
    # Edge MLP per message-passing step: 2 gated layers + 1 linear (num_blocks=3)
    We1 = jax.random.normal(ks[3], (N_STEPS, 2 * D_H, 2 * D_H), dtype=jnp.float32) * s
    be1 = jnp.zeros((N_STEPS, 2 * D_H), dtype=jnp.float32)
    We2 = jax.random.normal(ks[4], (N_STEPS, D_H, 2 * D_H), dtype=jnp.float32) * s
    be2 = jnp.zeros((N_STEPS, 2 * D_H), dtype=jnp.float32)
    We3 = jax.random.normal(ks[5], (N_STEPS, D_H, D_H), dtype=jnp.float32) * s
    be3 = jnp.zeros((N_STEPS, D_H), dtype=jnp.float32)
    # Node update: single linear on concat(m_i, nodes) (last TPLG in get_node_mlp_updates)
    Wn = jax.random.normal(ks[6], (N_STEPS, 2 * D_H, D_H), dtype=jnp.float32) * s
    bn = jnp.zeros((N_STEPS, D_H), dtype=jnp.float32)
    # Decode: num_blocks gated layers + final linear to n_outputs
    Wd = jax.random.normal(ks[7], (N_BLOCKS, D_H, 2 * D_H), dtype=jnp.float32) * s
    bd = jnp.zeros((N_BLOCKS, 2 * D_H), dtype=jnp.float32)
    Wdf = jax.random.normal(ks[8], (D_H, N_OUT), dtype=jnp.float32) * s
    bdf = jnp.zeros((N_OUT,), dtype=jnp.float32)
    return {
        "x": x, "edge_index": edge_index,
        "Wemb": Wemb, "bemb": bemb,
        "We1": We1, "be1": be1, "We2": We2, "be2": be2, "We3": We3, "be3": be3,
        "Wn": Wn, "bn": bn,
        "Wd": Wd, "bd": bd, "Wdf": Wdf, "bdf": bdf,
    }


def reference(x, edge_index, Wemb, bemb, We1, be1, We2, be2, We3, be3, Wn, bn, Wd, bd, Wdf, bdf):
    n = x.shape[0]
    src = edge_index[0]
    dst = edge_index[1]
    e = src.shape[0]
    # _embed: linear (no activation)
    h = x @ Wemb + bemb
    for s in range(N_STEPS):
        # edge update: concat(senders, receivers) -> gated MLP -> linear
        m = jnp.concatenate([jnp.take(h, src, axis=0), jnp.take(h, dst, axis=0)], axis=-1)
        m = _gate(m @ We1[s] + be1[s])
        m = _gate(m @ We2[s] + be2[s])
        m = m @ We3[s] + be3[s]
        # aggregate messages (segment_sum over receivers)
        m_i = jax.ops.segment_sum(m, dst, num_segments=n)
        # normalize_messages
        m_i = m_i / (e - 1)
        # node update: linear on concat(m_i, nodes)
        h_new = jnp.concatenate([m_i, h], axis=-1) @ Wn[s] + bn[s]
        # residual
        h = h_new + h
    # _decode (task='node'): num_blocks gated layers then final linear
    for b in range(N_BLOCKS):
        h = _gate(h @ Wd[b] + bd[b])
    out = h @ Wdf + bdf
    return out

if __name__ == "__main__":
    import jax
    _d = setup_inputs()
    print(jax.jit(kernel)(*tuple(_d.values())))

</pallas_src>

<mosaic_0001>
#map = affine_map<(d0, d1) -> (0, 0)>
#map1 = affine_map<(d0, d1) -> (0, 0, 0)>
module attributes {stable_mosaic.version = 14 : i64} {
  func.func @_sc_gather(%arg0: i32, %arg1: i32, %arg2: memref<10000x128xf32, #tpu.memory_space<hbm>>, %arg3: memref<10000x128xf32, #tpu.memory_space<hbm>>, %arg4: memref<32x125x80xi32, #tpu.memory_space<hbm>>, %arg5: memref<32x125x80xi32, #tpu.memory_space<hbm>>, %arg6: memref<320000x128xf32, #tpu.memory_space<hbm>>, %arg7: memref<320000x128xf32, #tpu.memory_space<hbm>>, %arg8: memref<125x80xi32, #tpu.memory_space<vmem>>, %arg9: memref<125x80xi32, #tpu.memory_space<vmem>>, %arg10: memref<3x80x128xf32, #tpu.memory_space<vmem>>, %arg11: memref<3x80x128xf32, #tpu.memory_space<vmem>>, %arg12: memref<3x!tpu.dma_semaphore, #tpu.memory_space<semaphore_mem>>, %arg13: memref<3x!tpu.dma_semaphore, #tpu.memory_space<semaphore_mem>>, %arg14: memref<3x!tpu.dma_semaphore, #tpu.memory_space<semaphore_mem>>, %arg15: memref<3x!tpu.dma_semaphore, #tpu.memory_space<semaphore_mem>>) attributes {dimension_semantics = [#tpu.dimension_semantics<core_parallel>, #tpu.dimension_semantics<subcore_parallel>], iteration_bounds = array<i64: 2, 16>, scalar_prefetch = 0 : i64, scratch_operands = 8 : i64, tpu.core_type = #tpu.core_type<sc_vector_subcore>, window_params = [{transform_indices = #map}, {transform_indices = #map}, {transform_indices = #map1}, {transform_indices = #map1}, {transform_indices = #map}, {transform_indices = #map}]} {
    %mul3A = arith.constant 2 : i32
    %mul3A_0 = arith.muli %arg1, %mul3A : i32
    %add3A = arith.addi %mul3A_0, %arg0 : i32
    "tpu.region"() ({
      %run_scoped3A = tpu.sem_alloc : memref<!tpu.dma_semaphore, #tpu.memory_space<semaphore_mem>>
      %dma_start3A_173 = arith.constant 0 : i32
      %dma_start3A_174 = arith.constant 0 : i32
      %dma_start3A_175 = tpu.memref_slice %arg4[%add3A, %dma_start3A_173, %dma_start3A_174] : memref<32x125x80xi32, #tpu.memory_space<hbm>> -> memref<1x125x80xi32, #tpu.memory_space<hbm>>
      %dma_start3A_176 = tpu.memref_squeeze %dma_start3A_175 : memref<1x125x80xi32, #tpu.memory_space<hbm>> -> memref<125x80xi32, #tpu.memory_space<hbm>>
      %dma_start3A_177 = arith.constant 0 : i32
      %dma_start3A_178 = arith.constant 0 : i32
      %dma_start3A_179 = tpu.memref_slice %arg4[%add3A, %dma_start3A_177, %dma_start3A_178] : memref<32x125x80xi32, #tpu.memory_space<hbm>> -> memref<1x125x80xi32, #tpu.memory_space<hbm>>
      %dma_start3A_180 = tpu.memref_squeeze %dma_start3A_179 : memref<1x125x80xi32, #tpu.memory_space<hbm>> -> memref<125x80xi32, #tpu.memory_space<hbm>>
      tpu.enqueue_dma source(%dma_start3A_180 : memref<125x80xi32, #tpu.memory_space<hbm>>) target(%arg8 : memref<125x80xi32, #tpu.memory_space<vmem>>) target_semaphore(%run_scoped3A : memref<!tpu.dma_semaphore, #tpu.memory_space<semaphore_mem>>)
      %dma_wait3A_181 = arith.constant 0 : i32
      %dma_wait3A_182 = arith.constant 0 : i32
      %dma_wait3A_183 = tpu.memref_slice %arg4[%add3A, %dma_wait3A_181, %dma_wait3A_182] : memref<32x125x80xi32, #tpu.memory_space<hbm>> -> memref<1x125x80xi32, #tpu.memory_space<hbm>>
      %dma_wait3A_184 = tpu.memref_squeeze %dma_wait3A_183 : memref<1x125x80xi32, #tpu.memory_space<hbm>> -> memref<125x80xi32, #tpu.memory_space<hbm>>
      %dma_wait3A_185 = arith.constant 0 : i32
      %dma_wait3A_186 = arith.constant 0 : i32
      %dma_wait3A_187 = tpu.memref_slice %arg4[%add3A, %dma_wait3A_185, %dma_wait3A_186] : memref<32x125x80xi32, #tpu.memory_space<hbm>> -> memref<1x125x80xi32, #tpu.memory_space<hbm>>
      %dma_wait3A_188 = tpu.memref_squeeze %dma_wait3A_187 : memref<1x125x80xi32, #tpu.memory_space<hbm>> -> memref<125x80xi32, #tpu.memory_space<hbm>>
      tpu.wait_dma2 semaphore(%run_scoped3A : memref<!tpu.dma_semaphore, #tpu.memory_space<semaphore_mem>>) src(%dma_wait3A_188 : memref<125x80xi32, #tpu.memory_space<hbm>>) dst(%arg8 : memref<125x80xi32, #tpu.memory_space<vmem>>)
      tpu.yield
    }) : () -> ()
    "tpu.region"() ({
      %run_scoped3A = tpu.sem_alloc : memref<!tpu.dma_semaphore, #tpu.memory_space<semaphore_mem>>
      %dma_start3A_173 = arith.constant 0 : i32
      %dma_start3A_174 = arith.constant 0 : i32
      %dma_start3A_175 = tpu.memref_slice %arg5[%add3A, %dma_start3A_173, %dma_start3A_174] : memref<32x125x80xi32, #tpu.memory_space<hbm>> -> memref<1x125x80xi32, #tpu.memory_space<hbm>>
      %dma_start3A_176 = tpu.memref_squeeze %dma_start3A_175 : memref<1x125x80xi32, #tpu.memory_space<hbm>> -> memref<125x80xi32, #tpu.memory_space<hbm>>
      %dma_start3A_177 = arith.constant 0 : i32
      %dma_start3A_178 = arith.constant 0 : i32
      %dma_start3A_179 = tpu.memref_slice %arg5[%add3A, %dma_start3A_177, %dma_start3A_178] : memref<32x125x80xi32, #tpu.memory_space<hbm>> -> memref<1x125x80xi32, #tpu.memory_space<hbm>>
      %dma_start3A_180 = tpu.memref_squeeze %dma_start3A_179 : memref<1x125x80xi32, #tpu.memory_space<hbm>> -> memref<125x80xi32, #tpu.memory_space<hbm>>
      tpu.enqueue_dma source(%dma_start3A_180 : memref<125x80xi32, #tpu.memory_space<hbm>>) target(%arg9 : memref<125x80xi32, #tpu.memory_space<vmem>>) target_semaphore(%run_scoped3A : memref<!tpu.dma_semaphore, #tpu.memory_space<semaphore_mem>>)
      %dma_wait3A_181 = arith.constant 0 : i32
      %dma_wait3A_182 = arith.constant 0 : i32
      %dma_wait3A_183 = tpu.memref_slice %arg5[%add3A, %dma_wait3A_181, %dma_wait3A_182] : memref<32x125x80xi32, #tpu.memory_space<hbm>> -> memref<1x125x80xi32, #tpu.memory_space<hbm>>
      %dma_wait3A_184 = tpu.memref_squeeze %dma_wait3A_183 : memref<1x125x80xi32, #tpu.memory_space<hbm>> -> memref<125x80xi32, #tpu.memory_space<hbm>>
      %dma_wait3A_185 = arith.constant 0 : i32
      %dma_wait3A_186 = arith.constant 0 : i32
      %dma_wait3A_187 = tpu.memref_slice %arg5[%add3A, %dma_wait3A_185, %dma_wait3A_186] : memref<32x125x80xi32, #tpu.memory_space<hbm>> -> memref<1x125x80xi32, #tpu.memory_space<hbm>>
      %dma_wait3A_188 = tpu.memref_squeeze %dma_wait3A_187 : memref<1x125x80xi32, #tpu.memory_space<hbm>> -> memref<125x80xi32, #tpu.memory_space<hbm>>
      tpu.wait_dma2 semaphore(%run_scoped3A : memref<!tpu.dma_semaphore, #tpu.memory_space<semaphore_mem>>) src(%dma_wait3A_188 : memref<125x80xi32, #tpu.memory_space<hbm>>) dst(%arg9 : memref<125x80xi32, #tpu.memory_space<vmem>>)
      tpu.yield
    }) : () -> ()
    %dma_start3A = arith.constant 0 : i32
    %dma_start3A_1 = arith.constant 0 : i32
    %dma_start3A_2 = arith.constant 0 : i32
    %dma_start3A_3 = arith.constant 0 : i32
    %dma_start3A_4 = arith.constant 0 : i32
    %dma_start3A_5 = tpu.memref_slice %arg10[%dma_start3A_1, %dma_start3A_3, %dma_start3A_4] : memref<3x80x128xf32, #tpu.memory_space<vmem>> -> memref<1x80x128xf32, #tpu.memory_space<vmem>>
    %dma_start3A_6 = tpu.memref_squeeze %dma_start3A_5 : memref<1x80x128xf32, #tpu.memory_space<vmem>> -> memref<80x128xf32, #tpu.memory_space<vmem>>
    %dma_start3A_7 = arith.constant 0 : i32
    %dma_start3A_8 = tpu.memref_slice %arg8[%dma_start3A, %dma_start3A_7] : memref<125x80xi32, #tpu.memory_space<vmem>> -> memref<1x80xi32, #tpu.memory_space<vmem>>
    %dma_start3A_9 = tpu.memref_squeeze %dma_start3A_8 : memref<1x80xi32, #tpu.memory_space<vmem>> -> memref<80xi32, #tpu.memory_space<vmem>>
    %dma_start3A_10 = arith.constant 0 : i32
    %dma_start3A_11 = arith.constant 0 : i32
    %dma_start3A_12 = tpu.memref_slice %arg2[%dma_start3A_10, %dma_start3A_11] : memref<10000x128xf32, #tpu.memory_space<hbm>> -> memref<10000x128xf32, #tpu.memory_space<hbm>>
    %dma_start3A_13 = tpu.memref_slice %arg12[%dma_start3A_2] : memref<3x!tpu.dma_semaphore, #tpu.memory_space<semaphore_mem>> -> memref<1x!tpu.dma_semaphore, #tpu.memory_space<semaphore_mem>>
    %dma_start3A_14 = tpu.memref_squeeze %dma_start3A_13 : memref<1x!tpu.dma_semaphore, #tpu.memory_space<semaphore_mem>> -> memref<!tpu.dma_semaphore, #tpu.memory_space<semaphore_mem>>
    tpu.enqueue_indirect_dma source(%dma_start3A_12 : memref<10000x128xf32, #tpu.memory_space<hbm>>) target(%dma_start3A_6 : memref<80x128xf32, #tpu.memory_space<vmem>>) offsets(%dma_start3A_9 : memref<80xi32, #tpu.memory_space<vmem>>) semaphore(%dma_start3A_14 : memref<!tpu.dma_semaphore, #tpu.memory_space<semaphore_mem>>)
    %dma_start3A_15 = arith.constant 0 : i32
    %dma_start3A_16 = arith.constant 0 : i32
    %dma_start3A_17 = arith.constant 0 : i32
    %dma_start3A_18 = arith.constant 0 : i32
    %dma_start3A_19 = arith.constant 0 : i32
    %dma_start3A_20 = tpu.memref_slice %arg11[%dma_start3A_16, %dma_start3A_18, %dma_start3A_19] : memref<3x80x128xf32, #tpu.memory_space<vmem>> -> memref<1x80x128xf32, #tpu.memory_space<vmem>>
    %dma_start3A_21 = tpu.memref_squeeze %dma_start3A_20 : memref<1x80x128xf32, #tpu.memory_space<vmem>> -> memref<80x128xf32, #tpu.memory_space<vmem>>
    %dma_start3A_22 = arith.constant 0 : i32
    %dma_start3A_23 = tpu.memref_slice %arg9[%dma_start3A_15, %dma_start3A_22] : memref<125x80xi32, #tpu.memory_space<vmem>> -> memref<1x80xi32, #tpu.memory_space<vmem>>
    %dma_start3A_24 = tpu.memref_squeeze %dma_start3A_23 : memref<1x80xi32, #tpu.memory_space<vmem>> -> memref<80xi32, #tpu.memory_space<vmem>>
    %dma_start3A_25 = arith.constant 0 : i32
    %dma_start3A_26 = arith.constant 0 : i32
    %dma_start3A_27 = tpu.memref_slice %arg3[%dma_start3A_25, %dma_start3A_26] : memref<10000x128xf32, #tpu.memory_space<hbm>> -> memref<10000x128xf32, #tpu.memory_space<hbm>>
    %dma_start3A_28 = tpu.memref_slice %arg13[%dma_start3A_17] : memref<3x!tpu.dma_semaphore, #tpu.memory_space<semaphore_mem>> -> memref<1x!tpu.dma_semaphore, #tpu.memory_space<semaphore_mem>>
    %dma_start3A_29 = tpu.memref_squeeze %dma_start3A_28 : memref<1x!tpu.dma_semaphore, #tpu.memory_space<semaphore_mem>> -> memref<!tpu.dma_semaphore, #tpu.memory_space<semaphore_mem>>
    tpu.enqueue_indirect_dma source(%dma_start3A_27 : memref<10000x128xf32, #tpu.memory_space<hbm>>) target(%dma_start3A_21 : memref<80x128xf32, #tpu.memory_space<vmem>>) offsets(%dma_start3A_24 : memref<80xi32, #tpu.memory_space<vmem>>) semaphore(%dma_start3A_29 : memref<!tpu.dma_semaphore, #tpu.memory_space<semaphore_mem>>)
    %dma_start3A_30 = arith.constant 1 : i32
    %dma_start3A_31 = arith.constant 1 : i32
    %dma_start3A_32 = arith.constant 1 : i32
    %dma_start3A_33 = arith.constant 0 : i32
    %dma_start3A_34 = arith.constant 0 : i32
    %dma_start3A_35 = tpu.memref_slice %arg10[%dma_start3A_31, %dma_start3A_33, %dma_start3A_34] : memref<3x80x128xf32, #tpu.memory_space<vmem>> -> memref<1x80x128xf32, #tpu.memory_space<vmem>>
    %dma_start3A_36 = tpu.memref_squeeze %dma_start3A_35 : memref<1x80x128xf32, #tpu.memory_space<vmem>> -> memref<80x128xf32, #tpu.memory_space<vmem>>
    %dma_start3A_37 = arith.constant 0 : i32
    %dma_start3A_38 = tpu.memref_slice %arg8[%dma_start3A_30, %dma_start3A_37] : memref<125x80xi32, #tpu.memory_space<vmem>> -> memref<1x80xi32, #tpu.memory_space<vmem>>
    %dma_start3A_39 = tpu.memref_squeeze %dma_start3A_38 : memref<1x80xi32, #tpu.memory_space<vmem>> -> memref<80xi32, #tpu.memory_space<vmem>>
    %dma_start3A_40 = arith.constant 0 : i32
    %dma_start3A_41 = arith.constant 0 : i32
    %dma_start3A_42 = tpu.memref_slice %arg2[%dma_start3A_40, %dma_start3A_41] : memref<10000x128xf32, #tpu.memory_space<hbm>> -> memref<10000x128xf32, #tpu.memory_space<hbm>>
    %dma_start3A_43 = tpu.memref_slice %arg12[%dma_start3A_32] : memref<3x!tpu.dma_semaphore, #tpu.memory_space<semaphore_mem>> -> memref<1x!tpu.dma_semaphore, #tpu.memory_space<semaphore_mem>>
    %dma_start3A_44 = tpu.memref_squeeze %dma_start3A_43 : memref<1x!tpu.dma_semaphore, #tpu.memory_space<semaphore_mem>> -> memref<!tpu.dma_semaphore, #tpu.memory_space<semaphore_mem>>
    tpu.enqueue_indirect_dma source(%dma_start3A_42 : memref<10000x128xf32, #tpu.memory_space<hbm>>) target(%dma_start3A_36 : memref<80x128xf32, #tpu.memory_space<vmem>>) offsets(%dma_start3A_39 : memref<80xi32, #tpu.memory_space<vmem>>) semaphore(%dma_start3A_44 : memref<!tpu.dma_semaphore, #tpu.memory_space<semaphore_mem>>)
    %dma_start3A_45 = arith.constant 1 : i32
    %dma_start3A_46 = arith.constant 1 : i32
    %dma_start3A_47 = arith.constant 1 : i32
    %dma_start3A_48 = arith.constant 0 : i32
    %dma_start3A_49 = arith.constant 0 : i32
    %dma_start3A_50 = tpu.memref_slice %arg11[%dma_start3A_46, %dma_start3A_48, %dma_start3A_49] : memref<3x80x128xf32, #tpu.memory_space<vmem>> -> memref<1x80x128xf32, #tpu.memory_space<vmem>>
    %dma_start3A_51 = tpu.memref_squeeze %dma_start3A_50 : memref<1x80x128xf32, #tpu.memory_space<vmem>> -> memref<80x128xf32, #tpu.memory_space<vmem>>
    %dma_start3A_52 = arith.constant 0 : i32
    %dma_start3A_53 = tpu.memref_slice %arg9[%dma_start3A_45, %dma_start3A_52] : memref<125x80xi32, #tpu.memory_space<vmem>> -> memref<1x80xi32, #tpu.memory_space<vmem>>
    %dma_start3A_54 = tpu.memref_squeeze %dma_start3A_53 : memref<1x80xi32, #tpu.memory_space<vmem>> -> memref<80xi32, #tpu.memory_space<vmem>>
    %dma_start3A_55 = arith.constant 0 : i32
    %dma_start3A_56 = arith.constant 0 : i32
    %dma_start3A_57 = tpu.memref_slice %arg3[%dma_start3A_55, %dma_start3A_56] : memref<10000x128xf32, #tpu.memory_space<hbm>> -> memref<10000x128xf32, #tpu.memory_space<hbm>>
    %dma_start3A_58 = tpu.memref_slice %arg13[%dma_start3A_47] : memref<3x!tpu.dma_semaphore, #tpu.memory_space<semaphore_mem>> -> memref<1x!tpu.dma_semaphore, #tpu.memory_space<semaphore_mem>>
    %dma_start3A_59 = tpu.memref_squeeze %dma_start3A_58 : memref<1x!tpu.dma_semaphore, #tpu.memory_space<semaphore_mem>> -> memref<!tpu.dma_semaphore, #tpu.memory_space<semaphore_mem>>
    tpu.enqueue_indirect_dma source(%dma_start3A_57 : memref<10000x128xf32, #tpu.memory_space<hbm>>) target(%dma_start3A_51 : memref<80x128xf32, #tpu.memory_space<vmem>>) offsets(%dma_start3A_54 : memref<80xi32, #tpu.memory_space<vmem>>) semaphore(%dma_start3A_59 : memref<!tpu.dma_semaphore, #tpu.memory_space<semaphore_mem>>)
    %scan3A = arith.constant 0 : i32
    %scan3A_60 = arith.constant 0 : i32
    %scan3A_61 = arith.constant 125 : i32
    %scan3A_62 = arith.addi %scan3A_60, %scan3A_61 : i32
    %scan3A_63 = arith.constant 1 : i32
    %scan3A_64 = scf.for %scan3A_173 = %scan3A_60 to %scan3A_62 step %scan3A_63 iter_args(%scan3A_174 = %scan3A) -> (i32)  : i32 {
      %rem3A = arith.constant 3 : i32
      %rem3A_175 = arith.remsi %scan3A_173, %rem3A : i32
      %add3A_176 = arith.constant 2 : i32
      %add3A_177 = arith.addi %scan3A_173, %add3A_176 : i32
      %rem3A_178 = arith.constant 3 : i32
      %rem3A_179 = arith.remsi %add3A_177, %rem3A_178 : i32
      %dma_wait3A_180 = arith.constant 0 : i32
      %dma_wait3A_181 = arith.constant 0 : i32
      %dma_wait3A_182 = arith.constant 0 : i32
      %dma_wait3A_183 = tpu.memref_slice %arg10[%rem3A_175, %dma_wait3A_181, %dma_wait3A_182] : memref<3x80x128xf32, #tpu.memory_space<vmem>> -> memref<1x80x128xf32, #tpu.memory_space<vmem>>
      %dma_wait3A_184 = tpu.memref_squeeze %dma_wait3A_183 : memref<1x80x128xf32, #tpu.memory_space<vmem>> -> memref<80x128xf32, #tpu.memory_space<vmem>>
      %dma_wait3A_185 = arith.constant 0 : i32
      %dma_wait3A_186 = tpu.memref_slice %arg8[%dma_wait3A_180, %dma_wait3A_185] : memref<125x80xi32, #tpu.memory_space<vmem>> -> memref<1x80xi32, #tpu.memory_space<vmem>>
      %dma_wait3A_187 = tpu.memref_squeeze %dma_wait3A_186 : memref<1x80xi32, #tpu.memory_space<vmem>> -> memref<80xi32, #tpu.memory_space<vmem>>
      %dma_wait3A_188 = arith.constant 0 : i32
      %dma_wait3A_189 = arith.constant 0 : i32
      %dma_wait3A_190 = tpu.memref_slice %arg2[%dma_wait3A_188, %dma_wait3A_189] : memref<10000x128xf32, #tpu.memory_space<hbm>> -> memref<10000x128xf32, #tpu.memory_space<hbm>>
      %dma_wait3A_191 = tpu.memref_slice %arg12[%rem3A_175] : memref<3x!tpu.dma_semaphore, #tpu.memory_space<semaphore_mem>> -> memref<1x!tpu.dma_semaphore, #tpu.memory_space<semaphore_mem>>
      %dma_wait3A_192 = tpu.memref_squeeze %dma_wait3A_191 : memref<1x!tpu.dma_semaphore, #tpu.memory_space<semaphore_mem>> -> memref<!tpu.dma_semaphore, #tpu.memory_space<semaphore_mem>>
      tpu.wait_indirect_dma semaphore(%dma_wait3A_192 : memref<!tpu.dma_semaphore, #tpu.memory_space<semaphore_mem>>) src(%dma_wait3A_190 : memref<10000x128xf32, #tpu.memory_space<hbm>>) dst(%dma_wait3A_184 : memref<80x128xf32, #tpu.memory_space<vmem>>)
      %dma_wait3A_193 = arith.constant 0 : i32
      %dma_wait3A_194 = arith.constant 0 : i32
      %dma_wait3A_195 = arith.constant 0 : i32
      %dma_wait3A_196 = tpu.memref_slice %arg11[%rem3A_175, %dma_wait3A_194, %dma_wait3A_195] : memref<3x80x128xf32, #tpu.memory_space<vmem>> -> memref<1x80x128xf32, #tpu.memory_space<vmem>>
      %dma_wait3A_197 = tpu.memref_squeeze %dma_wait3A_196 : memref<1x80x128xf32, #tpu.memory_space<vmem>> -> memref<80x128xf32, #tpu.memory_space<vmem>>
      %dma_wait3A_198 = arith.constant 0 : i32
      %dma_wait3A_199 = tpu.memref_slice %arg9[%dma_wait3A_193, %dma_wait3A_198] : memref<125x80xi32, #tpu.memory_space<vmem>> -> memref<1x80xi32, #tpu.memory_space<vmem>>
      %dma_wait3A_200 = tpu.memref_squeeze %dma_wait3A_199 : memref<1x80xi32, #tpu.memory_space<vmem>> -> memref<80xi32, #tpu.memory_space<vmem>>
      %dma_wait3A_201 = arith.constant 0 : i32
      %dma_wait3A_202 = arith.constant 0 : i32
      %dma_wait3A_203 = tpu.memref_slice %arg3[%dma_wait3A_201, %dma_wait3A_202] : memref<10000x128xf32, #tpu.memory_space<hbm>> -> memref<10000x128xf32, #tpu.memory_space<hbm>>
      %dma_wait3A_204 = tpu.memref_slice %arg13[%rem3A_175] : memref<3x!tpu.dma_semaphore, #tpu.memory_space<semaphore_mem>> -> memref<1x!tpu.dma_semaphore, #tpu.memory_space<semaphore_mem>>
      %dma_wait3A_205 = tpu.memref_squeeze %dma_wait3A_204 : memref<1x!tpu.dma_semaphore, #tpu.memory_space<semaphore_mem>> -> memref<!tpu.dma_semaphore, #tpu.memory_space<semaphore_mem>>
      tpu.wait_indirect_dma semaphore(%dma_wait3A_205 : memref<!tpu.dma_semaphore, #tpu.memory_space<semaphore_mem>>) src(%dma_wait3A_203 : memref<10000x128xf32, #tpu.memory_space<hbm>>) dst(%dma_wait3A_197 : memref<80x128xf32, #tpu.memory_space<vmem>>)
      %add3A_206 = arith.constant 2 : i32
      %add3A_207 = arith.addi %scan3A_173, %add3A_206 : i32
      %lt3A = arith.constant 125 : i32
      %lt3A_208 = arith.cmpi slt, %add3A_207, %lt3A : i32
      %convert_element_type3A = arith.extui %lt3A_208 : i1 to i32
      %cond3A = arith.constant 0 : i32
      %cond3A_209 = arith.cmpi ne, %convert_element_type3A, %cond3A : i32
      scf.if %cond3A_209 {
        %ge3A = arith.constant 1 : i32
        %ge3A_244 = arith.cmpi sge, %scan3A_173, %ge3A : i32
        %convert_element_type3A_245 = arith.extui %ge3A_244 : i1 to i32
        %cond3A_246 = arith.constant 0 : i32
        %cond3A_247 = arith.cmpi ne, %convert_element_type3A_245, %cond3A_246 : i32
        scf.if %cond3A_247 {
          %dma_wait3A_274 = arith.constant 0 : i32
          %dma_wait3A_275 = arith.constant 0 : i32
          %dma_wait3A_276 = tpu.memref_slice %arg10[%rem3A_179, %dma_wait3A_274, %dma_wait3A_275] : memref<3x80x128xf32, #tpu.memory_space<vmem>> -> memref<1x80x128xf32, #tpu.memory_space<vmem>>
          %dma_wait3A_277 = tpu.memref_squeeze %dma_wait3A_276 : memref<1x80x128xf32, #tpu.memory_space<vmem>> -> memref<80x128xf32, #tpu.memory_space<vmem>>
          %dma_wait3A_278 = arith.constant 0 : i32
          %dma_wait3A_279 = arith.constant 0 : i32
          %dma_wait3A_280 = tpu.memref_slice %arg6[%dma_wait3A_278, %dma_wait3A_279] : memref<320000x128xf32, #tpu.memory_space<hbm>> -> memref<80x128xf32, #tpu.memory_space<hbm>>
          %dma_wait3A_281 = tpu.memref_slice %arg14[%rem3A_179] : memref<3x!tpu.dma_semaphore, #tpu.memory_space<semaphore_mem>> -> memref<1x!tpu.dma_semaphore, #tpu.memory_space<semaphore_mem>>
          %dma_wait3A_282 = tpu.memref_squeeze %dma_wait3A_281 : memref<1x!tpu.dma_semaphore, #tpu.memory_space<semaphore_mem>> -> memref<!tpu.dma_semaphore, #tpu.memory_space<semaphore_mem>>
          %dma_wait3A_283 = arith.constant 0 : i32
          %dma_wait3A_284 = arith.constant 0 : i32
          %dma_wait3A_285 = tpu.memref_slice %arg6[%dma_wait3A_283, %dma_wait3A_284] : memref<320000x128xf32, #tpu.memory_space<hbm>> -> memref<80x128xf32, #tpu.memory_space<hbm>>
          %dma_wait3A_286 = arith.constant 0 : i32
          %dma_wait3A_287 = arith.constant 0 : i32
          %dma_wait3A_288 = tpu.memref_slice %arg10[%rem3A_179, %dma_wait3A_286, %dma_wait3A_287] : memref<3x80x128xf32, #tpu.memory_space<vmem>> -> memref<1x80x128xf32, #tpu.memory_space<vmem>>
          %dma_wait3A_289 = tpu.memref_squeeze %dma_wait3A_288 : memref<1x80x128xf32, #tpu.memory_space<vmem>> -> memref<80x128xf32, #tpu.memory_space<vmem>>
          tpu.wait_dma2 semaphore(%dma_wait3A_282 : memref<!tpu.dma_semaphore, #tpu.memory_space<semaphore_mem>>) src(%dma_wait3A_289 : memref<80x128xf32, #tpu.memory_space<vmem>>) dst(%dma_wait3A_285 : memref<80x128xf32, #tpu.memory_space<hbm>>)
          %dma_wait3A_290 = arith.constant 0 : i32
          %dma_wait3A_291 = arith.constant 0 : i32
          %dma_wait3A_292 = tpu.memref_slice %arg11[%rem3A_179, %dma_wait3A_290, %dma_wait3A_291] : memref<3x80x128xf32, #tpu.memory_space<vmem>> -> memref<1x80x128xf32, #tpu.memory_space<vmem>>
          %dma_wait3A_293 = tpu.memref_squeeze %dma_wait3A_292 : memref<1x80x128xf32, #tpu.memory_space<vmem>> -> memref<80x128xf32, #tpu.memory_space<vmem>>
          %dma_wait3A_294 = arith.constant 0 : i32
          %dma_wait3A_295 = arith.constant 0 : i32
          %dma_wait3A_296 = tpu.memref_slice %arg7[%dma_wait3A_294, %dma_wait3A_295] : memref<320000x128xf32, #tpu.memory_space<hbm>> -> memref<80x128xf32, #tpu.memory_space<hbm>>
          %dma_wait3A_297 = tpu.memref_slice %arg15[%rem3A_179] : memref<3x!tpu.dma_semaphore, #tpu.memory_space<semaphore_mem>> -> memref<1x!tpu.dma_semaphore, #tpu.memory_space<semaphore_mem>>
          %dma_wait3A_298 = tpu.memref_squeeze %dma_wait3A_297 : memref<1x!tpu.dma_semaphore, #tpu.memory_space<semaphore_mem>> -> memref<!tpu.dma_semaphore, #tpu.memory_space<semaphore_mem>>
          %dma_wait3A_299 = arith.constant 0 : i32
          %dma_wait3A_300 = arith.constant 0 : i32
          %dma_wait3A_301 = tpu.memref_slice %arg7[%dma_wait3A_299, %dma_wait3A_300] : memref<320000x128xf32, #tpu.memory_space<hbm>> -> memref<80x128xf32, #tpu.memory_space<hbm>>
          %dma_wait3A_302 = arith.constant 0 : i32
          %dma_wait3A_303 = arith.constant 0 : i32
          %dma_wait3A_304 = tpu.memref_slice %arg11[%rem3A_179, %dma_wait3A_302, %dma_wait3A_303] : memref<3x80x128xf32, #tpu.memory_space<vmem>> -> memref<1x80x128xf32, #tpu.memory_space<vmem>>
          %dma_wait3A_305 = tpu.memref_squeeze %dma_wait3A_304 : memref<1x80x128xf32, #tpu.memory_space<vmem>> -> memref<80x128xf32, #tpu.memory_space<vmem>>
          tpu.wait_dma2 semaphore(%dma_wait3A_298 : memref<!tpu.dma_semaphore, #tpu.memory_space<semaphore_mem>>) src(%dma_wait3A_305 : memref<80x128xf32, #tpu.memory_space<vmem>>) dst(%dma_wait3A_301 : memref<80x128xf32, #tpu.memory_space<hbm>>)
        } else {
        }
        %add3A_248 = arith.constant 2 : i32
        %add3A_249 = arith.addi %scan3A_173, %add3A_248 : i32
        %dma_start3A_250 = arith.constant 0 : i32
        %dma_start3A_251 = arith.constant 0 : i32
        %dma_start3A_252 = tpu.memref_slice %arg10[%rem3A_179, %dma_start3A_250, %dma_start3A_251] : memref<3x80x128xf32, #tpu.memory_space<vmem>> -> memref<1x80x128xf32, #tpu.memory_space<vmem>>
        %dma_start3A_253 = tpu.memref_squeeze %dma_start3A_252 : memref<1x80x128xf32, #tpu.memory_space<vmem>> -> memref<80x128xf32, #tpu.memory_space<vmem>>
        %dma_start3A_254 = arith.constant 0 : i32
        %dma_start3A_255 = tpu.memref_slice %arg8[%add3A_249, %dma_start3A_254] : memref<125x80xi32, #tpu.memory_space<vmem>> -> memref<1x80xi32, #tpu.memory_space<vmem>>
        %dma_start3A_256 = tpu.memref_squeeze %dma_start3A_255 : memref<1x80xi32, #tpu.memory_space<vmem>> -> memref<80xi32, #tpu.memory_space<vmem>>
        %dma_start3A_257 = arith.constant 0 : i32
        %dma_start3A_258 = arith.constant 0 : i32
        %dma_start3A_259 = tpu.memref_slice %arg2[%dma_start3A_257, %dma_start3A_258] : memref<10000x128xf32, #tpu.memory_space<hbm>> -> memref<10000x128xf32, #tpu.memory_space<hbm>>
        %dma_start3A_260 = tpu.memref_slice %arg12[%rem3A_179] : memref<3x!tpu.dma_semaphore, #tpu.memory_space<semaphore_mem>> -> memref<1x!tpu.dma_semaphore, #tpu.memory_space<semaphore_mem>>
        %dma_start3A_261 = tpu.memref_squeeze %dma_start3A_260 : memref<1x!tpu.dma_semaphore, #tpu.memory_space<semaphore_mem>> -> memref<!tpu.dma_semaphore, #tpu.memory_space<semaphore_mem>>
        tpu.enqueue_indirect_dma source(%dma_start3A_259 : memref<10000x128xf32, #tpu.memory_space<hbm>>) target(%dma_start3A_253 : memref<80x128xf32, #tpu.memory_space<vmem>>) offsets(%dma_start3A_256 : memref<80xi32, #tpu.memory_space<vmem>>) semaphore(%dma_start3A_261 : memref<!tpu.dma_semaphore, #tpu.memory_space<semaphore_mem>>)
        %dma_start3A_262 = arith.constant 0 : i32
        %dma_start3A_263 = arith.constant 0 : i32
        %dma_start3A_264 = tpu.memref_slice %arg11[%rem3A_179, %dma_start3A_262, %dma_start3A_263] : memref<3x80x128xf32, #tpu.memory_space<vmem>> -> memref<1x80x128xf32, #tpu.memory_space<vmem>>
        %dma_start3A_265 = tpu.memref_squeeze %dma_start3A_264 : memref<1x80x128xf32, #tpu.memory_space<vmem>> -> memref<80x128xf32, #tpu.memory_space<vmem>>
        %dma_start3A_266 = arith.constant 0 : i32
        %dma_start3A_267 = tpu.memref_slice %arg9[%add3A_249, %dma_start3A_266] : memref<125x80xi32, #tpu.memory_space<vmem>> -> memref<1x80xi32, #tpu.memory_space<vmem>>
        %dma_start3A_268 = tpu.memref_squeeze %dma_start3A_267 : memref<1x80xi32, #tpu.memory_space<vmem>> -> memref<80xi32, #tpu.memory_space<vmem>>
        %dma_start3A_269 = arith.constant 0 : i32
        %dma_start3A_270 = arith.constant 0 : i32
        %dma_start3A_271 = tpu.memref_slice %arg3[%dma_start3A_269, %dma_start3A_270] : memref<10000x128xf32, #tpu.memory_space<hbm>> -> memref<10000x128xf32, #tpu.memory_space<hbm>>
        %dma_start3A_272 = tpu.memref_slice %arg13[%rem3A_179] : memref<3x!tpu.dma_semaphore, #tpu.memory_space<semaphore_mem>> -> memref<1x!tpu.dma_semaphore, #tpu.memory_space<semaphore_mem>>
        %dma_start3A_273 = tpu.memref_squeeze %dma_start3A_272 : memref<1x!tpu.dma_semaphore, #tpu.memory_space<semaphore_mem>> -> memref<!tpu.dma_semaphore, #tpu.memory_space<semaphore_mem>>
        tpu.enqueue_indirect_dma source(%dma_start3A_271 : memref<10000x128xf32, #tpu.memory_space<hbm>>) target(%dma_start3A_265 : memref<80x128xf32, #tpu.memory_space<vmem>>) offsets(%dma_start3A_268 : memref<80xi32, #tpu.memory_space<vmem>>) semaphore(%dma_start3A_273 : memref<!tpu.dma_semaphore, #tpu.memory_space<semaphore_mem>>)
      } else {
      }
      %mul3A_210 = arith.constant 10000 : i32
      %mul3A_211 = arith.muli %add3A, %mul3A_210 : i32
      %mul3A_212 = arith.constant 80 : i32
      %mul3A_213 = arith.muli %scan3A_173, %mul3A_212 : i32
      %add3A_214 = arith.addi %mul3A_211, %mul3A_213 : i32
      %dma_start3A_215 = arith.constant 0 : i32
      %dma_start3A_216 = arith.constant 0 : i32
      %dma_start3A_217 = tpu.memref_slice %arg10[%rem3A_175, %dma_start3A_215, %dma_start3A_216] : memref<3x80x128xf32, #tpu.memory_space<vmem>> -> memref<1x80x128xf32, #tpu.memory_space<vmem>>
      %dma_start3A_218 = tpu.memref_squeeze %dma_start3A_217 : memref<1x80x128xf32, #tpu.memory_space<vmem>> -> memref<80x128xf32, #tpu.memory_space<vmem>>
      %dma_start3A_219 = arith.constant 0 : i32
      %dma_start3A_220 = tpu.memref_slice %arg6[%add3A_214, %dma_start3A_219] : memref<320000x128xf32, #tpu.memory_space<hbm>> -> memref<80x128xf32, #tpu.memory_space<hbm>>
      %dma_start3A_221 = tpu.memref_slice %arg14[%rem3A_175] : memref<3x!tpu.dma_semaphore, #tpu.memory_space<semaphore_mem>> -> memref<1x!tpu.dma_semaphore, #tpu.memory_space<semaphore_mem>>
      %dma_start3A_222 = tpu.memref_squeeze %dma_start3A_221 : memref<1x!tpu.dma_semaphore, #tpu.memory_space<semaphore_mem>> -> memref<!tpu.dma_semaphore, #tpu.memory_space<semaphore_mem>>
      %dma_start3A_223 = arith.constant 0 : i32
      %dma_start3A_224 = tpu.memref_slice %arg6[%add3A_214, %dma_start3A_223] : memref<320000x128xf32, #tpu.memory_space<hbm>> -> memref<80x128xf32, #tpu.memory_space<hbm>>
      %dma_start3A_225 = arith.constant 0 : i32
      %dma_start3A_226 = arith.constant 0 : i32
      %dma_start3A_227 = tpu.memref_slice %arg10[%rem3A_175, %dma_start3A_225, %dma_start3A_226] : memref<3x80x128xf32, #tpu.memory_space<vmem>> -> memref<1x80x128xf32, #tpu.memory_space<vmem>>
      %dma_start3A_228 = tpu.memref_squeeze %dma_start3A_227 : memref<1x80x128xf32, #tpu.memory_space<vmem>> -> memref<80x128xf32, #tpu.memory_space<vmem>>
      tpu.enqueue_dma source(%dma_start3A_228 : memref<80x128xf32, #tpu.memory_space<vmem>>) target(%dma_start3A_224 : memref<80x128xf32, #tpu.memory_space<hbm>>) target_semaphore(%dma_start3A_222 : memref<!tpu.dma_semaphore, #tpu.memory_space<semaphore_mem>>)
      %dma_start3A_229 = arith.constant 0 : i32
      %dma_start3A_230 = arith.constant 0 : i32
      %dma_start3A_231 = tpu.memref_slice %arg11[%rem3A_175, %dma_start3A_229, %dma_start3A_230] : memref<3x80x128xf32, #tpu.memory_space<vmem>> -> memref<1x80x128xf32, #tpu.memory_space<vmem>>
      %dma_start3A_232 = tpu.memref_squeeze %dma_start3A_231 : memref<1x80x128xf32, #tpu.memory_space<vmem>> -> memref<80x128xf32, #tpu.memory_space<vmem>>
      %dma_start3A_233 = arith.constant 0 : i32
      %dma_start3A_234 = tpu.memref_slice %arg7[%add3A_214, %dma_start3A_233] : memref<320000x128xf32, #tpu.memory_space<hbm>> -> memref<80x128xf32, #tpu.memory_space<hbm>>
      %dma_start3A_235 = tpu.memref_slice %arg15[%rem3A_175] : memref<3x!tpu.dma_semaphore, #tpu.memory_space<semaphore_mem>> -> memref<1x!tpu.dma_semaphore, #tpu.memory_space<semaphore_mem>>
      %dma_start3A_236 = tpu.memref_squeeze %dma_start3A_235 : memref<1x!tpu.dma_semaphore, #tpu.memory_space<semaphore_mem>> -> memref<!tpu.dma_semaphore, #tpu.memory_space<semaphore_mem>>
      %dma_start3A_237 = arith.constant 0 : i32
      %dma_start3A_238 = tpu.memref_slice %arg7[%add3A_214, %dma_start3A_237] : memref<320000x128xf32, #tpu.memory_space<hbm>> -> memref<80x128xf32, #tpu.memory_space<hbm>>
      %dma_start3A_239 = arith.constant 0 : i32
      %dma_start3A_240 = arith.constant 0 : i32
      %dma_start3A_241 = tpu.memref_slice %arg11[%rem3A_175, %dma_start3A_239, %dma_start3A_240] : memref<3x80x128xf32, #tpu.memory_space<vmem>> -> memref<1x80x128xf32, #tpu.memory_space<vmem>>
      %dma_start3A_242 = tpu.memref_squeeze %dma_start3A_241 : memref<1x80x128xf32, #tpu.memory_space<vmem>> -> memref<80x128xf32, #tpu.memory_space<vmem>>
      tpu.enqueue_dma source(%dma_start3A_242 : memref<80x128xf32, #tpu.memory_space<vmem>>) target(%dma_start3A_238 : memref<80x128xf32, #tpu.memory_space<hbm>>) target_semaphore(%dma_start3A_236 : memref<!tpu.dma_semaphore, #tpu.memory_space<semaphore_mem>>)
      %scan3A_243 = arith.constant 0 : i32
      scf.yield %scan3A_243 : i32
    }
    %scan3A_65 = arith.constant 125 : i32
    %dma_wait3A = arith.constant 0 : i32
    %dma_wait3A_66 = arith.constant 0 : i32
    %dma_wait3A_67 = arith.constant 0 : i32
    %dma_wait3A_68 = arith.constant 0 : i32
    %dma_wait3A_69 = tpu.memref_slice %arg10[%dma_wait3A, %dma_wait3A_67, %dma_wait3A_68] : memref<3x80x128xf32, #tpu.memory_space<vmem>> -> memref<1x80x128xf32, #tpu.memory_space<vmem>>
    %dma_wait3A_70 = tpu.memref_squeeze %dma_wait3A_69 : memref<1x80x128xf32, #tpu.memory_space<vmem>> -> memref<80x128xf32, #tpu.memory_space<vmem>>
    %dma_wait3A_71 = arith.constant 0 : i32
    %dma_wait3A_72 = arith.constant 0 : i32
    %dma_wait3A_73 = tpu.memref_slice %arg6[%dma_wait3A_71, %dma_wait3A_72] : memref<320000x128xf32, #tpu.memory_space<hbm>> -> memref<80x128xf32, #tpu.memory_space<hbm>>
    %dma_wait3A_74 = tpu.memref_slice %arg14[%dma_wait3A_66] : memref<3x!tpu.dma_semaphore, #tpu.memory_space<semaphore_mem>> -> memref<1x!tpu.dma_semaphore, #tpu.memory_space<semaphore_mem>>
    %dma_wait3A_75 = tpu.memref_squeeze %dma_wait3A_74 : memref<1x!tpu.dma_semaphore, #tpu.memory_space<semaphore_mem>> -> memref<!tpu.dma_semaphore, #tpu.memory_space<semaphore_mem>>
    %dma_wait3A_76 = arith.constant 0 : i32
    %dma_wait3A_77 = arith.constant 0 : i32
    %dma_wait3A_78 = tpu.memref_slice %arg6[%dma_wait3A_76, %dma_wait3A_77] : memref<320000x128xf32, #tpu.memory_space<hbm>> -> memref<80x128xf32, #tpu.memory_space<hbm>>
    %dma_wait3A_79 = arith.constant 0 : i32
    %dma_wait3A_80 = arith.constant 0 : i32
    %dma_wait3A_81 = tpu.memref_slice %arg10[%dma_wait3A, %dma_wait3A_79, %dma_wait3A_80] : memref<3x80x128xf32, #tpu.memory_space<vmem>> -> memref<1x80x128xf32, #tpu.memory_space<vmem>>
    %dma_wait3A_82 = tpu.memref_squeeze %dma_wait3A_81 : memref<1x80x128xf32, #tpu.memory_space<vmem>> -> memref<80x128xf32, #tpu.memory_space<vmem>>
    tpu.wait_dma2 semaphore(%dma_wait3A_75 : memref<!tpu.dma_semaphore, #tpu.memory_space<semaphore_mem>>) src(%dma_wait3A_82 : memref<80x128xf32, #tpu.memory_space<vmem>>) dst(%dma_wait3A_78 : memref<80x128xf32, #tpu.memory_space<hbm>>)
    %dma_wait3A_83 = arith.constant 0 : i32
    %dma_wait3A_84 = arith.constant 0 : i32
    %dma_wait3A_85 = arith.constant 0 : i32
    %dma_wait3A_86 = arith.constant 0 : i32
    %dma_wait3A_87 = tpu.memref_slice %arg11[%dma_wait3A_83, %dma_wait3A_85, %dma_wait3A_86] : memref<3x80x128xf32, #tpu.memory_space<vmem>> -> memref<1x80x128xf32, #tpu.memory_space<vmem>>
    %dma_wait3A_88 = tpu.memref_squeeze %dma_wait3A_87 : memref<1x80x128xf32, #tpu.memory_space<vmem>> -> memref<80x128xf32, #tpu.memory_space<vmem>>
    %dma_wait3A_89 = arith.constant 0 : i32
    %dma_wait3A_90 = arith.constant 0 : i32
    %dma_wait3A_91 = tpu.memref_slice %arg7[%dma_wait3A_89, %dma_wait3A_90] : memref<320000x128xf32, #tpu.memory_space<hbm>> -> memref<80x128xf32, #tpu.memory_space<hbm>>
    %dma_wait3A_92 = tpu.memref_slice %arg15[%dma_wait3A_84] : memref<3x!tpu.dma_semaphore, #tpu.memory_space<semaphore_mem>> -> memref<1x!tpu.dma_semaphore, #tpu.memory_space<semaphore_mem>>
    %dma_wait3A_93 = tpu.memref_squeeze %dma_wait3A_92 : memref<1x!tpu.dma_semaphore, #tpu.memory_space<semaphore_mem>> -> memref<!tpu.dma_semaphore, #tpu.memory_space<semaphore_mem>>
    %dma_wait3A_94 = arith.constant 0 : i32
    %dma_wait3A_95 = arith.constant 0 : i32
    %dma_wait3A_96 = tpu.memref_slice %arg7[%dma_wait3A_94, %dma_wait3A_95] : memref<320000x128xf32, #tpu.memory_space<hbm>> -> memref<80x128xf32, #tpu.memory_space<hbm>>
    %dma_wait3A_97 = arith.constant 0 : i32
    %dma_wait3A_98 = arith.constant 0 : i32
    %dma_wait3A_99 = tpu.memref_slice %arg11[%dma_wait3A_83, %dma_wait3A_97, %dma_wait3A_98] : memref<3x80x128xf32, #tpu.memory_space<vmem>> -> memref<1x80x128xf32, #tpu.memory_space<vmem>>
    %dma_wait3A_100 = tpu.memref_squeeze %dma_wait3A_99 : memref<1x80x128xf32, #tpu.memory_space<vmem>> -> memref<80x128xf32, #tpu.memory_space<vmem>>
    tpu.wait_dma2 semaphore(%dma_wait3A_93 : memref<!tpu.dma_semaphore, #tpu.memory_space<semaphore_mem>>) src(%dma_wait3A_100 : memref<80x128xf32, #tpu.memory_space<vmem>>) dst(%dma_wait3A_96 : memref<80x128xf32, #tpu.memory_space<hbm>>)
    %dma_wait3A_101 = arith.constant 1 : i32
    %dma_wait3A_102 = arith.constant 1 : i32
    %dma_wait3A_103 = arith.constant 0 : i32
    %dma_wait3A_104 = arith.constant 0 : i32
    %dma_wait3A_105 = tpu.memref_slice %arg10[%dma_wait3A_101, %dma_wait3A_103, %dma_wait3A_104] : memref<3x80x128xf32, #tpu.memory_space<vmem>> -> memref<1x80x128xf32, #tpu.memory_space<vmem>>
    %dma_wait3A_106 = tpu.memref_squeeze %dma_wait3A_105 : memref<1x80x128xf32, #tpu.memory_space<vmem>> -> memref<80x128xf32, #tpu.memory_space<vmem>>
    %dma_wait3A_107 = arith.constant 0 : i32
    %dma_wait3A_108 = arith.constant 0 : i32
    %dma_wait3A_109 = tpu.memref_slice %arg6[%dma_wait3A_107, %dma_wait3A_108] : memref<320000x128xf32, #tpu.memory_space<hbm>> -> memref<80x128xf32, #tpu.memory_space<hbm>>
    %dma_wait3A_110 = tpu.memref_slice %arg14[%dma_wait3A_102] : memref<3x!tpu.dma_semaphore, #tpu.memory_space<semaphore_mem>> -> memref<1x!tpu.dma_semaphore, #tpu.memory_space<semaphore_mem>>
    %dma_wait3A_111 = tpu.memref_squeeze %dma_wait3A_110 : memref<1x!tpu.dma_semaphore, #tpu.memory_space<semaphore_mem>> -> memref<!tpu.dma_semaphore, #tpu.memory_space<semaphore_mem>>
    %dma_wait3A_112 = arith.constant 0 : i32
    %dma_wait3A_113 = arith.constant 0 : i32
    %dma_wait3A_114 = tpu.memref_slice %arg6[%dma_wait3A_112, %dma_wait3A_113] : memref<320000x128xf32, #tpu.memory_space<hbm>> -> memref<80x128xf32, #tpu.memory_space<hbm>>
    %dma_wait3A_115 = arith.constant 0 : i32
    %dma_wait3A_116 = arith.constant 0 : i32
    %dma_wait3A_117 = tpu.memref_slice %arg10[%dma_wait3A_101, %dma_wait3A_115, %dma_wait3A_116] : memref<3x80x128xf32, #tpu.memory_space<vmem>> -> memref<1x80x128xf32, #tpu.memory_space<vmem>>
    %dma_wait3A_118 = tpu.memref_squeeze %dma_wait3A_117 : memref<1x80x128xf32, #tpu.memory_space<vmem>> -> memref<80x128xf32, #tpu.memory_space<vmem>>
    tpu.wait_dma2 semaphore(%dma_wait3A_111 : memref<!tpu.dma_semaphore, #tpu.memory_space<semaphore_mem>>) src(%dma_wait3A_118 : memref<80x128xf32, #tpu.memory_space<vmem>>) dst(%dma_wait3A_114 : memref<80x128xf32, #tpu.memory_space<hbm>>)
    %dma_wait3A_119 = arith.constant 1 : i32
    %dma_wait3A_120 = arith.constant 1 : i32
    %dma_wait3A_121 = arith.constant 0 : i32
    %dma_wait3A_122 = arith.constant 0 : i32
    %dma_wait3A_123 = tpu.memref_slice %arg11[%dma_wait3A_119, %dma_wait3A_121, %dma_wait3A_122] : memref<3x80x128xf32, #tpu.memory_space<vmem>> -> memref<1x80x128xf32, #tpu.memory_space<vmem>>
    %dma_wait3A_124 = tpu.memref_squeeze %dma_wait3A_123 : memref<1x80x128xf32, #tpu.memory_space<vmem>> -> memref<80x128xf32, #tpu.memory_space<vmem>>
    %dma_wait3A_125 = arith.constant 0 : i32
    %dma_wait3A_126 = arith.constant 0 : i32
    %dma_wait3A_127 = tpu.memref_slice %arg7[%dma_wait3A_125, %dma_wait3A_126] : memref<320000x128xf32, #tpu.memory_space<hbm>> -> memref<80x128xf32, #tpu.memory_space<hbm>>
    %dma_wait3A_128 = tpu.memref_slice %arg15[%dma_wait3A_120] : memref<3x!tpu.dma_semaphore, #tpu.memory_space<semaphore_mem>> -> memref<1x!tpu.dma_semaphore, #tpu.memory_space<semaphore_mem>>
    %dma_wait3A_129 = tpu.memref_squeeze %dma_wait3A_128 : memref<1x!tpu.dma_semaphore, #tpu.memory_space<semaphore_mem>> -> memref<!tpu.dma_semaphore, #tpu.memory_space<semaphore_mem>>
    %dma_wait3A_130 = arith.constant 0 : i32
    %dma_wait3A_131 = arith.constant 0 : i32
    %dma_wait3A_132 = tpu.memref_slice %arg7[%dma_wait3A_130, %dma_wait3A_131] : memref<320000x128xf32, #tpu.memory_space<hbm>> -> memref<80x128xf32, #tpu.memory_space<hbm>>
    %dma_wait3A_133 = arith.constant 0 : i32
    %dma_wait3A_134 = arith.constant 0 : i32
    %dma_wait3A_135 = tpu.memref_slice %arg11[%dma_wait3A_119, %dma_wait3A_133, %dma_wait3A_134] : memref<3x80x128xf32, #tpu.memory_space<vmem>> -> memref<1x80x128xf32, #tpu.memory_space<vmem>>
    %dma_wait3A_136 = tpu.memref_squeeze %dma_wait3A_135 : memref<1x80x128xf32, #tpu.memory_space<vmem>> -> memref<80x128xf32, #tpu.memory_space<vmem>>
    tpu.wait_dma2 semaphore(%dma_wait3A_129 : memref<!tpu.dma_semaphore, #tpu.memory_space<semaphore_mem>>) src(%dma_wait3A_136 : memref<80x128xf32, #tpu.memory_space<vmem>>) dst(%dma_wait3A_132 : memref<80x128xf32, #tpu.memory_space<hbm>>)
    %dma_wait3A_137 = arith.constant 2 : i32
    %dma_wait3A_138 = arith.constant 2 : i32
    %dma_wait3A_139 = arith.constant 0 : i32
    %dma_wait3A_140 = arith.constant 0 : i32
    %dma_wait3A_141 = tpu.memref_slice %arg10[%dma_wait3A_137, %dma_wait3A_139, %dma_wait3A_140] : memref<3x80x128xf32, #tpu.memory_space<vmem>> -> memref<1x80x128xf32, #tpu.memory_space<vmem>>
    %dma_wait3A_142 = tpu.memref_squeeze %dma_wait3A_141 : memref<1x80x128xf32, #tpu.memory_space<vmem>> -> memref<80x128xf32, #tpu.memory_space<vmem>>
    %dma_wait3A_143 = arith.constant 0 : i32
    %dma_wait3A_144 = arith.constant 0 : i32
    %dma_wait3A_145 = tpu.memref_slice %arg6[%dma_wait3A_143, %dma_wait3A_144] : memref<320000x128xf32, #tpu.memory_space<hbm>> -> memref<80x128xf32, #tpu.memory_space<hbm>>
    %dma_wait3A_146 = tpu.memref_slice %arg14[%dma_wait3A_138] : memref<3x!tpu.dma_semaphore, #tpu.memory_space<semaphore_mem>> -> memref<1x!tpu.dma_semaphore, #tpu.memory_space<semaphore_mem>>
    %dma_wait3A_147 = tpu.memref_squeeze %dma_wait3A_146 : memref<1x!tpu.dma_semaphore, #tpu.memory_space<semaphore_mem>> -> memref<!tpu.dma_semaphore, #tpu.memory_space<semaphore_mem>>
    %dma_wait3A_148 = arith.constant 0 : i32
    %dma_wait3A_149 = arith.constant 0 : i32
    %dma_wait3A_150 = tpu.memref_slice %arg6[%dma_wait3A_148, %dma_wait3A_149] : memref<320000x128xf32, #tpu.memory_space<hbm>> -> memref<80x128xf32, #tpu.memory_space<hbm>>
    %dma_wait3A_151 = arith.constant 0 : i32
    %dma_wait3A_152 = arith.constant 0 : i32
    %dma_wait3A_153 = tpu.memref_slice %arg10[%dma_wait3A_137, %dma_wait3A_151, %dma_wait3A_152] : memref<3x80x128xf32, #tpu.memory_space<vmem>> -> memref<1x80x128xf32, #tpu.memory_space<vmem>>
    %dma_wait3A_154 = tpu.memref_squeeze %dma_wait3A_153 : memref<1x80x128xf32, #tpu.memory_space<vmem>> -> memref<80x128xf32, #tpu.memory_space<vmem>>
    tpu.wait_dma2 semaphore(%dma_wait3A_147 : memref<!tpu.dma_semaphore, #tpu.memory_space<semaphore_mem>>) src(%dma_wait3A_154 : memref<80x128xf32, #tpu.memory_space<vmem>>) dst(%dma_wait3A_150 : memref<80x128xf32, #tpu.memory_space<hbm>>)
    %dma_wait3A_155 = arith.constant 2 : i32
    %dma_wait3A_156 = arith.constant 2 : i32
    %dma_wait3A_157 = arith.constant 0 : i32
    %dma_wait3A_158 = arith.constant 0 : i32
    %dma_wait3A_159 = tpu.memref_slice %arg11[%dma_wait3A_155, %dma_wait3A_157, %dma_wait3A_158] : memref<3x80x128xf32, #tpu.memory_space<vmem>> -> memref<1x80x128xf32, #tpu.memory_space<vmem>>
    %dma_wait3A_160 = tpu.memref_squeeze %dma_wait3A_159 : memref<1x80x128xf32, #tpu.memory_space<vmem>> -> memref<80x128xf32, #tpu.memory_space<vmem>>
    %dma_wait3A_161 = arith.constant 0 : i32
    %dma_wait3A_162 = arith.constant 0 : i32
    %dma_wait3A_163 = tpu.memref_slice %arg7[%dma_wait3A_161, %dma_wait3A_162] : memref<320000x128xf32, #tpu.memory_space<hbm>> -> memref<80x128xf32, #tpu.memory_space<hbm>>
    %dma_wait3A_164 = tpu.memref_slice %arg15[%dma_wait3A_156] : memref<3x!tpu.dma_semaphore, #tpu.memory_space<semaphore_mem>> -> memref<1x!tpu.dma_semaphore, #tpu.memory_space<semaphore_mem>>
    %dma_wait3A_165 = tpu.memref_squeeze %dma_wait3A_164 : memref<1x!tpu.dma_semaphore, #tpu.memory_space<semaphore_mem>> -> memref<!tpu.dma_semaphore, #tpu.memory_space<semaphore_mem>>
    %dma_wait3A_166 = arith.constant 0 : i32
    %dma_wait3A_167 = arith.constant 0 : i32
    %dma_wait3A_168 = tpu.memref_slice %arg7[%dma_wait3A_166, %dma_wait3A_167] : memref<320000x128xf32, #tpu.memory_space<hbm>> -> memref<80x128xf32, #tpu.memory_space<hbm>>
    %dma_wait3A_169 = arith.constant 0 : i32
    %dma_wait3A_170 = arith.constant 0 : i32
    %dma_wait3A_171 = tpu.memref_slice %arg11[%dma_wait3A_155, %dma_wait3A_169, %dma_wait3A_170] : memref<3x80x128xf32, #tpu.memory_space<vmem>> -> memref<1x80x128xf32, #tpu.memory_space<vmem>>
    %dma_wait3A_172 = tpu.memref_squeeze %dma_wait3A_171 : memref<1x80x128xf32, #tpu.memory_space<vmem>> -> memref<80x128xf32, #tpu.memory_space<vmem>>
    tpu.wait_dma2 semaphore(%dma_wait3A_165 : memref<!tpu.dma_semaphore, #tpu.memory_space<semaphore_mem>>) src(%dma_wait3A_172 : memref<80x128xf32, #tpu.memory_space<vmem>>) dst(%dma_wait3A_168 : memref<80x128xf32, #tpu.memory_space<hbm>>)
    return
  }
}

#map = affine_map<(d0, d1) -> (0, 0)>
#map1 = affine_map<(d0, d1) -> (0, 0, 0)>
module attributes {stable_mosaic.version = 14 : i64} {
  func.func @_sc_gather(%arg0: i32, %arg1: i32, %arg2: memref<10000x128xf32, #tpu.memory_space<hbm>>, %arg3: memref<10000x128xf32, #tpu.memory_space<hbm>>, %arg4: memref<32x125x80xi32, #tpu.memory_space<hbm>>, %arg5: memref<32x125x80xi32, #tpu.memory_space<hbm>>, %arg6: memref<320000x128xf32, #tpu.memory_space<hbm>>, %arg7: memref<320000x128xf32, #tpu.memory_space<hbm>>, %arg8: memref<125x80xi32, #tpu.memory_space<vmem>>, %arg9: memref<125x80xi32, #tpu.memory_space<vmem>>, %arg10: memref<3x80x128xf32, #tpu.memory_space<vmem>>, %arg11: memref<3x80x128xf32, #tpu.memory_space<vmem>>, %arg12: memref<3x!tpu.dma_semaphore, #tpu.memory_space<semaphore_mem>>, %arg13: memref<3x!tpu.dma_semaphore, #tpu.memory_space<semaphore_mem>>, %arg14: memref<3x!tpu.dma_semaphore, #tpu.memory_space<semaphore_mem>>, %arg15: memref<3x!tpu.dma_semaphore, #tpu.memory_space<semaphore_mem>>) attributes {dimension_semantics = [#tpu.dimension_semantics<core_parallel>, #tpu.dimension_semantics<subcore_parallel>], iteration_bounds = array<i64: 2, 16>, scalar_prefetch = 0 : i64, scratch_operands = 8 : i64, tpu.core_type = #tpu.core_type<sc_vector_subcore>, window_params = [{transform_indices = #map}, {transform_indices = #map}, {transform_indices = #map1}, {transform_indices = #map1}, {transform_indices = #map}, {transform_indices = #map}]} {
    %mul3A = arith.constant 2 : i32
    %mul3A_0 = arith.muli %arg1, %mul3A : i32
    %add3A = arith.addi %mul3A_0, %arg0 : i32
    "tpu.region"() ({
      %run_scoped3A = tpu.sem_alloc : memref<!tpu.dma_semaphore, #tpu.memory_space<semaphore_mem>>
      %dma_start3A_173 = arith.constant 0 : i32
      %dma_start3A_174 = arith.constant 0 : i32
      %dma_start3A_175 = tpu.memref_slice %arg4[%add3A, %dma_start3A_173, %dma_start3A_174] : memref<32x125x80xi32, #tpu.memory_space<hbm>> -> memref<1x125x80xi32, #tpu.memory_space<hbm>>
      %dma_start3A_176 = tpu.memref_squeeze %dma_start3A_175 : memref<1x125x80xi32, #tpu.memory_space<hbm>> -> memref<125x80xi32, #tpu.memory_space<hbm>>
      %dma_start3A_177 = arith.constant 0 : i32
      %dma_start3A_178 = arith.constant 0 : i32
      %dma_start3A_179 = tpu.memref_slice %arg4[%add3A, %dma_start3A_177, %dma_start3A_178] : memref<32x125x80xi32, #tpu.memory_space<hbm>> -> memref<1x125x80xi32, #tpu.memory_space<hbm>>
      %dma_start3A_180 = tpu.memref_squeeze %dma_start3A_179 : memref<1x125x80xi32, #tpu.memory_space<hbm>> -> memref<125x80xi32, #tpu.memory_space<hbm>>
      tpu.enqueue_dma source(%dma_start3A_180 : memref<125x80xi32, #tpu.memory_space<hbm>>) target(%arg8 : memref<125x80xi32, #tpu.memory_space<vmem>>) target_semaphore(%run_scoped3A : memref<!tpu.dma_semaphore, #tpu.memory_space<semaphore_mem>>)
      %dma_wait3A_181 = arith.constant 0 : i32
      %dma_wait3A_182 = arith.constant 0 : i32
      %dma_wait3A_183 = tpu.memref_slice %arg4[%add3A, %dma_wait3A_181, %dma_wait3A_182] : memref<32x125x80xi32, #tpu.memory_space<hbm>> -> memref<1x125x80xi32, #tpu.memory_space<hbm>>
      %dma_wait3A_184 = tpu.memref_squeeze %dma_wait3A_183 : memref<1x125x80xi32, #tpu.memory_space<hbm>> -> memref<125x80xi32, #tpu.memory_space<hbm>>
      %dma_wait3A_185 = arith.constant 0 : i32
      %dma_wait3A_186 = arith.constant 0 : i32
      %dma_wait3A_187 = tpu.memref_slice %arg4[%add3A, %dma_wait3A_185, %dma_wait3A_186] : memref<32x125x80xi32, #tpu.memory_space<hbm>> -> memref<1x125x80xi32, #tpu.memory_space<hbm>>
      %dma_wait3A_188 = tpu.memref_squeeze %dma_wait3A_187 : memref<1x125x80xi32, #tpu.memory_space<hbm>> -> memref<125x80xi32, #tpu.memory_space<hbm>>
      tpu.wait_dma2 semaphore(%run_scoped3A : memref<!tpu.dma_semaphore, #tpu.memory_space<semaphore_mem>>) src(%dma_wait3A_188 : memref<125x80xi32, #tpu.memory_space<hbm>>) dst(%arg8 : memref<125x80xi32, #tpu.memory_space<vmem>>)
      tpu.yield
    }) : () -> ()
    "tpu.region"() ({
      %run_scoped3A = tpu.sem_alloc : memref<!tpu.dma_semaphore, #tpu.memory_space<semaphore_mem>>
      %dma_start3A_173 = arith.constant 0 : i32
      %dma_start3A_174 = arith.constant 0 : i32
      %dma_start3A_175 = tpu.memref_slice %arg5[%add3A, %dma_start3A_173, %dma_start3A_174] : memref<32x125x80xi32, #tpu.memory_space<hbm>> -> memref<1x125x80xi32, #tpu.memory_space<hbm>>
      %dma_start3A_176 = tpu.memref_squeeze %dma_start3A_175 : memref<1x125x80xi32, #tpu.memory_space<hbm>> -> memref<125x80xi32, #tpu.memory_space<hbm>>
      %dma_start3A_177 = arith.constant 0 : i32
      %dma_start3A_178 = arith.constant 0 : i32
      %dma_start3A_179 = tpu.memref_slice %arg5[%add3A, %dma_start3A_177, %dma_start3A_178] : memref<32x125x80xi32, #tpu.memory_space<hbm>> -> memref<1x125x80xi32, #tpu.memory_space<hbm>>
      %dma_start3A_180 = tpu.memref_squeeze %dma_start3A_179 : memref<1x125x80xi32, #tpu.memory_space<hbm>> -> memref<125x80xi32, #tpu.memory_space<hbm>>
      tpu.enqueue_dma source(%dma_start3A_180 : memref<125x80xi32, #tpu.memory_space<hbm>>) target(%arg9 : memref<125x80xi32, #tpu.memory_space<vmem>>) target_semaphore(%run_scoped3A : memref<!tpu.dma_semaphore, #tpu.memory_space<semaphore_mem>>)
      %dma_wait3A_181 = arith.constant 0 : i32
      %dma_wait3A_182 = arith.constant 0 : i32
      %dma_wait3A_183 = tpu.memref_slice %arg5[%add3A, %dma_wait3A_181, %dma_wait3A_182] : memref<32x125x80xi32, #tpu.memory_space<hbm>> -> memref<1x125x80xi32, #tpu.memory_space<hbm>>
      %dma_wait3A_184 = tpu.memref_squeeze %dma_wait3A_183 : memref<1x125x80xi32, #tpu.memory_space<hbm>> -> memref<125x80xi32, #tpu.memory_space<hbm>>
      %dma_wait3A_185 = arith.constant 0 : i32
      %dma_wait3A_186 = arith.constant 0 : i32
      %dma_wait3A_187 = tpu.memref_slice %arg5[%add3A, %dma_wait3A_185, %dma_wait3A_186] : memref<32x125x80xi32, #tpu.memory_space<hbm>> -> memref<1x125x80xi32, #tpu.memory_space<hbm>>
      %dma_wait3A_188 = tpu.memref_squeeze %dma_wait3A_187 : memref<1x125x80xi32, #tpu.memory_space<hbm>> -> memref<125x80xi32, #tpu.memory_space<hbm>>
      tpu.wait_dma2 semaphore(%run_scoped3A : memref<!tpu.dma_semaphore, #tpu.memory_space<semaphore_mem>>) src(%dma_wait3A_188 : memref<125x80xi32, #tpu.memory_space<hbm>>) dst(%arg9 : memref<125x80xi32, #tpu.memory_space<vmem>>)
      tpu.yield
    }) : () -> ()
    %dma_start3A = arith.constant 0 : i32
    %dma_start3A_1 = arith.constant 0 : i32
    %dma_start3A_2 = arith.constant 0 : i32
    %dma_start3A_3 = arith.constant 0 : i32
    %dma_start3A_4 = arith.constant 0 : i32
    %dma_start3A_5 = tpu.memref_slice %arg10[%dma_start3A_1, %dma_start3A_3, %dma_start3A_4] : memref<3x80x128xf32, #tpu.memory_space<vmem>> -> memref<1x80x128xf32, #tpu.memory_space<vmem>>
    %dma_start3A_6 = tpu.memref_squeeze %dma_start3A_5 : memref<1x80x128xf32, #tpu.memory_space<vmem>> -> memref<80x128xf32, #tpu.memory_space<vmem>>
    %dma_start3A_7 = arith.constant 0 : i32
    %dma_start3A_8 = tpu.memref_slice %arg8[%dma_start3A, %dma_start3A_7] : memref<125x80xi32, #tpu.memory_space<vmem>> -> memref<1x80xi32, #tpu.memory_space<vmem>>
    %dma_start3A_9 = tpu.memref_squeeze %dma_start3A_8 : memref<1x80xi32, #tpu.memory_space<vmem>> -> memref<80xi32, #tpu.memory_space<vmem>>
    %dma_start3A_10 = arith.constant 0 : i32
    %dma_start3A_11 = arith.constant 0 : i32
    %dma_start3A_12 = tpu.memref_slice %arg2[%dma_start3A_10, %dma_start3A_11] : memref<10000x128xf32, #tpu.memory_space<hbm>> -> memref<10000x128xf32, #tpu.memory_space<hbm>>
    %dma_start3A_13 = tpu.memref_slice %arg12[%dma_start3A_2] : memref<3x!tpu.dma_semaphore, #tpu.memory_space<semaphore_mem>> -> memref<1x!tpu.dma_semaphore, #tpu.memory_space<semaphore_mem>>
    %dma_start3A_14 = tpu.memref_squeeze %dma_start3A_13 : memref<1x!tpu.dma_semaphore, #tpu.memory_space<semaphore_mem>> -> memref<!tpu.dma_semaphore, #tpu.memory_space<semaphore_mem>>
    tpu.enqueue_indirect_dma source(%dma_start3A_12 : memref<10000x128xf32, #tpu.memory_space<hbm>>) target(%dma_start3A_6 : memref<80x128xf32, #tpu.memory_space<vmem>>) offsets(%dma_start3A_9 : memref<80xi32, #tpu.memory_space<vmem>>) semaphore(%dma_start3A_14 : memref<!tpu.dma_semaphore, #tpu.memory_space<semaphore_mem>>)
    %dma_start3A_15 = arith.constant 0 : i32
    %dma_start3A_16 = arith.constant 0 : i32
    %dma_start3A_17 = arith.constant 0 : i32
    %dma_start3A_18 = arith.constant 0 : i32
    %dma_start3A_19 = arith.constant 0 : i32
    %dma_start3A_20 = tpu.memref_slice %arg11[%dma_start3A_16, %dma_start3A_18, %dma_start3A_19] : memref<3x80x128xf32, #tpu.memory_space<vmem>> -> memref<1x80x128xf32, #tpu.memory_space<vmem>>
    %dma_start3A_21 = tpu.memref_squeeze %dma_start3A_20 : memref<1x80x128xf32, #tpu.memory_space<vmem>> -> memref<80x128xf32, #tpu.memory_space<vmem>>
    %dma_start3A_22 = arith.constant 0 : i32
    %dma_start3A_23 = tpu.memref_slice %arg9[%dma_start3A_15, %dma_start3A_22] : memref<125x80xi32, #tpu.memory_space<vmem>> -> memref<1x80xi32, #tpu.memory_space<vmem>>
    %dma_start3A_24 = tpu.memref_squeeze %dma_start3A_23 : memref<1x80xi32, #tpu.memory_space<vmem>> -> memref<80xi32, #tpu.memory_space<vmem>>
    %dma_start3A_25 = arith.constant 0 : i32
    %dma_start3A_26 = arith.constant 0 : i32
    %dma_start3A_27 = tpu.memref_slice %arg3[%dma_start3A_25, %dma_start3A_26] : memref<10000x128xf32, #tpu.memory_space<hbm>> -> memref<10000x128xf32, #tpu.memory_space<hbm>>
    %dma_start3A_28 = tpu.memref_slice %arg13[%dma_start3A_17] : memref<3x!tpu.dma_semaphore, #tpu.memory_space<semaphore_mem>> -> memref<1x!tpu.dma_semaphore, #tpu.memory_space<semaphore_mem>>
    %dma_start3A_29 = tpu.memref_squeeze %dma_start3A_28 : memref<1x!tpu.dma_semaphore, #tpu.memory_space<semaphore_mem>> -> memref<!tpu.dma_semaphore, #tpu.memory_space<semaphore_mem>>
    tpu.enqueue_indirect_dma source(%dma_start3A_27 : memref<10000x128xf32, #tpu.memory_space<hbm>>) target(%dma_start3A_21 : memref<80x128xf32, #tpu.memory_space<vmem>>) offsets(%dma_start3A_24 : memref<80xi32, #tpu.memory_space<vmem>>) semaphore(%dma_start3A_29 : memref<!tpu.dma_semaphore, #tpu.memory_space<semaphore_mem>>)
    %dma_start3A_30 = arith.constant 1 : i32
    %dma_start3A_31 = arith.constant 1 : i32
    %dma_start3A_32 = arith.constant 1 : i32
    %dma_start3A_33 = arith.constant 0 : i32
    %dma_start3A_34 = arith.constant 0 : i32
    %dma_start3A_35 = tpu.memref_slice %arg10[%dma_start3A_31, %dma_start3A_33, %dma_start3A_34] : memref<3x80x128xf32, #tpu.memory_space<vmem>> -> memref<1x80x128xf32, #tpu.memory_space<vmem>>
    %dma_start3A_36 = tpu.memref_squeeze %dma_start3A_35 : memref<1x80x128xf32, #tpu.memory_space<vmem>> -> memref<80x128xf32, #tpu.memory_space<vmem>>
    %dma_start3A_37 = arith.constant 0 : i32
    %dma_start3A_38 = tpu.memref_slice %arg8[%dma_start3A_30, %dma_start3A_37] : memref<125x80xi32, #tpu.memory_space<vmem>> -> memref<1x80xi32, #tpu.memory_space<vmem>>
    %dma_start3A_39 = tpu.memref_squeeze %dma_start3A_38 : memref<1x80xi32, #tpu.memory_space<vmem>> -> memref<80xi32, #tpu.memory_space<vmem>>
    %dma_start3A_40 = arith.constant 0 : i32
    %dma_start3A_41 = arith.constant 0 : i32
    %dma_start3A_42 = tpu.memref_slice %arg2[%dma_start3A_40, %dma_start3A_41] : memref<10000x128xf32, #tpu.memory_space<hbm>> -> memref<10000x128xf32, #tpu.memory_space<hbm>>
    %dma_start3A_43 = tpu.memref_slice %arg12[%dma_start3A_32] : memref<3x!tpu.dma_semaphore, #tpu.memory_space<semaphore_mem>> -> memref<1x!tpu.dma_semaphore, #tpu.memory_space<semaphore_mem>>
    %dma_start3A_44 = tpu.memref_squeeze %dma_start3A_43 : memref<1x!tpu.dma_semaphore, #tpu.memory_space<semaphore_mem>> -> memref<!tpu.dma_semaphore, #tpu.memory_space<semaphore_mem>>
    tpu.enqueue_indirect_dma source(%dma_start3A_42 : memref<10000x128xf32, #tpu.memory_space<hbm>>) target(%dma_start3A_36 : memref<80x128xf32, #tpu.memory_space<vmem>>) offsets(%dma_start3A_39 : memref<80xi32, #tpu.memory_space<vmem>>) semaphore(%dma_start3A_44 : memref<!tpu.dma_semaphore, #tpu.memory_space<semaphore_mem>>)
    %dma_start3A_45 = arith.constant 1 : i32
    %dma_start3A_46 = arith.constant 1 : i32
    %dma_start3A_47 = arith.constant 1 : i32
    %dma_start3A_48 = arith.constant 0 : i32
    %dma_start3A_49 = arith.constant 0 : i32
    %dma_start3A_50 = tpu.memref_slice %arg11[%dma_start3A_46, %dma_start3A_48, %dma_start3A_49] : memref<3x80x128xf32, #tpu.memory_space<vmem>> -> memref<1x80x128xf32, #tpu.memory_space<vmem>>
    %dma_start3A_51 = tpu.memref_squeeze %dma_start3A_50 : memref<1x80x128xf32, #tpu.memory_space<vmem>> -> memref<80x128xf32, #tpu.memory_space<vmem>>
    %dma_start3A_52 = arith.constant 0 : i32
    %dma_start3A_53 = tpu.memref_slice %arg9[%dma_start3A_45, %dma_start3A_52] : memref<125x80xi32, #tpu.memory_space<vmem>> -> memref<1x80xi32, #tpu.memory_space<vmem>>
    %dma_start3A_54 = tpu.memref_squeeze %dma_start3A_53 : memref<1x80xi32, #tpu.memory_space<vmem>> -> memref<80xi32, #tpu.memory_space<vmem>>
    %dma_start3A_55 = arith.constant 0 : i32
    %dma_start3A_56 = arith.constant 0 : i32
    %dma_start3A_57 = tpu.memref_slice %arg3[%dma_start3A_55, %dma_start3A_56] : memref<10000x128xf32, #tpu.memory_space<hbm>> -> memref<10000x128xf32, #tpu.memory_space<hbm>>
    %dma_start3A_58 = tpu.memref_slice %arg13[%dma_start3A_47] : memref<3x!tpu.dma_semaphore, #tpu.memory_space<semaphore_mem>> -> memref<1x!tpu.dma_semaphore, #tpu.memory_space<semaphore_mem>>
    %dma_start3A_59 = tpu.memref_squeeze %dma_start3A_58 : memref<1x!tpu.dma_semaphore, #tpu.memory_space<semaphore_mem>> -> memref<!tpu.dma_semaphore, #tpu.memory_space<semaphore_mem>>
    tpu.enqueue_indirect_dma source(%dma_start3A_57 : memref<10000x128xf32, #tpu.memory_space<hbm>>) target(%dma_start3A_51 : memref<80x128xf32, #tpu.memory_space<vmem>>) offsets(%dma_start3A_54 : memref<80xi32, #tpu.memory_space<vmem>>) semaphore(%dma_start3A_59 : memref<!tpu.dma_semaphore, #tpu.memory_space<semaphore_mem>>)
    %scan3A = arith.constant 0 : i32
    %scan3A_60 = arith.constant 0 : i32
    %scan3A_61 = arith.constant 125 : i32
    %scan3A_62 = arith.addi %scan3A_60, %scan3A_61 : i32
    %scan3A_63 = arith.constant 1 : i32
    %scan3A_64 = scf.for %scan3A_173 = %scan3A_60 to %scan3A_62 step %scan3A_63 iter_args(%scan3A_174 = %scan3A) -> (i32)  : i32 {
      %rem3A = arith.constant 3 : i32
      %rem3A_175 = arith.remsi %scan3A_173, %rem3A : i32
      %add3A_176 = arith.constant 2 : i32
      %add3A_177 = arith.addi %scan3A_173, %add3A_176 : i32
      %rem3A_178 = arith.constant 3 : i32
      %rem3A_179 = arith.remsi %add3A_177, %rem3A_178 : i32
      %dma_wait3A_180 = arith.constant 0 : i32
      %dma_wait3A_181 = arith.constant 0 : i32
      %dma_wait3A_182 = arith.constant 0 : i32
      %dma_wait3A_183 = tpu.memref_slice %arg10[%rem3A_175, %dma_wait3A_181, %dma_wait3A_182] : memref<3x80x128xf32, #tpu.memory_space<vmem>> -> memref<1x80x128xf32, #tpu.memory_space<vmem>>
      %dma_wait3A_184 = tpu.memref_squeeze %dma_wait3A_183 : memref<1x80x128xf32, #tpu.memory_space<vmem>> -> memref<80x128xf32, #tpu.memory_space<vmem>>
      %dma_wait3A_185 = arith.constant 0 : i32
      %dma_wait3A_186 = tpu.memref_slice %arg8[%dma_wait3A_180, %dma_wait3A_185] : memref<125x80xi32, #tpu.memory_space<vmem>> -> memref<1x80xi32, #tpu.memory_space<vmem>>
      %dma_wait3A_187 = tpu.memref_squeeze %dma_wait3A_186 : memref<1x80xi32, #tpu.memory_space<vmem>> -> memref<80xi32, #tpu.memory_space<vmem>>
      %dma_wait3A_188 = arith.constant 0 : i32
      %dma_wait3A_189 = arith.constant 0 : i32
      %dma_wait3A_190 = tpu.memref_slice %arg2[%dma_wait3A_188, %dma_wait3A_189] : memref<10000x128xf32, #tpu.memory_space<hbm>> -> memref<10000x128xf32, #tpu.memory_space<hbm>>
      %dma_wait3A_191 = tpu.memref_slice %arg12[%rem3A_175] : memref<3x!tpu.dma_semaphore, #tpu.memory_space<semaphore_mem>> -> memref<1x!tpu.dma_semaphore, #tpu.memory_space<semaphore_mem>>
      %dma_wait3A_192 = tpu.memref_squeeze %dma_wait3A_191 : memref<1x!tpu.dma_semaphore, #tpu.memory_space<semaphore_mem>> -> memref<!tpu.dma_semaphore, #tpu.memory_space<semaphore_mem>>
      tpu.wait_indirect_dma semaphore(%dma_wait3A_192 : memref<!tpu.dma_semaphore, #tpu.memory_space<semaphore_mem>>) src(%dma_wait3A_190 : memref<10000x128xf32, #tpu.memory_space<hbm>>) dst(%dma_wait3A_184 : memref<80x128xf32, #tpu.memory_space<vmem>>)
      %dma_wait3A_193 = arith.constant 0 : i32
      %dma_wait3A_194 = arith.constant 0 : i32
      %dma_wait3A_195 = arith.constant 0 : i32
      %dma_wait3A_196 = tpu.memref_slice %arg11[%rem3A_175, %dma_wait3A_194, %dma_wait3A_195] : memref<3x80x128xf32, #tpu.memory_space<vmem>> -> memref<1x80x128xf32, #tpu.memory_space<vmem>>
      %dma_wait3A_197 = tpu.memref_squeeze %dma_wait3A_196 : memref<1x80x128xf32, #tpu.memory_space<vmem>> -> memref<80x128xf32, #tpu.memory_space<vmem>>
      %dma_wait3A_198 = arith.constant 0 : i32
      %dma_wait3A_199 = tpu.memref_slice %arg9[%dma_wait3A_193, %dma_wait3A_198] : memref<125x80xi32, #tpu.memory_space<vmem>> -> memref<1x80xi32, #tpu.memory_space<vmem>>
      %dma_wait3A_200 = tpu.memref_squeeze %dma_wait3A_199 : memref<1x80xi32, #tpu.memory_space<vmem>> -> memref<80xi32, #tpu.memory_space<vmem>>
      %dma_wait3A_201 = arith.constant 0 : i32
      %dma_wait3A_202 = arith.constant 0 : i32
      %dma_wait3A_203 = tpu.memref_slice %arg3[%dma_wait3A_201, %dma_wait3A_202] : memref<10000x128xf32, #tpu.memory_space<hbm>> -> memref<10000x128xf32, #tpu.memory_space<hbm>>
      %dma_wait3A_204 = tpu.memref_slice %arg13[%rem3A_175] : memref<3x!tpu.dma_semaphore, #tpu.memory_space<semaphore_mem>> -> memref<1x!tpu.dma_semaphore, #tpu.memory_space<semaphore_mem>>
      %dma_wait3A_205 = tpu.memref_squeeze %dma_wait3A_204 : memref<1x!tpu.dma_semaphore, #tpu.memory_space<semaphore_mem>> -> memref<!tpu.dma_semaphore, #tpu.memory_space<semaphore_mem>>
      tpu.wait_indirect_dma semaphore(%dma_wait3A_205 : memref<!tpu.dma_semaphore, #tpu.memory_space<semaphore_mem>>) src(%dma_wait3A_203 : memref<10000x128xf32, #tpu.memory_space<hbm>>) dst(%dma_wait3A_197 : memref<80x128xf32, #tpu.memory_space<vmem>>)
      %add3A_206 = arith.constant 2 : i32
      %add3A_207 = arith.addi %scan3A_173, %add3A_206 : i32
      %lt3A = arith.constant 125 : i32
      %lt3A_208 = arith.cmpi slt, %add3A_207, %lt3A : i32
      %convert_element_type3A = arith.extui %lt3A_208 : i1 to i32
      %cond3A = arith.constant 0 : i32
      %cond3A_209 = arith.cmpi ne, %convert_element_type3A, %cond3A : i32
      scf.if %cond3A_209 {
        %ge3A = arith.constant 1 : i32
        %ge3A_244 = arith.cmpi sge, %scan3A_173, %ge3A : i32
        %convert_element_type3A_245 = arith.extui %ge3A_244 : i1 to i32
        %cond3A_246 = arith.constant 0 : i32
        %cond3A_247 = arith.cmpi ne, %convert_element_type3A_245, %cond3A_246 : i32
        scf.if %cond3A_247 {
          %dma_wait3A_274 = arith.constant 0 : i32
          %dma_wait3A_275 = arith.constant 0 : i32
          %dma_wait3A_276 = tpu.memref_slice %arg10[%rem3A_179, %dma_wait3A_274, %dma_wait3A_275] : memref<3x80x128xf32, #tpu.memory_space<vmem>> -> memref<1x80x128xf32, #tpu.memory_space<vmem>>
          %dma_wait3A_277 = tpu.memref_squeeze %dma_wait3A_276 : memref<1x80x128xf32, #tpu.memory_space<vmem>> -> memref<80x128xf32, #tpu.memory_space<vmem>>
          %dma_wait3A_278 = arith.constant 0 : i32
          %dma_wait3A_279 = arith.constant 0 : i32
          %dma_wait3A_280 = tpu.memref_slice %arg6[%dma_wait3A_278, %dma_wait3A_279] : memref<320000x128xf32, #tpu.memory_space<hbm>> -> memref<80x128xf32, #tpu.memory_space<hbm>>
          %dma_wait3A_281 = tpu.memref_slice %arg14[%rem3A_179] : memref<3x!tpu.dma_semaphore, #tpu.memory_space<semaphore_mem>> -> memref<1x!tpu.dma_semaphore, #tpu.memory_space<semaphore_mem>>
          %dma_wait3A_282 = tpu.memref_squeeze %dma_wait3A_281 : memref<1x!tpu.dma_semaphore, #tpu.memory_space<semaphore_mem>> -> memref<!tpu.dma_semaphore, #tpu.memory_space<semaphore_mem>>
          %dma_wait3A_283 = arith.constant 0 : i32
          %dma_wait3A_284 = arith.constant 0 : i32
          %dma_wait3A_285 = tpu.memref_slice %arg6[%dma_wait3A_283, %dma_wait3A_284] : memref<320000x128xf32, #tpu.memory_space<hbm>> -> memref<80x128xf32, #tpu.memory_space<hbm>>
          %dma_wait3A_286 = arith.constant 0 : i32
          %dma_wait3A_287 = arith.constant 0 : i32
          %dma_wait3A_288 = tpu.memref_slice %arg10[%rem3A_179, %dma_wait3A_286, %dma_wait3A_287] : memref<3x80x128xf32, #tpu.memory_space<vmem>> -> memref<1x80x128xf32, #tpu.memory_space<vmem>>
          %dma_wait3A_289 = tpu.memref_squeeze %dma_wait3A_288 : memref<1x80x128xf32, #tpu.memory_space<vmem>> -> memref<80x128xf32, #tpu.memory_space<vmem>>
          tpu.wait_dma2 semaphore(%dma_wait3A_282 : memref<!tpu.dma_semaphore, #tpu.memory_space<semaphore_mem>>) src(%dma_wait3A_289 : memref<80x128xf32, #tpu.memory_space<vmem>>) dst(%dma_wait3A_285 : memref<80x128xf32, #tpu.memory_space<hbm>>)
          %dma_wait3A_290 = arith.constant 0 : i32
          %dma_wait3A_291 = arith.constant 0 : i32
          %dma_wait3A_292 = tpu.memref_slice %arg11[%rem3A_179, %dma_wait3A_290, %dma_wait3A_291] : memref<3x80x128xf32, #tpu.memory_space<vmem>> -> memref<1x80x128xf32, #tpu.memory_space<vmem>>
          %dma_wait3A_293 = tpu.memref_squeeze %dma_wait3A_292 : memref<1x80x128xf32, #tpu.memory_space<vmem>> -> memref<80x128xf32, #tpu.memory_space<vmem>>
          %dma_wait3A_294 = arith.constant 0 : i32
          %dma_wait3A_295 = arith.constant 0 : i32
          %dma_wait3A_296 = tpu.memref_slice %arg7[%dma_wait3A_294, %dma_wait3A_295] : memref<320000x128xf32, #tpu.memory_space<hbm>> -> memref<80x128xf32, #tpu.memory_space<hbm>>
          %dma_wait3A_297 = tpu.memref_slice %arg15[%rem3A_179] : memref<3x!tpu.dma_semaphore, #tpu.memory_space<semaphore_mem>> -> memref<1x!tpu.dma_semaphore, #tpu.memory_space<semaphore_mem>>
          %dma_wait3A_298 = tpu.memref_squeeze %dma_wait3A_297 : memref<1x!tpu.dma_semaphore, #tpu.memory_space<semaphore_mem>> -> memref<!tpu.dma_semaphore, #tpu.memory_space<semaphore_mem>>
          %dma_wait3A_299 = arith.constant 0 : i32
          %dma_wait3A_300 = arith.constant 0 : i32
          %dma_wait3A_301 = tpu.memref_slice %arg7[%dma_wait3A_299, %dma_wait3A_300] : memref<320000x128xf32, #tpu.memory_space<hbm>> -> memref<80x128xf32, #tpu.memory_space<hbm>>
          %dma_wait3A_302 = arith.constant 0 : i32
          %dma_wait3A_303 = arith.constant 0 : i32
          %dma_wait3A_304 = tpu.memref_slice %arg11[%rem3A_179, %dma_wait3A_302, %dma_wait3A_303] : memref<3x80x128xf32, #tpu.memory_space<vmem>> -> memref<1x80x128xf32, #tpu.memory_space<vmem>>
          %dma_wait3A_305 = tpu.memref_squeeze %dma_wait3A_304 : memref<1x80x128xf32, #tpu.memory_space<vmem>> -> memref<80x128xf32, #tpu.memory_space<vmem>>
          tpu.wait_dma2 semaphore(%dma_wait3A_298 : memref<!tpu.dma_semaphore, #tpu.memory_space<semaphore_mem>>) src(%dma_wait3A_305 : memref<80x128xf32, #tpu.memory_space<vmem>>) dst(%dma_wait3A_301 : memref<80x128xf32, #tpu.memory_space<hbm>>)
        } else {
        }
        %add3A_248 = arith.constant 2 : i32
        %add3A_249 = arith.addi %scan3A_173, %add3A_248 : i32
        %dma_start3A_250 = arith.constant 0 : i32
        %dma_start3A_251 = arith.constant 0 : i32
        %dma_start3A_252 = tpu.memref_slice %arg10[%rem3A_179, %dma_start3A_250, %dma_start3A_251] : memref<3x80x128xf32, #tpu.memory_space<vmem>> -> memref<1x80x128xf32, #tpu.memory_space<vmem>>
        %dma_start3A_253 = tpu.memref_squeeze %dma_start3A_252 : memref<1x80x128xf32, #tpu.memory_space<vmem>> -> memref<80x128xf32, #tpu.memory_space<vmem>>
        %dma_start3A_254 = arith.constant 0 : i32
        %dma_start3A_255 = tpu.memref_slice %arg8[%add3A_249, %dma_start3A_254] : memref<125x80xi32, #tpu.memory_space<vmem>> -> memref<1x80xi32, #tpu.memory_space<vmem>>
        %dma_start3A_256 = tpu.memref_squeeze %dma_start3A_255 : memref<1x80xi32, #tpu.memory_space<vmem>> -> memref<80xi32, #tpu.memory_space<vmem>>
        %dma_start3A_257 = arith.constant 0 : i32
        %dma_start3A_258 = arith.constant 0 : i32
        %dma_start3A_259 = tpu.memref_slice %arg2[%dma_start3A_257, %dma_start3A_258] : memref<10000x128xf32, #tpu.memory_space<hbm>> -> memref<10000x128xf32, #tpu.memory_space<hbm>>
        %dma_start3A_260 = tpu.memref_slice %arg12[%rem3A_179] : memref<3x!tpu.dma_semaphore, #tpu.memory_space<semaphore_mem>> -> memref<1x!tpu.dma_semaphore, #tpu.memory_space<semaphore_mem>>
        %dma_start3A_261 = tpu.memref_squeeze %dma_start3A_260 : memref<1x!tpu.dma_semaphore, #tpu.memory_space<semaphore_mem>> -> memref<!tpu.dma_semaphore, #tpu.memory_space<semaphore_mem>>
        tpu.enqueue_indirect_dma source(%dma_start3A_259 : memref<10000x128xf32, #tpu.memory_space<hbm>>) target(%dma_start3A_253 : memref<80x128xf32, #tpu.memory_space<vmem>>) offsets(%dma_start3A_256 : memref<80xi32, #tpu.memory_space<vmem>>) semaphore(%dma_start3A_261 : memref<!tpu.dma_semaphore, #tpu.memory_space<semaphore_mem>>)
        %dma_start3A_262 = arith.constant 0 : i32
        %dma_start3A_263 = arith.constant 0 : i32
        %dma_start3A_264 = tpu.memref_slice %arg11[%rem3A_179, %dma_start3A_262, %dma_start3A_263] : memref<3x80x128xf32, #tpu.memory_space<vmem>> -> memref<1x80x128xf32, #tpu.memory_space<vmem>>
        %dma_start3A_265 = tpu.memref_squeeze %dma_start3A_264 : memref<1x80x128xf32, #tpu.memory_space<vmem>> -> memref<80x128xf32, #tpu.memory_space<vmem>>
        %dma_start3A_266 = arith.constant 0 : i32
        %dma_start3A_267 = tpu.memref_slice %arg9[%add3A_249, %dma_start3A_266] : memref<125x80xi32, #tpu.memory_space<vmem>> -> memref<1x80xi32, #tpu.memory_space<vmem>>
        %dma_start3A_268 = tpu.memref_squeeze %dma_start3A_267 : memref<1x80xi32, #tpu.memory_space<vmem>> -> memref<80xi32, #tpu.memory_space<vmem>>
        %dma_start3A_269 = arith.constant 0 : i32
        %dma_start3A_270 = arith.constant 0 : i32
        %dma_start3A_271 = tpu.memref_slice %arg3[%dma_start3A_269, %dma_start3A_270] : memref<10000x128xf32, #tpu.memory_space<hbm>> -> memref<10000x128xf32, #tpu.memory_space<hbm>>
        %dma_start3A_272 = tpu.memref_slice %arg13[%rem3A_179] : memref<3x!tpu.dma_semaphore, #tpu.memory_space<semaphore_mem>> -> memref<1x!tpu.dma_semaphore, #tpu.memory_space<semaphore_mem>>
        %dma_start3A_273 = tpu.memref_squeeze %dma_start3A_272 : memref<1x!tpu.dma_semaphore, #tpu.memory_space<semaphore_mem>> -> memref<!tpu.dma_semaphore, #tpu.memory_space<semaphore_mem>>
        tpu.enqueue_indirect_dma source(%dma_start3A_271 : memref<10000x128xf32, #tpu.memory_space<hbm>>) target(%dma_start3A_265 : memref<80x128xf32, #tpu.memory_space<vmem>>) offsets(%dma_start3A_268 : memref<80xi32, #tpu.memory_space<vmem>>) semaphore(%dma_start3A_273 : memref<!tpu.dma_semaphore, #tpu.memory_space<semaphore_mem>>)
      } else {
      }
      %mul3A_210 = arith.constant 10000 : i32
      %mul3A_211 = arith.muli %add3A, %mul3A_210 : i32
      %mul3A_212 = arith.constant 80 : i32
      %mul3A_213 = arith.muli %scan3A_173, %mul3A_212 : i32
      %add3A_214 = arith.addi %mul3A_211, %mul3A_213 : i32
      %dma_start3A_215 = arith.constant 0 : i32
      %dma_start3A_216 = arith.constant 0 : i32
      %dma_start3A_217 = tpu.memref_slice %arg10[%rem3A_175, %dma_start3A_215, %dma_start3A_216] : memref<3x80x128xf32, #tpu.memory_space<vmem>> -> memref<1x80x128xf32, #tpu.memory_space<vmem>>
      %dma_start3A_218 = tpu.memref_squeeze %dma_start3A_217 : memref<1x80x128xf32, #tpu.memory_space<vmem>> -> memref<80x128xf32, #tpu.memory_space<vmem>>
      %dma_start3A_219 = arith.constant 0 : i32
      %dma_start3A_220 = tpu.memref_slice %arg6[%add3A_214, %dma_start3A_219] : memref<320000x128xf32, #tpu.memory_space<hbm>> -> memref<80x128xf32, #tpu.memory_space<hbm>>
      %dma_start3A_221 = tpu.memref_slice %arg14[%rem3A_175] : memref<3x!tpu.dma_semaphore, #tpu.memory_space<semaphore_mem>> -> memref<1x!tpu.dma_semaphore, #tpu.memory_space<semaphore_mem>>
      %dma_start3A_222 = tpu.memref_squeeze %dma_start3A_221 : memref<1x!tpu.dma_semaphore, #tpu.memory_space<semaphore_mem>> -> memref<!tpu.dma_semaphore, #tpu.memory_space<semaphore_mem>>
      %dma_start3A_223 = arith.constant 0 : i32
      %dma_start3A_224 = tpu.memref_slice %arg6[%add3A_214, %dma_start3A_223] : memref<320000x128xf32, #tpu.memory_space<hbm>> -> memref<80x128xf32, #tpu.memory_space<hbm>>
      %dma_start3A_225 = arith.constant 0 : i32
      %dma_start3A_226 = arith.constant 0 : i32
      %dma_start3A_227 = tpu.memref_slice %arg10[%rem3A_175, %dma_start3A_225, %dma_start3A_226] : memref<3x80x128xf32, #tpu.memory_space<vmem>> -> memref<1x80x128xf32, #tpu.memory_space<vmem>>
      %dma_start3A_228 = tpu.memref_squeeze %dma_start3A_227 : memref<1x80x128xf32, #tpu.memory_space<vmem>> -> memref<80x128xf32, #tpu.memory_space<vmem>>
      tpu.enqueue_dma source(%dma_start3A_228 : memref<80x128xf32, #tpu.memory_space<vmem>>) target(%dma_start3A_224 : memref<80x128xf32, #tpu.memory_space<hbm>>) target_semaphore(%dma_start3A_222 : memref<!tpu.dma_semaphore, #tpu.memory_space<semaphore_mem>>)
      %dma_start3A_229 = arith.constant 0 : i32
      %dma_start3A_230 = arith.constant 0 : i32
      %dma_start3A_231 = tpu.memref_slice %arg11[%rem3A_175, %dma_start3A_229, %dma_start3A_230] : memref<3x80x128xf32, #tpu.memory_space<vmem>> -> memref<1x80x128xf32, #tpu.memory_space<vmem>>
      %dma_start3A_232 = tpu.memref_squeeze %dma_start3A_231 : memref<1x80x128xf32, #tpu.memory_space<vmem>> -> memref<80x128xf32, #tpu.memory_space<vmem>>
      %dma_start3A_233 = arith.constant 0 : i32
      %dma_start3A_234 = tpu.memref_slice %arg7[%add3A_214, %dma_start3A_233] : memref<320000x128xf32, #tpu.memory_space<hbm>> -> memref<80x128xf32, #tpu.memory_space<hbm>>
      %dma_start3A_235 = tpu.memref_slice %arg15[%rem3A_175] : memref<3x!tpu.dma_semaphore, #tpu.memory_space<semaphore_mem>> -> memref<1x!tpu.dma_semaphore, #tpu.memory_space<semaphore_mem>>
      %dma_start3A_236 = tpu.memref_squeeze %dma_start3A_235 : memref<1x!tpu.dma_semaphore, #tpu.memory_space<semaphore_mem>> -> memref<!tpu.dma_semaphore, #tpu.memory_space<semaphore_mem>>
      %dma_start3A_237 = arith.constant 0 : i32
      %dma_start3A_238 = tpu.memref_slice %arg7[%add3A_214, %dma_start3A_237] : memref<320000x128xf32, #tpu.memory_space<hbm>> -> memref<80x128xf32, #tpu.memory_space<hbm>>
      %dma_start3A_239 = arith.constant 0 : i32
      %dma_start3A_240 = arith.constant 0 : i32
      %dma_start3A_241 = tpu.memref_slice %arg11[%rem3A_175, %dma_start3A_239, %dma_start3A_240] : memref<3x80x128xf32, #tpu.memory_space<vmem>> -> memref<1x80x128xf32, #tpu.memory_space<vmem>>
      %dma_start3A_242 = tpu.memref_squeeze %dma_start3A_241 : memref<1x80x128xf32, #tpu.memory_space<vmem>> -> memref<80x128xf32, #tpu.memory_space<vmem>>
      tpu.enqueue_dma source(%dma_start3A_242 : memref<80x128xf32, #tpu.memory_space<vmem>>) target(%dma_start3A_238 : memref<80x128xf32, #tpu.memory_space<hbm>>) target_semaphore(%dma_start3A_236 : memref<!tpu.dma_semaphore, #tpu.memory_space<semaphore_mem>>)
      %scan3A_243 = arith.constant 0 : i32
      scf.yield %scan3A_243 : i32
    }
    %scan3A_65 = arith.constant 125 : i32
    %dma_wait3A = arith.constant 0 : i32
    %dma_wait3A_66 = arith.constant 0 : i32
    %dma_wait3A_67 = arith.constant 0 : i32
    %dma_wait3A_68 = arith.constant 0 : i32
    %dma_wait3A_69 = tpu.memref_slice %arg10[%dma_wait3A, %dma_wait3A_67, %dma_wait3A_68] : memref<3x80x128xf32, #tpu.memory_space<vmem>> -> memref<1x80x128xf32, #tpu.memory_space<vmem>>
    %dma_wait3A_70 = tpu.memref_squeeze %dma_wait3A_69 : memref<1x80x128xf32, #tpu.memory_space<vmem>> -> memref<80x128xf32, #tpu.memory_space<vmem>>
    %dma_wait3A_71 = arith.constant 0 : i32
    %dma_wait3A_72 = arith.constant 0 : i32
    %dma_wait3A_73 = tpu.memref_slice %arg6[%dma_wait3A_71, %dma_wait3A_72] : memref<320000x128xf32, #tpu.memory_space<hbm>> -> memref<80x128xf32, #tpu.memory_space<hbm>>
    %dma_wait3A_74 = tpu.memref_slice %arg14[%dma_wait3A_66] : memref<3x!tpu.dma_semaphore, #tpu.memory_space<semaphore_mem>> -> memref<1x!tpu.dma_semaphore, #tpu.memory_space<semaphore_mem>>
    %dma_wait3A_75 = tpu.memref_squeeze %dma_wait3A_74 : memref<1x!tpu.dma_semaphore, #tpu.memory_space<semaphore_mem>> -> memref<!tpu.dma_semaphore, #tpu.memory_space<semaphore_mem>>
    %dma_wait3A_76 = arith.constant 0 : i32
    %dma_wait3A_77 = arith.constant 0 : i32
    %dma_wait3A_78 = tpu.memref_slice %arg6[%dma_wait3A_76, %dma_wait3A_77] : memref<320000x128xf32, #tpu.memory_space<hbm>> -> memref<80x128xf32, #tpu.memory_space<hbm>>
    %dma_wait3A_79 = arith.constant 0 : i32
    %dma_wait3A_80 = arith.constant 0 : i32
    %dma_wait3A_81 = tpu.memref_slice %arg10[%dma_wait3A, %dma_wait3A_79, %dma_wait3A_80] : memref<3x80x128xf32, #tpu.memory_space<vmem>> -> memref<1x80x128xf32, #tpu.memory_space<vmem>>
    %dma_wait3A_82 = tpu.memref_squeeze %dma_wait3A_81 : memref<1x80x128xf32, #tpu.memory_space<vmem>> -> memref<80x128xf32, #tpu.memory_space<vmem>>
    tpu.wait_dma2 semaphore(%dma_wait3A_75 : memref<!tpu.dma_semaphore, #tpu.memory_space<semaphore_mem>>) src(%dma_wait3A_82 : memref<80x128xf32, #tpu.memory_space<vmem>>) dst(%dma_wait3A_78 : memref<80x128xf32, #tpu.memory_space<hbm>>)
    %dma_wait3A_83 = arith.constant 0 : i32
    %dma_wait3A_84 = arith.constant 0 : i32
    %dma_wait3A_85 = arith.constant 0 : i32
    %dma_wait3A_86 = arith.constant 0 : i32
    %dma_wait3A_87 = tpu.memref_slice %arg11[%dma_wait3A_83, %dma_wait3A_85, %dma_wait3A_86] : memref<3x80x128xf32, #tpu.memory_space<vmem>> -> memref<1x80x128xf32, #tpu.memory_space<vmem>>
    %dma_wait3A_88 = tpu.memref_squeeze %dma_wait3A_87 : memref<1x80x128xf32, #tpu.memory_space<vmem>> -> memref<80x128xf32, #tpu.memory_space<vmem>>
    %dma_wait3A_89 = arith.constant 0 : i32
    %dma_wait3A_90 = arith.constant 0 : i32
    %dma_wait3A_91 = tpu.memref_slice %arg7[%dma_wait3A_89, %dma_wait3A_90] : memref<320000x128xf32, #tpu.memory_space<hbm>> -> memref<80x128xf32, #tpu.memory_space<hbm>>
    %dma_wait3A_92 = tpu.memref_slice %arg15[%dma_wait3A_84] : memref<3x!tpu.dma_semaphore, #tpu.memory_space<semaphore_mem>> -> memref<1x!tpu.dma_semaphore, #tpu.memory_space<semaphore_mem>>
    %dma_wait3A_93 = tpu.memref_squeeze %dma_wait3A_92 : memref<1x!tpu.dma_semaphore, #tpu.memory_space<semaphore_mem>> -> memref<!tpu.dma_semaphore, #tpu.memory_space<semaphore_mem>>
    %dma_wait3A_94 = arith.constant 0 : i32
    %dma_wait3A_95 = arith.constant 0 : i32
    %dma_wait3A_96 = tpu.memref_slice %arg7[%dma_wait3A_94, %dma_wait3A_95] : memref<320000x128xf32, #tpu.memory_space<hbm>> -> memref<80x128xf32, #tpu.memory_space<hbm>>
    %dma_wait3A_97 = arith.constant 0 : i32
    %dma_wait3A_98 = arith.constant 0 : i32
    %dma_wait3A_99 = tpu.memref_slice %arg11[%dma_wait3A_83, %dma_wait3A_97, %dma_wait3A_98] : memref<3x80x128xf32, #tpu.memory_space<vmem>> -> memref<1x80x128xf32, #tpu.memory_space<vmem>>
    %dma_wait3A_100 = tpu.memref_squeeze %dma_wait3A_99 : memref<1x80x128xf32, #tpu.memory_space<vmem>> -> memref<80x128xf32, #tpu.memory_space<vmem>>
    tpu.wait_dma2 semaphore(%dma_wait3A_93 : memref<!tpu.dma_semaphore, #tpu.memory_space<semaphore_mem>>) src(%dma_wait3A_100 : memref<80x128xf32, #tpu.memory_space<vmem>>) dst(%dma_wait3A_96 : memref<80x128xf32, #tpu.memory_space<hbm>>)
    %dma_wait3A_101 = arith.constant 1 : i32
    %dma_wait3A_102 = arith.constant 1 : i32
    %dma_wait3A_103 = arith.constant 0 : i32
    %dma_wait3A_104 = arith.constant 0 : i32
    %dma_wait3A_105 = tpu.memref_slice %arg10[%dma_wait3A_101, %dma_wait3A_103, %dma_wait3A_104] : memref<3x80x128xf32, #tpu.memory_space<vmem>> -> memref<1x80x128xf32, #tpu.memory_space<vmem>>
    %dma_wait3A_106 = tpu.memref_squeeze %dma_wait3A_105 : memref<1x80x128xf32, #tpu.memory_space<vmem>> -> memref<80x128xf32, #tpu.memory_space<vmem>>
    %dma_wait3A_107 = arith.constant 0 : i32
    %dma_wait3A_108 = arith.constant 0 : i32
    %dma_wait3A_109 = tpu.memref_slice %arg6[%dma_wait3A_107, %dma_wait3A_108] : memref<320000x128xf32, #tpu.memory_space<hbm>> -> memref<80x128xf32, #tpu.memory_space<hbm>>
    %dma_wait3A_110 = tpu.memref_slice %arg14[%dma_wait3A_102] : memref<3x!tpu.dma_semaphore, #tpu.memory_space<semaphore_mem>> -> memref<1x!tpu.dma_semaphore, #tpu.memory_space<semaphore_mem>>
    %dma_wait3A_111 = tpu.memref_squeeze %dma_wait3A_110 : memref<1x!tpu.dma_semaphore, #tpu.memory_space<semaphore_mem>> -> memref<!tpu.dma_semaphore, #tpu.memory_space<semaphore_mem>>
    %dma_wait3A_112 = arith.constant 0 : i32
    %dma_wait3A_113 = arith.constant 0 : i32
    %dma_wait3A_114 = tpu.memref_slice %arg6[%dma_wait3A_112, %dma_wait3A_113] : memref<320000x128xf32, #tpu.memory_space<hbm>> -> memref<80x128xf32, #tpu.memory_space<hbm>>
    %dma_wait3A_115 = arith.constant 0 : i32
    %dma_wait3A_116 = arith.constant 0 : i32
    %dma_wait3A_117 = tpu.memref_slice %arg10[%dma_wait3A_101, %dma_wait3A_115, %dma_wait3A_116] : memref<3x80x128xf32, #tpu.memory_space<vmem>> -> memref<1x80x128xf32, #tpu.memory_space<vmem>>
    %dma_wait3A_118 = tpu.memref_squeeze %dma_wait3A_117 : memref<1x80x128xf32, #tpu.memory_space<vmem>> -> memref<80x128xf32, #tpu.memory_space<vmem>>
    tpu.wait_dma2 semaphore(%dma_wait3A_111 : memref<!tpu.dma_semaphore, #tpu.memory_space<semaphore_mem>>) src(%dma_wait3A_118 : memref<80x128xf32, #tpu.memory_space<vmem>>) dst(%dma_wait3A_114 : memref<80x128xf32, #tpu.memory_space<hbm>>)
    %dma_wait3A_119 = arith.constant 1 : i32
    %dma_wait3A_120 = arith.constant 1 : i32
    %dma_wait3A_121 = arith.constant 0 : i32
    %dma_wait3A_122 = arith.constant 0 : i32
    %dma_wait3A_123 = tpu.memref_slice %arg11[%dma_wait3A_119, %dma_wait3A_121, %dma_wait3A_122] : memref<3x80x128xf32, #tpu.memory_space<vmem>> -> memref<1x80x128xf32, #tpu.memory_space<vmem>>
    %dma_wait3A_124 = tpu.memref_squeeze %dma_wait3A_123 : memref<1x80x128xf32, #tpu.memory_space<vmem>> -> memref<80x128xf32, #tpu.memory_space<vmem>>
    %dma_wait3A_125 = arith.constant 0 : i32
    %dma_wait3A_126 = arith.constant 0 : i32
    %dma_wait3A_127 = tpu.memref_slice %arg7[%dma_wait3A_125, %dma_wait3A_126] : memref<320000x128xf32, #tpu.memory_space<hbm>> -> memref<80x128xf32, #tpu.memory_space<hbm>>
    %dma_wait3A_128 = tpu.memref_slice %arg15[%dma_wait3A_120] : memref<3x!tpu.dma_semaphore, #tpu.memory_space<semaphore_mem>> -> memref<1x!tpu.dma_semaphore, #tpu.memory_space<semaphore_mem>>
    %dma_wait3A_129 = tpu.memref_squeeze %dma_wait3A_128 : memref<1x!tpu.dma_semaphore, #tpu.memory_space<semaphore_mem>> -> memref<!tpu.dma_semaphore, #tpu.memory_space<semaphore_mem>>
    %dma_wait3A_130 = arith.constant 0 : i32
    %dma_wait3A_131 = arith.constant 0 : i32
    %dma_wait3A_132 = tpu.memref_slice %arg7[%dma_wait3A_130, %dma_wait3A_131] : memref<320000x128xf32, #tpu.memory_space<hbm>> -> memref<80x128xf32, #tpu.memory_space<hbm>>
    %dma_wait3A_133 = arith.constant 0 : i32
    %dma_wait3A_134 = arith.constant 0 : i32
    %dma_wait3A_135 = tpu.memref_slice %arg11[%dma_wait3A_119, %dma_wait3A_133, %dma_wait3A_134] : memref<3x80x128xf32, #tpu.memory_space<vmem>> -> memref<1x80x128xf32, #tpu.memory_space<vmem>>
    %dma_wait3A_136 = tpu.memref_squeeze %dma_wait3A_135 : memref<1x80x128xf32, #tpu.memory_space<vmem>> -> memref<80x128xf32, #tpu.memory_space<vmem>>
    tpu.wait_dma2 semaphore(%dma_wait3A_129 : memref<!tpu.dma_semaphore, #tpu.memory_space<semaphore_mem>>) src(%dma_wait3A_136 : memref<80x128xf32, #tpu.memory_space<vmem>>) dst(%dma_wait3A_132 : memref<80x128xf32, #tpu.memory_space<hbm>>)
    %dma_wait3A_137 = arith.constant 2 : i32
    %dma_wait3A_138 = arith.constant 2 : i32
    %dma_wait3A_139 = arith.constant 0 : i32
    %dma_wait3A_140 = arith.constant 0 : i32
    %dma_wait3A_141 = tpu.memref_slice %arg10[%dma_wait3A_137, %dma_wait3A_139, %dma_wait3A_140] : memref<3x80x128xf32, #tpu.memory_space<vmem>> -> memref<1x80x128xf32, #tpu.memory_space<vmem>>
    %dma_wait3A_142 = tpu.memref_squeeze %dma_wait3A_141 : memref<1x80x128xf32, #tpu.memory_space<vmem>> -> memref<80x128xf32, #tpu.memory_space<vmem>>
    %dma_wait3A_143 = arith.constant 0 : i32
    %dma_wait3A_144 = arith.constant 0 : i32
    %dma_wait3A_145 = tpu.memref_slice %arg6[%dma_wait3A_143, %dma_wait3A_144] : memref<320000x128xf32, #tpu.memory_space<hbm>> -> memref<80x128xf32, #tpu.memory_space<hbm>>
    %dma_wait3A_146 = tpu.memref_slice %arg14[%dma_wait3A_138] : memref<3x!tpu.dma_semaphore, #tpu.memory_space<semaphore_mem>> -> memref<1x!tpu.dma_semaphore, #tpu.memory_space<semaphore_mem>>
    %dma_wait3A_147 = tpu.memref_squeeze %dma_wait3A_146 : memref<1x!tpu.dma_semaphore, #tpu.memory_space<semaphore_mem>> -> memref<!tpu.dma_semaphore, #tpu.memory_space<semaphore_mem>>
    %dma_wait3A_148 = arith.constant 0 : i32
    %dma_wait3A_149 = arith.constant 0 : i32
    %dma_wait3A_150 = tpu.memref_slice %arg6[%dma_wait3A_148, %dma_wait3A_149] : memref<320000x128xf32, #tpu.memory_space<hbm>> -> memref<80x128xf32, #tpu.memory_space<hbm>>
    %dma_wait3A_151 = arith.constant 0 : i32
    %dma_wait3A_152 = arith.constant 0 : i32
    %dma_wait3A_153 = tpu.memref_slice %arg10[%dma_wait3A_137, %dma_wait3A_151, %dma_wait3A_152] : memref<3x80x128xf32, #tpu.memory_space<vmem>> -> memref<1x80x128xf32, #tpu.memory_space<vmem>>
    %dma_wait3A_154 = tpu.memref_squeeze %dma_wait3A_153 : memref<1x80x128xf32, #tpu.memory_space<vmem>> -> memref<80x128xf32, #tpu.memory_space<vmem>>
    tpu.wait_dma2 semaphore(%dma_wait3A_147 : memref<!tpu.dma_semaphore, #tpu.memory_space<semaphore_mem>>) src(%dma_wait3A_154 : memref<80x128xf32, #tpu.memory_space<vmem>>) dst(%dma_wait3A_150 : memref<80x128xf32, #tpu.memory_space<hbm>>)
    %dma_wait3A_155 = arith.constant 2 : i32
    %dma_wait3A_156 = arith.constant 2 : i32
    %dma_wait3A_157 = arith.constant 0 : i32
    %dma_wait3A_158 = arith.constant 0 : i32
    %dma_wait3A_159 = tpu.memref_slice %arg11[%dma_wait3A_155, %dma_wait3A_157, %dma_wait3A_158] : memref<3x80x128xf32, #tpu.memory_space<vmem>> -> memref<1x80x128xf32, #tpu.memory_space<vmem>>
    %dma_wait3A_160 = tpu.memref_squeeze %dma_wait3A_159 : memref<1x80x128xf32, #tpu.memory_space<vmem>> -> memref<80x128xf32, #tpu.memory_space<vmem>>
    %dma_wait3A_161 = arith.constant 0 : i32
    %dma_wait3A_162 = arith.constant 0 : i32
    %dma_wait3A_163 = tpu.memref_slice %arg7[%dma_wait3A_161, %dma_wait3A_162] : memref<320000x128xf32, #tpu.memory_space<hbm>> -> memref<80x128xf32, #tpu.memory_space<hbm>>
    %dma_wait3A_164 = tpu.memref_slice %arg15[%dma_wait3A_156] : memref<3x!tpu.dma_semaphore, #tpu.memory_space<semaphore_mem>> -> memref<1x!tpu.dma_semaphore, #tpu.memory_space<semaphore_mem>>
    %dma_wait3A_165 = tpu.memref_squeeze %dma_wait3A_164 : memref<1x!tpu.dma_semaphore, #tpu.memory_space<semaphore_mem>> -> memref<!tpu.dma_semaphore, #tpu.memory_space<semaphore_mem>>
    %dma_wait3A_166 = arith.constant 0 : i32
    %dma_wait3A_167 = arith.constant 0 : i32
    %dma_wait3A_168 = tpu.memref_slice %arg7[%dma_wait3A_166, %dma_wait3A_167] : memref<320000x128xf32, #tpu.memory_space<hbm>> -> memref<80x128xf32, #tpu.memory_space<hbm>>
    %dma_wait3A_169 = arith.constant 0 : i32
    %dma_wait3A_170 = arith.constant 0 : i32
    %dma_wait3A_171 = tpu.memref_slice %arg11[%dma_wait3A_155, %dma_wait3A_169, %dma_wait3A_170] : memref<3x80x128xf32, #tpu.memory_space<vmem>> -> memref<1x80x128xf32, #tpu.memory_space<vmem>>
    %dma_wait3A_172 = tpu.memref_squeeze %dma_wait3A_171 : memref<1x80x128xf32, #tpu.memory_space<vmem>> -> memref<80x128xf32, #tpu.memory_space<vmem>>
    tpu.wait_dma2 semaphore(%dma_wait3A_165 : memref<!tpu.dma_semaphore, #tpu.memory_space<semaphore_mem>>) src(%dma_wait3A_172 : memref<80x128xf32, #tpu.memory_space<vmem>>) dst(%dma_wait3A_168 : memref<80x128xf32, #tpu.memory_space<hbm>>)
    return
  }
}

#map = affine_map<(d0, d1) -> (0, 0)>
#map1 = affine_map<(d0, d1) -> (0, 0, 0)>
module attributes {stable_mosaic.version = 14 : i64} {
  func.func @_sc_scatter(%arg0: i32, %arg1: i32, %arg2: memref<320000x64xf32, #tpu.memory_space<hbm>>, %arg3: memref<32x125x80xi32, #tpu.memory_space<hbm>>, %arg4: memref<10000x64xf32, #tpu.memory_space<hbm>>, %arg5: memref<2x10000x64xf32, #tpu.memory_space<hbm>>, %arg6: memref<125x80xi32, #tpu.memory_space<vmem>>, %arg7: memref<3x80x64xf32, #tpu.memory_space<vmem>>, %arg8: memref<10000x64xf32, #tpu.memory_space<vmem_shared>>, %arg9: memref<3x!tpu.dma_semaphore, #tpu.memory_space<semaphore_mem>>, %arg10: memref<3x!tpu.dma_semaphore, #tpu.memory_space<semaphore_mem>>) attributes {dimension_semantics = [#tpu.dimension_semantics<core_parallel>, #tpu.dimension_semantics<subcore_parallel>], iteration_bounds = array<i64: 2, 16>, scalar_prefetch = 0 : i64, scratch_operands = 5 : i64, tpu.core_type = #tpu.core_type<sc_vector_subcore>, window_params = [{transform_indices = #map}, {transform_indices = #map1}, {transform_indices = #map}, {transform_indices = #map1}]} {
    %mul3A = arith.constant 2 : i32
    %mul3A_0 = arith.muli %arg1, %mul3A : i32
    %add3A = arith.addi %mul3A_0, %arg0 : i32
    %eq3A = arith.constant 0 : i32
    %eq3A_1 = arith.cmpi eq, %arg1, %eq3A : i32
    %convert_element_type3A = arith.extui %eq3A_1 : i1 to i32
    %cond3A = arith.constant 0 : i32
    %cond3A_2 = arith.cmpi ne, %convert_element_type3A, %cond3A : i32
    scf.if %cond3A_2 {
      "tpu.region"() ({
        %run_scoped3A = tpu.sem_alloc : memref<!tpu.dma_semaphore, #tpu.memory_space<semaphore_mem>>
        tpu.enqueue_dma source(%arg4 : memref<10000x64xf32, #tpu.memory_space<hbm>>) target(%arg8 : memref<10000x64xf32, #tpu.memory_space<vmem_shared>>) target_semaphore(%run_scoped3A : memref<!tpu.dma_semaphore, #tpu.memory_space<semaphore_mem>>)
        tpu.wait_dma2 semaphore(%run_scoped3A : memref<!tpu.dma_semaphore, #tpu.memory_space<semaphore_mem>>) src(%arg4 : memref<10000x64xf32, #tpu.memory_space<hbm>>) dst(%arg8 : memref<10000x64xf32, #tpu.memory_space<vmem_shared>>)
        tpu.yield
      }) : () -> ()
    } else {
    }
    "tpu.region"() ({
      %run_scoped3A = tpu.sem_alloc : memref<!tpu.dma_semaphore, #tpu.memory_space<semaphore_mem>>
      %dma_start3A_98 = arith.constant 0 : i32
      %dma_start3A_99 = arith.constant 0 : i32
      %dma_start3A_100 = tpu.memref_slice %arg3[%add3A, %dma_start3A_98, %dma_start3A_99] : memref<32x125x80xi32, #tpu.memory_space<hbm>> -> memref<1x125x80xi32, #tpu.memory_space<hbm>>
      %dma_start3A_101 = tpu.memref_squeeze %dma_start3A_100 : memref<1x125x80xi32, #tpu.memory_space<hbm>> -> memref<125x80xi32, #tpu.memory_space<hbm>>
      %dma_start3A_102 = arith.constant 0 : i32
      %dma_start3A_103 = arith.constant 0 : i32
      %dma_start3A_104 = tpu.memref_slice %arg3[%add3A, %dma_start3A_102, %dma_start3A_103] : memref<32x125x80xi32, #tpu.memory_space<hbm>> -> memref<1x125x80xi32, #tpu.memory_space<hbm>>
      %dma_start3A_105 = tpu.memref_squeeze %dma_start3A_104 : memref<1x125x80xi32, #tpu.memory_space<hbm>> -> memref<125x80xi32, #tpu.memory_space<hbm>>
      tpu.enqueue_dma source(%dma_start3A_105 : memref<125x80xi32, #tpu.memory_space<hbm>>) target(%arg6 : memref<125x80xi32, #tpu.memory_space<vmem>>) target_semaphore(%run_scoped3A : memref<!tpu.dma_semaphore, #tpu.memory_space<semaphore_mem>>)
      %dma_wait3A_106 = arith.constant 0 : i32
      %dma_wait3A_107 = arith.constant 0 : i32
      %dma_wait3A_108 = tpu.memref_slice %arg3[%add3A, %dma_wait3A_106, %dma_wait3A_107] : memref<32x125x80xi32, #tpu.memory_space<hbm>> -> memref<1x125x80xi32, #tpu.memory_space<hbm>>
      %dma_wait3A_109 = tpu.memref_squeeze %dma_wait3A_108 : memref<1x125x80xi32, #tpu.memory_space<hbm>> -> memref<125x80xi32, #tpu.memory_space<hbm>>
      %dma_wait3A_110 = arith.constant 0 : i32
      %dma_wait3A_111 = arith.constant 0 : i32
      %dma_wait3A_112 = tpu.memref_slice %arg3[%add3A, %dma_wait3A_110, %dma_wait3A_111] : memref<32x125x80xi32, #tpu.memory_space<hbm>> -> memref<1x125x80xi32, #tpu.memory_space<hbm>>
      %dma_wait3A_113 = tpu.memref_squeeze %dma_wait3A_112 : memref<1x125x80xi32, #tpu.memory_space<hbm>> -> memref<125x80xi32, #tpu.memory_space<hbm>>
      tpu.wait_dma2 semaphore(%run_scoped3A : memref<!tpu.dma_semaphore, #tpu.memory_space<semaphore_mem>>) src(%dma_wait3A_113 : memref<125x80xi32, #tpu.memory_space<hbm>>) dst(%arg6 : memref<125x80xi32, #tpu.memory_space<vmem>>)
      tpu.yield
    }) : () -> ()
    %barrier3A = arith.constant 0 : index
    tpu.barrier barrier_id(%barrier3A)
    %mul3A_3 = arith.constant 10000 : i32
    %mul3A_4 = arith.muli %add3A, %mul3A_3 : i32
    %add3A_5 = arith.constant 0 : i32
    %add3A_6 = arith.addi %mul3A_4, %add3A_5 : i32
    %dma_start3A = arith.constant 0 : i32
    %dma_start3A_7 = arith.constant 0 : i32
    %dma_start3A_8 = arith.constant 0 : i32
    %dma_start3A_9 = arith.constant 0 : i32
    %dma_start3A_10 = tpu.memref_slice %arg7[%dma_start3A, %dma_start3A_8, %dma_start3A_9] : memref<3x80x64xf32, #tpu.memory_space<vmem>> -> memref<1x80x64xf32, #tpu.memory_space<vmem>>
    %dma_start3A_11 = tpu.memref_squeeze %dma_start3A_10 : memref<1x80x64xf32, #tpu.memory_space<vmem>> -> memref<80x64xf32, #tpu.memory_space<vmem>>
    %dma_start3A_12 = arith.constant 0 : i32
    %dma_start3A_13 = tpu.memref_slice %arg2[%add3A_6, %dma_start3A_12] : memref<320000x64xf32, #tpu.memory_space<hbm>> -> memref<80x64xf32, #tpu.memory_space<hbm>>
    %dma_start3A_14 = tpu.memref_slice %arg9[%dma_start3A_7] : memref<3x!tpu.dma_semaphore, #tpu.memory_space<semaphore_mem>> -> memref<1x!tpu.dma_semaphore, #tpu.memory_space<semaphore_mem>>
    %dma_start3A_15 = tpu.memref_squeeze %dma_start3A_14 : memref<1x!tpu.dma_semaphore, #tpu.memory_space<semaphore_mem>> -> memref<!tpu.dma_semaphore, #tpu.memory_space<semaphore_mem>>
    %dma_start3A_16 = arith.constant 0 : i32
    %dma_start3A_17 = arith.constant 0 : i32
    %dma_start3A_18 = tpu.memref_slice %arg7[%dma_start3A, %dma_start3A_16, %dma_start3A_17] : memref<3x80x64xf32, #tpu.memory_space<vmem>> -> memref<1x80x64xf32, #tpu.memory_space<vmem>>
    %dma_start3A_19 = tpu.memref_squeeze %dma_start3A_18 : memref<1x80x64xf32, #tpu.memory_space<vmem>> -> memref<80x64xf32, #tpu.memory_space<vmem>>
    %dma_start3A_20 = arith.constant 0 : i32
    %dma_start3A_21 = tpu.memref_slice %arg2[%add3A_6, %dma_start3A_20] : memref<320000x64xf32, #tpu.memory_space<hbm>> -> memref<80x64xf32, #tpu.memory_space<hbm>>
    tpu.enqueue_dma source(%dma_start3A_21 : memref<80x64xf32, #tpu.memory_space<hbm>>) target(%dma_start3A_19 : memref<80x64xf32, #tpu.memory_space<vmem>>) target_semaphore(%dma_start3A_15 : memref<!tpu.dma_semaphore, #tpu.memory_space<semaphore_mem>>)
    %mul3A_22 = arith.constant 10000 : i32
    %mul3A_23 = arith.muli %add3A, %mul3A_22 : i32
    %add3A_24 = arith.constant 80 : i32
    %add3A_25 = arith.addi %mul3A_23, %add3A_24 : i32
    %dma_start3A_26 = arith.constant 1 : i32
    %dma_start3A_27 = arith.constant 1 : i32
    %dma_start3A_28 = arith.constant 0 : i32
    %dma_start3A_29 = arith.constant 0 : i32
    %dma_start3A_30 = tpu.memref_slice %arg7[%dma_start3A_26, %dma_start3A_28, %dma_start3A_29] : memref<3x80x64xf32, #tpu.memory_space<vmem>> -> memref<1x80x64xf32, #tpu.memory_space<vmem>>
    %dma_start3A_31 = tpu.memref_squeeze %dma_start3A_30 : memref<1x80x64xf32, #tpu.memory_space<vmem>> -> memref<80x64xf32, #tpu.memory_space<vmem>>
    %dma_start3A_32 = arith.constant 0 : i32
    %dma_start3A_33 = tpu.memref_slice %arg2[%add3A_25, %dma_start3A_32] : memref<320000x64xf32, #tpu.memory_space<hbm>> -> memref<80x64xf32, #tpu.memory_space<hbm>>
    %dma_start3A_34 = tpu.memref_slice %arg9[%dma_start3A_27] : memref<3x!tpu.dma_semaphore, #tpu.memory_space<semaphore_mem>> -> memref<1x!tpu.dma_semaphore, #tpu.memory_space<semaphore_mem>>
    %dma_start3A_35 = tpu.memref_squeeze %dma_start3A_34 : memref<1x!tpu.dma_semaphore, #tpu.memory_space<semaphore_mem>> -> memref<!tpu.dma_semaphore, #tpu.memory_space<semaphore_mem>>
    %dma_start3A_36 = arith.constant 0 : i32
    %dma_start3A_37 = arith.constant 0 : i32
    %dma_start3A_38 = tpu.memref_slice %arg7[%dma_start3A_26, %dma_start3A_36, %dma_start3A_37] : memref<3x80x64xf32, #tpu.memory_space<vmem>> -> memref<1x80x64xf32, #tpu.memory_space<vmem>>
    %dma_start3A_39 = tpu.memref_squeeze %dma_start3A_38 : memref<1x80x64xf32, #tpu.memory_space<vmem>> -> memref<80x64xf32, #tpu.memory_space<vmem>>
    %dma_start3A_40 = arith.constant 0 : i32
    %dma_start3A_41 = tpu.memref_slice %arg2[%add3A_25, %dma_start3A_40] : memref<320000x64xf32, #tpu.memory_space<hbm>> -> memref<80x64xf32, #tpu.memory_space<hbm>>
    tpu.enqueue_dma source(%dma_start3A_41 : memref<80x64xf32, #tpu.memory_space<hbm>>) target(%dma_start3A_39 : memref<80x64xf32, #tpu.memory_space<vmem>>) target_semaphore(%dma_start3A_35 : memref<!tpu.dma_semaphore, #tpu.memory_space<semaphore_mem>>)
    %scan3A = arith.constant 0 : i32
    %scan3A_42 = arith.constant 0 : i32
    %scan3A_43 = arith.constant 125 : i32
    %scan3A_44 = arith.addi %scan3A_42, %scan3A_43 : i32
    %scan3A_45 = arith.constant 1 : i32
    %scan3A_46 = scf.for %scan3A_98 = %scan3A_42 to %scan3A_44 step %scan3A_45 iter_args(%scan3A_99 = %scan3A) -> (i32)  : i32 {
      %rem3A = arith.constant 3 : i32
      %rem3A_100 = arith.remsi %scan3A_98, %rem3A : i32
      %add3A_101 = arith.constant 2 : i32
      %add3A_102 = arith.addi %scan3A_98, %add3A_101 : i32
      %rem3A_103 = arith.constant 3 : i32
      %rem3A_104 = arith.remsi %add3A_102, %rem3A_103 : i32
      %dma_wait3A_105 = arith.constant 0 : i32
      %dma_wait3A_106 = arith.constant 0 : i32
      %dma_wait3A_107 = tpu.memref_slice %arg7[%rem3A_100, %dma_wait3A_105, %dma_wait3A_106] : memref<3x80x64xf32, #tpu.memory_space<vmem>> -> memref<1x80x64xf32, #tpu.memory_space<vmem>>
      %dma_wait3A_108 = tpu.memref_squeeze %dma_wait3A_107 : memref<1x80x64xf32, #tpu.memory_space<vmem>> -> memref<80x64xf32, #tpu.memory_space<vmem>>
      %dma_wait3A_109 = arith.constant 0 : i32
      %dma_wait3A_110 = arith.constant 0 : i32
      %dma_wait3A_111 = tpu.memref_slice %arg2[%dma_wait3A_109, %dma_wait3A_110] : memref<320000x64xf32, #tpu.memory_space<hbm>> -> memref<80x64xf32, #tpu.memory_space<hbm>>
      %dma_wait3A_112 = tpu.memref_slice %arg9[%rem3A_100] : memref<3x!tpu.dma_semaphore, #tpu.memory_space<semaphore_mem>> -> memref<1x!tpu.dma_semaphore, #tpu.memory_space<semaphore_mem>>
      %dma_wait3A_113 = tpu.memref_squeeze %dma_wait3A_112 : memref<1x!tpu.dma_semaphore, #tpu.memory_space<semaphore_mem>> -> memref<!tpu.dma_semaphore, #tpu.memory_space<semaphore_mem>>
      %dma_wait3A_114 = arith.constant 0 : i32
      %dma_wait3A_115 = arith.constant 0 : i32
      %dma_wait3A_116 = tpu.memref_slice %arg7[%rem3A_100, %dma_wait3A_114, %dma_wait3A_115] : memref<3x80x64xf32, #tpu.memory_space<vmem>> -> memref<1x80x64xf32, #tpu.memory_space<vmem>>
      %dma_wait3A_117 = tpu.memref_squeeze %dma_wait3A_116 : memref<1x80x64xf32, #tpu.memory_space<vmem>> -> memref<80x64xf32, #tpu.memory_space<vmem>>
      %dma_wait3A_118 = arith.constant 0 : i32
      %dma_wait3A_119 = arith.constant 0 : i32
      %dma_wait3A_120 = tpu.memref_slice %arg2[%dma_wait3A_118, %dma_wait3A_119] : memref<320000x64xf32, #tpu.memory_space<hbm>> -> memref<80x64xf32, #tpu.memory_space<hbm>>
      tpu.wait_dma2 semaphore(%dma_wait3A_113 : memref<!tpu.dma_semaphore, #tpu.memory_space<semaphore_mem>>) src(%dma_wait3A_120 : memref<80x64xf32, #tpu.memory_space<hbm>>) dst(%dma_wait3A_117 : memref<80x64xf32, #tpu.memory_space<vmem>>)
      %add3A_121 = arith.constant 2 : i32
      %add3A_122 = arith.addi %scan3A_98, %add3A_121 : i32
      %lt3A = arith.constant 125 : i32
      %lt3A_123 = arith.cmpi slt, %add3A_122, %lt3A : i32
      %convert_element_type3A_124 = arith.extui %lt3A_123 : i1 to i32
      %cond3A_125 = arith.constant 0 : i32
      %cond3A_126 = arith.cmpi ne, %convert_element_type3A_124, %cond3A_125 : i32
      scf.if %cond3A_126 {
        %ge3A = arith.constant 1 : i32
        %ge3A_140 = arith.cmpi sge, %scan3A_98, %ge3A : i32
        %convert_element_type3A_141 = arith.extui %ge3A_140 : i1 to i32
        %cond3A_142 = arith.constant 0 : i32
        %cond3A_143 = arith.cmpi ne, %convert_element_type3A_141, %cond3A_142 : i32
        scf.if %cond3A_143 {
          %dma_wait3A_165 = arith.constant 0 : i32
          %dma_wait3A_166 = arith.constant 0 : i32
          %dma_wait3A_167 = arith.constant 0 : i32
          %dma_wait3A_168 = tpu.memref_slice %arg7[%rem3A_104, %dma_wait3A_166, %dma_wait3A_167] : memref<3x80x64xf32, #tpu.memory_space<vmem>> -> memref<1x80x64xf32, #tpu.memory_space<vmem>>
          %dma_wait3A_169 = tpu.memref_squeeze %dma_wait3A_168 : memref<1x80x64xf32, #tpu.memory_space<vmem>> -> memref<80x64xf32, #tpu.memory_space<vmem>>
          %dma_wait3A_170 = arith.constant 0 : i32
          %dma_wait3A_171 = tpu.memref_slice %arg6[%dma_wait3A_165, %dma_wait3A_170] : memref<125x80xi32, #tpu.memory_space<vmem>> -> memref<1x80xi32, #tpu.memory_space<vmem>>
          %dma_wait3A_172 = tpu.memref_squeeze %dma_wait3A_171 : memref<1x80xi32, #tpu.memory_space<vmem>> -> memref<80xi32, #tpu.memory_space<vmem>>
          %dma_wait3A_173 = arith.constant 0 : i32
          %dma_wait3A_174 = arith.constant 0 : i32
          %dma_wait3A_175 = tpu.memref_slice %arg8[%dma_wait3A_173, %dma_wait3A_174] : memref<10000x64xf32, #tpu.memory_space<vmem_shared>> -> memref<10000x64xf32, #tpu.memory_space<vmem_shared>>
          %dma_wait3A_176 = tpu.memref_slice %arg10[%rem3A_104] : memref<3x!tpu.dma_semaphore, #tpu.memory_space<semaphore_mem>> -> memref<1x!tpu.dma_semaphore, #tpu.memory_space<semaphore_mem>>
          %dma_wait3A_177 = tpu.memref_squeeze %dma_wait3A_176 : memref<1x!tpu.dma_semaphore, #tpu.memory_space<semaphore_mem>> -> memref<!tpu.dma_semaphore, #tpu.memory_space<semaphore_mem>>
          tpu.wait_indirect_dma semaphore(%dma_wait3A_177 : memref<!tpu.dma_semaphore, #tpu.memory_space<semaphore_mem>>) src(%dma_wait3A_169 : memref<80x64xf32, #tpu.memory_space<vmem>>) dst(%dma_wait3A_175 : memref<10000x64xf32, #tpu.memory_space<vmem_shared>>)
        } else {
        }
        %add3A_144 = arith.constant 2 : i32
        %add3A_145 = arith.addi %scan3A_98, %add3A_144 : i32
        %mul3A_146 = arith.constant 10000 : i32
        %mul3A_147 = arith.muli %add3A, %mul3A_146 : i32
        %mul3A_148 = arith.constant 80 : i32
        %mul3A_149 = arith.muli %add3A_145, %mul3A_148 : i32
        %add3A_150 = arith.addi %mul3A_147, %mul3A_149 : i32
        %dma_start3A_151 = arith.constant 0 : i32
        %dma_start3A_152 = arith.constant 0 : i32
        %dma_start3A_153 = tpu.memref_slice %arg7[%rem3A_104, %dma_start3A_151, %dma_start3A_152] : memref<3x80x64xf32, #tpu.memory_space<vmem>> -> memref<1x80x64xf32, #tpu.memory_space<vmem>>
        %dma_start3A_154 = tpu.memref_squeeze %dma_start3A_153 : memref<1x80x64xf32, #tpu.memory_space<vmem>> -> memref<80x64xf32, #tpu.memory_space<vmem>>
        %dma_start3A_155 = arith.constant 0 : i32
        %dma_start3A_156 = tpu.memref_slice %arg2[%add3A_150, %dma_start3A_155] : memref<320000x64xf32, #tpu.memory_space<hbm>> -> memref<80x64xf32, #tpu.memory_space<hbm>>
        %dma_start3A_157 = tpu.memref_slice %arg9[%rem3A_104] : memref<3x!tpu.dma_semaphore, #tpu.memory_space<semaphore_mem>> -> memref<1x!tpu.dma_semaphore, #tpu.memory_space<semaphore_mem>>
        %dma_start3A_158 = tpu.memref_squeeze %dma_start3A_157 : memref<1x!tpu.dma_semaphore, #tpu.memory_space<semaphore_mem>> -> memref<!tpu.dma_semaphore, #tpu.memory_space<semaphore_mem>>
        %dma_start3A_159 = arith.constant 0 : i32
        %dma_start3A_160 = arith.constant 0 : i32
        %dma_start3A_161 = tpu.memref_slice %arg7[%rem3A_104, %dma_start3A_159, %dma_start3A_160] : memref<3x80x64xf32, #tpu.memory_space<vmem>> -> memref<1x80x64xf32, #tpu.memory_space<vmem>>
        %dma_start3A_162 = tpu.memref_squeeze %dma_start3A_161 : memref<1x80x64xf32, #tpu.memory_space<vmem>> -> memref<80x64xf32, #tpu.memory_space<vmem>>
        %dma_start3A_163 = arith.constant 0 : i32
        %dma_start3A_164 = tpu.memref_slice %arg2[%add3A_150, %dma_start3A_163] : memref<320000x64xf32, #tpu.memory_space<hbm>> -> memref<80x64xf32, #tpu.memory_space<hbm>>
        tpu.enqueue_dma source(%dma_start3A_164 : memref<80x64xf32, #tpu.memory_space<hbm>>) target(%dma_start3A_162 : memref<80x64xf32, #tpu.memory_space<vmem>>) target_semaphore(%dma_start3A_158 : memref<!tpu.dma_semaphore, #tpu.memory_space<semaphore_mem>>)
      } else {
      }
      %dma_start3A_127 = arith.constant 0 : i32
      %dma_start3A_128 = arith.constant 0 : i32
      %dma_start3A_129 = tpu.memref_slice %arg7[%rem3A_100, %dma_start3A_127, %dma_start3A_128] : memref<3x80x64xf32, #tpu.memory_space<vmem>> -> memref<1x80x64xf32, #tpu.memory_space<vmem>>
      %dma_start3A_130 = tpu.memref_squeeze %dma_start3A_129 : memref<1x80x64xf32, #tpu.memory_space<vmem>> -> memref<80x64xf32, #tpu.memory_space<vmem>>
      %dma_start3A_131 = arith.constant 0 : i32
      %dma_start3A_132 = tpu.memref_slice %arg6[%scan3A_98, %dma_start3A_131] : memref<125x80xi32, #tpu.memory_space<vmem>> -> memref<1x80xi32, #tpu.memory_space<vmem>>
      %dma_start3A_133 = tpu.memref_squeeze %dma_start3A_132 : memref<1x80xi32, #tpu.memory_space<vmem>> -> memref<80xi32, #tpu.memory_space<vmem>>
      %dma_start3A_134 = arith.constant 0 : i32
      %dma_start3A_135 = arith.constant 0 : i32
      %dma_start3A_136 = tpu.memref_slice %arg8[%dma_start3A_134, %dma_start3A_135] : memref<10000x64xf32, #tpu.memory_space<vmem_shared>> -> memref<10000x64xf32, #tpu.memory_space<vmem_shared>>
      %dma_start3A_137 = tpu.memref_slice %arg10[%rem3A_100] : memref<3x!tpu.dma_semaphore, #tpu.memory_space<semaphore_mem>> -> memref<1x!tpu.dma_semaphore, #tpu.memory_space<semaphore_mem>>
      %dma_start3A_138 = tpu.memref_squeeze %dma_start3A_137 : memref<1x!tpu.dma_semaphore, #tpu.memory_space<semaphore_mem>> -> memref<!tpu.dma_semaphore, #tpu.memory_space<semaphore_mem>>
      tpu.enqueue_indirect_dma source(%dma_start3A_130 : memref<80x64xf32, #tpu.memory_space<vmem>>) target(%dma_start3A_136 : memref<10000x64xf32, #tpu.memory_space<vmem_shared>>) offsets(%dma_start3A_133 : memref<80xi32, #tpu.memory_space<vmem>>) semaphore(%dma_start3A_138 : memref<!tpu.dma_semaphore, #tpu.memory_space<semaphore_mem>>) {add = true}
      %scan3A_139 = arith.constant 0 : i32
      scf.yield %scan3A_139 : i32
    }
    %scan3A_47 = arith.constant 125 : i32
    %dma_wait3A = arith.constant 0 : i32
    %dma_wait3A_48 = arith.constant 0 : i32
    %dma_wait3A_49 = arith.constant 0 : i32
    %dma_wait3A_50 = arith.constant 0 : i32
    %dma_wait3A_51 = arith.constant 0 : i32
    %dma_wait3A_52 = tpu.memref_slice %arg7[%dma_wait3A, %dma_wait3A_50, %dma_wait3A_51] : memref<3x80x64xf32, #tpu.memory_space<vmem>> -> memref<1x80x64xf32, #tpu.memory_space<vmem>>
    %dma_wait3A_53 = tpu.memref_squeeze %dma_wait3A_52 : memref<1x80x64xf32, #tpu.memory_space<vmem>> -> memref<80x64xf32, #tpu.memory_space<vmem>>
    %dma_wait3A_54 = arith.constant 0 : i32
    %dma_wait3A_55 = tpu.memref_slice %arg6[%dma_wait3A_48, %dma_wait3A_54] : memref<125x80xi32, #tpu.memory_space<vmem>> -> memref<1x80xi32, #tpu.memory_space<vmem>>
    %dma_wait3A_56 = tpu.memref_squeeze %dma_wait3A_55 : memref<1x80xi32, #tpu.memory_space<vmem>> -> memref<80xi32, #tpu.memory_space<vmem>>
    %dma_wait3A_57 = arith.constant 0 : i32
    %dma_wait3A_58 = arith.constant 0 : i32
    %dma_wait3A_59 = tpu.memref_slice %arg8[%dma_wait3A_57, %dma_wait3A_58] : memref<10000x64xf32, #tpu.memory_space<vmem_shared>> -> memref<10000x64xf32, #tpu.memory_space<vmem_shared>>
    %dma_wait3A_60 = tpu.memref_slice %arg10[%dma_wait3A_49] : memref<3x!tpu.dma_semaphore, #tpu.memory_space<semaphore_mem>> -> memref<1x!tpu.dma_semaphore, #tpu.memory_space<semaphore_mem>>
    %dma_wait3A_61 = tpu.memref_squeeze %dma_wait3A_60 : memref<1x!tpu.dma_semaphore, #tpu.memory_space<semaphore_mem>> -> memref<!tpu.dma_semaphore, #tpu.memory_space<semaphore_mem>>
    tpu.wait_indirect_dma semaphore(%dma_wait3A_61 : memref<!tpu.dma_semaphore, #tpu.memory_space<semaphore_mem>>) src(%dma_wait3A_53 : memref<80x64xf32, #tpu.memory_space<vmem>>) dst(%dma_wait3A_59 : memref<10000x64xf32, #tpu.memory_space<vmem_shared>>)
    %dma_wait3A_62 = arith.constant 1 : i32
    %dma_wait3A_63 = arith.constant 0 : i32
    %dma_wait3A_64 = arith.constant 1 : i32
    %dma_wait3A_65 = arith.constant 0 : i32
    %dma_wait3A_66 = arith.constant 0 : i32
    %dma_wait3A_67 = tpu.memref_slice %arg7[%dma_wait3A_62, %dma_wait3A_65, %dma_wait3A_66] : memref<3x80x64xf32, #tpu.memory_space<vmem>> -> memref<1x80x64xf32, #tpu.memory_space<vmem>>
    %dma_wait3A_68 = tpu.memref_squeeze %dma_wait3A_67 : memref<1x80x64xf32, #tpu.memory_space<vmem>> -> memref<80x64xf32, #tpu.memory_space<vmem>>
    %dma_wait3A_69 = arith.constant 0 : i32
    %dma_wait3A_70 = tpu.memref_slice %arg6[%dma_wait3A_63, %dma_wait3A_69] : memref<125x80xi32, #tpu.memory_space<vmem>> -> memref<1x80xi32, #tpu.memory_space<vmem>>
    %dma_wait3A_71 = tpu.memref_squeeze %dma_wait3A_70 : memref<1x80xi32, #tpu.memory_space<vmem>> -> memref<80xi32, #tpu.memory_space<vmem>>
    %dma_wait3A_72 = arith.constant 0 : i32
    %dma_wait3A_73 = arith.constant 0 : i32
    %dma_wait3A_74 = tpu.memref_slice %arg8[%dma_wait3A_72, %dma_wait3A_73] : memref<10000x64xf32, #tpu.memory_space<vmem_shared>> -> memref<10000x64xf32, #tpu.memory_space<vmem_shared>>
    %dma_wait3A_75 = tpu.memref_slice %arg10[%dma_wait3A_64] : memref<3x!tpu.dma_semaphore, #tpu.memory_space<semaphore_mem>> -> memref<1x!tpu.dma_semaphore, #tpu.memory_space<semaphore_mem>>
    %dma_wait3A_76 = tpu.memref_squeeze %dma_wait3A_75 : memref<1x!tpu.dma_semaphore, #tpu.memory_space<semaphore_mem>> -> memref<!tpu.dma_semaphore, #tpu.memory_space<semaphore_mem>>
    tpu.wait_indirect_dma semaphore(%dma_wait3A_76 : memref<!tpu.dma_semaphore, #tpu.memory_space<semaphore_mem>>) src(%dma_wait3A_68 : memref<80x64xf32, #tpu.memory_space<vmem>>) dst(%dma_wait3A_74 : memref<10000x64xf32, #tpu.memory_space<vmem_shared>>)
    %dma_wait3A_77 = arith.constant 2 : i32
    %dma_wait3A_78 = arith.constant 0 : i32
    %dma_wait3A_79 = arith.constant 2 : i32
    %dma_wait3A_80 = arith.constant 0 : i32
    %dma_wait3A_81 = arith.constant 0 : i32
    %dma_wait3A_82 = tpu.memref_slice %arg7[%dma_wait3A_77, %dma_wait3A_80, %dma_wait3A_81] : memref<3x80x64xf32, #tpu.memory_space<vmem>> -> memref<1x80x64xf32, #tpu.memory_space<vmem>>
    %dma_wait3A_83 = tpu.memref_squeeze %dma_wait3A_82 : memref<1x80x64xf32, #tpu.memory_space<vmem>> -> memref<80x64xf32, #tpu.memory_space<vmem>>
    %dma_wait3A_84 = arith.constant 0 : i32
    %dma_wait3A_85 = tpu.memref_slice %arg6[%dma_wait3A_78, %dma_wait3A_84] : memref<125x80xi32, #tpu.memory_space<vmem>> -> memref<1x80xi32, #tpu.memory_space<vmem>>
    %dma_wait3A_86 = tpu.memref_squeeze %dma_wait3A_85 : memref<1x80xi32, #tpu.memory_space<vmem>> -> memref<80xi32, #tpu.memory_space<vmem>>
    %dma_wait3A_87 = arith.constant 0 : i32
    %dma_wait3A_88 = arith.constant 0 : i32
    %dma_wait3A_89 = tpu.memref_slice %arg8[%dma_wait3A_87, %dma_wait3A_88] : memref<10000x64xf32, #tpu.memory_space<vmem_shared>> -> memref<10000x64xf32, #tpu.memory_space<vmem_shared>>
    %dma_wait3A_90 = tpu.memref_slice %arg10[%dma_wait3A_79] : memref<3x!tpu.dma_semaphore, #tpu.memory_space<semaphore_mem>> -> memref<1x!tpu.dma_semaphore, #tpu.memory_space<semaphore_mem>>
    %dma_wait3A_91 = tpu.memref_squeeze %dma_wait3A_90 : memref<1x!tpu.dma_semaphore, #tpu.memory_space<semaphore_mem>> -> memref<!tpu.dma_semaphore, #tpu.memory_space<semaphore_mem>>
    tpu.wait_indirect_dma semaphore(%dma_wait3A_91 : memref<!tpu.dma_semaphore, #tpu.memory_space<semaphore_mem>>) src(%dma_wait3A_83 : memref<80x64xf32, #tpu.memory_space<vmem>>) dst(%dma_wait3A_89 : memref<10000x64xf32, #tpu.memory_space<vmem_shared>>)
    %barrier3A_92 = arith.constant 0 : index
    tpu.barrier barrier_id(%barrier3A_92)
    %eq3A_93 = arith.constant 0 : i32
    %eq3A_94 = arith.cmpi eq, %arg1, %eq3A_93 : i32
    %convert_element_type3A_95 = arith.extui %eq3A_94 : i1 to i32
    %cond3A_96 = arith.constant 0 : i32
    %cond3A_97 = arith.cmpi ne, %convert_element_type3A_95, %cond3A_96 : i32
    scf.if %cond3A_97 {
      "tpu.region"() ({
        %run_scoped3A = tpu.sem_alloc : memref<!tpu.dma_semaphore, #tpu.memory_space<semaphore_mem>>
        %dma_start3A_98 = arith.constant 0 : i32
        %dma_start3A_99 = arith.constant 0 : i32
        %dma_start3A_100 = tpu.memref_slice %arg5[%arg0, %dma_start3A_98, %dma_start3A_99] : memref<2x10000x64xf32, #tpu.memory_space<hbm>> -> memref<1x10000x64xf32, #tpu.memory_space<hbm>>
        %dma_start3A_101 = tpu.memref_squeeze %dma_start3A_100 : memref<1x10000x64xf32, #tpu.memory_space<hbm>> -> memref<10000x64xf32, #tpu.memory_space<hbm>>
        tpu.enqueue_dma source(%arg8 : memref<10000x64xf32, #tpu.memory_space<vmem_shared>>) target(%dma_start3A_101 : memref<10000x64xf32, #tpu.memory_space<hbm>>) target_semaphore(%run_scoped3A : memref<!tpu.dma_semaphore, #tpu.memory_space<semaphore_mem>>)
        %dma_wait3A_102 = arith.constant 0 : i32
        %dma_wait3A_103 = arith.constant 0 : i32
        %dma_wait3A_104 = tpu.memref_slice %arg5[%arg0, %dma_wait3A_102, %dma_wait3A_103] : memref<2x10000x64xf32, #tpu.memory_space<hbm>> -> memref<1x10000x64xf32, #tpu.memory_space<hbm>>
        %dma_wait3A_105 = tpu.memref_squeeze %dma_wait3A_104 : memref<1x10000x64xf32, #tpu.memory_space<hbm>> -> memref<10000x64xf32, #tpu.memory_space<hbm>>
        tpu.wait_dma2 semaphore(%run_scoped3A : memref<!tpu.dma_semaphore, #tpu.memory_space<semaphore_mem>>) src(%arg8 : memref<10000x64xf32, #tpu.memory_space<vmem_shared>>) dst(%dma_wait3A_105 : memref<10000x64xf32, #tpu.memory_space<hbm>>)
        tpu.yield
      }) : () -> ()
    } else {
    }
    return
  }
}

#map = affine_map<(d0, d1) -> (0, 0)>
#map1 = affine_map<(d0, d1) -> (0, 0, 0)>
module attributes {stable_mosaic.version = 14 : i64} {
  func.func @_sc_scatter(%arg0: i32, %arg1: i32, %arg2: memref<320000x64xf32, #tpu.memory_space<hbm>>, %arg3: memref<32x125x80xi32, #tpu.memory_space<hbm>>, %arg4: memref<10000x64xf32, #tpu.memory_space<hbm>>, %arg5: memref<2x10000x64xf32, #tpu.memory_space<hbm>>, %arg6: memref<125x80xi32, #tpu.memory_space<vmem>>, %arg7: memref<3x80x64xf32, #tpu.memory_space<vmem>>, %arg8: memref<10000x64xf32, #tpu.memory_space<vmem_shared>>, %arg9: memref<3x!tpu.dma_semaphore, #tpu.memory_space<semaphore_mem>>, %arg10: memref<3x!tpu.dma_semaphore, #tpu.memory_space<semaphore_mem>>) attributes {dimension_semantics = [#tpu.dimension_semantics<core_parallel>, #tpu.dimension_semantics<subcore_parallel>], iteration_bounds = array<i64: 2, 16>, scalar_prefetch = 0 : i64, scratch_operands = 5 : i64, tpu.core_type = #tpu.core_type<sc_vector_subcore>, window_params = [{transform_indices = #map}, {transform_indices = #map1}, {transform_indices = #map}, {transform_indices = #map1}]} {
    %mul3A = arith.constant 2 : i32
    %mul3A_0 = arith.muli %arg1, %mul3A : i32
    %add3A = arith.addi %mul3A_0, %arg0 : i32
    %eq3A = arith.constant 0 : i32
    %eq3A_1 = arith.cmpi eq, %arg1, %eq3A : i32
    %convert_element_type3A = arith.extui %eq3A_1 : i1 to i32
    %cond3A = arith.constant 0 : i32
    %cond3A_2 = arith.cmpi ne, %convert_element_type3A, %cond3A : i32
    scf.if %cond3A_2 {
      "tpu.region"() ({
        %run_scoped3A = tpu.sem_alloc : memref<!tpu.dma_semaphore, #tpu.memory_space<semaphore_mem>>
        tpu.enqueue_dma source(%arg4 : memref<10000x64xf32, #tpu.memory_space<hbm>>) target(%arg8 : memref<10000x64xf32, #tpu.memory_space<vmem_shared>>) target_semaphore(%run_scoped3A : memref<!tpu.dma_semaphore, #tpu.memory_space<semaphore_mem>>)
        tpu.wait_dma2 semaphore(%run_scoped3A : memref<!tpu.dma_semaphore, #tpu.memory_space<semaphore_mem>>) src(%arg4 : memref<10000x64xf32, #tpu.memory_space<hbm>>) dst(%arg8 : memref<10000x64xf32, #tpu.memory_space<vmem_shared>>)
        tpu.yield
      }) : () -> ()
    } else {
    }
    "tpu.region"() ({
      %run_scoped3A = tpu.sem_alloc : memref<!tpu.dma_semaphore, #tpu.memory_space<semaphore_mem>>
      %dma_start3A_98 = arith.constant 0 : i32
      %dma_start3A_99 = arith.constant 0 : i32
      %dma_start3A_100 = tpu.memref_slice %arg3[%add3A, %dma_start3A_98, %dma_start3A_99] : memref<32x125x80xi32, #tpu.memory_space<hbm>> -> memref<1x125x80xi32, #tpu.memory_space<hbm>>
      %dma_start3A_101 = tpu.memref_squeeze %dma_start3A_100 : memref<1x125x80xi32, #tpu.memory_space<hbm>> -> memref<125x80xi32, #tpu.memory_space<hbm>>
      %dma_start3A_102 = arith.constant 0 : i32
      %dma_start3A_103 = arith.constant 0 : i32
      %dma_start3A_104 = tpu.memref_slice %arg3[%add3A, %dma_start3A_102, %dma_start3A_103] : memref<32x125x80xi32, #tpu.memory_space<hbm>> -> memref<1x125x80xi32, #tpu.memory_space<hbm>>
      %dma_start3A_105 = tpu.memref_squeeze %dma_start3A_104 : memref<1x125x80xi32, #tpu.memory_space<hbm>> -> memref<125x80xi32, #tpu.memory_space<hbm>>
      tpu.enqueue_dma source(%dma_start3A_105 : memref<125x80xi32, #tpu.memory_space<hbm>>) target(%arg6 : memref<125x80xi32, #tpu.memory_space<vmem>>) target_semaphore(%run_scoped3A : memref<!tpu.dma_semaphore, #tpu.memory_space<semaphore_mem>>)
      %dma_wait3A_106 = arith.constant 0 : i32
      %dma_wait3A_107 = arith.constant 0 : i32
      %dma_wait3A_108 = tpu.memref_slice %arg3[%add3A, %dma_wait3A_106, %dma_wait3A_107] : memref<32x125x80xi32, #tpu.memory_space<hbm>> -> memref<1x125x80xi32, #tpu.memory_space<hbm>>
      %dma_wait3A_109 = tpu.memref_squeeze %dma_wait3A_108 : memref<1x125x80xi32, #tpu.memory_space<hbm>> -> memref<125x80xi32, #tpu.memory_space<hbm>>
      %dma_wait3A_110 = arith.constant 0 : i32
      %dma_wait3A_111 = arith.constant 0 : i32
      %dma_wait3A_112 = tpu.memref_slice %arg3[%add3A, %dma_wait3A_110, %dma_wait3A_111] : memref<32x125x80xi32, #tpu.memory_space<hbm>> -> memref<1x125x80xi32, #tpu.memory_space<hbm>>
      %dma_wait3A_113 = tpu.memref_squeeze %dma_wait3A_112 : memref<1x125x80xi32, #tpu.memory_space<hbm>> -> memref<125x80xi32, #tpu.memory_space<hbm>>
      tpu.wait_dma2 semaphore(%run_scoped3A : memref<!tpu.dma_semaphore, #tpu.memory_space<semaphore_mem>>) src(%dma_wait3A_113 : memref<125x80xi32, #tpu.memory_space<hbm>>) dst(%arg6 : memref<125x80xi32, #tpu.memory_space<vmem>>)
      tpu.yield
    }) : () -> ()
    %barrier3A = arith.constant 0 : index
    tpu.barrier barrier_id(%barrier3A)
    %mul3A_3 = arith.constant 10000 : i32
    %mul3A_4 = arith.muli %add3A, %mul3A_3 : i32
    %add3A_5 = arith.constant 0 : i32
    %add3A_6 = arith.addi %mul3A_4, %add3A_5 : i32
    %dma_start3A = arith.constant 0 : i32
    %dma_start3A_7 = arith.constant 0 : i32
    %dma_start3A_8 = arith.constant 0 : i32
    %dma_start3A_9 = arith.constant 0 : i32
    %dma_start3A_10 = tpu.memref_slice %arg7[%dma_start3A, %dma_start3A_8, %dma_start3A_9] : memref<3x80x64xf32, #tpu.memory_space<vmem>> -> memref<1x80x64xf32, #tpu.memory_space<vmem>>
    %dma_start3A_11 = tpu.memref_squeeze %dma_start3A_10 : memref<1x80x64xf32, #tpu.memory_space<vmem>> -> memref<80x64xf32, #tpu.memory_space<vmem>>
    %dma_start3A_12 = arith.constant 0 : i32
    %dma_start3A_13 = tpu.memref_slice %arg2[%add3A_6, %dma_start3A_12] : memref<320000x64xf32, #tpu.memory_space<hbm>> -> memref<80x64xf32, #tpu.memory_space<hbm>>
    %dma_start3A_14 = tpu.memref_slice %arg9[%dma_start3A_7] : memref<3x!tpu.dma_semaphore, #tpu.memory_space<semaphore_mem>> -> memref<1x!tpu.dma_semaphore, #tpu.memory_space<semaphore_mem>>
    %dma_start3A_15 = tpu.memref_squeeze %dma_start3A_14 : memref<1x!tpu.dma_semaphore, #tpu.memory_space<semaphore_mem>> -> memref<!tpu.dma_semaphore, #tpu.memory_space<semaphore_mem>>
    %dma_start3A_16 = arith.constant 0 : i32
    %dma_start3A_17 = arith.constant 0 : i32
    %dma_start3A_18 = tpu.memref_slice %arg7[%dma_start3A, %dma_start3A_16, %dma_start3A_17] : memref<3x80x64xf32, #tpu.memory_space<vmem>> -> memref<1x80x64xf32, #tpu.memory_space<vmem>>
    %dma_start3A_19 = tpu.memref_squeeze %dma_start3A_18 : memref<1x80x64xf32, #tpu.memory_space<vmem>> -> memref<80x64xf32, #tpu.memory_space<vmem>>
    %dma_start3A_20 = arith.constant 0 : i32
    %dma_start3A_21 = tpu.memref_slice %arg2[%add3A_6, %dma_start3A_20] : memref<320000x64xf32, #tpu.memory_space<hbm>> -> memref<80x64xf32, #tpu.memory_space<hbm>>
    tpu.enqueue_dma source(%dma_start3A_21 : memref<80x64xf32, #tpu.memory_space<hbm>>) target(%dma_start3A_19 : memref<80x64xf32, #tpu.memory_space<vmem>>) target_semaphore(%dma_start3A_15 : memref<!tpu.dma_semaphore, #tpu.memory_space<semaphore_mem>>)
    %mul3A_22 = arith.constant 10000 : i32
    %mul3A_23 = arith.muli %add3A, %mul3A_22 : i32
    %add3A_24 = arith.constant 80 : i32
    %add3A_25 = arith.addi %mul3A_23, %add3A_24 : i32
    %dma_start3A_26 = arith.constant 1 : i32
    %dma_start3A_27 = arith.constant 1 : i32
    %dma_start3A_28 = arith.constant 0 : i32
    %dma_start3A_29 = arith.constant 0 : i32
    %dma_start3A_30 = tpu.memref_slice %arg7[%dma_start3A_26, %dma_start3A_28, %dma_start3A_29] : memref<3x80x64xf32, #tpu.memory_space<vmem>> -> memref<1x80x64xf32, #tpu.memory_space<vmem>>
    %dma_start3A_31 = tpu.memref_squeeze %dma_start3A_30 : memref<1x80x64xf32, #tpu.memory_space<vmem>> -> memref<80x64xf32, #tpu.memory_space<vmem>>
    %dma_start3A_32 = arith.constant 0 : i32
    %dma_start3A_33 = tpu.memref_slice %arg2[%add3A_25, %dma_start3A_32] : memref<320000x64xf32, #tpu.memory_space<hbm>> -> memref<80x64xf32, #tpu.memory_space<hbm>>
    %dma_start3A_34 = tpu.memref_slice %arg9[%dma_start3A_27] : memref<3x!tpu.dma_semaphore, #tpu.memory_space<semaphore_mem>> -> memref<1x!tpu.dma_semaphore, #tpu.memory_space<semaphore_mem>>
    %dma_start3A_35 = tpu.memref_squeeze %dma_start3A_34 : memref<1x!tpu.dma_semaphore, #tpu.memory_space<semaphore_mem>> -> memref<!tpu.dma_semaphore, #tpu.memory_space<semaphore_mem>>
    %dma_start3A_36 = arith.constant 0 : i32
    %dma_start3A_37 = arith.constant 0 : i32
    %dma_start3A_38 = tpu.memref_slice %arg7[%dma_start3A_26, %dma_start3A_36, %dma_start3A_37] : memref<3x80x64xf32, #tpu.memory_space<vmem>> -> memref<1x80x64xf32, #tpu.memory_space<vmem>>
    %dma_start3A_39 = tpu.memref_squeeze %dma_start3A_38 : memref<1x80x64xf32, #tpu.memory_space<vmem>> -> memref<80x64xf32, #tpu.memory_space<vmem>>
    %dma_start3A_40 = arith.constant 0 : i32
    %dma_start3A_41 = tpu.memref_slice %arg2[%add3A_25, %dma_start3A_40] : memref<320000x64xf32, #tpu.memory_space<hbm>> -> memref<80x64xf32, #tpu.memory_space<hbm>>
    tpu.enqueue_dma source(%dma_start3A_41 : memref<80x64xf32, #tpu.memory_space<hbm>>) target(%dma_start3A_39 : memref<80x64xf32, #tpu.memory_space<vmem>>) target_semaphore(%dma_start3A_35 : memref<!tpu.dma_semaphore, #tpu.memory_space<semaphore_mem>>)
    %scan3A = arith.constant 0 : i32
    %scan3A_42 = arith.constant 0 : i32
    %scan3A_43 = arith.constant 125 : i32
    %scan3A_44 = arith.addi %scan3A_42, %scan3A_43 : i32
    %scan3A_45 = arith.constant 1 : i32
    %scan3A_46 = scf.for %scan3A_98 = %scan3A_42 to %scan3A_44 step %scan3A_45 iter_args(%scan3A_99 = %scan3A) -> (i32)  : i32 {
      %rem3A = arith.constant 3 : i32
      %rem3A_100 = arith.remsi %scan3A_98, %rem3A : i32
      %add3A_101 = arith.constant 2 : i32
      %add3A_102 = arith.addi %scan3A_98, %add3A_101 : i32
      %rem3A_103 = arith.constant 3 : i32
      %rem3A_104 = arith.remsi %add3A_102, %rem3A_103 : i32
      %dma_wait3A_105 = arith.constant 0 : i32
      %dma_wait3A_106 = arith.constant 0 : i32
      %dma_wait3A_107 = tpu.memref_slice %arg7[%rem3A_100, %dma_wait3A_105, %dma_wait3A_106] : memref<3x80x64xf32, #tpu.memory_space<vmem>> -> memref<1x80x64xf32, #tpu.memory_space<vmem>>
      %dma_wait3A_108 = tpu.memref_squeeze %dma_wait3A_107 : memref<1x80x64xf32, #tpu.memory_space<vmem>> -> memref<80x64xf32, #tpu.memory_space<vmem>>
      %dma_wait3A_109 = arith.constant 0 : i32
      %dma_wait3A_110 = arith.constant 0 : i32
      %dma_wait3A_111 = tpu.memref_slice %arg2[%dma_wait3A_109, %dma_wait3A_110] : memref<320000x64xf32, #tpu.memory_space<hbm>> -> memref<80x64xf32, #tpu.memory_space<hbm>>
      %dma_wait3A_112 = tpu.memref_slice %arg9[%rem3A_100] : memref<3x!tpu.dma_semaphore, #tpu.memory_space<semaphore_mem>> -> memref<1x!tpu.dma_semaphore, #tpu.memory_space<semaphore_mem>>
      %dma_wait3A_113 = tpu.memref_squeeze %dma_wait3A_112 : memref<1x!tpu.dma_semaphore, #tpu.memory_space<semaphore_mem>> -> memref<!tpu.dma_semaphore, #tpu.memory_space<semaphore_mem>>
      %dma_wait3A_114 = arith.constant 0 : i32
      %dma_wait3A_115 = arith.constant 0 : i32
      %dma_wait3A_116 = tpu.memref_slice %arg7[%rem3A_100, %dma_wait3A_114, %dma_wait3A_115] : memref<3x80x64xf32, #tpu.memory_space<vmem>> -> memref<1x80x64xf32, #tpu.memory_space<vmem>>
      %dma_wait3A_117 = tpu.memref_squeeze %dma_wait3A_116 : memref<1x80x64xf32, #tpu.memory_space<vmem>> -> memref<80x64xf32, #tpu.memory_space<vmem>>
      %dma_wait3A_118 = arith.constant 0 : i32
      %dma_wait3A_119 = arith.constant 0 : i32
      %dma_wait3A_120 = tpu.memref_slice %arg2[%dma_wait3A_118, %dma_wait3A_119] : memref<320000x64xf32, #tpu.memory_space<hbm>> -> memref<80x64xf32, #tpu.memory_space<hbm>>
      tpu.wait_dma2 semaphore(%dma_wait3A_113 : memref<!tpu.dma_semaphore, #tpu.memory_space<semaphore_mem>>) src(%dma_wait3A_120 : memref<80x64xf32, #tpu.memory_space<hbm>>) dst(%dma_wait3A_117 : memref<80x64xf32, #tpu.memory_space<vmem>>)
      %add3A_121 = arith.constant 2 : i32
      %add3A_122 = arith.addi %scan3A_98, %add3A_121 : i32
      %lt3A = arith.constant 125 : i32
      %lt3A_123 = arith.cmpi slt, %add3A_122, %lt3A : i32
      %convert_element_type3A_124 = arith.extui %lt3A_123 : i1 to i32
      %cond3A_125 = arith.constant 0 : i32
      %cond3A_126 = arith.cmpi ne, %convert_element_type3A_124, %cond3A_125 : i32
      scf.if %cond3A_126 {
        %ge3A = arith.constant 1 : i32
        %ge3A_140 = arith.cmpi sge, %scan3A_98, %ge3A : i32
        %convert_element_type3A_141 = arith.extui %ge3A_140 : i1 to i32
        %cond3A_142 = arith.constant 0 : i32
        %cond3A_143 = arith.cmpi ne, %convert_element_type3A_141, %cond3A_142 : i32
        scf.if %cond3A_143 {
          %dma_wait3A_165 = arith.constant 0 : i32
          %dma_wait3A_166 = arith.constant 0 : i32
          %dma_wait3A_167 = arith.constant 0 : i32
          %dma_wait3A_168 = tpu.memref_slice %arg7[%rem3A_104, %dma_wait3A_166, %dma_wait3A_167] : memref<3x80x64xf32, #tpu.memory_space<vmem>> -> memref<1x80x64xf32, #tpu.memory_space<vmem>>
          %dma_wait3A_169 = tpu.memref_squeeze %dma_wait3A_168 : memref<1x80x64xf32, #tpu.memory_space<vmem>> -> memref<80x64xf32, #tpu.memory_space<vmem>>
          %dma_wait3A_170 = arith.constant 0 : i32
          %dma_wait3A_171 = tpu.memref_slice %arg6[%dma_wait3A_165, %dma_wait3A_170] : memref<125x80xi32, #tpu.memory_space<vmem>> -> memref<1x80xi32, #tpu.memory_space<vmem>>
          %dma_wait3A_172 = tpu.memref_squeeze %dma_wait3A_171 : memref<1x80xi32, #tpu.memory_space<vmem>> -> memref<80xi32, #tpu.memory_space<vmem>>
          %dma_wait3A_173 = arith.constant 0 : i32
          %dma_wait3A_174 = arith.constant 0 : i32
          %dma_wait3A_175 = tpu.memref_slice %arg8[%dma_wait3A_173, %dma_wait3A_174] : memref<10000x64xf32, #tpu.memory_space<vmem_shared>> -> memref<10000x64xf32, #tpu.memory_space<vmem_shared>>
          %dma_wait3A_176 = tpu.memref_slice %arg10[%rem3A_104] : memref<3x!tpu.dma_semaphore, #tpu.memory_space<semaphore_mem>> -> memref<1x!tpu.dma_semaphore, #tpu.memory_space<semaphore_mem>>
          %dma_wait3A_177 = tpu.memref_squeeze %dma_wait3A_176 : memref<1x!tpu.dma_semaphore, #tpu.memory_space<semaphore_mem>> -> memref<!tpu.dma_semaphore, #tpu.memory_space<semaphore_mem>>
          tpu.wait_indirect_dma semaphore(%dma_wait3A_177 : memref<!tpu.dma_semaphore, #tpu.memory_space<semaphore_mem>>) src(%dma_wait3A_169 : memref<80x64xf32, #tpu.memory_space<vmem>>) dst(%dma_wait3A_175 : memref<10000x64xf32, #tpu.memory_space<vmem_shared>>)
        } else {
        }
        %add3A_144 = arith.constant 2 : i32
        %add3A_145 = arith.addi %scan3A_98, %add3A_144 : i32
        %mul3A_146 = arith.constant 10000 : i32
        %mul3A_147 = arith.muli %add3A, %mul3A_146 : i32
        %mul3A_148 = arith.constant 80 : i32
        %mul3A_149 = arith.muli %add3A_145, %mul3A_148 : i32
        %add3A_150 = arith.addi %mul3A_147, %mul3A_149 : i32
        %dma_start3A_151 = arith.constant 0 : i32
        %dma_start3A_152 = arith.constant 0 : i32
        %dma_start3A_153 = tpu.memref_slice %arg7[%rem3A_104, %dma_start3A_151, %dma_start3A_152] : memref<3x80x64xf32, #tpu.memory_space<vmem>> -> memref<1x80x64xf32, #tpu.memory_space<vmem>>
        %dma_start3A_154 = tpu.memref_squeeze %dma_start3A_153 : memref<1x80x64xf32, #tpu.memory_space<vmem>> -> memref<80x64xf32, #tpu.memory_space<vmem>>
        %dma_start3A_155 = arith.constant 0 : i32
        %dma_start3A_156 = tpu.memref_slice %arg2[%add3A_150, %dma_start3A_155] : memref<320000x64xf32, #tpu.memory_space<hbm>> -> memref<80x64xf32, #tpu.memory_space<hbm>>
        %dma_start3A_157 = tpu.memref_slice %arg9[%rem3A_104] : memref<3x!tpu.dma_semaphore, #tpu.memory_space<semaphore_mem>> -> memref<1x!tpu.dma_semaphore, #tpu.memory_space<semaphore_mem>>
        %dma_start3A_158 = tpu.memref_squeeze %dma_start3A_157 : memref<1x!tpu.dma_semaphore, #tpu.memory_space<semaphore_mem>> -> memref<!tpu.dma_semaphore, #tpu.memory_space<semaphore_mem>>
        %dma_start3A_159 = arith.constant 0 : i32
        %dma_start3A_160 = arith.constant 0 : i32
        %dma_start3A_161 = tpu.memref_slice %arg7[%rem3A_104, %dma_start3A_159, %dma_start3A_160] : memref<3x80x64xf32, #tpu.memory_space<vmem>> -> memref<1x80x64xf32, #tpu.memory_space<vmem>>
        %dma_start3A_162 = tpu.memref_squeeze %dma_start3A_161 : memref<1x80x64xf32, #tpu.memory_space<vmem>> -> memref<80x64xf32, #tpu.memory_space<vmem>>
        %dma_start3A_163 = arith.constant 0 : i32
        %dma_start3A_164 = tpu.memref_slice %arg2[%add3A_150, %dma_start3A_163] : memref<320000x64xf32, #tpu.memory_space<hbm>> -> memref<80x64xf32, #tpu.memory_space<hbm>>
        tpu.enqueue_dma source(%dma_start3A_164 : memref<80x64xf32, #tpu.memory_space<hbm>>) target(%dma_start3A_162 : memref<80x64xf32, #tpu.memory_space<vmem>>) target_semaphore(%dma_start3A_158 : memref<!tpu.dma_semaphore, #tpu.memory_space<semaphore_mem>>)
      } else {
      }
      %dma_start3A_127 = arith.constant 0 : i32
      %dma_start3A_128 = arith.constant 0 : i32
      %dma_start3A_129 = tpu.memref_slice %arg7[%rem3A_100, %dma_start3A_127, %dma_start3A_128] : memref<3x80x64xf32, #tpu.memory_space<vmem>> -> memref<1x80x64xf32, #tpu.memory_space<vmem>>
      %dma_start3A_130 = tpu.memref_squeeze %dma_start3A_129 : memref<1x80x64xf32, #tpu.memory_space<vmem>> -> memref<80x64xf32, #tpu.memory_space<vmem>>
      %dma_start3A_131 = arith.constant 0 : i32
      %dma_start3A_132 = tpu.memref_slice %arg6[%scan3A_98, %dma_start3A_131] : memref<125x80xi32, #tpu.memory_space<vmem>> -> memref<1x80xi32, #tpu.memory_space<vmem>>
      %dma_start3A_133 = tpu.memref_squeeze %dma_start3A_132 : memref<1x80xi32, #tpu.memory_space<vmem>> -> memref<80xi32, #tpu.memory_space<vmem>>
      %dma_start3A_134 = arith.constant 0 : i32
      %dma_start3A_135 = arith.constant 0 : i32
      %dma_start3A_136 = tpu.memref_slice %arg8[%dma_start3A_134, %dma_start3A_135] : memref<10000x64xf32, #tpu.memory_space<vmem_shared>> -> memref<10000x64xf32, #tpu.memory_space<vmem_shared>>
      %dma_start3A_137 = tpu.memref_slice %arg10[%rem3A_100] : memref<3x!tpu.dma_semaphore, #tpu.memory_space<semaphore_mem>> -> memref<1x!tpu.dma_semaphore, #tpu.memory_space<semaphore_mem>>
      %dma_start3A_138 = tpu.memref_squeeze %dma_start3A_137 : memref<1x!tpu.dma_semaphore, #tpu.memory_space<semaphore_mem>> -> memref<!tpu.dma_semaphore, #tpu.memory_space<semaphore_mem>>
      tpu.enqueue_indirect_dma source(%dma_start3A_130 : memref<80x64xf32, #tpu.memory_space<vmem>>) target(%dma_start3A_136 : memref<10000x64xf32, #tpu.memory_space<vmem_shared>>) offsets(%dma_start3A_133 : memref<80xi32, #tpu.memory_space<vmem>>) semaphore(%dma_start3A_138 : memref<!tpu.dma_semaphore, #tpu.memory_space<semaphore_mem>>) {add = true}
      %scan3A_139 = arith.constant 0 : i32
      scf.yield %scan3A_139 : i32
    }
    %scan3A_47 = arith.constant 125 : i32
    %dma_wait3A = arith.constant 0 : i32
    %dma_wait3A_48 = arith.constant 0 : i32
    %dma_wait3A_49 = arith.constant 0 : i32
    %dma_wait3A_50 = arith.constant 0 : i32
    %dma_wait3A_51 = arith.constant 0 : i32
    %dma_wait3A_52 = tpu.memref_slice %arg7[%dma_wait3A, %dma_wait3A_50, %dma_wait3A_51] : memref<3x80x64xf32, #tpu.memory_space<vmem>> -> memref<1x80x64xf32, #tpu.memory_space<vmem>>
    %dma_wait3A_53 = tpu.memref_squeeze %dma_wait3A_52 : memref<1x80x64xf32, #tpu.memory_space<vmem>> -> memref<80x64xf32, #tpu.memory_space<vmem>>
    %dma_wait3A_54 = arith.constant 0 : i32
    %dma_wait3A_55 = tpu.memref_slice %arg6[%dma_wait3A_48, %dma_wait3A_54] : memref<125x80xi32, #tpu.memory_space<vmem>> -> memref<1x80xi32, #tpu.memory_space<vmem>>
    %dma_wait3A_56 = tpu.memref_squeeze %dma_wait3A_55 : memref<1x80xi32, #tpu.memory_space<vmem>> -> memref<80xi32, #tpu.memory_space<vmem>>
    %dma_wait3A_57 = arith.constant 0 : i32
    %dma_wait3A_58 = arith.constant 0 : i32
    %dma_wait3A_59 = tpu.memref_slice %arg8[%dma_wait3A_57, %dma_wait3A_58] : memref<10000x64xf32, #tpu.memory_space<vmem_shared>> -> memref<10000x64xf32, #tpu.memory_space<vmem_shared>>
    %dma_wait3A_60 = tpu.memref_slice %arg10[%dma_wait3A_49] : memref<3x!tpu.dma_semaphore, #tpu.memory_space<semaphore_mem>> -> memref<1x!tpu.dma_semaphore, #tpu.memory_space<semaphore_mem>>
    %dma_wait3A_61 = tpu.memref_squeeze %dma_wait3A_60 : memref<1x!tpu.dma_semaphore, #tpu.memory_space<semaphore_mem>> -> memref<!tpu.dma_semaphore, #tpu.memory_space<semaphore_mem>>
    tpu.wait_indirect_dma semaphore(%dma_wait3A_61 : memref<!tpu.dma_semaphore, #tpu.memory_space<semaphore_mem>>) src(%dma_wait3A_53 : memref<80x64xf32, #tpu.memory_space<vmem>>) dst(%dma_wait3A_59 : memref<10000x64xf32, #tpu.memory_space<vmem_shared>>)
    %dma_wait3A_62 = arith.constant 1 : i32
    %dma_wait3A_63 = arith.constant 0 : i32
    %dma_wait3A_64 = arith.constant 1 : i32
    %dma_wait3A_65 = arith.constant 0 : i32
    %dma_wait3A_66 = arith.constant 0 : i32
    %dma_wait3A_67 = tpu.memref_slice %arg7[%dma_wait3A_62, %dma_wait3A_65, %dma_wait3A_66] : memref<3x80x64xf32, #tpu.memory_space<vmem>> -> memref<1x80x64xf32, #tpu.memory_space<vmem>>
    %dma_wait3A_68 = tpu.memref_squeeze %dma_wait3A_67 : memref<1x80x64xf32, #tpu.memory_space<vmem>> -> memref<80x64xf32, #tpu.memory_space<vmem>>
    %dma_wait3A_69 = arith.constant 0 : i32
    %dma_wait3A_70 = tpu.memref_slice %arg6[%dma_wait3A_63, %dma_wait3A_69] : memref<125x80xi32, #tpu.memory_space<vmem>> -> memref<1x80xi32, #tpu.memory_space<vmem>>
    %dma_wait3A_71 = tpu.memref_squeeze %dma_wait3A_70 : memref<1x80xi32, #tpu.memory_space<vmem>> -> memref<80xi32, #tpu.memory_space<vmem>>
    %dma_wait3A_72 = arith.constant 0 : i32
    %dma_wait3A_73 = arith.constant 0 : i32
    %dma_wait3A_74 = tpu.memref_slice %arg8[%dma_wait3A_72, %dma_wait3A_73] : memref<10000x64xf32, #tpu.memory_space<vmem_shared>> -> memref<10000x64xf32, #tpu.memory_space<vmem_shared>>
    %dma_wait3A_75 = tpu.memref_slice %arg10[%dma_wait3A_64] : memref<3x!tpu.dma_semaphore, #tpu.memory_space<semaphore_mem>> -> memref<1x!tpu.dma_semaphore, #tpu.memory_space<semaphore_mem>>
    %dma_wait3A_76 = tpu.memref_squeeze %dma_wait3A_75 : memref<1x!tpu.dma_semaphore, #tpu.memory_space<semaphore_mem>> -> memref<!tpu.dma_semaphore, #tpu.memory_space<semaphore_mem>>
    tpu.wait_indirect_dma semaphore(%dma_wait3A_76 : memref<!tpu.dma_semaphore, #tpu.memory_space<semaphore_mem>>) src(%dma_wait3A_68 : memref<80x64xf32, #tpu.memory_space<vmem>>) dst(%dma_wait3A_74 : memref<10000x64xf32, #tpu.memory_space<vmem_shared>>)
    %dma_wait3A_77 = arith.constant 2 : i32
    %dma_wait3A_78 = arith.constant 0 : i32
    %dma_wait3A_79 = arith.constant 2 : i32
    %dma_wait3A_80 = arith.constant 0 : i32
    %dma_wait3A_81 = arith.constant 0 : i32
    %dma_wait3A_82 = tpu.memref_slice %arg7[%dma_wait3A_77, %dma_wait3A_80, %dma_wait3A_81] : memref<3x80x64xf32, #tpu.memory_space<vmem>> -> memref<1x80x64xf32, #tpu.memory_space<vmem>>
    %dma_wait3A_83 = tpu.memref_squeeze %dma_wait3A_82 : memref<1x80x64xf32, #tpu.memory_space<vmem>> -> memref<80x64xf32, #tpu.memory_space<vmem>>
    %dma_wait3A_84 = arith.constant 0 : i32
    %dma_wait3A_85 = tpu.memref_slice %arg6[%dma_wait3A_78, %dma_wait3A_84] : memref<125x80xi32, #tpu.memory_space<vmem>> -> memref<1x80xi32, #tpu.memory_space<vmem>>
    %dma_wait3A_86 = tpu.memref_squeeze %dma_wait3A_85 : memref<1x80xi32, #tpu.memory_space<vmem>> -> memref<80xi32, #tpu.memory_space<vmem>>
    %dma_wait3A_87 = arith.constant 0 : i32
    %dma_wait3A_88 = arith.constant 0 : i32
    %dma_wait3A_89 = tpu.memref_slice %arg8[%dma_wait3A_87, %dma_wait3A_88] : memref<10000x64xf32, #tpu.memory_space<vmem_shared>> -> memref<10000x64xf32, #tpu.memory_space<vmem_shared>>
    %dma_wait3A_90 = tpu.memref_slice %arg10[%dma_wait3A_79] : memref<3x!tpu.dma_semaphore, #tpu.memory_space<semaphore_mem>> -> memref<1x!tpu.dma_semaphore, #tpu.memory_space<semaphore_mem>>
    %dma_wait3A_91 = tpu.memref_squeeze %dma_wait3A_90 : memref<1x!tpu.dma_semaphore, #tpu.memory_space<semaphore_mem>> -> memref<!tpu.dma_semaphore, #tpu.memory_space<semaphore_mem>>
    tpu.wait_indirect_dma semaphore(%dma_wait3A_91 : memref<!tpu.dma_semaphore, #tpu.memory_space<semaphore_mem>>) src(%dma_wait3A_83 : memref<80x64xf32, #tpu.memory_space<vmem>>) dst(%dma_wait3A_89 : memref<10000x64xf32, #tpu.memory_space<vmem_shared>>)
    %barrier3A_92 = arith.constant 0 : index
    tpu.barrier barrier_id(%barrier3A_92)
    %eq3A_93 = arith.constant 0 : i32
    %eq3A_94 = arith.cmpi eq, %arg1, %eq3A_93 : i32
    %convert_element_type3A_95 = arith.extui %eq3A_94 : i1 to i32
    %cond3A_96 = arith.constant 0 : i32
    %cond3A_97 = arith.cmpi ne, %convert_element_type3A_95, %cond3A_96 : i32
    scf.if %cond3A_97 {
      "tpu.region"() ({
        %run_scoped3A = tpu.sem_alloc : memref<!tpu.dma_semaphore, #tpu.memory_space<semaphore_mem>>
        %dma_start3A_98 = arith.constant 0 : i32
        %dma_start3A_99 = arith.constant 0 : i32
        %dma_start3A_100 = tpu.memref_slice %arg5[%arg0, %dma_start3A_98, %dma_start3A_99] : memref<2x10000x64xf32, #tpu.memory_space<hbm>> -> memref<1x10000x64xf32, #tpu.memory_space<hbm>>
        %dma_start3A_101 = tpu.memref_squeeze %dma_start3A_100 : memref<1x10000x64xf32, #tpu.memory_space<hbm>> -> memref<10000x64xf32, #tpu.memory_space<hbm>>
        tpu.enqueue_dma source(%arg8 : memref<10000x64xf32, #tpu.memory_space<vmem_shared>>) target(%dma_start3A_101 : memref<10000x64xf32, #tpu.memory_space<hbm>>) target_semaphore(%run_scoped3A : memref<!tpu.dma_semaphore, #tpu.memory_space<semaphore_mem>>)
        %dma_wait3A_102 = arith.constant 0 : i32
        %dma_wait3A_103 = arith.constant 0 : i32
        %dma_wait3A_104 = tpu.memref_slice %arg5[%arg0, %dma_wait3A_102, %dma_wait3A_103] : memref<2x10000x64xf32, #tpu.memory_space<hbm>> -> memref<1x10000x64xf32, #tpu.memory_space<hbm>>
        %dma_wait3A_105 = tpu.memref_squeeze %dma_wait3A_104 : memref<1x10000x64xf32, #tpu.memory_space<hbm>> -> memref<10000x64xf32, #tpu.memory_space<hbm>>
        tpu.wait_dma2 semaphore(%run_scoped3A : memref<!tpu.dma_semaphore, #tpu.memory_space<semaphore_mem>>) src(%arg8 : memref<10000x64xf32, #tpu.memory_space<vmem_shared>>) dst(%dma_wait3A_105 : memref<10000x64xf32, #tpu.memory_space<hbm>>)
        tpu.yield
      }) : () -> ()
    } else {
    }
    return
  }
}

#map = affine_map<(d0, d1) -> (0, 0)>
#map1 = affine_map<(d0, d1) -> (0, 0, 0)>
module attributes {stable_mosaic.version = 14 : i64} {
  func.func @_sc_gather(%arg0: i32, %arg1: i32, %arg2: memref<10000x128xf32, #tpu.memory_space<hbm>>, %arg3: memref<10000x128xf32, #tpu.memory_space<hbm>>, %arg4: memref<32x125x80xi32, #tpu.memory_space<hbm>>, %arg5: memref<32x125x80xi32, #tpu.memory_space<hbm>>, %arg6: memref<320000x128xf32, #tpu.memory_space<hbm>>, %arg7: memref<320000x128xf32, #tpu.memory_space<hbm>>, %arg8: memref<125x80xi32, #tpu.memory_space<vmem>>, %arg9: memref<125x80xi32, #tpu.memory_space<vmem>>, %arg10: memref<3x80x128xf32, #tpu.memory_space<vmem>>, %arg11: memref<3x80x128xf32, #tpu.memory_space<vmem>>, %arg12: memref<3x!tpu.dma_semaphore, #tpu.memory_space<semaphore_mem>>, %arg13: memref<3x!tpu.dma_semaphore, #tpu.memory_space<semaphore_mem>>, %arg14: memref<3x!tpu.dma_semaphore, #tpu.memory_space<semaphore_mem>>, %arg15: memref<3x!tpu.dma_semaphore, #tpu.memory_space<semaphore_mem>>) attributes {dimension_semantics = [#tpu.dimension_semantics<core_parallel>, #tpu.dimension_semantics<subcore_parallel>], iteration_bounds = array<i64: 2, 16>, scalar_prefetch = 0 : i64, scratch_operands = 8 : i64, tpu.core_type = #tpu.core_type<sc_vector_subcore>, window_params = [{transform_indices = #map}, {transform_indices = #map}, {transform_indices = #map1}, {transform_indices = #map1}, {transform_indices = #map}, {transform_indices = #map}]} {
    %mul3A = arith.constant 2 : i32
    %mul3A_0 = arith.muli %arg1, %mul3A : i32
    %add3A = arith.addi %mul3A_0, %arg0 : i32
    "tpu.region"() ({
      %run_scoped3A = tpu.sem_alloc : memref<!tpu.dma_semaphore, #tpu.memory_space<semaphore_mem>>
      %dma_start3A_173 = arith.constant 0 : i32
      %dma_start3A_174 = arith.constant 0 : i32
      %dma_start3A_175 = tpu.memref_slice %arg4[%add3A, %dma_start3A_173, %dma_start3A_174] : memref<32x125x80xi32, #tpu.memory_space<hbm>> -> memref<1x125x80xi32, #tpu.memory_space<hbm>>
      %dma_start3A_176 = tpu.memref_squeeze %dma_start3A_175 : memref<1x125x80xi32, #tpu.memory_space<hbm>> -> memref<125x80xi32, #tpu.memory_space<hbm>>
      %dma_start3A_177 = arith.constant 0 : i32
      %dma_start3A_178 = arith.constant 0 : i32
      %dma_start3A_179 = tpu.memref_slice %arg4[%add3A, %dma_start3A_177, %dma_start3A_178] : memref<32x125x80xi32, #tpu.memory_space<hbm>> -> memref<1x125x80xi32, #tpu.memory_space<hbm>>
      %dma_start3A_180 = tpu.memref_squeeze %dma_start3A_179 : memref<1x125x80xi32, #tpu.memory_space<hbm>> -> memref<125x80xi32, #tpu.memory_space<hbm>>
      tpu.enqueue_dma source(%dma_start3A_180 : memref<125x80xi32, #tpu.memory_space<hbm>>) target(%arg8 : memref<125x80xi32, #tpu.memory_space<vmem>>) target_semaphore(%run_scoped3A : memref<!tpu.dma_semaphore, #tpu.memory_space<semaphore_mem>>)
      %dma_wait3A_181 = arith.constant 0 : i32
      %dma_wait3A_182 = arith.constant 0 : i32
      %dma_wait3A_183 = tpu.memref_slice %arg4[%add3A, %dma_wait3A_181, %dma_wait3A_182] : memref<32x125x80xi32, #tpu.memory_space<hbm>> -> memref<1x125x80xi32, #tpu.memory_space<hbm>>
      %dma_wait3A_184 = tpu.memref_squeeze %dma_wait3A_183 : memref<1x125x80xi32, #tpu.memory_space<hbm>> -> memref<125x80xi32, #tpu.memory_space<hbm>>
      %dma_wait3A_185 = arith.constant 0 : i32
      %dma_wait3A_186 = arith.constant 0 : i32
      %dma_wait3A_187 = tpu.memref_slice %arg4[%add3A, %dma_wait3A_185, %dma_wait3A_186] : memref<32x125x80xi32, #tpu.memory_space<hbm>> -> memref<1x125x80xi32, #tpu.memory_space<hbm>>
      %dma_wait3A_188 = tpu.memref_squeeze %dma_wait3A_187 : memref<1x125x80xi32, #tpu.memory_space<hbm>> -> memref<125x80xi32, #tpu.memory_space<hbm>>
      tpu.wait_dma2 semaphore(%run_scoped3A : memref<!tpu.dma_semaphore, #tpu.memory_space<semaphore_mem>>) src(%dma_wait3A_188 : memref<125x80xi32, #tpu.memory_space<hbm>>) dst(%arg8 : memref<125x80xi32, #tpu.memory_space<vmem>>)
      tpu.yield
    }) : () -> ()
    "tpu.region"() ({
      %run_scoped3A = tpu.sem_alloc : memref<!tpu.dma_semaphore, #tpu.memory_space<semaphore_mem>>
      %dma_start3A_173 = arith.constant 0 : i32
      %dma_start3A_174 = arith.constant 0 : i32
      %dma_start3A_175 = tpu.memref_slice %arg5[%add3A, %dma_start3A_173, %dma_start3A_174] : memref<32x125x80xi32, #tpu.memory_space<hbm>> -> memref<1x125x80xi32, #tpu.memory_space<hbm>>
      %dma_start3A_176 = tpu.memref_squeeze %dma_start3A_175 : memref<1x125x80xi32, #tpu.memory_space<hbm>> -> memref<125x80xi32, #tpu.memory_space<hbm>>
      %dma_start3A_177 = arith.constant 0 : i32
      %dma_start3A_178 = arith.constant 0 : i32
      %dma_start3A_179 = tpu.memref_slice %arg5[%add3A, %dma_start3A_177, %dma_start3A_178] : memref<32x125x80xi32, #tpu.memory_space<hbm>> -> memref<1x125x80xi32, #tpu.memory_space<hbm>>
      %dma_start3A_180 = tpu.memref_squeeze %dma_start3A_179 : memref<1x125x80xi32, #tpu.memory_space<hbm>> -> memref<125x80xi32, #tpu.memory_space<hbm>>
      tpu.enqueue_dma source(%dma_start3A_180 : memref<125x80xi32, #tpu.memory_space<hbm>>) target(%arg9 : memref<125x80xi32, #tpu.memory_space<vmem>>) target_semaphore(%run_scoped3A : memref<!tpu.dma_semaphore, #tpu.memory_space<semaphore_mem>>)
      %dma_wait3A_181 = arith.constant 0 : i32
      %dma_wait3A_182 = arith.constant 0 : i32
      %dma_wait3A_183 = tpu.memref_slice %arg5[%add3A, %dma_wait3A_181, %dma_wait3A_182] : memref<32x125x80xi32, #tpu.memory_space<hbm>> -> memref<1x125x80xi32, #tpu.memory_space<hbm>>
      %dma_wait3A_184 = tpu.memref_squeeze %dma_wait3A_183 : memref<1x125x80xi32, #tpu.memory_space<hbm>> -> memref<125x80xi32, #tpu.memory_space<hbm>>
      %dma_wait3A_185 = arith.constant 0 : i32
      %dma_wait3A_186 = arith.constant 0 : i32
      %dma_wait3A_187 = tpu.memref_slice %arg5[%add3A, %dma_wait3A_185, %dma_wait3A_186] : memref<32x125x80xi32, #tpu.memory_space<hbm>> -> memref<1x125x80xi32, #tpu.memory_space<hbm>>
      %dma_wait3A_188 = tpu.memref_squeeze %dma_wait3A_187 : memref<1x125x80xi32, #tpu.memory_space<hbm>> -> memref<125x80xi32, #tpu.memory_space<hbm>>
      tpu.wait_dma2 semaphore(%run_scoped3A : memref<!tpu.dma_semaphore, #tpu.memory_space<semaphore_mem>>) src(%dma_wait3A_188 : memref<125x80xi32, #tpu.memory_space<hbm>>) dst(%arg9 : memref<125x80xi32, #tpu.memory_space<vmem>>)
      tpu.yield
    }) : () -> ()
    %dma_start3A = arith.constant 0 : i32
    %dma_start3A_1 = arith.constant 0 : i32
    %dma_start3A_2 = arith.constant 0 : i32
    %dma_start3A_3 = arith.constant 0 : i32
    %dma_start3A_4 = arith.constant 0 : i32
    %dma_start3A_5 = tpu.memref_slice %arg10[%dma_start3A_1, %dma_start3A_3, %dma_start3A_4] : memref<3x80x128xf32, #tpu.memory_space<vmem>> -> memref<1x80x128xf32, #tpu.memory_space<vmem>>
    %dma_start3A_6 = tpu.memref_squeeze %dma_start3A_5 : memref<1x80x128xf32, #tpu.memory_space<vmem>> -> memref<80x128xf32, #tpu.memory_space<vmem>>
    %dma_start3A_7 = arith.constant 0 : i32
    %dma_start3A_8 = tpu.memref_slice %arg8[%dma_start3A, %dma_start3A_7] : memref<125x80xi32, #tpu.memory_space<vmem>> -> memref<1x80xi32, #tpu.memory_space<vmem>>
    %dma_start3A_9 = tpu.memref_squeeze %dma_start3A_8 : memref<1x80xi32, #tpu.memory_space<vmem>> -> memref<80xi32, #tpu.memory_space<vmem>>
    %dma_start3A_10 = arith.constant 0 : i32
    %dma_start3A_11 = arith.constant 0 : i32
    %dma_start3A_12 = tpu.memref_slice %arg2[%dma_start3A_10, %dma_start3A_11] : memref<10000x128xf32, #tpu.memory_space<hbm>> -> memref<10000x128xf32, #tpu.memory_space<hbm>>
    %dma_start3A_13 = tpu.memref_slice %arg12[%dma_start3A_2] : memref<3x!tpu.dma_semaphore, #tpu.memory_space<semaphore_mem>> -> memref<1x!tpu.dma_semaphore, #tpu.memory_space<semaphore_mem>>
    %dma_start3A_14 = tpu.memref_squeeze %dma_start3A_13 : memref<1x!tpu.dma_semaphore, #tpu.memory_space<semaphore_mem>> -> memref<!tpu.dma_semaphore, #tpu.memory_space<semaphore_mem>>
    tpu.enqueue_indirect_dma source(%dma_start3A_12 : memref<10000x128xf32, #tpu.memory_space<hbm>>) target(%dma_start3A_6 : memref<80x128xf32, #tpu.memory_space<vmem>>) offsets(%dma_start3A_9 : memref<80xi32, #tpu.memory_space<vmem>>) semaphore(%dma_start3A_14 : memref<!tpu.dma_semaphore, #tpu.memory_space<semaphore_mem>>)
    %dma_start3A_15 = arith.constant 0 : i32
    %dma_start3A_16 = arith.constant 0 : i32
    %dma_start3A_17 = arith.constant 0 : i32
    %dma_start3A_18 = arith.constant 0 : i32
    %dma_start3A_19 = arith.constant 0 : i32
    %dma_start3A_20 = tpu.memref_slice %arg11[%dma_start3A_16, %dma_start3A_18, %dma_start3A_19] : memref<3x80x128xf32, #tpu.memory_space<vmem>> -> memref<1x80x128xf32, #tpu.memory_space<vmem>>
    %dma_start3A_21 = tpu.memref_squeeze %dma_start3A_20 : memref<1x80x128xf32, #tpu.memory_space<vmem>> -> memref<80x128xf32, #tpu.memory_space<vmem>>
    %dma_start3A_22 = arith.constant 0 : i32
    %dma_start3A_23 = tpu.memref_slice %arg9[%dma_start3A_15, %dma_start3A_22] : memref<125x80xi32, #tpu.memory_space<vmem>> -> memref<1x80xi32, #tpu.memory_space<vmem>>
    %dma_start3A_24 = tpu.memref_squeeze %dma_start3A_23 : memref<1x80xi32, #tpu.memory_space<vmem>> -> memref<80xi32, #tpu.memory_space<vmem>>
    %dma_start3A_25 = arith.constant 0 : i32
    %dma_start3A_26 = arith.constant 0 : i32
    %dma_start3A_27 = tpu.memref_slice %arg3[%dma_start3A_25, %dma_start3A_26] : memref<10000x128xf32, #tpu.memory_space<hbm>> -> memref<10000x128xf32, #tpu.memory_space<hbm>>
    %dma_start3A_28 = tpu.memref_slice %arg13[%dma_start3A_17] : memref<3x!tpu.dma_semaphore, #tpu.memory_space<semaphore_mem>> -> memref<1x!tpu.dma_semaphore, #tpu.memory_space<semaphore_mem>>
    %dma_start3A_29 = tpu.memref_squeeze %dma_start3A_28 : memref<1x!tpu.dma_semaphore, #tpu.memory_space<semaphore_mem>> -> memref<!tpu.dma_semaphore, #tpu.memory_space<semaphore_mem>>
    tpu.enqueue_indirect_dma source(%dma_start3A_27 : memref<10000x128xf32, #tpu.memory_space<hbm>>) target(%dma_start3A_21 : memref<80x128xf32, #tpu.memory_space<vmem>>) offsets(%dma_start3A_24 : memref<80xi32, #tpu.memory_space<vmem>>) semaphore(%dma_start3A_29 : memref<!tpu.dma_semaphore, #tpu.memory_space<semaphore_mem>>)
    %dma_start3A_30 = arith.constant 1 : i32
    %dma_start3A_31 = arith.constant 1 : i32
    %dma_start3A_32 = arith.constant 1 : i32
    %dma_start3A_33 = arith.constant 0 : i32
    %dma_start3A_34 = arith.constant 0 : i32
    %dma_start3A_35 = tpu.memref_slice %arg10[%dma_start3A_31, %dma_start3A_33, %dma_start3A_34] : memref<3x80x128xf32, #tpu.memory_space<vmem>> -> memref<1x80x128xf32, #tpu.memory_space<vmem>>
    %dma_start3A_36 = tpu.memref_squeeze %dma_start3A_35 : memref<1x80x128xf32, #tpu.memory_space<vmem>> -> memref<80x128xf32, #tpu.memory_space<vmem>>
    %dma_start3A_37 = arith.constant 0 : i32
    %dma_start3A_38 = tpu.memref_slice %arg8[%dma_start3A_30, %dma_start3A_37] : memref<125x80xi32, #tpu.memory_space<vmem>> -> memref<1x80xi32, #tpu.memory_space<vmem>>
    %dma_start3A_39 = tpu.memref_squeeze %dma_start3A_38 : memref<1x80xi32, #tpu.memory_space<vmem>> -> memref<80xi32, #tpu.memory_space<vmem>>
    %dma_start3A_40 = arith.constant 0 : i32
    %dma_start3A_41 = arith.constant 0 : i32
    %dma_start3A_42 = tpu.memref_slice %arg2[%dma_start3A_40, %dma_start3A_41] : memref<10000x128xf32, #tpu.memory_space<hbm>> -> memref<10000x128xf32, #tpu.memory_space<hbm>>
    %dma_start3A_43 = tpu.memref_slice %arg12[%dma_start3A_32] : memref<3x!tpu.dma_semaphore, #tpu.memory_space<semaphore_mem>> -> memref<1x!tpu.dma_semaphore, #tpu.memory_space<semaphore_mem>>
    %dma_start3A_44 = tpu.memref_squeeze %dma_start3A_43 : memref<1x!tpu.dma_semaphore, #tpu.memory_space<semaphore_mem>> -> memref<!tpu.dma_semaphore, #tpu.memory_space<semaphore_mem>>
    tpu.enqueue_indirect_dma source(%dma_start3A_42 : memref<10000x128xf32, #tpu.memory_space<hbm>>) target(%dma_start3A_36 : memref<80x128xf32, #tpu.memory_space<vmem>>) offsets(%dma_start3A_39 : memref<80xi32, #tpu.memory_space<vmem>>) semaphore(%dma_start3A_44 : memref<!tpu.dma_semaphore, #tpu.memory_space<semaphore_mem>>)
    %dma_start3A_45 = arith.constant 1 : i32
    %dma_start3A_46 = arith.constant 1 : i32
    %dma_start3A_47 = arith.constant 1 : i32
    %dma_start3A_48 = arith.constant 0 : i32
    %dma_start3A_49 = arith.constant 0 : i32
    %dma_start3A_50 = tpu.memref_slice %arg11[%dma_start3A_46, %dma_start3A_48, %dma_start3A_49] : memref<3x80x128xf32, #tpu.memory_space<vmem>> -> memref<1x80x128xf32, #tpu.memory_space<vmem>>
    %dma_start3A_51 = tpu.memref_squeeze %dma_start3A_50 : memref<1x80x128xf32, #tpu.memory_space<vmem>> -> memref<80x128xf32, #tpu.memory_space<vmem>>
    %dma_start3A_52 = arith.constant 0 : i32
    %dma_start3A_53 = tpu.memref_slice %arg9[%dma_start3A_45, %dma_start3A_52] : memref<125x80xi32, #tpu.memory_space<vmem>> -> memref<1x80xi32, #tpu.memory_space<vmem>>
    %dma_start3A_54 = tpu.memref_squeeze %dma_start3A_53 : memref<1x80xi32, #tpu.memory_space<vmem>> -> memref<80xi32, #tpu.memory_space<vmem>>
    %dma_start3A_55 = arith.constant 0 : i32
    %dma_start3A_56 = arith.constant 0 : i32
    %dma_start3A_57 = tpu.memref_slice %arg3[%dma_start3A_55, %dma_start3A_56] : memref<10000x128xf32, #tpu.memory_space<hbm>> -> memref<10000x128xf32, #tpu.memory_space<hbm>>
    %dma_start3A_58 = tpu.memref_slice %arg13[%dma_start3A_47] : memref<3x!tpu.dma_semaphore, #tpu.memory_space<semaphore_mem>> -> memref<1x!tpu.dma_semaphore, #tpu.memory_space<semaphore_mem>>
    %dma_start3A_59 = tpu.memref_squeeze %dma_start3A_58 : memref<1x!tpu.dma_semaphore, #tpu.memory_space<semaphore_mem>> -> memref<!tpu.dma_semaphore, #tpu.memory_space<semaphore_mem>>
    tpu.enqueue_indirect_dma source(%dma_start3A_57 : memref<10000x128xf32, #tpu.memory_space<hbm>>) target(%dma_start3A_51 : memref<80x128xf32, #tpu.memory_space<vmem>>) offsets(%dma_start3A_54 : memref<80xi32, #tpu.memory_space<vmem>>) semaphore(%dma_start3A_59 : memref<!tpu.dma_semaphore, #tpu.memory_space<semaphore_mem>>)
    %scan3A = arith.constant 0 : i32
    %scan3A_60 = arith.constant 0 : i32
    %scan3A_61 = arith.constant 125 : i32
    %scan3A_62 = arith.addi %scan3A_60, %scan3A_61 : i32
    %scan3A_63 = arith.constant 1 : i32
    %scan3A_64 = scf.for %scan3A_173 = %scan3A_60 to %scan3A_62 step %scan3A_63 iter_args(%scan3A_174 = %scan3A) -> (i32)  : i32 {
      %rem3A = arith.constant 3 : i32
      %rem3A_175 = arith.remsi %scan3A_173, %rem3A : i32
      %add3A_176 = arith.constant 2 : i32
      %add3A_177 = arith.addi %scan3A_173, %add3A_176 : i32
      %rem3A_178 = arith.constant 3 : i32
      %rem3A_179 = arith.remsi %add3A_177, %rem3A_178 : i32
      %dma_wait3A_180 = arith.constant 0 : i32
      %dma_wait3A_181 = arith.constant 0 : i32
      %dma_wait3A_182 = arith.constant 0 : i32
      %dma_wait3A_183 = tpu.memref_slice %arg10[%rem3A_175, %dma_wait3A_181, %dma_wait3A_182] : memref<3x80x128xf32, #tpu.memory_space<vmem>> -> memref<1x80x128xf32, #tpu.memory_space<vmem>>
      %dma_wait3A_184 = tpu.memref_squeeze %dma_wait3A_183 : memref<1x80x128xf32, #tpu.memory_space<vmem>> -> memref<80x128xf32, #tpu.memory_space<vmem>>
      %dma_wait3A_185 = arith.constant 0 : i32
      %dma_wait3A_186 = tpu.memref_slice %arg8[%dma_wait3A_180, %dma_wait3A_185] : memref<125x80xi32, #tpu.memory_space<vmem>> -> memref<1x80xi32, #tpu.memory_space<vmem>>
      %dma_wait3A_187 = tpu.memref_squeeze %dma_wait3A_186 : memref<1x80xi32, #tpu.memory_space<vmem>> -> memref<80xi32, #tpu.memory_space<vmem>>
      %dma_wait3A_188 = arith.constant 0 : i32
      %dma_wait3A_189 = arith.constant 0 : i32
      %dma_wait3A_190 = tpu.memref_slice %arg2[%dma_wait3A_188, %dma_wait3A_189] : memref<10000x128xf32, #tpu.memory_space<hbm>> -> memref<10000x128xf32, #tpu.memory_space<hbm>>
      %dma_wait3A_191 = tpu.memref_slice %arg12[%rem3A_175] : memref<3x!tpu.dma_semaphore, #tpu.memory_space<semaphore_mem>> -> memref<1x!tpu.dma_semaphore, #tpu.memory_space<semaphore_mem>>
      %dma_wait3A_192 = tpu.memref_squeeze %dma_wait3A_191 : memref<1x!tpu.dma_semaphore, #tpu.memory_space<semaphore_mem>> -> memref<!tpu.dma_semaphore, #tpu.memory_space<semaphore_mem>>
      tpu.wait_indirect_dma semaphore(%dma_wait3A_192 : memref<!tpu.dma_semaphore, #tpu.memory_space<semaphore_mem>>) src(%dma_wait3A_190 : memref<10000x128xf32, #tpu.memory_space<hbm>>) dst(%dma_wait3A_184 : memref<80x128xf32, #tpu.memory_space<vmem>>)
      %dma_wait3A_193 = arith.constant 0 : i32
      %dma_wait3A_194 = arith.constant 0 : i32
      %dma_wait3A_195 = arith.constant 0 : i32
      %dma_wait3A_196 = tpu.memref_slice %arg11[%rem3A_175, %dma_wait3A_194, %dma_wait3A_195] : memref<3x80x128xf32, #tpu.memory_space<vmem>> -> memref<1x80x128xf32, #tpu.memory_space<vmem>>
      %dma_wait3A_197 = tpu.memref_squeeze %dma_wait3A_196 : memref<1x80x128xf32, #tpu.memory_space<vmem>> -> memref<80x128xf32, #tpu.memory_space<vmem>>
      %dma_wait3A_198 = arith.constant 0 : i32
      %dma_wait3A_199 = tpu.memref_slice %arg9[%dma_wait3A_193, %dma_wait3A_198] : memref<125x80xi32, #tpu.memory_space<vmem>> -> memref<1x80xi32, #tpu.memory_space<vmem>>
      %dma_wait3A_200 = tpu.memref_squeeze %dma_wait3A_199 : memref<1x80xi32, #tpu.memory_space<vmem>> -> memref<80xi32, #tpu.memory_space<vmem>>
      %dma_wait3A_201 = arith.constant 0 : i32
      %dma_wait3A_202 = arith.constant 0 : i32
      %dma_wait3A_203 = tpu.memref_slice %arg3[%dma_wait3A_201, %dma_wait3A_202] : memref<10000x128xf32, #tpu.memory_space<hbm>> -> memref<10000x128xf32, #tpu.memory_space<hbm>>
      %dma_wait3A_204 = tpu.memref_slice %arg13[%rem3A_175] : memref<3x!tpu.dma_semaphore, #tpu.memory_space<semaphore_mem>> -> memref<1x!tpu.dma_semaphore, #tpu.memory_space<semaphore_mem>>
      %dma_wait3A_205 = tpu.memref_squeeze %dma_wait3A_204 : memref<1x!tpu.dma_semaphore, #tpu.memory_space<semaphore_mem>> -> memref<!tpu.dma_semaphore, #tpu.memory_space<semaphore_mem>>
      tpu.wait_indirect_dma semaphore(%dma_wait3A_205 : memref<!tpu.dma_semaphore, #tpu.memory_space<semaphore_mem>>) src(%dma_wait3A_203 : memref<10000x128xf32, #tpu.memory_space<hbm>>) dst(%dma_wait3A_197 : memref<80x128xf32, #tpu.memory_space<vmem>>)
      %add3A_206 = arith.constant 2 : i32
      %add3A_207 = arith.addi %scan3A_173, %add3A_206 : i32
      %lt3A = arith.constant 125 : i32
      %lt3A_208 = arith.cmpi slt, %add3A_207, %lt3A : i32
      %convert_element_type3A = arith.extui %lt3A_208 : i1 to i32
      %cond3A = arith.constant 0 : i32
      %cond3A_209 = arith.cmpi ne, %convert_element_type3A, %cond3A : i32
      scf.if %cond3A_209 {
        %ge3A = arith.constant 1 : i32
        %ge3A_244 = arith.cmpi sge, %scan3A_173, %ge3A : i32
        %convert_element_type3A_245 = arith.extui %ge3A_244 : i1 to i32
        %cond3A_246 = arith.constant 0 : i32
        %cond3A_247 = arith.cmpi ne, %convert_element_type3A_245, %cond3A_246 : i32
        scf.if %cond3A_247 {
          %dma_wait3A_274 = arith.constant 0 : i32
          %dma_wait3A_275 = arith.constant 0 : i32
          %dma_wait3A_276 = tpu.memref_slice %arg10[%rem3A_179, %dma_wait3A_274, %dma_wait3A_275] : memref<3x80x128xf32, #tpu.memory_space<vmem>> -> memref<1x80x128xf32, #tpu.memory_space<vmem>>
          %dma_wait3A_277 = tpu.memref_squeeze %dma_wait3A_276 : memref<1x80x128xf32, #tpu.memory_space<vmem>> -> memref<80x128xf32, #tpu.memory_space<vmem>>
          %dma_wait3A_278 = arith.constant 0 : i32
          %dma_wait3A_279 = arith.constant 0 : i32
          %dma_wait3A_280 = tpu.memref_slice %arg6[%dma_wait3A_278, %dma_wait3A_279] : memref<320000x128xf32, #tpu.memory_space<hbm>> -> memref<80x128xf32, #tpu.memory_space<hbm>>
          %dma_wait3A_281 = tpu.memref_slice %arg14[%rem3A_179] : memref<3x!tpu.dma_semaphore, #tpu.memory_space<semaphore_mem>> -> memref<1x!tpu.dma_semaphore, #tpu.memory_space<semaphore_mem>>
          %dma_wait3A_282 = tpu.memref_squeeze %dma_wait3A_281 : memref<1x!tpu.dma_semaphore, #tpu.memory_space<semaphore_mem>> -> memref<!tpu.dma_semaphore, #tpu.memory_space<semaphore_mem>>
          %dma_wait3A_283 = arith.constant 0 : i32
          %dma_wait3A_284 = arith.constant 0 : i32
          %dma_wait3A_285 = tpu.memref_slice %arg6[%dma_wait3A_283, %dma_wait3A_284] : memref<320000x128xf32, #tpu.memory_space<hbm>> -> memref<80x128xf32, #tpu.memory_space<hbm>>
          %dma_wait3A_286 = arith.constant 0 : i32
          %dma_wait3A_287 = arith.constant 0 : i32
          %dma_wait3A_288 = tpu.memref_slice %arg10[%rem3A_179, %dma_wait3A_286, %dma_wait3A_287] : memref<3x80x128xf32, #tpu.memory_space<vmem>> -> memref<1x80x128xf32, #tpu.memory_space<vmem>>
          %dma_wait3A_289 = tpu.memref_squeeze %dma_wait3A_288 : memref<1x80x128xf32, #tpu.memory_space<vmem>> -> memref<80x128xf32, #tpu.memory_space<vmem>>
          tpu.wait_dma2 semaphore(%dma_wait3A_282 : memref<!tpu.dma_semaphore, #tpu.memory_space<semaphore_mem>>) src(%dma_wait3A_289 : memref<80x128xf32, #tpu.memory_space<vmem>>) dst(%dma_wait3A_285 : memref<80x128xf32, #tpu.memory_space<hbm>>)
          %dma_wait3A_290 = arith.constant 0 : i32
          %dma_wait3A_291 = arith.constant 0 : i32
          %dma_wait3A_292 = tpu.memref_slice %arg11[%rem3A_179, %dma_wait3A_290, %dma_wait3A_291] : memref<3x80x128xf32, #tpu.memory_space<vmem>> -> memref<1x80x128xf32, #tpu.memory_space<vmem>>
          %dma_wait3A_293 = tpu.memref_squeeze %dma_wait3A_292 : memref<1x80x128xf32, #tpu.memory_space<vmem>> -> memref<80x128xf32, #tpu.memory_space<vmem>>
          %dma_wait3A_294 = arith.constant 0 : i32
          %dma_wait3A_295 = arith.constant 0 : i32
          %dma_wait3A_296 = tpu.memref_slice %arg7[%dma_wait3A_294, %dma_wait3A_295] : memref<320000x128xf32, #tpu.memory_space<hbm>> -> memref<80x128xf32, #tpu.memory_space<hbm>>
          %dma_wait3A_297 = tpu.memref_slice %arg15[%rem3A_179] : memref<3x!tpu.dma_semaphore, #tpu.memory_space<semaphore_mem>> -> memref<1x!tpu.dma_semaphore, #tpu.memory_space<semaphore_mem>>
          %dma_wait3A_298 = tpu.memref_squeeze %dma_wait3A_297 : memref<1x!tpu.dma_semaphore, #tpu.memory_space<semaphore_mem>> -> memref<!tpu.dma_semaphore, #tpu.memory_space<semaphore_mem>>
          %dma_wait3A_299 = arith.constant 0 : i32
          %dma_wait3A_300 = arith.constant 0 : i32
          %dma_wait3A_301 = tpu.memref_slice %arg7[%dma_wait3A_299, %dma_wait3A_300] : memref<320000x128xf32, #tpu.memory_space<hbm>> -> memref<80x128xf32, #tpu.memory_space<hbm>>
          %dma_wait3A_302 = arith.constant 0 : i32
          %dma_wait3A_303 = arith.constant 0 : i32
          %dma_wait3A_304 = tpu.memref_slice %arg11[%rem3A_179, %dma_wait3A_302, %dma_wait3A_303] : memref<3x80x128xf32, #tpu.memory_space<vmem>> -> memref<1x80x128xf32, #tpu.memory_space<vmem>>
          %dma_wait3A_305 = tpu.memref_squeeze %dma_wait3A_304 : memref<1x80x128xf32, #tpu.memory_space<vmem>> -> memref<80x128xf32, #tpu.memory_space<vmem>>
          tpu.wait_dma2 semaphore(%dma_wait3A_298 : memref<!tpu.dma_semaphore, #tpu.memory_space<semaphore_mem>>) src(%dma_wait3A_305 : memref<80x128xf32, #tpu.memory_space<vmem>>) dst(%dma_wait3A_301 : memref<80x128xf32, #tpu.memory_space<hbm>>)
        } else {
        }
        %add3A_248 = arith.constant 2 : i32
        %add3A_249 = arith.addi %scan3A_173, %add3A_248 : i32
        %dma_start3A_250 = arith.constant 0 : i32
        %dma_start3A_251 = arith.constant 0 : i32
        %dma_start3A_252 = tpu.memref_slice %arg10[%rem3A_179, %dma_start3A_250, %dma_start3A_251] : memref<3x80x128xf32, #tpu.memory_space<vmem>> -> memref<1x80x128xf32, #tpu.memory_space<vmem>>
        %dma_start3A_253 = tpu.memref_squeeze %dma_start3A_252 : memref<1x80x128xf32, #tpu.memory_space<vmem>> -> memref<80x128xf32, #tpu.memory_space<vmem>>
        %dma_start3A_254 = arith.constant 0 : i32
        %dma_start3A_255 = tpu.memref_slice %arg8[%add3A_249, %dma_start3A_254] : memref<125x80xi32, #tpu.memory_space<vmem>> -> memref<1x80xi32, #tpu.memory_space<vmem>>
        %dma_start3A_256 = tpu.memref_squeeze %dma_start3A_255 : memref<1x80xi32, #tpu.memory_space<vmem>> -> memref<80xi32, #tpu.memory_space<vmem>>
        %dma_start3A_257 = arith.constant 0 : i32
        %dma_start3A_258 = arith.constant 0 : i32
        %dma_start3A_259 = tpu.memref_slice %arg2[%dma_start3A_257, %dma_start3A_258] : memref<10000x128xf32, #tpu.memory_space<hbm>> -> memref<10000x128xf32, #tpu.memory_space<hbm>>
        %dma_start3A_260 = tpu.memref_slice %arg12[%rem3A_179] : memref<3x!tpu.dma_semaphore, #tpu.memory_space<semaphore_mem>> -> memref<1x!tpu.dma_semaphore, #tpu.memory_space<semaphore_mem>>
        %dma_start3A_261 = tpu.memref_squeeze %dma_start3A_260 : memref<1x!tpu.dma_semaphore, #tpu.memory_space<semaphore_mem>> -> memref<!tpu.dma_semaphore, #tpu.memory_space<semaphore_mem>>
        tpu.enqueue_indirect_dma source(%dma_start3A_259 : memref<10000x128xf32, #tpu.memory_space<hbm>>) target(%dma_start3A_253 : memref<80x128xf32, #tpu.memory_space<vmem>>) offsets(%dma_start3A_256 : memref<80xi32, #tpu.memory_space<vmem>>) semaphore(%dma_start3A_261 : memref<!tpu.dma_semaphore, #tpu.memory_space<semaphore_mem>>)
        %dma_start3A_262 = arith.constant 0 : i32
        %dma_start3A_263 = arith.constant 0 : i32
        %dma_start3A_264 = tpu.memref_slice %arg11[%rem3A_179, %dma_start3A_262, %dma_start3A_263] : memref<3x80x128xf32, #tpu.memory_space<vmem>> -> memref<1x80x128xf32, #tpu.memory_space<vmem>>
        %dma_start3A_265 = tpu.memref_squeeze %dma_start3A_264 : memref<1x80x128xf32, #tpu.memory_space<vmem>> -> memref<80x128xf32, #tpu.memory_space<vmem>>
        %dma_start3A_266 = arith.constant 0 : i32
        %dma_start3A_267 = tpu.memref_slice %arg9[%add3A_249, %dma_start3A_266] : memref<125x80xi32, #tpu.memory_space<vmem>> -> memref<1x80xi32, #tpu.memory_space<vmem>>
        %dma_start3A_268 = tpu.memref_squeeze %dma_start3A_267 : memref<1x80xi32, #tpu.memory_space<vmem>> -> memref<80xi32, #tpu.memory_space<vmem>>
        %dma_start3A_269 = arith.constant 0 : i32
        %dma_start3A_270 = arith.constant 0 : i32
        %dma_start3A_271 = tpu.memref_slice %arg3[%dma_start3A_269, %dma_start3A_270] : memref<10000x128xf32, #tpu.memory_space<hbm>> -> memref<10000x128xf32, #tpu.memory_space<hbm>>
        %dma_start3A_272 = tpu.memref_slice %arg13[%rem3A_179] : memref<3x!tpu.dma_semaphore, #tpu.memory_space<semaphore_mem>> -> memref<1x!tpu.dma_semaphore, #tpu.memory_space<semaphore_mem>>
        %dma_start3A_273 = tpu.memref_squeeze %dma_start3A_272 : memref<1x!tpu.dma_semaphore, #tpu.memory_space<semaphore_mem>> -> memref<!tpu.dma_semaphore, #tpu.memory_space<semaphore_mem>>
        tpu.enqueue_indirect_dma source(%dma_start3A_271 : memref<10000x128xf32, #tpu.memory_space<hbm>>) target(%dma_start3A_265 : memref<80x128xf32, #tpu.memory_space<vmem>>) offsets(%dma_start3A_268 : memref<80xi32, #tpu.memory_space<vmem>>) semaphore(%dma_start3A_273 : memref<!tpu.dma_semaphore, #tpu.memory_space<semaphore_mem>>)
      } else {
      }
      %mul3A_210 = arith.constant 10000 : i32
      %mul3A_211 = arith.muli %add3A, %mul3A_210 : i32
      %mul3A_212 = arith.constant 80 : i32
      %mul3A_213 = arith.muli %scan3A_173, %mul3A_212 : i32
      %add3A_214 = arith.addi %mul3A_211, %mul3A_213 : i32
      %dma_start3A_215 = arith.constant 0 : i32
      %dma_start3A_216 = arith.constant 0 : i32
      %dma_start3A_217 = tpu.memref_slice %arg10[%rem3A_175, %dma_start3A_215, %dma_start3A_216] : memref<3x80x128xf32, #tpu.memory_space<vmem>> -> memref<1x80x128xf32, #tpu.memory_space<vmem>>
      %dma_start3A_218 = tpu.memref_squeeze %dma_start3A_217 : memref<1x80x128xf32, #tpu.memory_space<vmem>> -> memref<80x128xf32, #tpu.memory_space<vmem>>
      %dma_start3A_219 = arith.constant 0 : i32
      %dma_start3A_220 = tpu.memref_slice %arg6[%add3A_214, %dma_start3A_219] : memref<320000x128xf32, #tpu.memory_space<hbm>> -> memref<80x128xf32, #tpu.memory_space<hbm>>
      %dma_start3A_221 = tpu.memref_slice %arg14[%rem3A_175] : memref<3x!tpu.dma_semaphore, #tpu.memory_space<semaphore_mem>> -> memref<1x!tpu.dma_semaphore, #tpu.memory_space<semaphore_mem>>
      %dma_start3A_222 = tpu.memref_squeeze %dma_start3A_221 : memref<1x!tpu.dma_semaphore, #tpu.memory_space<semaphore_mem>> -> memref<!tpu.dma_semaphore, #tpu.memory_space<semaphore_mem>>
      %dma_start3A_223 = arith.constant 0 : i32
      %dma_start3A_224 = tpu.memref_slice %arg6[%add3A_214, %dma_start3A_223] : memref<320000x128xf32, #tpu.memory_space<hbm>> -> memref<80x128xf32, #tpu.memory_space<hbm>>
      %dma_start3A_225 = arith.constant 0 : i32
      %dma_start3A_226 = arith.constant 0 : i32
      %dma_start3A_227 = tpu.memref_slice %arg10[%rem3A_175, %dma_start3A_225, %dma_start3A_226] : memref<3x80x128xf32, #tpu.memory_space<vmem>> -> memref<1x80x128xf32, #tpu.memory_space<vmem>>
      %dma_start3A_228 = tpu.memref_squeeze %dma_start3A_227 : memref<1x80x128xf32, #tpu.memory_space<vmem>> -> memref<80x128xf32, #tpu.memory_space<vmem>>
      tpu.enqueue_dma source(%dma_start3A_228 : memref<80x128xf32, #tpu.memory_space<vmem>>) target(%dma_start3A_224 : memref<80x128xf32, #tpu.memory_space<hbm>>) target_semaphore(%dma_start3A_222 : memref<!tpu.dma_semaphore, #tpu.memory_space<semaphore_mem>>)
      %dma_start3A_229 = arith.constant 0 : i32
      %dma_start3A_230 = arith.constant 0 : i32
      %dma_start3A_231 = tpu.memref_slice %arg11[%rem3A_175, %dma_start3A_229, %dma_start3A_230] : memref<3x80x128xf32, #tpu.memory_space<vmem>> -> memref<1x80x128xf32, #tpu.memory_space<vmem>>
      %dma_start3A_232 = tpu.memref_squeeze %dma_start3A_231 : memref<1x80x128xf32, #tpu.memory_space<vmem>> -> memref<80x128xf32, #tpu.memory_space<vmem>>
      %dma_start3A_233 = arith.constant 0 : i32
      %dma_start3A_234 = tpu.memref_slice %arg7[%add3A_214, %dma_start3A_233] : memref<320000x128xf32, #tpu.memory_space<hbm>> -> memref<80x128xf32, #tpu.memory_space<hbm>>
      %dma_start3A_235 = tpu.memref_slice %arg15[%rem3A_175] : memref<3x!tpu.dma_semaphore, #tpu.memory_space<semaphore_mem>> -> memref<1x!tpu.dma_semaphore, #tpu.memory_space<semaphore_mem>>
      %dma_start3A_236 = tpu.memref_squeeze %dma_start3A_235 : memref<1x!tpu.dma_semaphore, #tpu.memory_space<semaphore_mem>> -> memref<!tpu.dma_semaphore, #tpu.memory_space<semaphore_mem>>
      %dma_start3A_237 = arith.constant 0 : i32
      %dma_start3A_238 = tpu.memref_slice %arg7[%add3A_214, %dma_start3A_237] : memref<320000x128xf32, #tpu.memory_space<hbm>> -> memref<80x128xf32, #tpu.memory_space<hbm>>
      %dma_start3A_239 = arith.constant 0 : i32
      %dma_start3A_240 = arith.constant 0 : i32
      %dma_start3A_241 = tpu.memref_slice %arg11[%rem3A_175, %dma_start3A_239, %dma_start3A_240] : memref<3x80x128xf32, #tpu.memory_space<vmem>> -> memref<1x80x128xf32, #tpu.memory_space<vmem>>
      %dma_start3A_242 = tpu.memref_squeeze %dma_start3A_241 : memref<1x80x128xf32, #tpu.memory_space<vmem>> -> memref<80x128xf32, #tpu.memory_space<vmem>>
      tpu.enqueue_dma source(%dma_start3A_242 : memref<80x128xf32, #tpu.memory_space<vmem>>) target(%dma_start3A_238 : memref<80x128xf32, #tpu.memory_space<hbm>>) target_semaphore(%dma_start3A_236 : memref<!tpu.dma_semaphore, #tpu.memory_space<semaphore_mem>>)
      %scan3A_243 = arith.constant 0 : i32
      scf.yield %scan3A_243 : i32
    }
    %scan3A_65 = arith.constant 125 : i32
    %dma_wait3A = arith.constant 0 : i32
    %dma_wait3A_66 = arith.constant 0 : i32
    %dma_wait3A_67 = arith.constant 0 : i32
    %dma_wait3A_68 = arith.constant 0 : i32
    %dma_wait3A_69 = tpu.memref_slice %arg10[%dma_wait3A, %dma_wait3A_67, %dma_wait3A_68] : memref<3x80x128xf32, #tpu.memory_space<vmem>> -> memref<1x80x128xf32, #tpu.memory_space<vmem>>
    %dma_wait3A_70 = tpu.memref_squeeze %dma_wait3A_69 : memref<1x80x128xf32, #tpu.memory_space<vmem>> -> memref<80x128xf32, #tpu.memory_space<vmem>>
    %dma_wait3A_71 = arith.constant 0 : i32
    %dma_wait3A_72 = arith.constant 0 : i32
    %dma_wait3A_73 = tpu.memref_slice %arg6[%dma_wait3A_71, %dma_wait3A_72] : memref<320000x128xf32, #tpu.memory_space<hbm>> -> memref<80x128xf32, #tpu.memory_space<hbm>>
    %dma_wait3A_74 = tpu.memref_slice %arg14[%dma_wait3A_66] : memref<3x!tpu.dma_semaphore, #tpu.memory_space<semaphore_mem>> -> memref<1x!tpu.dma_semaphore, #tpu.memory_space<semaphore_mem>>
    %dma_wait3A_75 = tpu.memref_squeeze %dma_wait3A_74 : memref<1x!tpu.dma_semaphore, #tpu.memory_space<semaphore_mem>> -> memref<!tpu.dma_semaphore, #tpu.memory_space<semaphore_mem>>
    %dma_wait3A_76 = arith.constant 0 : i32
    %dma_wait3A_77 = arith.constant 0 : i32
    %dma_wait3A_78 = tpu.memref_slice %arg6[%dma_wait3A_76, %dma_wait3A_77] : memref<320000x128xf32, #tpu.memory_space<hbm>> -> memref<80x128xf32, #tpu.memory_space<hbm>>
    %dma_wait3A_79 = arith.constant 0 : i32
    %dma_wait3A_80 = arith.constant 0 : i32
    %dma_wait3A_81 = tpu.memref_slice %arg10[%dma_wait3A, %dma_wait3A_79, %dma_wait3A_80] : memref<3x80x128xf32, #tpu.memory_space<vmem>> -> memref<1x80x128xf32, #tpu.memory_space<vmem>>
    %dma_wait3A_82 = tpu.memref_squeeze %dma_wait3A_81 : memref<1x80x128xf32, #tpu.memory_space<vmem>> -> memref<80x128xf32, #tpu.memory_space<vmem>>
    tpu.wait_dma2 semaphore(%dma_wait3A_75 : memref<!tpu.dma_semaphore, #tpu.memory_space<semaphore_mem>>) src(%dma_wait3A_82 : memref<80x128xf32, #tpu.memory_space<vmem>>) dst(%dma_wait3A_78 : memref<80x128xf32, #tpu.memory_space<hbm>>)
    %dma_wait3A_83 = arith.constant 0 : i32
    %dma_wait3A_84 = arith.constant 0 : i32
    %dma_wait3A_85 = arith.constant 0 : i32
    %dma_wait3A_86 = arith.constant 0 : i32
    %dma_wait3A_87 = tpu.memref_slice %arg11[%dma_wait3A_83, %dma_wait3A_85, %dma_wait3A_86] : memref<3x80x128xf32, #tpu.memory_space<vmem>> -> memref<1x80x128xf32, #tpu.memory_space<vmem>>
    %dma_wait3A_88 = tpu.memref_squeeze %dma_wait3A_87 : memref<1x80x128xf32, #tpu.memory_space<vmem>> -> memref<80x128xf32, #tpu.memory_space<vmem>>
    %dma_wait3A_89 = arith.constant 0 : i32
    %dma_wait3A_90 = arith.constant 0 : i32
    %dma_wait3A_91 = tpu.memref_slice %arg7[%dma_wait3A_89, %dma_wait3A_90] : memref<320000x128xf32, #tpu.memory_space<hbm>> -> memref<80x128xf32, #tpu.memory_space<hbm>>
    %dma_wait3A_92 = tpu.memref_slice %arg15[%dma_wait3A_84] : memref<3x!tpu.dma_semaphore, #tpu.memory_space<semaphore_mem>> -> memref<1x!tpu.dma_semaphore, #tpu.memory_space<semaphore_mem>>
    %dma_wait3A_93 = tpu.memref_squeeze %dma_wait3A_92 : memref<1x!tpu.dma_semaphore, #tpu.memory_space<semaphore_mem>> -> memref<!tpu.dma_semaphore, #tpu.memory_space<semaphore_mem>>
    %dma_wait3A_94 = arith.constant 0 : i32
    %dma_wait3A_95 = arith.constant 0 : i32
    %dma_wait3A_96 = tpu.memref_slice %arg7[%dma_wait3A_94, %dma_wait3A_95] : memref<320000x128xf32, #tpu.memory_space<hbm>> -> memref<80x128xf32, #tpu.memory_space<hbm>>
    %dma_wait3A_97 = arith.constant 0 : i32
    %dma_wait3A_98 = arith.constant 0 : i32
    %dma_wait3A_99 = tpu.memref_slice %arg11[%dma_wait3A_83, %dma_wait3A_97, %dma_wait3A_98] : memref<3x80x128xf32, #tpu.memory_space<vmem>> -> memref<1x80x128xf32, #tpu.memory_space<vmem>>
    %dma_wait3A_100 = tpu.memref_squeeze %dma_wait3A_99 : memref<1x80x128xf32, #tpu.memory_space<vmem>> -> memref<80x128xf32, #tpu.memory_space<vmem>>
    tpu.wait_dma2 semaphore(%dma_wait3A_93 : memref<!tpu.dma_semaphore, #tpu.memory_space<semaphore_mem>>) src(%dma_wait3A_100 : memref<80x128xf32, #tpu.memory_space<vmem>>) dst(%dma_wait3A_96 : memref<80x128xf32, #tpu.memory_space<hbm>>)
    %dma_wait3A_101 = arith.constant 1 : i32
    %dma_wait3A_102 = arith.constant 1 : i32
    %dma_wait3A_103 = arith.constant 0 : i32
    %dma_wait3A_104 = arith.constant 0 : i32
    %dma_wait3A_105 = tpu.memref_slice %arg10[%dma_wait3A_101, %dma_wait3A_103, %dma_wait3A_104] : memref<3x80x128xf32, #tpu.memory_space<vmem>> -> memref<1x80x128xf32, #tpu.memory_space<vmem>>
    %dma_wait3A_106 = tpu.memref_squeeze %dma_wait3A_105 : memref<1x80x128xf32, #tpu.memory_space<vmem>> -> memref<80x128xf32, #tpu.memory_space<vmem>>
    %dma_wait3A_107 = arith.constant 0 : i32
    %dma_wait3A_108 = arith.constant 0 : i32
    %dma_wait3A_109 = tpu.memref_slice %arg6[%dma_wait3A_107, %dma_wait3A_108] : memref<320000x128xf32, #tpu.memory_space<hbm>> -> memref<80x128xf32, #tpu.memory_space<hbm>>
    %dma_wait3A_110 = tpu.memref_slice %arg14[%dma_wait3A_102] : memref<3x!tpu.dma_semaphore, #tpu.memory_space<semaphore_mem>> -> memref<1x!tpu.dma_semaphore, #tpu.memory_space<semaphore_mem>>
    %dma_wait3A_111 = tpu.memref_squeeze %dma_wait3A_110 : memref<1x!tpu.dma_semaphore, #tpu.memory_space<semaphore_mem>> -> memref<!tpu.dma_semaphore, #tpu.memory_space<semaphore_mem>>
    %dma_wait3A_112 = arith.constant 0 : i32
    %dma_wait3A_113 = arith.constant 0 : i32
    %dma_wait3A_114 = tpu.memref_slice %arg6[%dma_wait3A_112, %dma_wait3A_113] : memref<320000x128xf32, #tpu.memory_space<hbm>> -> memref<80x128xf32, #tpu.memory_space<hbm>>
    %dma_wait3A_115 = arith.constant 0 : i32
    %dma_wait3A_116 = arith.constant 0 : i32
    %dma_wait3A_117 = tpu.memref_slice %arg10[%dma_wait3A_101, %dma_wait3A_115, %dma_wait3A_116] : memref<3x80x128xf32, #tpu.memory_space<vmem>> -> memref<1x80x128xf32, #tpu.memory_space<vmem>>
    %dma_wait3A_118 = tpu.memref_squeeze %dma_wait3A_117 : memref<1x80x128xf32, #tpu.memory_space<vmem>> -> memref<80x128xf32, #tpu.memory_space<vmem>>
    tpu.wait_dma2 semaphore(%dma_wait3A_111 : memref<!tpu.dma_semaphore, #tpu.memory_space<semaphore_mem>>) src(%dma_wait3A_118 : memref<80x128xf32, #tpu.memory_space<vmem>>) dst(%dma_wait3A_114 : memref<80x128xf32, #tpu.memory_space<hbm>>)
    %dma_wait3A_119 = arith.constant 1 : i32
    %dma_wait3A_120 = arith.constant 1 : i32
    %dma_wait3A_121 = arith.constant 0 : i32
    %dma_wait3A_122 = arith.constant 0 : i32
    %dma_wait3A_123 = tpu.memref_slice %arg11[%dma_wait3A_119, %dma_wait3A_121, %dma_wait3A_122] : memref<3x80x128xf32, #tpu.memory_space<vmem>> -> memref<1x80x128xf32, #tpu.memory_space<vmem>>
    %dma_wait3A_124 = tpu.memref_squeeze %dma_wait3A_123 : memref<1x80x128xf32, #tpu.memory_space<vmem>> -> memref<80x128xf32, #tpu.memory_space<vmem>>
    %dma_wait3A_125 = arith.constant 0 : i32
    %dma_wait3A_126 = arith.constant 0 : i32
    %dma_wait3A_127 = tpu.memref_slice %arg7[%dma_wait3A_125, %dma_wait3A_126] : memref<320000x128xf32, #tpu.memory_space<hbm>> -> memref<80x128xf32, #tpu.memory_space<hbm>>
    %dma_wait3A_128 = tpu.memref_slice %arg15[%dma_wait3A_120] : memref<3x!tpu.dma_semaphore, #tpu.memory_space<semaphore_mem>> -> memref<1x!tpu.dma_semaphore, #tpu.memory_space<semaphore_mem>>
    %dma_wait3A_129 = tpu.memref_squeeze %dma_wait3A_128 : memref<1x!tpu.dma_semaphore, #tpu.memory_space<semaphore_mem>> -> memref<!tpu.dma_semaphore, #tpu.memory_space<semaphore_mem>>
    %dma_wait3A_130 = arith.constant 0 : i32
    %dma_wait3A_131 = arith.constant 0 : i32
    %dma_wait3A_132 = tpu.memref_slice %arg7[%dma_wait3A_130, %dma_wait3A_131] : memref<320000x128xf32, #tpu.memory_space<hbm>> -> memref<80x128xf32, #tpu.memory_space<hbm>>
    %dma_wait3A_133 = arith.constant 0 : i32
    %dma_wait3A_134 = arith.constant 0 : i32
    %dma_wait3A_135 = tpu.memref_slice %arg11[%dma_wait3A_119, %dma_wait3A_133, %dma_wait3A_134] : memref<3x80x128xf32, #tpu.memory_space<vmem>> -> memref<1x80x128xf32, #tpu.memory_space<vmem>>
    %dma_wait3A_136 = tpu.memref_squeeze %dma_wait3A_135 : memref<1x80x128xf32, #tpu.memory_space<vmem>> -> memref<80x128xf32, #tpu.memory_space<vmem>>
    tpu.wait_dma2 semaphore(%dma_wait3A_129 : memref<!tpu.dma_semaphore, #tpu.memory_space<semaphore_mem>>) src(%dma_wait3A_136 : memref<80x128xf32, #tpu.memory_space<vmem>>) dst(%dma_wait3A_132 : memref<80x128xf32, #tpu.memory_space<hbm>>)
    %dma_wait3A_137 = arith.constant 2 : i32
    %dma_wait3A_138 = arith.constant 2 : i32
    %dma_wait3A_139 = arith.constant 0 : i32
    %dma_wait3A_140 = arith.constant 0 : i32
    %dma_wait3A_141 = tpu.memref_slice %arg10[%dma_wait3A_137, %dma_wait3A_139, %dma_wait3A_140] : memref<3x80x128xf32, #tpu.memory_space<vmem>> -> memref<1x80x128xf32, #tpu.memory_space<vmem>>
    %dma_wait3A_142 = tpu.memref_squeeze %dma_wait3A_141 : memref<1x80x128xf32, #tpu.memory_space<vmem>> -> memref<80x128xf32, #tpu.memory_space<vmem>>
    %dma_wait3A_143 = arith.constant 0 : i32
    %dma_wait3A_144 = arith.constant 0 : i32
    %dma_wait3A_145 = tpu.memref_slice %arg6[%dma_wait3A_143, %dma_wait3A_144] : memref<320000x128xf32, #tpu.memory_space<hbm>> -> memref<80x128xf32, #tpu.memory_space<hbm>>
    %dma_wait3A_146 = tpu.memref_slice %arg14[%dma_wait3A_138] : memref<3x!tpu.dma_semaphore, #tpu.memory_space<semaphore_mem>> -> memref<1x!tpu.dma_semaphore, #tpu.memory_space<semaphore_mem>>
    %dma_wait3A_147 = tpu.memref_squeeze %dma_wait3A_146 : memref<1x!tpu.dma_semaphore, #tpu.memory_space<semaphore_mem>> -> memref<!tpu.dma_semaphore, #tpu.memory_space<semaphore_mem>>
    %dma_wait3A_148 = arith.constant 0 : i32
    %dma_wait3A_149 = arith.constant 0 : i32
    %dma_wait3A_150 = tpu.memref_slice %arg6[%dma_wait3A_148, %dma_wait3A_149] : memref<320000x128xf32, #tpu.memory_space<hbm>> -> memref<80x128xf32, #tpu.memory_space<hbm>>
    %dma_wait3A_151 = arith.constant 0 : i32
    %dma_wait3A_152 = arith.constant 0 : i32
    %dma_wait3A_153 = tpu.memref_slice %arg10[%dma_wait3A_137, %dma_wait3A_151, %dma_wait3A_152] : memref<3x80x128xf32, #tpu.memory_space<vmem>> -> memref<1x80x128xf32, #tpu.memory_space<vmem>>
    %dma_wait3A_154 = tpu.memref_squeeze %dma_wait3A_153 : memref<1x80x128xf32, #tpu.memory_space<vmem>> -> memref<80x128xf32, #tpu.memory_space<vmem>>
    tpu.wait_dma2 semaphore(%dma_wait3A_147 : memref<!tpu.dma_semaphore, #tpu.memory_space<semaphore_mem>>) src(%dma_wait3A_154 : memref<80x128xf32, #tpu.memory_space<vmem>>) dst(%dma_wait3A_150 : memref<80x128xf32, #tpu.memory_space<hbm>>)
    %dma_wait3A_155 = arith.constant 2 : i32
    %dma_wait3A_156 = arith.constant 2 : i32
    %dma_wait3A_157 = arith.constant 0 : i32
    %dma_wait3A_158 = arith.constant 0 : i32
    %dma_wait3A_159 = tpu.memref_slice %arg11[%dma_wait3A_155, %dma_wait3A_157, %dma_wait3A_158] : memref<3x80x128xf32, #tpu.memory_space<vmem>> -> memref<1x80x128xf32, #tpu.memory_space<vmem>>
    %dma_wait3A_160 = tpu.memref_squeeze %dma_wait3A_159 : memref<1x80x128xf32, #tpu.memory_space<vmem>> -> memref<80x128xf32, #tpu.memory_space<vmem>>
    %dma_wait3A_161 = arith.constant 0 : i32
    %dma_wait3A_162 = arith.constant 0 : i32
    %dma_wait3A_163 = tpu.memref_slice %arg7[%dma_wait3A_161, %dma_wait3A_162] : memref<320000x128xf32, #tpu.memory_space<hbm>> -> memref<80x128xf32, #tpu.memory_space<hbm>>
    %dma_wait3A_164 = tpu.memref_slice %arg15[%dma_wait3A_156] : memref<3x!tpu.dma_semaphore, #tpu.memory_space<semaphore_mem>> -> memref<1x!tpu.dma_semaphore, #tpu.memory_space<semaphore_mem>>
    %dma_wait3A_165 = tpu.memref_squeeze %dma_wait3A_164 : memref<1x!tpu.dma_semaphore, #tpu.memory_space<semaphore_mem>> -> memref<!tpu.dma_semaphore, #tpu.memory_space<semaphore_mem>>
    %dma_wait3A_166 = arith.constant 0 : i32
    %dma_wait3A_167 = arith.constant 0 : i32
    %dma_wait3A_168 = tpu.memref_slice %arg7[%dma_wait3A_166, %dma_wait3A_167] : memref<320000x128xf32, #tpu.memory_space<hbm>> -> memref<80x128xf32, #tpu.memory_space<hbm>>
    %dma_wait3A_169 = arith.constant 0 : i32
    %dma_wait3A_170 = arith.constant 0 : i32
    %dma_wait3A_171 = tpu.memref_slice %arg11[%dma_wait3A_155, %dma_wait3A_169, %dma_wait3A_170] : memref<3x80x128xf32, #tpu.memory_space<vmem>> -> memref<1x80x128xf32, #tpu.memory_space<vmem>>
    %dma_wait3A_172 = tpu.memref_squeeze %dma_wait3A_171 : memref<1x80x128xf32, #tpu.memory_space<vmem>> -> memref<80x128xf32, #tpu.memory_space<vmem>>
    tpu.wait_dma2 semaphore(%dma_wait3A_165 : memref<!tpu.dma_semaphore, #tpu.memory_space<semaphore_mem>>) src(%dma_wait3A_172 : memref<80x128xf32, #tpu.memory_space<vmem>>) dst(%dma_wait3A_168 : memref<80x128xf32, #tpu.memory_space<hbm>>)
    return
  }
}

#map = affine_map<(d0, d1) -> (0, 0)>
#map1 = affine_map<(d0, d1) -> (0, 0, 0)>
module attributes {stable_mosaic.version = 14 : i64} {
  func.func @_sc_scatter(%arg0: i32, %arg1: i32, %arg2: memref<320000x64xf32, #tpu.memory_space<hbm>>, %arg3: memref<32x125x80xi32, #tpu.memory_space<hbm>>, %arg4: memref<10000x64xf32, #tpu.memory_space<hbm>>, %arg5: memref<2x10000x64xf32, #tpu.memory_space<hbm>>, %arg6: memref<125x80xi32, #tpu.memory_space<vmem>>, %arg7: memref<3x80x64xf32, #tpu.memory_space<vmem>>, %arg8: memref<10000x64xf32, #tpu.memory_space<vmem_shared>>, %arg9: memref<3x!tpu.dma_semaphore, #tpu.memory_space<semaphore_mem>>, %arg10: memref<3x!tpu.dma_semaphore, #tpu.memory_space<semaphore_mem>>) attributes {dimension_semantics = [#tpu.dimension_semantics<core_parallel>, #tpu.dimension_semantics<subcore_parallel>], iteration_bounds = array<i64: 2, 16>, scalar_prefetch = 0 : i64, scratch_operands = 5 : i64, tpu.core_type = #tpu.core_type<sc_vector_subcore>, window_params = [{transform_indices = #map}, {transform_indices = #map1}, {transform_indices = #map}, {transform_indices = #map1}]} {
    %mul3A = arith.constant 2 : i32
    %mul3A_0 = arith.muli %arg1, %mul3A : i32
    %add3A = arith.addi %mul3A_0, %arg0 : i32
    %eq3A = arith.constant 0 : i32
    %eq3A_1 = arith.cmpi eq, %arg1, %eq3A : i32
    %convert_element_type3A = arith.extui %eq3A_1 : i1 to i32
    %cond3A = arith.constant 0 : i32
    %cond3A_2 = arith.cmpi ne, %convert_element_type3A, %cond3A : i32
    scf.if %cond3A_2 {
      "tpu.region"() ({
        %run_scoped3A = tpu.sem_alloc : memref<!tpu.dma_semaphore, #tpu.memory_space<semaphore_mem>>
        tpu.enqueue_dma source(%arg4 : memref<10000x64xf32, #tpu.memory_space<hbm>>) target(%arg8 : memref<10000x64xf32, #tpu.memory_space<vmem_shared>>) target_semaphore(%run_scoped3A : memref<!tpu.dma_semaphore, #tpu.memory_space<semaphore_mem>>)
        tpu.wait_dma2 semaphore(%run_scoped3A : memref<!tpu.dma_semaphore, #tpu.memory_space<semaphore_mem>>) src(%arg4 : memref<10000x64xf32, #tpu.memory_space<hbm>>) dst(%arg8 : memref<10000x64xf32, #tpu.memory_space<vmem_shared>>)
        tpu.yield
      }) : () -> ()
    } else {
    }
    "tpu.region"() ({
      %run_scoped3A = tpu.sem_alloc : memref<!tpu.dma_semaphore, #tpu.memory_space<semaphore_mem>>
      %dma_start3A_98 = arith.constant 0 : i32
      %dma_start3A_99 = arith.constant 0 : i32
      %dma_start3A_100 = tpu.memref_slice %arg3[%add3A, %dma_start3A_98, %dma_start3A_99] : memref<32x125x80xi32, #tpu.memory_space<hbm>> -> memref<1x125x80xi32, #tpu.memory_space<hbm>>
      %dma_start3A_101 = tpu.memref_squeeze %dma_start3A_100 : memref<1x125x80xi32, #tpu.memory_space<hbm>> -> memref<125x80xi32, #tpu.memory_space<hbm>>
      %dma_start3A_102 = arith.constant 0 : i32
      %dma_start3A_103 = arith.constant 0 : i32
      %dma_start3A_104 = tpu.memref_slice %arg3[%add3A, %dma_start3A_102, %dma_start3A_103] : memref<32x125x80xi32, #tpu.memory_space<hbm>> -> memref<1x125x80xi32, #tpu.memory_space<hbm>>
      %dma_start3A_105 = tpu.memref_squeeze %dma_start3A_104 : memref<1x125x80xi32, #tpu.memory_space<hbm>> -> memref<125x80xi32, #tpu.memory_space<hbm>>
      tpu.enqueue_dma source(%dma_start3A_105 : memref<125x80xi32, #tpu.memory_space<hbm>>) target(%arg6 : memref<125x80xi32, #tpu.memory_space<vmem>>) target_semaphore(%run_scoped3A : memref<!tpu.dma_semaphore, #tpu.memory_space<semaphore_mem>>)
      %dma_wait3A_106 = arith.constant 0 : i32
      %dma_wait3A_107 = arith.constant 0 : i32
      %dma_wait3A_108 = tpu.memref_slice %arg3[%add3A, %dma_wait3A_106, %dma_wait3A_107] : memref<32x125x80xi32, #tpu.memory_space<hbm>> -> memref<1x125x80xi32, #tpu.memory_space<hbm>>
      %dma_wait3A_109 = tpu.memref_squeeze %dma_wait3A_108 : memref<1x125x80xi32, #tpu.memory_space<hbm>> -> memref<125x80xi32, #tpu.memory_space<hbm>>
      %dma_wait3A_110 = arith.constant 0 : i32
      %dma_wait3A_111 = arith.constant 0 : i32
      %dma_wait3A_112 = tpu.memref_slice %arg3[%add3A, %dma_wait3A_110, %dma_wait3A_111] : memref<32x125x80xi32, #tpu.memory_space<hbm>> -> memref<1x125x80xi32, #tpu.memory_space<hbm>>
      %dma_wait3A_113 = tpu.memref_squeeze %dma_wait3A_112 : memref<1x125x80xi32, #tpu.memory_space<hbm>> -> memref<125x80xi32, #tpu.memory_space<hbm>>
      tpu.wait_dma2 semaphore(%run_scoped3A : memref<!tpu.dma_semaphore, #tpu.memory_space<semaphore_mem>>) src(%dma_wait3A_113 : memref<125x80xi32, #tpu.memory_space<hbm>>) dst(%arg6 : memref<125x80xi32, #tpu.memory_space<vmem>>)
      tpu.yield
    }) : () -> ()
    %barrier3A = arith.constant 0 : index
    tpu.barrier barrier_id(%barrier3A)
    %mul3A_3 = arith.constant 10000 : i32
    %mul3A_4 = arith.muli %add3A, %mul3A_3 : i32
    %add3A_5 = arith.constant 0 : i32
    %add3A_6 = arith.addi %mul3A_4, %add3A_5 : i32
    %dma_start3A = arith.constant 0 : i32
    %dma_start3A_7 = arith.constant 0 : i32
    %dma_start3A_8 = arith.constant 0 : i32
    %dma_start3A_9 = arith.constant 0 : i32
    %dma_start3A_10 = tpu.memref_slice %arg7[%dma_start3A, %dma_start3A_8, %dma_start3A_9] : memref<3x80x64xf32, #tpu.memory_space<vmem>> -> memref<1x80x64xf32, #tpu.memory_space<vmem>>
    %dma_start3A_11 = tpu.memref_squeeze %dma_start3A_10 : memref<1x80x64xf32, #tpu.memory_space<vmem>> -> memref<80x64xf32, #tpu.memory_space<vmem>>
    %dma_start3A_12 = arith.constant 0 : i32
    %dma_start3A_13 = tpu.memref_slice %arg2[%add3A_6, %dma_start3A_12] : memref<320000x64xf32, #tpu.memory_space<hbm>> -> memref<80x64xf32, #tpu.memory_space<hbm>>
    %dma_start3A_14 = tpu.memref_slice %arg9[%dma_start3A_7] : memref<3x!tpu.dma_semaphore, #tpu.memory_space<semaphore_mem>> -> memref<1x!tpu.dma_semaphore, #tpu.memory_space<semaphore_mem>>
    %dma_start3A_15 = tpu.memref_squeeze %dma_start3A_14 : memref<1x!tpu.dma_semaphore, #tpu.memory_space<semaphore_mem>> -> memref<!tpu.dma_semaphore, #tpu.memory_space<semaphore_mem>>
    %dma_start3A_16 = arith.constant 0 : i32
    %dma_start3A_17 = arith.constant 0 : i32
    %dma_start3A_18 = tpu.memref_slice %arg7[%dma_start3A, %dma_start3A_16, %dma_start3A_17] : memref<3x80x64xf32, #tpu.memory_space<vmem>> -> memref<1x80x64xf32, #tpu.memory_space<vmem>>
    %dma_start3A_19 = tpu.memref_squeeze %dma_start3A_18 : memref<1x80x64xf32, #tpu.memory_space<vmem>> -> memref<80x64xf32, #tpu.memory_space<vmem>>
    %dma_start3A_20 = arith.constant 0 : i32
    %dma_start3A_21 = tpu.memref_slice %arg2[%add3A_6, %dma_start3A_20] : memref<320000x64xf32, #tpu.memory_space<hbm>> -> memref<80x64xf32, #tpu.memory_space<hbm>>
    tpu.enqueue_dma source(%dma_start3A_21 : memref<80x64xf32, #tpu.memory_space<hbm>>) target(%dma_start3A_19 : memref<80x64xf32, #tpu.memory_space<vmem>>) target_semaphore(%dma_start3A_15 : memref<!tpu.dma_semaphore, #tpu.memory_space<semaphore_mem>>)
    %mul3A_22 = arith.constant 10000 : i32
    %mul3A_23 = arith.muli %add3A, %mul3A_22 : i32
    %add3A_24 = arith.constant 80 : i32
    %add3A_25 = arith.addi %mul3A_23, %add3A_24 : i32
    %dma_start3A_26 = arith.constant 1 : i32
    %dma_start3A_27 = arith.constant 1 : i32
    %dma_start3A_28 = arith.constant 0 : i32
    %dma_start3A_29 = arith.constant 0 : i32
    %dma_start3A_30 = tpu.memref_slice %arg7[%dma_start3A_26, %dma_start3A_28, %dma_start3A_29] : memref<3x80x64xf32, #tpu.memory_space<vmem>> -> memref<1x80x64xf32, #tpu.memory_space<vmem>>
    %dma_start3A_31 = tpu.memref_squeeze %dma_start3A_30 : memref<1x80x64xf32, #tpu.memory_space<vmem>> -> memref<80x64xf32, #tpu.memory_space<vmem>>
    %dma_start3A_32 = arith.constant 0 : i32
    %dma_start3A_33 = tpu.memref_slice %arg2[%add3A_25, %dma_start3A_32] : memref<320000x64xf32, #tpu.memory_space<hbm>> -> memref<80x64xf32, #tpu.memory_space<hbm>>
    %dma_start3A_34 = tpu.memref_slice %arg9[%dma_start3A_27] : memref<3x!tpu.dma_semaphore, #tpu.memory_space<semaphore_mem>> -> memref<1x!tpu.dma_semaphore, #tpu.memory_space<semaphore_mem>>
    %dma_start3A_35 = tpu.memref_squeeze %dma_start3A_34 : memref<1x!tpu.dma_semaphore, #tpu.memory_space<semaphore_mem>> -> memref<!tpu.dma_semaphore, #tpu.memory_space<semaphore_mem>>
    %dma_start3A_36 = arith.constant 0 : i32
    %dma_start3A_37 = arith.constant 0 : i32
    %dma_start3A_38 = tpu.memref_slice %arg7[%dma_start3A_26, %dma_start3A_36, %dma_start3A_37] : memref<3x80x64xf32, #tpu.memory_space<vmem>> -> memref<1x80x64xf32, #tpu.memory_space<vmem>>
    %dma_start3A_39 = tpu.memref_squeeze %dma_start3A_38 : memref<1x80x64xf32, #tpu.memory_space<vmem>> -> memref<80x64xf32, #tpu.memory_space<vmem>>
    %dma_start3A_40 = arith.constant 0 : i32
    %dma_start3A_41 = tpu.memref_slice %arg2[%add3A_25, %dma_start3A_40] : memref<320000x64xf32, #tpu.memory_space<hbm>> -> memref<80x64xf32, #tpu.memory_space<hbm>>
    tpu.enqueue_dma source(%dma_start3A_41 : memref<80x64xf32, #tpu.memory_space<hbm>>) target(%dma_start3A_39 : memref<80x64xf32, #tpu.memory_space<vmem>>) target_semaphore(%dma_start3A_35 : memref<!tpu.dma_semaphore, #tpu.memory_space<semaphore_mem>>)
    %scan3A = arith.constant 0 : i32
    %scan3A_42 = arith.constant 0 : i32
    %scan3A_43 = arith.constant 125 : i32
    %scan3A_44 = arith.addi %scan3A_42, %scan3A_43 : i32
    %scan3A_45 = arith.constant 1 : i32
    %scan3A_46 = scf.for %scan3A_98 = %scan3A_42 to %scan3A_44 step %scan3A_45 iter_args(%scan3A_99 = %scan3A) -> (i32)  : i32 {
      %rem3A = arith.constant 3 : i32
      %rem3A_100 = arith.remsi %scan3A_98, %rem3A : i32
      %add3A_101 = arith.constant 2 : i32
      %add3A_102 = arith.addi %scan3A_98, %add3A_101 : i32
      %rem3A_103 = arith.constant 3 : i32
      %rem3A_104 = arith.remsi %add3A_102, %rem3A_103 : i32
      %dma_wait3A_105 = arith.constant 0 : i32
      %dma_wait3A_106 = arith.constant 0 : i32
      %dma_wait3A_107 = tpu.memref_slice %arg7[%rem3A_100, %dma_wait3A_105, %dma_wait3A_106] : memref<3x80x64xf32, #tpu.memory_space<vmem>> -> memref<1x80x64xf32, #tpu.memory_space<vmem>>
      %dma_wait3A_108 = tpu.memref_squeeze %dma_wait3A_107 : memref<1x80x64xf32, #tpu.memory_space<vmem>> -> memref<80x64xf32, #tpu.memory_space<vmem>>
      %dma_wait3A_109 = arith.constant 0 : i32
      %dma_wait3A_110 = arith.constant 0 : i32
      %dma_wait3A_111 = tpu.memref_slice %arg2[%dma_wait3A_109, %dma_wait3A_110] : memref<320000x64xf32, #tpu.memory_space<hbm>> -> memref<80x64xf32, #tpu.memory_space<hbm>>
      %dma_wait3A_112 = tpu.memref_slice %arg9[%rem3A_100] : memref<3x!tpu.dma_semaphore, #tpu.memory_space<semaphore_mem>> -> memref<1x!tpu.dma_semaphore, #tpu.memory_space<semaphore_mem>>
      %dma_wait3A_113 = tpu.memref_squeeze %dma_wait3A_112 : memref<1x!tpu.dma_semaphore, #tpu.memory_space<semaphore_mem>> -> memref<!tpu.dma_semaphore, #tpu.memory_space<semaphore_mem>>
      %dma_wait3A_114 = arith.constant 0 : i32
      %dma_wait3A_115 = arith.constant 0 : i32
      %dma_wait3A_116 = tpu.memref_slice %arg7[%rem3A_100, %dma_wait3A_114, %dma_wait3A_115] : memref<3x80x64xf32, #tpu.memory_space<vmem>> -> memref<1x80x64xf32, #tpu.memory_space<vmem>>
      %dma_wait3A_117 = tpu.memref_squeeze %dma_wait3A_116 : memref<1x80x64xf32, #tpu.memory_space<vmem>> -> memref<80x64xf32, #tpu.memory_space<vmem>>
      %dma_wait3A_118 = arith.constant 0 : i32
      %dma_wait3A_119 = arith.constant 0 : i32
      %dma_wait3A_120 = tpu.memref_slice %arg2[%dma_wait3A_118, %dma_wait3A_119] : memref<320000x64xf32, #tpu.memory_space<hbm>> -> memref<80x64xf32, #tpu.memory_space<hbm>>
      tpu.wait_dma2 semaphore(%dma_wait3A_113 : memref<!tpu.dma_semaphore, #tpu.memory_space<semaphore_mem>>) src(%dma_wait3A_120 : memref<80x64xf32, #tpu.memory_space<hbm>>) dst(%dma_wait3A_117 : memref<80x64xf32, #tpu.memory_space<vmem>>)
      %add3A_121 = arith.constant 2 : i32
      %add3A_122 = arith.addi %scan3A_98, %add3A_121 : i32
      %lt3A = arith.constant 125 : i32
      %lt3A_123 = arith.cmpi slt, %add3A_122, %lt3A : i32
      %convert_element_type3A_124 = arith.extui %lt3A_123 : i1 to i32
      %cond3A_125 = arith.constant 0 : i32
      %cond3A_126 = arith.cmpi ne, %convert_element_type3A_124, %cond3A_125 : i32
      scf.if %cond3A_126 {
        %ge3A = arith.constant 1 : i32
        %ge3A_140 = arith.cmpi sge, %scan3A_98, %ge3A : i32
        %convert_element_type3A_141 = arith.extui %ge3A_140 : i1 to i32
        %cond3A_142 = arith.constant 0 : i32
        %cond3A_143 = arith.cmpi ne, %convert_element_type3A_141, %cond3A_142 : i32
        scf.if %cond3A_143 {
          %dma_wait3A_165 = arith.constant 0 : i32
          %dma_wait3A_166 = arith.constant 0 : i32
          %dma_wait3A_167 = arith.constant 0 : i32
          %dma_wait3A_168 = tpu.memref_slice %arg7[%rem3A_104, %dma_wait3A_166, %dma_wait3A_167] : memref<3x80x64xf32, #tpu.memory_space<vmem>> -> memref<1x80x64xf32, #tpu.memory_space<vmem>>
          %dma_wait3A_169 = tpu.memref_squeeze %dma_wait3A_168 : memref<1x80x64xf32, #tpu.memory_space<vmem>> -> memref<80x64xf32, #tpu.memory_space<vmem>>
          %dma_wait3A_170 = arith.constant 0 : i32
          %dma_wait3A_171 = tpu.memref_slice %arg6[%dma_wait3A_165, %dma_wait3A_170] : memref<125x80xi32, #tpu.memory_space<vmem>> -> memref<1x80xi32, #tpu.memory_space<vmem>>
          %dma_wait3A_172 = tpu.memref_squeeze %dma_wait3A_171 : memref<1x80xi32, #tpu.memory_space<vmem>> -> memref<80xi32, #tpu.memory_space<vmem>>
          %dma_wait3A_173 = arith.constant 0 : i32
          %dma_wait3A_174 = arith.constant 0 : i32
          %dma_wait3A_175 = tpu.memref_slice %arg8[%dma_wait3A_173, %dma_wait3A_174] : memref<10000x64xf32, #tpu.memory_space<vmem_shared>> -> memref<10000x64xf32, #tpu.memory_space<vmem_shared>>
          %dma_wait3A_176 = tpu.memref_slice %arg10[%rem3A_104] : memref<3x!tpu.dma_semaphore, #tpu.memory_space<semaphore_mem>> -> memref<1x!tpu.dma_semaphore, #tpu.memory_space<semaphore_mem>>
          %dma_wait3A_177 = tpu.memref_squeeze %dma_wait3A_176 : memref<1x!tpu.dma_semaphore, #tpu.memory_space<semaphore_mem>> -> memref<!tpu.dma_semaphore, #tpu.memory_space<semaphore_mem>>
          tpu.wait_indirect_dma semaphore(%dma_wait3A_177 : memref<!tpu.dma_semaphore, #tpu.memory_space<semaphore_mem>>) src(%dma_wait3A_169 : memref<80x64xf32, #tpu.memory_space<vmem>>) dst(%dma_wait3A_175 : memref<10000x64xf32, #tpu.memory_space<vmem_shared>>)
        } else {
        }
        %add3A_144 = arith.constant 2 : i32
        %add3A_145 = arith.addi %scan3A_98, %add3A_144 : i32
        %mul3A_146 = arith.constant 10000 : i32
        %mul3A_147 = arith.muli %add3A, %mul3A_146 : i32
        %mul3A_148 = arith.constant 80 : i32
        %mul3A_149 = arith.muli %add3A_145, %mul3A_148 : i32
        %add3A_150 = arith.addi %mul3A_147, %mul3A_149 : i32
        %dma_start3A_151 = arith.constant 0 : i32
        %dma_start3A_152 = arith.constant 0 : i32
        %dma_start3A_153 = tpu.memref_slice %arg7[%rem3A_104, %dma_start3A_151, %dma_start3A_152] : memref<3x80x64xf32, #tpu.memory_space<vmem>> -> memref<1x80x64xf32, #tpu.memory_space<vmem>>
        %dma_start3A_154 = tpu.memref_squeeze %dma_start3A_153 : memref<1x80x64xf32, #tpu.memory_space<vmem>> -> memref<80x64xf32, #tpu.memory_space<vmem>>
        %dma_start3A_155 = arith.constant 0 : i32
        %dma_start3A_156 = tpu.memref_slice %arg2[%add3A_150, %dma_start3A_155] : memref<320000x64xf32, #tpu.memory_space<hbm>> -> memref<80x64xf32, #tpu.memory_space<hbm>>
        %dma_start3A_157 = tpu.memref_slice %arg9[%rem3A_104] : memref<3x!tpu.dma_semaphore, #tpu.memory_space<semaphore_mem>> -> memref<1x!tpu.dma_semaphore, #tpu.memory_space<semaphore_mem>>
        %dma_start3A_158 = tpu.memref_squeeze %dma_start3A_157 : memref<1x!tpu.dma_semaphore, #tpu.memory_space<semaphore_mem>> -> memref<!tpu.dma_semaphore, #tpu.memory_space<semaphore_mem>>
        %dma_start3A_159 = arith.constant 0 : i32
        %dma_start3A_160 = arith.constant 0 : i32
        %dma_start3A_161 = tpu.memref_slice %arg7[%rem3A_104, %dma_start3A_159, %dma_start3A_160] : memref<3x80x64xf32, #tpu.memory_space<vmem>> -> memref<1x80x64xf32, #tpu.memory_space<vmem>>
        %dma_start3A_162 = tpu.memref_squeeze %dma_start3A_161 : memref<1x80x64xf32, #tpu.memory_space<vmem>> -> memref<80x64xf32, #tpu.memory_space<vmem>>
        %dma_start3A_163 = arith.constant 0 : i32
        %dma_start3A_164 = tpu.memref_slice %arg2[%add3A_150, %dma_start3A_163] : memref<320000x64xf32, #tpu.memory_space<hbm>> -> memref<80x64xf32, #tpu.memory_space<hbm>>
        tpu.enqueue_dma source(%dma_start3A_164 : memref<80x64xf32, #tpu.memory_space<hbm>>) target(%dma_start3A_162 : memref<80x64xf32, #tpu.memory_space<vmem>>) target_semaphore(%dma_start3A_158 : memref<!tpu.dma_semaphore, #tpu.memory_space<semaphore_mem>>)
      } else {
      }
      %dma_start3A_127 = arith.constant 0 : i32
      %dma_start3A_128 = arith.constant 0 : i32
      %dma_start3A_129 = tpu.memref_slice %arg7[%rem3A_100, %dma_start3A_127, %dma_start3A_128] : memref<3x80x64xf32, #tpu.memory_space<vmem>> -> memref<1x80x64xf32, #tpu.memory_space<vmem>>
      %dma_start3A_130 = tpu.memref_squeeze %dma_start3A_129 : memref<1x80x64xf32, #tpu.memory_space<vmem>> -> memref<80x64xf32, #tpu.memory_space<vmem>>
      %dma_start3A_131 = arith.constant 0 : i32
      %dma_start3A_132 = tpu.memref_slice %arg6[%scan3A_98, %dma_start3A_131] : memref<125x80xi32, #tpu.memory_space<vmem>> -> memref<1x80xi32, #tpu.memory_space<vmem>>
      %dma_start3A_133 = tpu.memref_squeeze %dma_start3A_132 : memref<1x80xi32, #tpu.memory_space<vmem>> -> memref<80xi32, #tpu.memory_space<vmem>>
      %dma_start3A_134 = arith.constant 0 : i32
      %dma_start3A_135 = arith.constant 0 : i32
      %dma_start3A_136 = tpu.memref_slice %arg8[%dma_start3A_134, %dma_start3A_135] : memref<10000x64xf32, #tpu.memory_space<vmem_shared>> -> memref<10000x64xf32, #tpu.memory_space<vmem_shared>>
      %dma_start3A_137 = tpu.memref_slice %arg10[%rem3A_100] : memref<3x!tpu.dma_semaphore, #tpu.memory_space<semaphore_mem>> -> memref<1x!tpu.dma_semaphore, #tpu.memory_space<semaphore_mem>>
      %dma_start3A_138 = tpu.memref_squeeze %dma_start3A_137 : memref<1x!tpu.dma_semaphore, #tpu.memory_space<semaphore_mem>> -> memref<!tpu.dma_semaphore, #tpu.memory_space<semaphore_mem>>
      tpu.enqueue_indirect_dma source(%dma_start3A_130 : memref<80x64xf32, #tpu.memory_space<vmem>>) target(%dma_start3A_136 : memref<10000x64xf32, #tpu.memory_space<vmem_shared>>) offsets(%dma_start3A_133 : memref<80xi32, #tpu.memory_space<vmem>>) semaphore(%dma_start3A_138 : memref<!tpu.dma_semaphore, #tpu.memory_space<semaphore_mem>>) {add = true}
      %scan3A_139 = arith.constant 0 : i32
      scf.yield %scan3A_139 : i32
    }
    %scan3A_47 = arith.constant 125 : i32
    %dma_wait3A = arith.constant 0 : i32
    %dma_wait3A_48 = arith.constant 0 : i32
    %dma_wait3A_49 = arith.constant 0 : i32
    %dma_wait3A_50 = arith.constant 0 : i32
    %dma_wait3A_51 = arith.constant 0 : i32
    %dma_wait3A_52 = tpu.memref_slice %arg7[%dma_wait3A, %dma_wait3A_50, %dma_wait3A_51] : memref<3x80x64xf32, #tpu.memory_space<vmem>> -> memref<1x80x64xf32, #tpu.memory_space<vmem>>
    %dma_wait3A_53 = tpu.memref_squeeze %dma_wait3A_52 : memref<1x80x64xf32, #tpu.memory_space<vmem>> -> memref<80x64xf32, #tpu.memory_space<vmem>>
    %dma_wait3A_54 = arith.constant 0 : i32
    %dma_wait3A_55 = tpu.memref_slice %arg6[%dma_wait3A_48, %dma_wait3A_54] : memref<125x80xi32, #tpu.memory_space<vmem>> -> memref<1x80xi32, #tpu.memory_space<vmem>>
    %dma_wait3A_56 = tpu.memref_squeeze %dma_wait3A_55 : memref<1x80xi32, #tpu.memory_space<vmem>> -> memref<80xi32, #tpu.memory_space<vmem>>
    %dma_wait3A_57 = arith.constant 0 : i32
    %dma_wait3A_58 = arith.constant 0 : i32
    %dma_wait3A_59 = tpu.memref_slice %arg8[%dma_wait3A_57, %dma_wait3A_58] : memref<10000x64xf32, #tpu.memory_space<vmem_shared>> -> memref<10000x64xf32, #tpu.memory_space<vmem_shared>>
    %dma_wait3A_60 = tpu.memref_slice %arg10[%dma_wait3A_49] : memref<3x!tpu.dma_semaphore, #tpu.memory_space<semaphore_mem>> -> memref<1x!tpu.dma_semaphore, #tpu.memory_space<semaphore_mem>>
    %dma_wait3A_61 = tpu.memref_squeeze %dma_wait3A_60 : memref<1x!tpu.dma_semaphore, #tpu.memory_space<semaphore_mem>> -> memref<!tpu.dma_semaphore, #tpu.memory_space<semaphore_mem>>
    tpu.wait_indirect_dma semaphore(%dma_wait3A_61 : memref<!tpu.dma_semaphore, #tpu.memory_space<semaphore_mem>>) src(%dma_wait3A_53 : memref<80x64xf32, #tpu.memory_space<vmem>>) dst(%dma_wait3A_59 : memref<10000x64xf32, #tpu.memory_space<vmem_shared>>)
    %dma_wait3A_62 = arith.constant 1 : i32
    %dma_wait3A_63 = arith.constant 0 : i32
    %dma_wait3A_64 = arith.constant 1 : i32
    %dma_wait3A_65 = arith.constant 0 : i32
    %dma_wait3A_66 = arith.constant 0 : i32
    %dma_wait3A_67 = tpu.memref_slice %arg7[%dma_wait3A_62, %dma_wait3A_65, %dma_wait3A_66] : memref<3x80x64xf32, #tpu.memory_space<vmem>> -> memref<1x80x64xf32, #tpu.memory_space<vmem>>
    %dma_wait3A_68 = tpu.memref_squeeze %dma_wait3A_67 : memref<1x80x64xf32, #tpu.memory_space<vmem>> -> memref<80x64xf32, #tpu.memory_space<vmem>>
    %dma_wait3A_69 = arith.constant 0 : i32
    %dma_wait3A_70 = tpu.memref_slice %arg6[%dma_wait3A_63, %dma_wait3A_69] : memref<125x80xi32, #tpu.memory_space<vmem>> -> memref<1x80xi32, #tpu.memory_space<vmem>>
    %dma_wait3A_71 = tpu.memref_squeeze %dma_wait3A_70 : memref<1x80xi32, #tpu.memory_space<vmem>> -> memref<80xi32, #tpu.memory_space<vmem>>
    %dma_wait3A_72 = arith.constant 0 : i32
    %dma_wait3A_73 = arith.constant 0 : i32
    %dma_wait3A_74 = tpu.memref_slice %arg8[%dma_wait3A_72, %dma_wait3A_73] : memref<10000x64xf32, #tpu.memory_space<vmem_shared>> -> memref<10000x64xf32, #tpu.memory_space<vmem_shared>>
    %dma_wait3A_75 = tpu.memref_slice %arg10[%dma_wait3A_64] : memref<3x!tpu.dma_semaphore, #tpu.memory_space<semaphore_mem>> -> memref<1x!tpu.dma_semaphore, #tpu.memory_space<semaphore_mem>>
    %dma_wait3A_76 = tpu.memref_squeeze %dma_wait3A_75 : memref<1x!tpu.dma_semaphore, #tpu.memory_space<semaphore_mem>> -> memref<!tpu.dma_semaphore, #tpu.memory_space<semaphore_mem>>
    tpu.wait_indirect_dma semaphore(%dma_wait3A_76 : memref<!tpu.dma_semaphore, #tpu.memory_space<semaphore_mem>>) src(%dma_wait3A_68 : memref<80x64xf32, #tpu.memory_space<vmem>>) dst(%dma_wait3A_74 : memref<10000x64xf32, #tpu.memory_space<vmem_shared>>)
    %dma_wait3A_77 = arith.constant 2 : i32
    %dma_wait3A_78 = arith.constant 0 : i32
    %dma_wait3A_79 = arith.constant 2 : i32
    %dma_wait3A_80 = arith.constant 0 : i32
    %dma_wait3A_81 = arith.constant 0 : i32
    %dma_wait3A_82 = tpu.memref_slice %arg7[%dma_wait3A_77, %dma_wait3A_80, %dma_wait3A_81] : memref<3x80x64xf32, #tpu.memory_space<vmem>> -> memref<1x80x64xf32, #tpu.memory_space<vmem>>
    %dma_wait3A_83 = tpu.memref_squeeze %dma_wait3A_82 : memref<1x80x64xf32, #tpu.memory_space<vmem>> -> memref<80x64xf32, #tpu.memory_space<vmem>>
    %dma_wait3A_84 = arith.constant 0 : i32
    %dma_wait3A_85 = tpu.memref_slice %arg6[%dma_wait3A_78, %dma_wait3A_84] : memref<125x80xi32, #tpu.memory_space<vmem>> -> memref<1x80xi32, #tpu.memory_space<vmem>>
    %dma_wait3A_86 = tpu.memref_squeeze %dma_wait3A_85 : memref<1x80xi32, #tpu.memory_space<vmem>> -> memref<80xi32, #tpu.memory_space<vmem>>
    %dma_wait3A_87 = arith.constant 0 : i32
    %dma_wait3A_88 = arith.constant 0 : i32
    %dma_wait3A_89 = tpu.memref_slice %arg8[%dma_wait3A_87, %dma_wait3A_88] : memref<10000x64xf32, #tpu.memory_space<vmem_shared>> -> memref<10000x64xf32, #tpu.memory_space<vmem_shared>>
    %dma_wait3A_90 = tpu.memref_slice %arg10[%dma_wait3A_79] : memref<3x!tpu.dma_semaphore, #tpu.memory_space<semaphore_mem>> -> memref<1x!tpu.dma_semaphore, #tpu.memory_space<semaphore_mem>>
    %dma_wait3A_91 = tpu.memref_squeeze %dma_wait3A_90 : memref<1x!tpu.dma_semaphore, #tpu.memory_space<semaphore_mem>> -> memref<!tpu.dma_semaphore, #tpu.memory_space<semaphore_mem>>
    tpu.wait_indirect_dma semaphore(%dma_wait3A_91 : memref<!tpu.dma_semaphore, #tpu.memory_space<semaphore_mem>>) src(%dma_wait3A_83 : memref<80x64xf32, #tpu.memory_space<vmem>>) dst(%dma_wait3A_89 : memref<10000x64xf32, #tpu.memory_space<vmem_shared>>)
    %barrier3A_92 = arith.constant 0 : index
    tpu.barrier barrier_id(%barrier3A_92)
    %eq3A_93 = arith.constant 0 : i32
    %eq3A_94 = arith.cmpi eq, %arg1, %eq3A_93 : i32
    %convert_element_type3A_95 = arith.extui %eq3A_94 : i1 to i32
    %cond3A_96 = arith.constant 0 : i32
    %cond3A_97 = arith.cmpi ne, %convert_element_type3A_95, %cond3A_96 : i32
    scf.if %cond3A_97 {
      "tpu.region"() ({
        %run_scoped3A = tpu.sem_alloc : memref<!tpu.dma_semaphore, #tpu.memory_space<semaphore_mem>>
        %dma_start3A_98 = arith.constant 0 : i32
        %dma_start3A_99 = arith.constant 0 : i32
        %dma_start3A_100 = tpu.memref_slice %arg5[%arg0, %dma_start3A_98, %dma_start3A_99] : memref<2x10000x64xf32, #tpu.memory_space<hbm>> -> memref<1x10000x64xf32, #tpu.memory_space<hbm>>
        %dma_start3A_101 = tpu.memref_squeeze %dma_start3A_100 : memref<1x10000x64xf32, #tpu.memory_space<hbm>> -> memref<10000x64xf32, #tpu.memory_space<hbm>>
        tpu.enqueue_dma source(%arg8 : memref<10000x64xf32, #tpu.memory_space<vmem_shared>>) target(%dma_start3A_101 : memref<10000x64xf32, #tpu.memory_space<hbm>>) target_semaphore(%run_scoped3A : memref<!tpu.dma_semaphore, #tpu.memory_space<semaphore_mem>>)
        %dma_wait3A_102 = arith.constant 0 : i32
        %dma_wait3A_103 = arith.constant 0 : i32
        %dma_wait3A_104 = tpu.memref_slice %arg5[%arg0, %dma_wait3A_102, %dma_wait3A_103] : memref<2x10000x64xf32, #tpu.memory_space<hbm>> -> memref<1x10000x64xf32, #tpu.memory_space<hbm>>
        %dma_wait3A_105 = tpu.memref_squeeze %dma_wait3A_104 : memref<1x10000x64xf32, #tpu.memory_space<hbm>> -> memref<10000x64xf32, #tpu.memory_space<hbm>>
        tpu.wait_dma2 semaphore(%run_scoped3A : memref<!tpu.dma_semaphore, #tpu.memory_space<semaphore_mem>>) src(%arg8 : memref<10000x64xf32, #tpu.memory_space<vmem_shared>>) dst(%dma_wait3A_105 : memref<10000x64xf32, #tpu.memory_space<hbm>>)
        tpu.yield
      }) : () -> ()
    } else {
    }
    return
  }
}

module attributes {stable_mosaic.version = 14 : i64} {
  func.func @_embed_body(%arg0: memref<10000x128xf32, #tpu.memory_space<vmem>>, %arg1: memref<128x64xf32, #tpu.memory_space<vmem>>, %arg2: memref<1x64xf32, #tpu.memory_space<vmem>>, %arg3: memref<128x128xf32, #tpu.memory_space<vmem>>, %arg4: memref<1x128xf32, #tpu.memory_space<vmem>>, %arg5: memref<10000x64xf32, #tpu.memory_space<vmem>>, %arg6: memref<10000x128xf32, #tpu.memory_space<vmem>>, %arg7: memref<10000x128xf32, #tpu.memory_space<vmem>>) attributes {dimension_semantics = [], scalar_prefetch = 0 : i64, scratch_operands = 0 : i64, tpu.core_type = #tpu.core_type<tc>} {
    %get3A = arith.constant 0 : index
    %get3A_0 = arith.constant 0 : index
    %get3A_1 = vector.load %arg0[%get3A, %get3A_0] : memref<10000x128xf32, #tpu.memory_space<vmem>>, vector<10000x128xf32>
    %get3A_2 = arith.constant 0 : index
    %get3A_3 = arith.constant 0 : index
    %get3A_4 = vector.load %arg1[%get3A_2, %get3A_3] : memref<128x64xf32, #tpu.memory_space<vmem>>, vector<128x64xf32>
    %dot_general3A = arith.constant dense<0.000000e+00> : vector<10000x64xf32>
    %dot_general3A_5 = tpu.matmul %get3A_1, %get3A_4, %dot_general3A {dimension_numbers = #tpu.dot_dimension_numbers<[1], [0], [0], [1], [0, 0, 1, 1], [], []>, transpose_lhs_hint = false} : vector<10000x128xf32>, vector<128x64xf32>, vector<10000x64xf32> -> vector<10000x64xf32>
    %get3A_6 = arith.constant 0 : index
    %get3A_7 = arith.constant 0 : index
    %get3A_8 = vector.load %arg2[%get3A_6, %get3A_7] : memref<1x64xf32, #tpu.memory_space<vmem>>, vector<1x64xf32>
    %add3A = vector.broadcast %get3A_8 : vector<1x64xf32> to vector<10000x64xf32>
    %add3A_9 = arith.addf %dot_general3A_5, %add3A : vector<10000x64xf32>
    %swap3A = arith.constant 0 : index
    %swap3A_10 = arith.constant 0 : index
    %swap3A_11 = vector.load %arg5[%swap3A, %swap3A_10] : memref<10000x64xf32, #tpu.memory_space<vmem>>, vector<10000x64xf32>
    tpu.vector_store %arg5[%swap3A, %swap3A_10], %add3A_9 {strides = array<i32>} : memref<10000x64xf32, #tpu.memory_space<vmem>>, vector<10000x64xf32>,
    %get3A_12 = arith.constant 0 : index
    %get3A_13 = arith.constant 0 : index
    %get3A_14 = vector.load %arg3[%get3A_12, %get3A_13] : memref<128x128xf32, #tpu.memory_space<vmem>>, vector<128x128xf32>
    %get3A_15 = arith.constant 0 : index
    %get3A_16 = arith.constant 0 : index
    %get3A_17 = vector.load %arg4[%get3A_15, %get3A_16] : memref<1x128xf32, #tpu.memory_space<vmem>>, vector<1x128xf32>
    %slice3A = vector.extract_strided_slice %get3A_14 {offsets = [0, 0], sizes = [64, 128], strides = [1, 1]} : vector<128x128xf32> to vector<64x128xf32>
    %dot_general3A_18 = arith.constant dense<0.000000e+00> : vector<10000x128xf32>
    %dot_general3A_19 = tpu.matmul %add3A_9, %slice3A, %dot_general3A_18 {dimension_numbers = #tpu.dot_dimension_numbers<[1], [0], [0], [1], [0, 0, 1, 1], [], []>, transpose_lhs_hint = false} : vector<10000x64xf32>, vector<64x128xf32>, vector<10000x128xf32> -> vector<10000x128xf32>
    %add3A_20 = vector.broadcast %get3A_17 : vector<1x128xf32> to vector<10000x128xf32>
    %add3A_21 = arith.addf %dot_general3A_19, %add3A_20 : vector<10000x128xf32>
    %slice3A_22 = vector.extract_strided_slice %get3A_14 {offsets = [64, 0], sizes = [64, 128], strides = [1, 1]} : vector<128x128xf32> to vector<64x128xf32>
    %dot_general3A_23 = arith.constant dense<0.000000e+00> : vector<10000x128xf32>
    %dot_general3A_24 = tpu.matmul %add3A_9, %slice3A_22, %dot_general3A_23 {dimension_numbers = #tpu.dot_dimension_numbers<[1], [0], [0], [1], [0, 0, 1, 1], [], []>, transpose_lhs_hint = false} : vector<10000x64xf32>, vector<64x128xf32>, vector<10000x128xf32> -> vector<10000x128xf32>
    %swap3A_25 = arith.constant 0 : index
    %swap3A_26 = arith.constant 0 : index
    %swap3A_27 = vector.load %arg6[%swap3A_25, %swap3A_26] : memref<10000x128xf32, #tpu.memory_space<vmem>>, vector<10000x128xf32>
    tpu.vector_store %arg6[%swap3A_25, %swap3A_26], %add3A_21 {strides = array<i32>} : memref<10000x128xf32, #tpu.memory_space<vmem>>, vector<10000x128xf32>,
    %swap3A_28 = arith.constant 0 : index
    %swap3A_29 = arith.constant 0 : index
    %swap3A_30 = vector.load %arg7[%swap3A_28, %swap3A_29] : memref<10000x128xf32, #tpu.memory_space<vmem>>, vector<10000x128xf32>
    tpu.vector_store %arg7[%swap3A_28, %swap3A_29], %dot_general3A_24 {strides = array<i32>} : memref<10000x128xf32, #tpu.memory_space<vmem>>, vector<10000x128xf32>,
    return
  }
}

module attributes {stable_mosaic.version = 14 : i64} {
  func.func @_edge_body(%arg0: i32, %arg1: memref<8000x128xf32, #tpu.memory_space<vmem>>, %arg2: memref<8000x128xf32, #tpu.memory_space<vmem>>, %arg3: memref<64x128xf32, #tpu.memory_space<vmem>>, %arg4: memref<1x128xf32, #tpu.memory_space<vmem>>, %arg5: memref<64x64xf32, #tpu.memory_space<vmem>>, %arg6: memref<1x64xf32, #tpu.memory_space<vmem>>, %arg7: memref<8000x64xf32, #tpu.memory_space<vmem>>) attributes {dimension_semantics = [#tpu.dimension_semantics<arbitrary>], iteration_bounds = array<i64: 40>, scalar_prefetch = 0 : i64, scratch_operands = 0 : i64, tpu.core_type = #tpu.core_type<tc>, window_params = [{transform_indices = @transform_0, window_bounds = array<i64: 8000, 128>}, {transform_indices = @transform_1, window_bounds = array<i64: 8000, 128>}, {pipeline_mode = #tpu.pipeline_mode<synchronous>, transform_indices = @transform_2, window_bounds = array<i64: 64, 128>}, {pipeline_mode = #tpu.pipeline_mode<synchronous>, transform_indices = @transform_3, window_bounds = array<i64: 1, 128>}, {pipeline_mode = #tpu.pipeline_mode<synchronous>, transform_indices = @transform_4, window_bounds = array<i64: 64, 64>}, {pipeline_mode = #tpu.pipeline_mode<synchronous>, transform_indices = @transform_5, window_bounds = array<i64: 1, 64>}, {transform_indices = @transform_6, window_bounds = array<i64: 8000, 64>}]} {
    %get3A = arith.constant 0 : index
    %get3A_0 = arith.constant 0 : index
    %get3A_1 = vector.load %arg1[%get3A, %get3A_0] : memref<8000x128xf32, #tpu.memory_space<vmem>>, vector<8000x128xf32>
    %get3A_2 = arith.constant 0 : index
    %get3A_3 = arith.constant 0 : index
    %get3A_4 = vector.load %arg2[%get3A_2, %get3A_3] : memref<8000x128xf32, #tpu.memory_space<vmem>>, vector<8000x128xf32>
    %add3A = arith.addf %get3A_1, %get3A_4 : vector<8000x128xf32>
    %split3A = vector.extract_strided_slice %add3A {offsets = [0, 0], sizes = [8000, 64], strides = [1, 1]} : vector<8000x128xf32> to vector<8000x64xf32>
    %split3A_5 = vector.extract_strided_slice %add3A {offsets = [0, 64], sizes = [8000, 64], strides = [1, 1]} : vector<8000x128xf32> to vector<8000x64xf32>
    %logistic3A = arith.negf %split3A : vector<8000x64xf32>
    %logistic3A_6 = math.exp %logistic3A : vector<8000x64xf32>
    %logistic3A_7 = arith.constant 1.000000e+00 : f32
    %logistic3A_8 = vector.broadcast %logistic3A_7 : f32 to vector<8000x64xf32>
    %logistic3A_9 = arith.addf %logistic3A_8, %logistic3A_6 : vector<8000x64xf32>
    %logistic3A_10 = arith.divf %logistic3A_8, %logistic3A_9 : vector<8000x64xf32>
    %mul3A = arith.mulf %split3A, %logistic3A_10 : vector<8000x64xf32>
    %logistic3A_11 = arith.negf %split3A_5 : vector<8000x64xf32>
    %logistic3A_12 = math.exp %logistic3A_11 : vector<8000x64xf32>
    %logistic3A_13 = arith.constant 1.000000e+00 : f32
    %logistic3A_14 = vector.broadcast %logistic3A_13 : f32 to vector<8000x64xf32>
    %logistic3A_15 = arith.addf %logistic3A_14, %logistic3A_12 : vector<8000x64xf32>
    %logistic3A_16 = arith.divf %logistic3A_14, %logistic3A_15 : vector<8000x64xf32>
    %mul3A_17 = arith.mulf %mul3A, %logistic3A_16 : vector<8000x64xf32>
    %get3A_18 = arith.constant 0 : index
    %get3A_19 = arith.constant 0 : index
    %get3A_20 = vector.load %arg3[%get3A_18, %get3A_19] : memref<64x128xf32, #tpu.memory_space<vmem>>, vector<64x128xf32>
    %dot_general3A = arith.constant dense<0.000000e+00> : vector<8000x128xf32>
    %dot_general3A_21 = tpu.matmul %mul3A_17, %get3A_20, %dot_general3A {dimension_numbers = #tpu.dot_dimension_numbers<[1], [0], [0], [1], [0, 0, 1, 1], [], []>, transpose_lhs_hint = false} : vector<8000x64xf32>, vector<64x128xf32>, vector<8000x128xf32> -> vector<8000x128xf32>
    %get3A_22 = arith.constant 0 : index
    %get3A_23 = arith.constant 0 : index
    %get3A_24 = vector.load %arg4[%get3A_22, %get3A_23] : memref<1x128xf32, #tpu.memory_space<vmem>>, vector<1x128xf32>
    %add3A_25 = vector.broadcast %get3A_24 : vector<1x128xf32> to vector<8000x128xf32>
    %add3A_26 = arith.addf %dot_general3A_21, %add3A_25 : vector<8000x128xf32>
    %split3A_27 = vector.extract_strided_slice %add3A_26 {offsets = [0, 0], sizes = [8000, 64], strides = [1, 1]} : vector<8000x128xf32> to vector<8000x64xf32>
    %split3A_28 = vector.extract_strided_slice %add3A_26 {offsets = [0, 64], sizes = [8000, 64], strides = [1, 1]} : vector<8000x128xf32> to vector<8000x64xf32>
    %logistic3A_29 = arith.negf %split3A_27 : vector<8000x64xf32>
    %logistic3A_30 = math.exp %logistic3A_29 : vector<8000x64xf32>
    %logistic3A_31 = arith.constant 1.000000e+00 : f32
    %logistic3A_32 = vector.broadcast %logistic3A_31 : f32 to vector<8000x64xf32>
    %logistic3A_33 = arith.addf %logistic3A_32, %logistic3A_30 : vector<8000x64xf32>
    %logistic3A_34 = arith.divf %logistic3A_32, %logistic3A_33 : vector<8000x64xf32>
    %mul3A_35 = arith.mulf %split3A_27, %logistic3A_34 : vector<8000x64xf32>
    %logistic3A_36 = arith.negf %split3A_28 : vector<8000x64xf32>
    %logistic3A_37 = math.exp %logistic3A_36 : vector<8000x64xf32>
    %logistic3A_38 = arith.constant 1.000000e+00 : f32
    %logistic3A_39 = vector.broadcast %logistic3A_38 : f32 to vector<8000x64xf32>
    %logistic3A_40 = arith.addf %logistic3A_39, %logistic3A_37 : vector<8000x64xf32>
    %logistic3A_41 = arith.divf %logistic3A_39, %logistic3A_40 : vector<8000x64xf32>
    %mul3A_42 = arith.mulf %mul3A_35, %logistic3A_41 : vector<8000x64xf32>
    %get3A_43 = arith.constant 0 : index
    %get3A_44 = arith.constant 0 : index
    %get3A_45 = vector.load %arg5[%get3A_43, %get3A_44] : memref<64x64xf32, #tpu.memory_space<vmem>>, vector<64x64xf32>
    %dot_general3A_46 = arith.constant dense<0.000000e+00> : vector<8000x64xf32>
    %dot_general3A_47 = tpu.matmul %mul3A_42, %get3A_45, %dot_general3A_46 {dimension_numbers = #tpu.dot_dimension_numbers<[1], [0], [0], [1], [0, 0, 1, 1], [], []>, transpose_lhs_hint = false} : vector<8000x64xf32>, vector<64x64xf32>, vector<8000x64xf32> -> vector<8000x64xf32>
    %get3A_48 = arith.constant 0 : index
    %get3A_49 = arith.constant 0 : index
    %get3A_50 = vector.load %arg6[%get3A_48, %get3A_49] : memref<1x64xf32, #tpu.memory_space<vmem>>, vector<1x64xf32>
    %add3A_51 = vector.broadcast %get3A_50 : vector<1x64xf32> to vector<8000x64xf32>
    %add3A_52 = arith.addf %dot_general3A_47, %add3A_51 : vector<8000x64xf32>
    %swap3A = arith.constant 0 : index
    %swap3A_53 = arith.constant 0 : index
    %swap3A_54 = vector.load %arg7[%swap3A, %swap3A_53] : memref<8000x64xf32, #tpu.memory_space<vmem>>, vector<8000x64xf32>
    tpu.vector_store %arg7[%swap3A, %swap3A_53], %add3A_52 {strides = array<i32>} : memref<8000x64xf32, #tpu.memory_space<vmem>>, vector<8000x64xf32>,
    return
  }
  func.func @transform_0(%arg0: i32) -> (i32, i32) {
    %c0_i32 = arith.constant 0 : i32
    %c0_i32_0 = arith.constant 0 : i32
    return %arg0, %c0_i32 : i32, i32
  }
  func.func @transform_1(%arg0: i32) -> (i32, i32) {
    %c0_i32 = arith.constant 0 : i32
    %c0_i32_0 = arith.constant 0 : i32
    return %arg0, %c0_i32 : i32, i32
  }
  func.func @transform_2(%arg0: i32) -> (i32, i32) {
    %c0_i32 = arith.constant 0 : i32
    %c0_i32_0 = arith.constant 0 : i32
    %c0_i32_1 = arith.constant 0 : i32
    return %c0_i32, %c0_i32_0 : i32, i32
  }
  func.func @transform_3(%arg0: i32) -> (i32, i32) {
    %c0_i32 = arith.constant 0 : i32
    %c0_i32_0 = arith.constant 0 : i32
    %c0_i32_1 = arith.constant 0 : i32
    return %c0_i32, %c0_i32_0 : i32, i32
  }
  func.func @transform_4(%arg0: i32) -> (i32, i32) {
    %c0_i32 = arith.constant 0 : i32
    %c0_i32_0 = arith.constant 0 : i32
    %c0_i32_1 = arith.constant 0 : i32
    return %c0_i32, %c0_i32_0 : i32, i32
  }
  func.func @transform_5(%arg0: i32) -> (i32, i32) {
    %c0_i32 = arith.constant 0 : i32
    %c0_i32_0 = arith.constant 0 : i32
    %c0_i32_1 = arith.constant 0 : i32
    return %c0_i32, %c0_i32_0 : i32, i32
  }
  func.func @transform_6(%arg0: i32) -> (i32, i32) {
    %c0_i32 = arith.constant 0 : i32
    %c0_i32_0 = arith.constant 0 : i32
    return %arg0, %c0_i32 : i32, i32
  }
}

module attributes {stable_mosaic.version = 14 : i64} {
  func.func @_node_body(%arg0: memref<2x10000x64xf32, #tpu.memory_space<vmem>>, %arg1: memref<10000x64xf32, #tpu.memory_space<vmem>>, %arg2: memref<128x64xf32, #tpu.memory_space<vmem>>, %arg3: memref<1x64xf32, #tpu.memory_space<vmem>>, %arg4: memref<128x128xf32, #tpu.memory_space<vmem>>, %arg5: memref<1x128xf32, #tpu.memory_space<vmem>>, %arg6: memref<10000x64xf32, #tpu.memory_space<vmem>>, %arg7: memref<10000x128xf32, #tpu.memory_space<vmem>>, %arg8: memref<10000x128xf32, #tpu.memory_space<vmem>>) attributes {dimension_semantics = [], scalar_prefetch = 0 : i64, scratch_operands = 0 : i64, tpu.core_type = #tpu.core_type<tc>} {
    %get3A = arith.constant 0 : index
    %get3A_0 = arith.constant 0 : index
    %get3A_1 = arith.constant 0 : index
    %get3A_2 = vector.load %arg0[%get3A, %get3A_0, %get3A_1] : memref<2x10000x64xf32, #tpu.memory_space<vmem>>, vector<1x10000x64xf32>
    %get3A_3 = vector.shape_cast %get3A_2 : vector<1x10000x64xf32> to vector<10000x64xf32>
    %get3A_4 = arith.constant 1 : index
    %get3A_5 = arith.constant 0 : index
    %get3A_6 = arith.constant 0 : index
    %get3A_7 = vector.load %arg0[%get3A_4, %get3A_5, %get3A_6] : memref<2x10000x64xf32, #tpu.memory_space<vmem>>, vector<1x10000x64xf32>
    %get3A_8 = vector.shape_cast %get3A_7 : vector<1x10000x64xf32> to vector<10000x64xf32>
    %add3A = arith.addf %get3A_3, %get3A_8 : vector<10000x64xf32>
    %mul3A = arith.constant 3.1250097E-6 : f32
    %mul3A_9 = vector.broadcast %mul3A : f32 to vector<10000x64xf32>
    %mul3A_10 = arith.mulf %add3A, %mul3A_9 : vector<10000x64xf32>
    %get3A_11 = arith.constant 0 : index
    %get3A_12 = arith.constant 0 : index
    %get3A_13 = vector.load %arg1[%get3A_11, %get3A_12] : memref<10000x64xf32, #tpu.memory_space<vmem>>, vector<10000x64xf32>
    %get3A_14 = arith.constant 0 : index
    %get3A_15 = arith.constant 0 : index
    %get3A_16 = vector.load %arg2[%get3A_14, %get3A_15] : memref<128x64xf32, #tpu.memory_space<vmem>>, vector<128x64xf32>
    %slice3A = vector.extract_strided_slice %get3A_16 {offsets = [0, 0], sizes = [64, 64], strides = [1, 1]} : vector<128x64xf32> to vector<64x64xf32>
    %dot_general3A = arith.constant dense<0.000000e+00> : vector<10000x64xf32>
    %dot_general3A_17 = tpu.matmul %mul3A_10, %slice3A, %dot_general3A {dimension_numbers = #tpu.dot_dimension_numbers<[1], [0], [0], [1], [0, 0, 1, 1], [], []>, transpose_lhs_hint = false} : vector<10000x64xf32>, vector<64x64xf32>, vector<10000x64xf32> -> vector<10000x64xf32>
    %slice3A_18 = vector.extract_strided_slice %get3A_16 {offsets = [64, 0], sizes = [64, 64], strides = [1, 1]} : vector<128x64xf32> to vector<64x64xf32>
    %dot_general3A_19 = arith.constant dense<0.000000e+00> : vector<10000x64xf32>
    %dot_general3A_20 = tpu.matmul %get3A_13, %slice3A_18, %dot_general3A_19 {dimension_numbers = #tpu.dot_dimension_numbers<[1], [0], [0], [1], [0, 0, 1, 1], [], []>, transpose_lhs_hint = false} : vector<10000x64xf32>, vector<64x64xf32>, vector<10000x64xf32> -> vector<10000x64xf32>
    %add3A_21 = arith.addf %dot_general3A_17, %dot_general3A_20 : vector<10000x64xf32>
    %get3A_22 = arith.constant 0 : index
    %get3A_23 = arith.constant 0 : index
    %get3A_24 = vector.load %arg3[%get3A_22, %get3A_23] : memref<1x64xf32, #tpu.memory_space<vmem>>, vector<1x64xf32>
    %add3A_25 = vector.broadcast %get3A_24 : vector<1x64xf32> to vector<10000x64xf32>
    %add3A_26 = arith.addf %add3A_21, %add3A_25 : vector<10000x64xf32>
    %add3A_27 = arith.addf %add3A_26, %get3A_13 : vector<10000x64xf32>
    %swap3A = arith.constant 0 : index
    %swap3A_28 = arith.constant 0 : index
    %swap3A_29 = vector.load %arg6[%swap3A, %swap3A_28] : memref<10000x64xf32, #tpu.memory_space<vmem>>, vector<10000x64xf32>
    tpu.vector_store %arg6[%swap3A, %swap3A_28], %add3A_27 {strides = array<i32>} : memref<10000x64xf32, #tpu.memory_space<vmem>>, vector<10000x64xf32>,
    %get3A_30 = arith.constant 0 : index
    %get3A_31 = arith.constant 0 : index
    %get3A_32 = vector.load %arg4[%get3A_30, %get3A_31] : memref<128x128xf32, #tpu.memory_space<vmem>>, vector<128x128xf32>
    %get3A_33 = arith.constant 0 : index
    %get3A_34 = arith.constant 0 : index
    %get3A_35 = vector.load %arg5[%get3A_33, %get3A_34] : memref<1x128xf32, #tpu.memory_space<vmem>>, vector<1x128xf32>
    %slice3A_36 = vector.extract_strided_slice %get3A_32 {offsets = [0, 0], sizes = [64, 128], strides = [1, 1]} : vector<128x128xf32> to vector<64x128xf32>
    %dot_general3A_37 = arith.constant dense<0.000000e+00> : vector<10000x128xf32>
    %dot_general3A_38 = tpu.matmul %add3A_27, %slice3A_36, %dot_general3A_37 {dimension_numbers = #tpu.dot_dimension_numbers<[1], [0], [0], [1], [0, 0, 1, 1], [], []>, transpose_lhs_hint = false} : vector<10000x64xf32>, vector<64x128xf32>, vector<10000x128xf32> -> vector<10000x128xf32>
    %add3A_39 = vector.broadcast %get3A_35 : vector<1x128xf32> to vector<10000x128xf32>
    %add3A_40 = arith.addf %dot_general3A_38, %add3A_39 : vector<10000x128xf32>
    %slice3A_41 = vector.extract_strided_slice %get3A_32 {offsets = [64, 0], sizes = [64, 128], strides = [1, 1]} : vector<128x128xf32> to vector<64x128xf32>
    %dot_general3A_42 = arith.constant dense<0.000000e+00> : vector<10000x128xf32>
    %dot_general3A_43 = tpu.matmul %add3A_27, %slice3A_41, %dot_general3A_42 {dimension_numbers = #tpu.dot_dimension_numbers<[1], [0], [0], [1], [0, 0, 1, 1], [], []>, transpose_lhs_hint = false} : vector<10000x64xf32>, vector<64x128xf32>, vector<10000x128xf32> -> vector<10000x128xf32>
    %swap3A_44 = arith.constant 0 : index
    %swap3A_45 = arith.constant 0 : index
    %swap3A_46 = vector.load %arg7[%swap3A_44, %swap3A_45] : memref<10000x128xf32, #tpu.memory_space<vmem>>, vector<10000x128xf32>
    tpu.vector_store %arg7[%swap3A_44, %swap3A_45], %add3A_40 {strides = array<i32>} : memref<10000x128xf32, #tpu.memory_space<vmem>>, vector<10000x128xf32>,
    %swap3A_47 = arith.constant 0 : index
    %swap3A_48 = arith.constant 0 : index
    %swap3A_49 = vector.load %arg8[%swap3A_47, %swap3A_48] : memref<10000x128xf32, #tpu.memory_space<vmem>>, vector<10000x128xf32>
    tpu.vector_store %arg8[%swap3A_47, %swap3A_48], %dot_general3A_43 {strides = array<i32>} : memref<10000x128xf32, #tpu.memory_space<vmem>>, vector<10000x128xf32>,
    return
  }
}

module attributes {stable_mosaic.version = 14 : i64} {
  func.func @_final_body(%arg0: memref<2x10000x64xf32, #tpu.memory_space<vmem>>, %arg1: memref<10000x64xf32, #tpu.memory_space<vmem>>, %arg2: memref<128x64xf32, #tpu.memory_space<vmem>>, %arg3: memref<1x64xf32, #tpu.memory_space<vmem>>, %arg4: memref<3x64x128xf32, #tpu.memory_space<vmem>>, %arg5: memref<3x1x128xf32, #tpu.memory_space<vmem>>, %arg6: memref<1x64xf32, #tpu.memory_space<vmem>>, %arg7: memref<1x1xf32, #tpu.memory_space<vmem>>, %arg8: memref<10000x1xf32, #tpu.memory_space<vmem>>) attributes {dimension_semantics = [], scalar_prefetch = 0 : i64, scratch_operands = 0 : i64, tpu.core_type = #tpu.core_type<tc>} {
    %get3A = arith.constant 0 : index
    %get3A_0 = arith.constant 0 : index
    %get3A_1 = arith.constant 0 : index
    %get3A_2 = vector.load %arg0[%get3A, %get3A_0, %get3A_1] : memref<2x10000x64xf32, #tpu.memory_space<vmem>>, vector<1x10000x64xf32>
    %get3A_3 = vector.shape_cast %get3A_2 : vector<1x10000x64xf32> to vector<10000x64xf32>
    %get3A_4 = arith.constant 1 : index
    %get3A_5 = arith.constant 0 : index
    %get3A_6 = arith.constant 0 : index
    %get3A_7 = vector.load %arg0[%get3A_4, %get3A_5, %get3A_6] : memref<2x10000x64xf32, #tpu.memory_space<vmem>>, vector<1x10000x64xf32>
    %get3A_8 = vector.shape_cast %get3A_7 : vector<1x10000x64xf32> to vector<10000x64xf32>
    %add3A = arith.addf %get3A_3, %get3A_8 : vector<10000x64xf32>
    %mul3A = arith.constant 3.1250097E-6 : f32
    %mul3A_9 = vector.broadcast %mul3A : f32 to vector<10000x64xf32>
    %mul3A_10 = arith.mulf %add3A, %mul3A_9 : vector<10000x64xf32>
    %get3A_11 = arith.constant 0 : index
    %get3A_12 = arith.constant 0 : index
    %get3A_13 = vector.load %arg1[%get3A_11, %get3A_12] : memref<10000x64xf32, #tpu.memory_space<vmem>>, vector<10000x64xf32>
    %get3A_14 = arith.constant 0 : index
    %get3A_15 = arith.constant 0 : index
    %get3A_16 = vector.load %arg2[%get3A_14, %get3A_15] : memref<128x64xf32, #tpu.memory_space<vmem>>, vector<128x64xf32>
    %slice3A = vector.extract_strided_slice %get3A_16 {offsets = [0, 0], sizes = [64, 64], strides = [1, 1]} : vector<128x64xf32> to vector<64x64xf32>
    %dot_general3A = arith.constant dense<0.000000e+00> : vector<10000x64xf32>
    %dot_general3A_17 = tpu.matmul %mul3A_10, %slice3A, %dot_general3A {dimension_numbers = #tpu.dot_dimension_numbers<[1], [0], [0], [1], [0, 0, 1, 1], [], []>, transpose_lhs_hint = false} : vector<10000x64xf32>, vector<64x64xf32>, vector<10000x64xf32> -> vector<10000x64xf32>
    %slice3A_18 = vector.extract_strided_slice %get3A_16 {offsets = [64, 0], sizes = [64, 64], strides = [1, 1]} : vector<128x64xf32> to vector<64x64xf32>
    %dot_general3A_19 = arith.constant dense<0.000000e+00> : vector<10000x64xf32>
    %dot_general3A_20 = tpu.matmul %get3A_13, %slice3A_18, %dot_general3A_19 {dimension_numbers = #tpu.dot_dimension_numbers<[1], [0], [0], [1], [0, 0, 1, 1], [], []>, transpose_lhs_hint = false} : vector<10000x64xf32>, vector<64x64xf32>, vector<10000x64xf32> -> vector<10000x64xf32>
    %add3A_21 = arith.addf %dot_general3A_17, %dot_general3A_20 : vector<10000x64xf32>
    %get3A_22 = arith.constant 0 : index
    %get3A_23 = arith.constant 0 : index
    %get3A_24 = vector.load %arg3[%get3A_22, %get3A_23] : memref<1x64xf32, #tpu.memory_space<vmem>>, vector<1x64xf32>
    %add3A_25 = vector.broadcast %get3A_24 : vector<1x64xf32> to vector<10000x64xf32>
    %add3A_26 = arith.addf %add3A_21, %add3A_25 : vector<10000x64xf32>
    %add3A_27 = arith.addf %add3A_26, %get3A_13 : vector<10000x64xf32>
    %get3A_28 = arith.constant 0 : index
    %get3A_29 = arith.constant 0 : index
    %get3A_30 = arith.constant 0 : index
    %get3A_31 = vector.load %arg4[%get3A_28, %get3A_29, %get3A_30] : memref<3x64x128xf32, #tpu.memory_space<vmem>>, vector<1x64x128xf32>
    %get3A_32 = vector.shape_cast %get3A_31 : vector<1x64x128xf32> to vector<64x128xf32>
    %dot_general3A_33 = arith.constant dense<0.000000e+00> : vector<10000x128xf32>
    %dot_general3A_34 = tpu.matmul %add3A_27, %get3A_32, %dot_general3A_33 {dimension_numbers = #tpu.dot_dimension_numbers<[1], [0], [0], [1], [0, 0, 1, 1], [], []>, transpose_lhs_hint = false} : vector<10000x64xf32>, vector<64x128xf32>, vector<10000x128xf32> -> vector<10000x128xf32>
    %get3A_35 = arith.constant 0 : index
    %get3A_36 = arith.constant 0 : index
    %get3A_37 = arith.constant 0 : index
    %get3A_38 = vector.load %arg5[%get3A_35, %get3A_36, %get3A_37] : memref<3x1x128xf32, #tpu.memory_space<vmem>>, vector<1x1x128xf32>
    %get3A_39 = vector.shape_cast %get3A_38 : vector<1x1x128xf32> to vector<1x128xf32>
    %add3A_40 = vector.broadcast %get3A_39 : vector<1x128xf32> to vector<10000x128xf32>
    %add3A_41 = arith.addf %dot_general3A_34, %add3A_40 : vector<10000x128xf32>
    %split3A = vector.extract_strided_slice %add3A_41 {offsets = [0, 0], sizes = [10000, 64], strides = [1, 1]} : vector<10000x128xf32> to vector<10000x64xf32>
    %split3A_42 = vector.extract_strided_slice %add3A_41 {offsets = [0, 64], sizes = [10000, 64], strides = [1, 1]} : vector<10000x128xf32> to vector<10000x64xf32>
    %logistic3A = arith.negf %split3A : vector<10000x64xf32>
    %logistic3A_43 = math.exp %logistic3A : vector<10000x64xf32>
    %logistic3A_44 = arith.constant 1.000000e+00 : f32
    %logistic3A_45 = vector.broadcast %logistic3A_44 : f32 to vector<10000x64xf32>
    %logistic3A_46 = arith.addf %logistic3A_45, %logistic3A_43 : vector<10000x64xf32>
    %logistic3A_47 = arith.divf %logistic3A_45, %logistic3A_46 : vector<10000x64xf32>
    %mul3A_48 = arith.mulf %split3A, %logistic3A_47 : vector<10000x64xf32>
    %logistic3A_49 = arith.negf %split3A_42 : vector<10000x64xf32>
    %logistic3A_50 = math.exp %logistic3A_49 : vector<10000x64xf32>
    %logistic3A_51 = arith.constant 1.000000e+00 : f32
    %logistic3A_52 = vector.broadcast %logistic3A_51 : f32 to vector<10000x64xf32>
    %logistic3A_53 = arith.addf %logistic3A_52, %logistic3A_50 : vector<10000x64xf32>
    %logistic3A_54 = arith.divf %logistic3A_52, %logistic3A_53 : vector<10000x64xf32>
    %mul3A_55 = arith.mulf %mul3A_48, %logistic3A_54 : vector<10000x64xf32>
    %get3A_56 = arith.constant 1 : index
    %get3A_57 = arith.constant 0 : index
    %get3A_58 = arith.constant 0 : index
    %get3A_59 = vector.load %arg4[%get3A_56, %get3A_57, %get3A_58] : memref<3x64x128xf32, #tpu.memory_space<vmem>>, vector<1x64x128xf32>
    %get3A_60 = vector.shape_cast %get3A_59 : vector<1x64x128xf32> to vector<64x128xf32>
    %dot_general3A_61 = arith.constant dense<0.000000e+00> : vector<10000x128xf32>
    %dot_general3A_62 = tpu.matmul %mul3A_55, %get3A_60, %dot_general3A_61 {dimension_numbers = #tpu.dot_dimension_numbers<[1], [0], [0], [1], [0, 0, 1, 1], [], []>, transpose_lhs_hint = false} : vector<10000x64xf32>, vector<64x128xf32>, vector<10000x128xf32> -> vector<10000x128xf32>
    %get3A_63 = arith.constant 1 : index
    %get3A_64 = arith.constant 0 : index
    %get3A_65 = arith.constant 0 : index
    %get3A_66 = vector.load %arg5[%get3A_63, %get3A_64, %get3A_65] : memref<3x1x128xf32, #tpu.memory_space<vmem>>, vector<1x1x128xf32>
    %get3A_67 = vector.shape_cast %get3A_66 : vector<1x1x128xf32> to vector<1x128xf32>
    %add3A_68 = vector.broadcast %get3A_67 : vector<1x128xf32> to vector<10000x128xf32>
    %add3A_69 = arith.addf %dot_general3A_62, %add3A_68 : vector<10000x128xf32>
    %split3A_70 = vector.extract_strided_slice %add3A_69 {offsets = [0, 0], sizes = [10000, 64], strides = [1, 1]} : vector<10000x128xf32> to vector<10000x64xf32>
    %split3A_71 = vector.extract_strided_slice %add3A_69 {offsets = [0, 64], sizes = [10000, 64], strides = [1, 1]} : vector<10000x128xf32> to vector<10000x64xf32>
    %logistic3A_72 = arith.negf %split3A_70 : vector<10000x64xf32>
    %logistic3A_73 = math.exp %logistic3A_72 : vector<10000x64xf32>
    %logistic3A_74 = arith.constant 1.000000e+00 : f32
    %logistic3A_75 = vector.broadcast %logistic3A_74 : f32 to vector<10000x64xf32>
    %logistic3A_76 = arith.addf %logistic3A_75, %logistic3A_73 : vector<10000x64xf32>
    %logistic3A_77 = arith.divf %logistic3A_75, %logistic3A_76 : vector<10000x64xf32>
    %mul3A_78 = arith.mulf %split3A_70, %logistic3A_77 : vector<10000x64xf32>
    %logistic3A_79 = arith.negf %split3A_71 : vector<10000x64xf32>
    %logistic3A_80 = math.exp %logistic3A_79 : vector<10000x64xf32>
    %logistic3A_81 = arith.constant 1.000000e+00 : f32
    %logistic3A_82 = vector.broadcast %logistic3A_81 : f32 to vector<10000x64xf32>
    %logistic3A_83 = arith.addf %logistic3A_82, %logistic3A_80 : vector<10000x64xf32>
    %logistic3A_84 = arith.divf %logistic3A_82, %logistic3A_83 : vector<10000x64xf32>
    %mul3A_85 = arith.mulf %mul3A_78, %logistic3A_84 : vector<10000x64xf32>
    %get3A_86 = arith.constant 2 : index
    %get3A_87 = arith.constant 0 : index
    %get3A_88 = arith.constant 0 : index
    %get3A_89 = vector.load %arg4[%get3A_86, %get3A_87, %get3A_88] : memref<3x64x128xf32, #tpu.memory_space<vmem>>, vector<1x64x128xf32>
    %get3A_90 = vector.shape_cast %get3A_89 : vector<1x64x128xf32> to vector<64x128xf32>
    %dot_general3A_91 = arith.constant dense<0.000000e+00> : vector<10000x128xf32>
    %dot_general3A_92 = tpu.matmul %mul3A_85, %get3A_90, %dot_general3A_91 {dimension_numbers = #tpu.dot_dimension_numbers<[1], [0], [0], [1], [0, 0, 1, 1], [], []>, transpose_lhs_hint = false} : vector<10000x64xf32>, vector<64x128xf32>, vector<10000x128xf32> -> vector<10000x128xf32>
    %get3A_93 = arith.constant 2 : index
    %get3A_94 = arith.constant 0 : index
    %get3A_95 = arith.constant 0 : index
    %get3A_96 = vector.load %arg5[%get3A_93, %get3A_94, %get3A_95] : memref<3x1x128xf32, #tpu.memory_space<vmem>>, vector<1x1x128xf32>
    %get3A_97 = vector.shape_cast %get3A_96 : vector<1x1x128xf32> to vector<1x128xf32>
    %add3A_98 = vector.broadcast %get3A_97 : vector<1x128xf32> to vector<10000x128xf32>
    %add3A_99 = arith.addf %dot_general3A_92, %add3A_98 : vector<10000x128xf32>
    %split3A_100 = vector.extract_strided_slice %add3A_99 {offsets = [0, 0], sizes = [10000, 64], strides = [1, 1]} : vector<10000x128xf32> to vector<10000x64xf32>
    %split3A_101 = vector.extract_strided_slice %add3A_99 {offsets = [0, 64], sizes = [10000, 64], strides = [1, 1]} : vector<10000x128xf32> to vector<10000x64xf32>
    %logistic3A_102 = arith.negf %split3A_100 : vector<10000x64xf32>
    %logistic3A_103 = math.exp %logistic3A_102 : vector<10000x64xf32>
    %logistic3A_104 = arith.constant 1.000000e+00 : f32
    %logistic3A_105 = vector.broadcast %logistic3A_104 : f32 to vector<10000x64xf32>
    %logistic3A_106 = arith.addf %logistic3A_105, %logistic3A_103 : vector<10000x64xf32>
    %logistic3A_107 = arith.divf %logistic3A_105, %logistic3A_106 : vector<10000x64xf32>
    %mul3A_108 = arith.mulf %split3A_100, %logistic3A_107 : vector<10000x64xf32>
    %logistic3A_109 = arith.negf %split3A_101 : vector<10000x64xf32>
    %logistic3A_110 = math.exp %logistic3A_109 : vector<10000x64xf32>
    %logistic3A_111 = arith.constant 1.000000e+00 : f32
    %logistic3A_112 = vector.broadcast %logistic3A_111 : f32 to vector<10000x64xf32>
    %logistic3A_113 = arith.addf %logistic3A_112, %logistic3A_110 : vector<10000x64xf32>
    %logistic3A_114 = arith.divf %logistic3A_112, %logistic3A_113 : vector<10000x64xf32>
    %mul3A_115 = arith.mulf %mul3A_108, %logistic3A_114 : vector<10000x64xf32>
    %get3A_116 = arith.constant 0 : index
    %get3A_117 = arith.constant 0 : index
    %get3A_118 = vector.load %arg6[%get3A_116, %get3A_117] : memref<1x64xf32, #tpu.memory_space<vmem>>, vector<1x64xf32>
    %mul3A_119 = vector.broadcast %get3A_118 : vector<1x64xf32> to vector<10000x64xf32>
    %mul3A_120 = arith.mulf %mul3A_115, %mul3A_119 : vector<10000x64xf32>
    %reduce_sum3A = arith.constant dense<0.000000e+00> : vector<10000xf32>
    %reduce_sum3A_121 = vector.multi_reduction <add>, %mul3A_120, %reduce_sum3A [1] : vector<10000x64xf32> to vector<10000xf32>
    %broadcast_in_dim3A = vector.shape_cast %reduce_sum3A_121 : vector<10000xf32> to vector<10000x1xf32>
    %get3A_122 = arith.constant 0 : index
    %get3A_123 = arith.constant 0 : index
    %get3A_124 = vector.load %arg7[%get3A_122, %get3A_123] : memref<1x1xf32, #tpu.memory_space<vmem>>, vector<1x1xf32>
    %add3A_125 = vector.broadcast %get3A_124 : vector<1x1xf32> to vector<10000x1xf32>
    %add3A_126 = arith.addf %broadcast_in_dim3A, %add3A_125 : vector<10000x1xf32>
    %swap3A = arith.constant 0 : index
    %swap3A_127 = arith.constant 0 : index
    %swap3A_128 = vector.load %arg8[%swap3A, %swap3A_127] : memref<10000x1xf32, #tpu.memory_space<vmem>>, vector<10000x1xf32>
    tpu.vector_store %arg8[%swap3A, %swap3A_127], %add3A_126 {strides = array<i32>} : memref<10000x1xf32, #tpu.memory_space<vmem>>, vector<10000x1xf32>,
    return
  }
}

</mosaic_0001>

<sc_bundles>
// kernel: kernel.15.cloned.1.call-start
scs
__scs_entry_jumppad:
0x0: {  	(pc) =	sbr.rel $0x88, $3  }
0x1: {  	(tag) =	ssettag $0x0;
	lr =	simm.s32 $0x1  }
0x2: {  	[smem:$0x3F91] =	sst lr;
	_ =	strace $0xD0000000  }
0x3: {  	_ = 	snop  }
0x4: {  	_ = 	snop  }
0x5: {  	_ = 	snop  }
0x6: {  	_ = 	snop  }
0x7: {  	_ = 	snop  }
__scs_overlays_trampoline_lowered:
0x8: {  	[smem:$0x3FA0] =	sst s0  }
0x9: {  	[smem:$0x3FA1] =	sst s1  }
0xa: {  	[smem:$0x3FA2] =	sst s2  }
0xb: {  	[smem:$0x3FA3] =	sst s3  }
0xc: {  	[smem:$0x3FA4] =	sst s4  }
0xd: {  	[smem:$0x3FA5] =	sst s5  }
0xe: {  	[smem:$0x3FA6] =	sst s6  }
0xf: {  	[smem:$0x3FA7] =	sst s7  }
0x10: {  	[smem:$0x3FA8] =	sst s8  }
0x11: {  	[smem:$0x3FA9] =	sst s9;
	s0 =	simm.s32 @!p0 $0x0  }
0x12: {  	s1 =	sld [smem:$0x3F8F];
	s0 =	simm.s32 @p0 $0x1  }
0x13: {  	[smem:$0x3FAA] =	sst s0;
	s0 =	simm.s32 @!p1 $0x0  }
0x14: {  	s2 =	sld [smem:$0x3F8E];
	s0 =	simm.s32 @p1 $0x1  }
0x15: {  	[smem:$0x3FAB] =	sst s0;
	s0 =	simm.s32 @!p2 $0x0  }
0x16: {  	s3 =	sld [smem:$0x3FDB];
	s0 =	simm.s32 @p2 $0x1  }
0x17: {  	s4 =	simm.s32 $0x1BF5;
	[smem:$0x3FAD] =	sst s0  }
0x18: {  	s0 =	sld [smem:$0x3F90];
	_ =	swait.ge [sflag:s4], $0x0  }
0x19: {  	s7 =	sld [smem:$0x3F91]  }
0x1a: {  	s8 =	sadd.s32 $0xFFFFE003, lr  }
0x1b: {  	s9 =	sadd.s32 $0xFFFFFEF7, lr;
	s5 =	simm.s32 $0xFFFFFFFF;
	p2 =	slt.u32 s8, $0xFFFFF086  }
0x1c: {  	p1 =	slt.u32 s9, $0xF7A;
	s5 =	simm.s32 @!p2 $0x0  }
0x1d: {  	s5 =	simm.s32 @p1 $0x1;
	p0 =	seq.s32 s7, s2  }
0x1e: {  	s7 =	smul.u32 @!p0 $0xF7A, s2;
	p2 =	seq.s32 @!p0 s5, $0x0  }
0x1f: {  	s9 =	smul.u32 $0xF7A, s1;
	s8 =	simm.s32 @!p0 $0x1BF5;
	p2 =	por !p2, p0  }
0x20: {  	[sflag:s8] =	ssyncset.s32 @!p0 $0xFFFFF086;
	s6 =	sadd.s32 @!p0 s3, s7;
	s7 =	simm.s32 @!p0 $0x108  }
0x21: {  	s3 =	sadd.s32 s3, s9;
	s6 =	sadd.s32 @!p0 $0x88, s6;
	s7 =	simm.s32 @p2 $0x1082  }
0x22: {  	[simem:s7], [sflag:s8] =	dma.local @!p0 [hbm:s6], $0xF7A  }
0x23: {  	s9 =	sor.u32 $0xD0000000, s2;
	s6 =	simm.s32 $0x108;
	_ =	swait.ge @!p0 [sflag:s8], $0x0  }
0x24: {  	s3 =	sadd.s32 $0x88, s3;
	s6 =	simm.s32 @!p1 $0x1082;
	[sflag:s4] =	ssyncset.s32 $0xFFFFF086  }
0x25: {  	[simem:s6], [sflag:s4] =	dma.local [hbm:s3], $0xF7A  }
0x26: {  	[smem:$0x3F91] =	sst s1;
	(tag) =	ssettag s2;
	_ =	strace s9  }
0x27: {  	s1 =	sld [smem:$0x3FA1]  }
0x28: {  	s2 =	sld [smem:$0x3FA2]  }
0x29: {  	s4 =	sld [smem:$0x3FA4]  }
0x2a: {  	p0 =	seq.s32 s5, $0x0;
	s5 =	sld [smem:$0x3FA5]  }
0x2b: {  	s6 =	sld [smem:$0x3FA6]  }
0x2c: {  	s7 =	sld [smem:$0x3FA7]  }
0x2d: {  	s3 =	simm.s32 $0x108;
	s8 =	sld [smem:$0x3FA8]  }
0x2e: {  	s3 =	simm.s32 @!p0 $0x1082;
	s9 =	sld [smem:$0x3FA9]  }
0x2f: {  	lr =	sadd.s32 s0, s3;
	s0 =	sld [smem:$0x3FA0]  }
0x30: {  	s3 =	sld [smem:$0x3FA3]  }
0x31: {  	[smem:$0x3FAC] =	sst s10  }
0x32: {  	s10 =	sld [smem:$0x3FAA];
	_ =	sdelay $0x3  }
0x33: {  	p0 =	seq.s32 s10, $0x1;
	s10 =	sld [smem:$0x3FAC];
	_ =	sdelay $0x3  }
0x34: {  	[smem:$0x3FAC] =	sst s10  }
0x35: {  	s10 =	sld [smem:$0x3FAB];
	_ =	sdelay $0x3  }
0x36: {  	p1 =	seq.s32 s10, $0x1;
	s10 =	sld [smem:$0x3FAC];
	_ =	sdelay $0x3  }
0x37: {  	[smem:$0x3FAC] =	sst s10  }
0x38: {  	s10 =	sld [smem:$0x3FAD]  }
0x39: {  	_ = 	snop;
	(pc) =	sbr.ind lr, $3  }
0x3a: {  	_ = 	snop  }
0x3b: {  	_ = 	snop  }
0x3c: {  	p2 =	seq.s32 s10, $0x1;
	s10 =	sld [smem:$0x3FAC]  }
0x3d: {  	_ =	shalt  }
0x3e: {  	_ =	shalt  }
0x3f: {  	_ =	shalt  }
0x40: {  	_ =	shalt  }
0x41: {  	_ =	shalt  }
0x42: {  	_ =	shalt  }
0x43: {  	_ =	shalt  }
0x44: {  	_ =	shalt  }
0x45: {  	_ =	shalt  }
0x46: {  	_ =	shalt  }
0x47: {  	_ =	shalt  }
0x48: {  	_ =	shalt  }
0x49: {  	_ =	shalt  }
0x4a: {  	_ =	shalt  }
0x4b: {  	_ =	shalt  }
0x4c: {  	_ =	shalt  }
0x4d: {  	_ =	shalt  }
0x4e: {  	_ =	shalt  }
0x4f: {  	_ =	shalt  }
0x50: {  	_ =	shalt  }
0x51: {  	_ =	shalt  }
0x52: {  	_ =	shalt  }
0x53: {  	_ =	shalt  }
0x54: {  	_ =	shalt  }
0x55: {  	_ =	shalt  }
0x56: {  	_ =	shalt  }
0x57: {  	_ =	shalt  }
0x58: {  	_ =	shalt  }
0x59: {  	_ =	shalt  }
0x5a: {  	_ =	shalt  }
0x5b: {  	_ =	shalt  }
0x5c: {  	_ =	shalt  }
0x5d: {  	_ =	shalt  }
0x5e: {  	_ =	shalt  }
0x5f: {  	_ =	shalt  }
0x60: {  	_ =	shalt  }
0x61: {  	_ =	shalt  }
0x62: {  	_ =	shalt  }
0x63: {  	_ =	shalt  }
0x64: {  	_ =	shalt  }
0x65: {  	_ =	shalt  }
0x66: {  	_ =	shalt  }
0x67: {  	_ =	shalt  }
0x68: {  	_ =	shalt  }
0x69: {  	_ =	shalt  }
0x6a: {  	_ =	shalt  }
0x6b: {  	_ =	shalt  }
0x6c: {  	_ =	shalt  }
0x6d: {  	_ =	shalt  }
0x6e: {  	_ =	shalt  }
0x6f: {  	_ =	shalt  }
0x70: {  	_ =	shalt  }
0x71: {  	_ =	shalt  }
0x72: {  	_ =	shalt  }
0x73: {  	_ =	shalt  }
0x74: {  	_ =	shalt  }
0x75: {  	_ =	shalt  }
0x76: {  	_ =	shalt  }
0x77: {  	_ =	shalt  }
0x78: {  	_ =	shalt  }
0x79: {  	_ =	shalt  }
0x7a: {  	_ =	shalt  }
0x7b: {  	_ =	shalt  }
0x7c: {  	_ =	shalt  }
0x7d: {  	_ =	shalt  }
0x7e: {  	_ =	shalt  }
0x7f: {  	_ =	shalt  }
0x80: {  	_ =	shalt  }
0x81: {  	_ =	shalt  }
0x82: {  	_ =	shalt  }
0x83: {  	_ =	shalt  }
0x84: {  	_ =	shalt  }
0x85: {  	_ =	shalt  }
0x86: {  	_ =	shalt  }
0x87: {  	_ =	shalt  }
.Lfunc_end0:
.L_simem_size_0:
called_computation_lowered:
.L_overlay_start_0:
0x88: {  	s2 =	sld [smem:$0x3FD9]  }
0x89: {  	s3 =	sld [smem:$0x3FFE];
	_ =	sdelay $0x1  }
0x8a: {  	s1 =	srdreg.scid  }
0x8b: {  	s0 =	sand.u32 $0x1, s1  }
0x8c: {  	s16 =	sshll.u32 s0, $0xA;
	s2 =	sadd.s32 s3, s2  }
0x8d: {  	s2 =	sadd.s32 s2, s16  }
0x8e: {  	[smem:$0x3FB8] =	sst s2  }
0x8f: {  	_ = 	snop  }
0x90: {  	(tm) =	ssettm $0x1  }
0x91: {  	s17 =	sld [smem:$0x3FFB];
	_ =	sdelay $0x3  }
0x92: {  	_ =	strace s17  }
0x93: {  	s2 =	sld [smem:$0x3FFC];
	_ =	sdelay $0x3  }
0x94: {  	_ =	strace s2  }
0x95: {  	s2 =	sld [smem:$0x3FFD];
	_ =	sdelay $0x3  }
0x96: {  	_ =	strace s2  }
0x97: {  	_ =	strace $0x8FFFFFFF  }
0x98: {  	s18 =	sld [smem:$0x3FDB];
	_ =	sdelay $0x1  }
0x99: {  	s19 =	simm.s32 $_scs_section_size  }
0x9a: {  	s4 =	simm.s32 $_size__tile_overlayer_lowered;
	s5 =	simm.s32 $_tile_overlayer_lowered  }
0x9b: {  	s22 =	simm.s32 $0x1BFF;
	s21 =	sshll.u32 s5, $0x1;
	s2 =	sadd.s32 s19, s18  }
0x9c: {  	s6 =	simm.s32 $0x0;
	s20 =	sshll.u32 s4, $0x1;
	s4 =	sadd.s32 s21, s2  }
0x9d: {  	[timem:s6], [sflag:s22] =	dma.local [hbm:s4], s20  }
0x9e: {  	_ =	swait.ge [sflag:s22], s20  }
0x9f: {  	s3 =	ssub.s32 $0x0, s20;
	[sflag:s22] =	ssyncset.done $0x0  }
0xa0: {  	[sflag:s22] =	ssyncadd.s32 s3;
	_ =	sdelay $0x1  }
0xa1: {  	s23 =	simm.s32 $0x1B8B  }
0xa2: {  	_ =	swait.ge [sflag:s23], $0x1  }
0xa3: {  	[sflag:s23] =	ssyncset.done $0x0  }
0xa4: {  	s25 =	simm.s32 $0x1B8E;
	s24 =	sld [smem:$0x3FFE];
	[sflag:s23] =	ssyncadd.s32 $0xFFFFFFFF  }
0xa5: {  	s26 =	simm.s32 $execute0_lowered;
	[smem:$0x3FD2] =	sst s25  }
0xa6: {  	s4 =	sshll.u32 s26, $0x1;
	_ =	strace $0x80000046;
	[dreg:$0x1] =	wrdreg $0xFFFFFFFF  }
0xa7: {  	s28 =	simm.s32 $_size_execute0_lowered;
	s2 =	sadd.s32 s2, s4;
	[dreg:$0x0] =	wrdreg $0x0  }
0xa8: {  	s4 =	sshll.u32 s28, $0x1;
	[dreg:$0x2] =	wrdreg s2  }
0xa9: {  	[dreg:$0x3] =	wrdreg s4  }
0xaa: {  	[dreg:$0x4] =	wrdreg $0xC0  }
0xab: {  	_ =	task [dreg:s6], $0x5FFFF  }
0xac: {  	[dreg:$0x1] =	wrdreg $0xFFFFFFFF  }
0xad: {  	[dreg:$0x0] =	wrdreg $0x60  }
0xae: {  	[dreg:$0x2] =	wrdreg s24  }
0xaf: {  	[dreg:$0x3] =	wrdreg $0x9  }
0xb0: {  	_ =	task.clear_ibuf [dreg:s6], $0x4FFFF;
	_ =	strace $0x90000046  }
0xb1: {  	s29 =	simm.s32 $0x9;
	_ =	strace $0x80000048  }
0xb2: {  	_ =	swait.ge [sflag:s29], $0x1  }
0xb3: {  	[sflag:s29] =	ssyncadd.s32 $0xFFFFFFFF  }
0xb4: {  	_ =	strace $0x90000048  }
0xb5: {  	_ =	sfence  }
0xb6: {  	s30 =	sld [smem:$0x0];
	_ =	sdelay $0x2  }
0xb7: {  	s31 =	sshll.u32 s1, $0xD;
	s1 =	sshrl.u32 s1, $0x2  }
0xb8: {  	s3 =	sand.u32 $0x4000, s31;
	s1 =	sadd.s32 s1, s30  }
0xb9: {  	s0 =	sor.u32 s3, s0;
	s1 =	sshll.u32 s1, $0x11  }
0xba: {  	s0 =	sor.u32 s1, s0  }
0xbb: {  	s0 =	sadd.s32 $0x8F2B, s0  }
0xbc: {  	[sflag:s0] =	ssyncadd.remote.s32 $0x1  }
0xbd: {  	_ =	sfence.sel $0xFFFF  }
0xbe: {  	[dreg:$0x0] =	wrdreg $0xFFFFFFFF;
	(pc) =	sbr.abs _section_cstart, $3  }
0xbf: {  	[dreg:$0x1] =	wrdreg $0xFFFFFFFF  }
0xc0: {  	_ =	task.clear_ibuf [dreg:s6], $0x2FFFF;
	_ =	strace $0x9FFFFFFF  }
0xc1: {  	(tm) =	ssettm $0x7FFFFFFF  }
tec
execute0_lowered:
.L_overlay_start_1:
0x0: {  	(tag) =	ssettag $0x1  }
0x1: {  	s0 =	rddreg [dreg:$0x0]  }
0x2: {  	s1 =	simm.s32 $0x0;
	s2 =	srdreg.scid;
	s7 =	stileid.u32  }
0x3: {  	s10 =	simm.s32 $0xD;
	s12 =	simm.s32 $0x50;
	s22 =	simm.s32 $0xB  }
0x4: {  	s23 =	simm.s32 $0x9;
	s24 =	simm.s32 $0xC;
	s25 =	simm.s32 $0x0  }
0x5: {  	[smem:$0x7FF] =	sst s1;
	s3 =	sadd.s32 $0x29600, s0;
	s2 =	sand.u32 $0x1, s2  }
0x6: {  	s4 =	sadd.s32 $0x50800, s0;
	s5 =	sshll.u32 s7, $0xC;
	s6 =	sshll.u32 s2, $0xB  }
0x7: {  	s26 =	smul.u32 $0x4E200, s7;
	_ =	strace $0x80000047;
	s5 =	sor.u32 s6, s5  }
0x8: {  	s28 =	ssub.s32 $0x2, s2;
	s2 =	smul.u32 $0x27100, s2;
	s5 =	sadd.s32 s5, s0  }
0x9: {  	s8 =	sshrl.u32 s28, $0x1;
	s0 =	sadd.s32 s26, s0;
	s30 =	sadd.s32 $0x19600, s5  }
0xa: {  	s29 =	ssub.s32 s28, s8;
	s5 =	sadd.s32 $0x9600, s5;
	[dreg:$0x2] =	wrdreg s30  }
0xb: {  	s31 =	smax.u32 s29, $0x1;
	s0 =	sadd.s32 s2, s0;
	[dreg:$0x3] =	wrdreg s5  }
0xc: {  	[dreg:$0x4] =	wrdreg s31;
	s17 =	sadd.s32 $0x9EC00, s0;
	s15 =	sadd.s32 $0x580C00, s0  }
.LBB2_1:
0xd: {  	s0 =	rddreg [dreg:$0x2]  }
0xe: {  	[tilespmem:s1], [sflag:$0xD] =	stream.linear.gather [hbm4b:s0+s1], $0x3E80, $0x38;
	[tilespmem:$0x17000] =	vst v63  }
0xf: {  	_ =	swait.ge [sflag:s10], $0x3E80  }
0x10: {  	[sflag:s10] =	ssyncset.done $0x0  }
0x11: {  	s2 =	simm.s32 $0x4000;
	s8 =	rddreg [dreg:$0x3];
	[sflag:s10] =	ssyncadd.s32 $0xFFFFC180  }
0x12: {  	[tilespmem:s2], [sflag:$0xD] =	stream.linear.gather [hbm4b:s8+s1], $0x3E80, $0x38;
	[tilespmem:$0x17000] =	vst v63  }
0x13: {  	_ =	swait.ge [sflag:s10], $0x3E80  }
0x14: {  	s13 =	simm.s32 $0x2;
	[sflag:s10] =	ssyncset.done $0x0  }
0x15: {  	s9 =	simm.s32 $0x8000;
	s0 =	smul.u32 $0xAB, s13;
	[sflag:s10] =	ssyncadd.s32 $0xFFFFC180  }
0x16: {  	[tilespmem:s9], [sflag:$0x1] =	stream.indirect.gather [hbm4b:s3+s12], $0x80, s1, s12, $0xb8;
	[tilespmem:$0x17000] =	vst v63  }
0x17: {  	s11 =	simm.s32 $0xF800;
	s16 =	sadd.s32 $0xFFFFFEAA, s0  }
0x18: {  	[tilespmem:s11], [sflag:$0x4] =	stream.indirect.gather [hbm4b:s4+s12], $0x80, s2, s12, $0xb8;
	[tilespmem:$0x17000] =	vst v63  }
0x19: {  	s2 =	sshrl.u32 s16, $0x9  }
0x1a: {  	s14 =	simm.s32 $0x80;
	s5 =	simm.s32 $0xA800;
	s2 =	sand.u32 $0x7F, s2  }
0x1b: {  	[tilespmem:s5], [sflag:$0x2] =	stream.indirect.gather [hbm4b:s3+s12], $0x80, s14, s12, $0xb8;
	[tilespmem:$0x17000] =	vst v63  }
0x1c: {  	s18 =	simm.s32 $0x4080;
	s6 =	simm.s32 $0x12000;
	s2 =	smul.u32 $0x3, s2  }
0x1d: {  	[tilespmem:s6], [sflag:$0x5] =	stream.indirect.gather [hbm4b:s4+s12], $0x80, s18, s12, $0xb8;
	[tilespmem:$0x17000] =	vst v63  }
0x1e: {  	s2 =	ssub.s32 $0x0, s2  }
0x1f: {  	s30 =	simm.s32 $0x3;
	p0 =	por $0x0, $0x0;
	s2 =	sand.u32 $0xFF, s2  }
0x20: {  	s28 =	simm.s32 $0x4180;
	s19 =	sshrl.u32 s0, $0x9;
	s7 =	sadd.s32 $0x1, s2  }
0x21: {  	s29 =	simm.s32 $0x180;
	s5 =	sand.u32 $0x7F, s19;
	_ =	swait.ge [sflag:s7], $0x2800  }
0x22: {  	s26 =	sadd.s32 $0x500, s15;
	s5 =	smul.u32 $0x3, s5;
	[sflag:s7] =	ssyncset.done $0x0  }
0x23: {  	p1 =	por @!p0 $0x1, $0x1;
	s20 =	sor.u32 $0x4, s2;
	[sflag:s7] =	ssyncadd.s32 $0xFFFFD800  }
0x24: {  	p1 =	por p1, p0;
	s5 =	ssub.s32 $0x2, s5;
	_ =	swait.ge [sflag:s20], $0x2800  }
0x25: {  	s11 =	smul.u32 $0xAB, s30;
	s8 =	sand.u32 $0xFF, s5;
	[sflag:s20] =	ssyncset.done $0x0  }
0x26: {  	s31 =	sadd.s32 $0x500, s17;
	s5 =	sadd.s32 @!p1 $0x7, s8;
	[sflag:s20] =	ssyncadd.s32 $0xFFFFD800  }
0x27: {  	s13 =	simm.s32 $0x4;
	s19 =	sadd.s32 $0xFFFFFEAA, s11;
	_ =	swait.ge @!p1 [sflag:s5], $0x2800  }
0x28: {  	s0 =	simm.s32 $0x4100;
	s21 =	sshrl.u32 s19, $0x9;
	[sflag:s5] =	ssyncset.done @!p1 $0x0  }
0x29: {  	s9 =	sadd.s32 @!p1 $0xA, s8;
	s7 =	smul.u32 @!p0 $0x2800, s8;
	[sflag:s5] =	ssyncadd.s32 @!p1 $0xFFFFD800  }
0x2a: {  	s6 =	simm.s32 $0x100;
	s14 =	smul.u32 $0x2800, s2;
	_ =	swait.ge @!p1 [sflag:s9], $0x2800  }
0x2b: {  	s16 =	sadd.s32 $0xA, s2;
	s18 =	sadd.s32 @!p0 $0x8000, s7;
	[sflag:s9] =	ssyncset.done @!p1 $0x0  }
0x2c: {  	s5 =	simm.s32 @!p0 $0x50;
	[sflag:s9] =	ssyncadd.s32 @!p1 $0xFFFFD800;
	s9 =	sadd.s32 @!p0 $0x1, s8  }
0x2d: {  	[tilespmem:s18], [sflag:s9] =	stream.indirect.gather @!p0 [hbm4b:s3+s5], $0x80, s6, s5, $0xb8;
	[tilespmem:$0x17000] =	vst v63  }
0x2e: {  	s7 =	sadd.s32 @!p0 $0xF800, s7;
	s18 =	sshrl.u32 s11, $0x9;
	s6 =	sand.u32 $0x7F, s21  }
0x2f: {  	s11 =	sadd.s32 @!p0 $0x4, s8;
	s8 =	smov.u32 s17;
	s9 =	smov.u32 s15  }
.LBB2_2:
0x30: {  	[tilespmem:s7], [sflag:s11] =	stream.indirect.gather @!p0 [hbm4b:s4+s5], $0x80, s0, s5, $0xb8;
	[tilespmem:$0x17000] =	vst v63  }
0x31: {  	s5 =	smov.u32 s30;
	s30 =	smov.u32 s13;
	s0 =	smov.u32 s28  }
0x32: {  	s11 =	sor.u32 $0x8000, s14;
	s2 =	sadd.s32 $0x7, s2;
	s7 =	sadd.s32 $0xFFFFFFFE, s5  }
0x33: {  	[hbm4b:s8+s1] =	stream.linear.scatter [tilespmem:s11], [sflag:s2], $0x2800, $0x38;
	[tilespmem:$0x17000] =	vst v63  }
0x34: {  	s2 =	smul.u32 $0x3, s6;
	p0 =	sgt.u32 s7, $0x7A;
	s6 =	sadd.s32 $0xF800, s14  }
0x35: {  	[hbm4b:s9+s1] =	stream.linear.scatter [tilespmem:s6], [sflag:s16], $0x2800, $0x38;
	[tilespmem:$0x17000] =	vst v63  }
0x36: {  	p2 =	seq.s32 @!p0 s5, $0x2;
	s2 =	ssub.s32 s7, s2;
	s6 =	sand.u32 $0x7F, s18  }
0x37: {  	s13 =	sadd.s32 $0x1, s13;
	s7 =	smov.u32 s29;
	s2 =	sand.u32 $0xFF, s2  }
0x38: {  	p1 =	sne.s32 s13, $0x7F;
	s14 =	smul.u32 $0x2800, s2;
	s11 =	sadd.s32 $0x1, s2  }
0x39: {  	s8 =	smov.u32 s31;
	s9 =	smov.u32 s26;
	_ =	swait.ge [sflag:s11], $0x2800  }
0x3a: {  	s6 =	smul.u32 $0x3, s6;
	[sflag:s11] =	ssyncset.done $0x0  }
0x3b: {  	s28 =	sadd.s32 $0x80, s28;
	[sflag:s11] =	ssyncadd.s32 $0xFFFFD800;
	s11 =	sor.u32 $0x4, s2  }
0x3c: {  	s29 =	sadd.s32 $0x80, s29;
	s5 =	ssub.s32 s5, s6;
	_ =	swait.ge [sflag:s11], $0x2800  }
0x3d: {  	p2 =	por p2, p0;
	s19 =	sand.u32 $0xFF, s5;
	[sflag:s11] =	ssyncset.done $0x0  }
0x3e: {  	s26 =	sadd.s32 $0x500, s26;
	s6 =	sadd.s32 @!p2 $0x7, s19;
	[sflag:s11] =	ssyncadd.s32 $0xFFFFD800  }
0x3f: {  	s31 =	sadd.s32 $0x500, s31;
	s16 =	sadd.s32 $0xA, s2;
	_ =	swait.ge @!p2 [sflag:s6], $0x2800  }
0x40: {  	s5 =	simm.s32 @!p0 $0x50;
	s11 =	smul.u32 @!p0 $0x2800, s19;
	[sflag:s6] =	ssyncset.done @!p2 $0x0  }
0x41: {  	s18 =	smul.u32 $0xAB, s30;
	[sflag:s6] =	ssyncadd.s32 @!p2 $0xFFFFD800;
	s6 =	sadd.s32 @!p2 $0xA, s19  }
.Ltmp0:
0x42: {  	s20 =	sadd.s32 @!p0 $0x8000, s11;
	_ =	swait.ge @!p2 [sflag:s6], $0x2800;
	(pc) =	sbr.rel @p1 .LBB2_2-.Ltmp0, $4  }
0x43: {  	s21 =	sadd.s32 $0xFFFFFEAA, s18;
	s18 =	sshrl.u32 s18, $0x9;
	[sflag:s6] =	ssyncset.done @!p2 $0x0  }
0x44: {  	s21 =	sshrl.u32 s21, $0x9;
	[sflag:s6] =	ssyncadd.s32 @!p2 $0xFFFFD800;
	s6 =	sadd.s32 @!p0 $0x1, s19  }
0x45: {  	[tilespmem:s20], [sflag:s6] =	stream.indirect.gather @!p0 [hbm4b:s3+s5], $0x80, s7, s5, $0xb8;
	[tilespmem:$0x17000] =	vst v63  }
0x46: {  	s6 =	sand.u32 $0x7F, s21;
	s7 =	sadd.s32 @!p0 $0xF800, s11;
	s11 =	sadd.s32 @!p0 $0x4, s19  }
0x47: {  	[tilespmem:s7], [sflag:s11] =	stream.indirect.gather @!p0 [hbm4b:s4+s5], $0x80, s0, s5, $0xb8;
	[tilespmem:$0x17000] =	vst v63  }
0x48: {  	s5 =	sor.u32 $0x8000, s14  }
0x49: {  	s2 =	sadd.s32 $0x7, s2;
	s7 =	smul.u32 $0x3, s6;
	s11 =	sadd.s32 $0xFFFFFFFE, s30  }
0x4a: {  	[hbm4b:s8+s1] =	stream.linear.scatter [tilespmem:s5], [sflag:s2], $0x2800, $0x38;
	[tilespmem:$0x17000] =	vst v63  }
0x4b: {  	s0 =	ssub.s32 s11, s7  }
0x4c: {  	s8 =	sadd.s32 $0xF800, s14;
	s0 =	sand.u32 $0xFF, s0  }
0x4d: {  	[hbm4b:s9+s1] =	stream.linear.scatter [tilespmem:s8], [sflag:s16], $0x2800, $0x38;
	[tilespmem:$0x17000] =	vst v63  }
0x4e: {  	s13 =	sadd.s32 $0x1, s0  }
0x4f: {  	s14 =	sand.u32 $0x7F, s18;
	_ =	swait.ge [sflag:s13], $0x2800  }
0x50: {  	s6 =	smul.u32 $0x3, s14;
	[sflag:s13] =	ssyncset.done $0x0  }
0x51: {  	p0 =	sgt.u32 s11, $0x7A;
	s16 =	sor.u32 $0x4, s0;
	[sflag:s13] =	ssyncadd.s32 $0xFFFFD800  }
0x52: {  	p1 =	seq.s32 @!p0 s30, $0x2;
	s18 =	ssub.s32 s30, s6;
	_ =	swait.ge [sflag:s16], $0x2800  }
0x53: {  	p1 =	por p1, p0;
	s5 =	sand.u32 $0xFF, s18;
	[sflag:s16] =	ssyncset.done $0x0  }
0x54: {  	s2 =	sadd.s32 @!p1 $0x7, s5;
	[sflag:s16] =	ssyncadd.s32 $0xFFFFD800  }
0x55: {  	_ =	swait.ge @!p1 [sflag:s2], $0x2800  }
0x56: {  	[sflag:s2] =	ssyncset.done @!p1 $0x0  }
0x57: {  	[sflag:s2] =	ssyncadd.s32 @!p1 $0xFFFFD800;
	s2 =	sadd.s32 @!p1 $0xA, s5  }
0x58: {  	s6 =	smul.u32 @!p0 $0x2800, s5;
	_ =	swait.ge @!p1 [sflag:s2], $0x2800  }
0x59: {  	s7 =	simm.s32 @!p0 $0x50;
	[sflag:s2] =	ssyncset.done @!p1 $0x0  }
0x5a: {  	s8 =	sadd.s32 @!p0 $0x8000, s6;
	[sflag:s2] =	ssyncadd.s32 @!p1 $0xFFFFD800;
	s2 =	sadd.s32 @!p0 $0x1, s5  }
0x5b: {  	[tilespmem:s8], [sflag:s2] =	stream.indirect.gather @!p0 [hbm4b:s3+s7], $0x80, s29, s7, $0xb8;
	[tilespmem:$0x17000] =	vst v63  }
0x5c: {  	s19 =	smul.u32 $0x2800, s0;
	s6 =	sadd.s32 @!p0 $0xF800, s6;
	s5 =	sadd.s32 @!p0 $0x4, s5  }
0x5d: {  	[tilespmem:s6], [sflag:s5] =	stream.indirect.gather @!p0 [hbm4b:s4+s7], $0x80, s28, s7, $0xb8;
	[tilespmem:$0x17000] =	vst v63  }
0x5e: {  	s21 =	sadd.s32 $0x7, s0;
	s20 =	sor.u32 $0x8000, s19  }
0x5f: {  	[hbm4b:s31+s1] =	stream.linear.scatter [tilespmem:s20], [sflag:s21], $0x2800, $0x38;
	[tilespmem:$0x17000] =	vst v63  }
0x60: {  	s0 =	sadd.s32 $0xA, s0;
	s2 =	sadd.s32 $0xF800, s19;
	s28 =	simm.s32 $0x7  }
0x61: {  	[hbm4b:s26+s1] =	stream.linear.scatter [tilespmem:s2], [sflag:s0], $0x2800, $0x38;
	[tilespmem:$0x17000] =	vst v63  }
0x62: {  	_ =	swait.ge [sflag:s28], $0x2800  }
0x63: {  	[sflag:s28] =	ssyncset.done $0x0  }
0x64: {  	s29 =	simm.s32 $0xA;
	[sflag:s28] =	ssyncadd.s32 $0xFFFFD800  }
0x65: {  	_ =	swait.ge [sflag:s29], $0x2800  }
0x66: {  	[sflag:s29] =	ssyncset.done $0x0  }
0x67: {  	s30 =	simm.s32 $0x8;
	[sflag:s29] =	ssyncadd.s32 $0xFFFFD800  }
0x68: {  	_ =	swait.ge [sflag:s30], $0x2800  }
0x69: {  	[sflag:s30] =	ssyncset.done $0x0  }
0x6a: {  	[sflag:s30] =	ssyncadd.s32 $0xFFFFD800  }
0x6b: {  	_ =	swait.ge [sflag:s22], $0x2800  }
0x6c: {  	[sflag:s22] =	ssyncset.done $0x0  }
0x6d: {  	[sflag:s22] =	ssyncadd.s32 $0xFFFFD800  }
0x6e: {  	_ =	swait.ge [sflag:s23], $0x2800  }
0x6f: {  	[sflag:s23] =	ssyncset.done $0x0  }
0x70: {  	[sflag:s23] =	ssyncadd.s32 $0xFFFFD800  }
0x71: {  	_ =	swait.ge [sflag:s24], $0x2800  }
0x72: {  	s25 =	sadd.s32 $0x1, s25;
	s31 =	rddreg [dreg:$0x4]  }
0x73: {  	p0 =	sne.s32 s25, s31  }
.Ltmp1:
0x74: {  	_ = 	snop;
	(pc) =	sbr.rel @p0 .LBB2_1-.Ltmp1, $3  }
0x75: {  	_ =	sdelay $0x1  }
0x76: {  	[sflag:s24] =	ssyncset.done $0x0  }
0x77: {  	[sflag:s24] =	ssyncadd.s32 $0xFFFFD800  }
0x78: {  	_ =	sfence.sel $0x180000  }
0x79: {  	[bflag:$0x0] =	sbarrier.arrive $0xFFFF  }
0x7a: {  	_ =	strace $0x90000047  }
0x7b: {  	s0 =	stileid.u32;
	[bflag:$0x2] =	sbarrier.arrive $0xFFFF  }
0x7c: {  	p0 =	sne.s32 s0, $0x0;
	s0 =	rddreg [dreg:$0x1]  }
0x7d: {  	s0 =	sadd.s32 @!p0 $0x100000, s0  }
0x7e: {  	[sflag:s0] =	ssyncadd.tile.s32 @!p0 $0x1;
	_ =	shalt  }
.Lfunc_end2:
_tile_overlayer_lowered:
.L_overlay_start_2:
0x7f: {  	(tag) =	ssettag $0x2  }
0x80: {  	s0 =	rddreg [dreg:$0x0];
	s2 =	stileid.u32  }
0x81: {  	s1 =	rddreg [dreg:$0x1];
	p0 =	sne.s32 s2, $0x0  }
0x82: {  	s3 =	rddreg [dreg:$0x2];
	[bflag:$0x3] =	sbarrier.arrive $0xFFFF;
	s2 =	simm.s32 @!p0 $0x1C0D  }
0x83: {  	[timem:s3], [sflag:s2] =	dma.local @!p0 [hbm:s0], s1  }
0x84: {  	s0 =	simm.s32 @!p0 $0xD  }
0x85: {  	_ =	swait.ge @!p0 [sflag:s0], s1  }
0x86: {  	s1 =	ssub.s32 @!p0 $0x0, s1;
	[sflag:s0] =	ssyncset.done @!p0 $0x0  }
0x87: {  	[sflag:s0] =	ssyncadd.s32 @!p0 s1  }
0x88: {  	[bflag:$0x3] =	sbarrier.arrive $0xFFFF  }
0x89: {  	_ =	shalt  }

// kernel: kernel.18.cloned.1.call-start
scs
__scs_entry_jumppad:
0x0: {  	(pc) =	sbr.rel $0x88, $3  }
0x1: {  	(tag) =	ssettag $0x0;
	lr =	simm.s32 $0x1  }
0x2: {  	[smem:$0x3F91] =	sst lr;
	_ =	strace $0xD0000000  }
0x3: {  	_ = 	snop  }
0x4: {  	_ = 	snop  }
0x5: {  	_ = 	snop  }
0x6: {  	_ = 	snop  }
0x7: {  	_ = 	snop  }
__scs_overlays_trampoline_lowered:
0x8: {  	[smem:$0x3FA0] =	sst s0  }
0x9: {  	[smem:$0x3FA1] =	sst s1  }
0xa: {  	[smem:$0x3FA2] =	sst s2  }
0xb: {  	[smem:$0x3FA3] =	sst s3  }
0xc: {  	[smem:$0x3FA4] =	sst s4  }
0xd: {  	[smem:$0x3FA5] =	sst s5  }
0xe: {  	[smem:$0x3FA6] =	sst s6  }
0xf: {  	[smem:$0x3FA7] =	sst s7  }
0x10: {  	[smem:$0x3FA8] =	sst s8  }
0x11: {  	[smem:$0x3FA9] =	sst s9;
	s0 =	simm.s32 @!p0 $0x0  }
0x12: {  	s1 =	sld [smem:$0x3F8F];
	s0 =	simm.s32 @p0 $0x1  }
0x13: {  	[smem:$0x3FAA] =	sst s0;
	s0 =	simm.s32 @!p1 $0x0  }
0x14: {  	s2 =	sld [smem:$0x3F8E];
	s0 =	simm.s32 @p1 $0x1  }
0x15: {  	[smem:$0x3FAB] =	sst s0;
	s0 =	simm.s32 @!p2 $0x0  }
0x16: {  	s3 =	sld [smem:$0x3FDB];
	s0 =	simm.s32 @p2 $0x1  }
0x17: {  	s4 =	simm.s32 $0x1BF5;
	[smem:$0x3FAD] =	sst s0  }
0x18: {  	s0 =	sld [smem:$0x3F90];
	_ =	swait.ge [sflag:s4], $0x0  }
0x19: {  	s7 =	sld [smem:$0x3F91]  }
0x1a: {  	s8 =	sadd.s32 $0xFFFFE003, lr  }
0x1b: {  	s9 =	sadd.s32 $0xFFFFFEF7, lr;
	s5 =	simm.s32 $0xFFFFFFFF;
	p2 =	slt.u32 s8, $0xFFFFF086  }
0x1c: {  	p1 =	slt.u32 s9, $0xF7A;
	s5 =	simm.s32 @!p2 $0x0  }
0x1d: {  	s5 =	simm.s32 @p1 $0x1;
	p0 =	seq.s32 s7, s2  }
0x1e: {  	s7 =	smul.u32 @!p0 $0xF7A, s2;
	p2 =	seq.s32 @!p0 s5, $0x0  }
0x1f: {  	s9 =	smul.u32 $0xF7A, s1;
	s8 =	simm.s32 @!p0 $0x1BF5;
	p2 =	por !p2, p0  }
0x20: {  	[sflag:s8] =	ssyncset.s32 @!p0 $0xFFFFF086;
	s6 =	sadd.s32 @!p0 s3, s7;
	s7 =	simm.s32 @!p0 $0x108  }
0x21: {  	s3 =	sadd.s32 s3, s9;
	s6 =	sadd.s32 @!p0 $0x88, s6;
	s7 =	simm.s32 @p2 $0x1082  }
0x22: {  	[simem:s7], [sflag:s8] =	dma.local @!p0 [hbm:s6], $0xF7A  }
0x23: {  	s9 =	sor.u32 $0xD0000000, s2;
	s6 =	simm.s32 $0x108;
	_ =	swait.ge @!p0 [sflag:s8], $0x0  }
0x24: {  	s3 =	sadd.s32 $0x88, s3;
	s6 =	simm.s32 @!p1 $0x1082;
	[sflag:s4] =	ssyncset.s32 $0xFFFFF086  }
0x25: {  	[simem:s6], [sflag:s4] =	dma.local [hbm:s3], $0xF7A  }
0x26: {  	[smem:$0x3F91] =	sst s1;
	(tag) =	ssettag s2;
	_ =	strace s9  }
0x27: {  	s1 =	sld [smem:$0x3FA1]  }
0x28: {  	s2 =	sld [smem:$0x3FA2]  }
0x29: {  	s4 =	sld [smem:$0x3FA4]  }
0x2a: {  	p0 =	seq.s32 s5, $0x0;
	s5 =	sld [smem:$0x3FA5]  }
0x2b: {  	s6 =	sld [smem:$0x3FA6]  }
0x2c: {  	s7 =	sld [smem:$0x3FA7]  }
0x2d: {  	s3 =	simm.s32 $0x108;
	s8 =	sld [smem:$0x3FA8]  }
0x2e: {  	s3 =	simm.s32 @!p0 $0x1082;
	s9 =	sld [smem:$0x3FA9]  }
0x2f: {  	lr =	sadd.s32 s0, s3;
	s0 =	sld [smem:$0x3FA0]  }
0x30: {  	s3 =	sld [smem:$0x3FA3]  }
0x31: {  	[smem:$0x3FAC] =	sst s10  }
0x32: {  	s10 =	sld [smem:$0x3FAA];
	_ =	sdelay $0x3  }
0x33: {  	p0 =	seq.s32 s10, $0x1;
	s10 =	sld [smem:$0x3FAC];
	_ =	sdelay $0x3  }
0x34: {  	[smem:$0x3FAC] =	sst s10  }
0x35: {  	s10 =	sld [smem:$0x3FAB];
	_ =	sdelay $0x3  }
0x36: {  	p1 =	seq.s32 s10, $0x1;
	s10 =	sld [smem:$0x3FAC];
	_ =	sdelay $0x3  }
0x37: {  	[smem:$0x3FAC] =	sst s10  }
0x38: {  	s10 =	sld [smem:$0x3FAD]  }
0x39: {  	_ = 	snop;
	(pc) =	sbr.ind lr, $3  }
0x3a: {  	_ = 	snop  }
0x3b: {  	_ = 	snop  }
0x3c: {  	p2 =	seq.s32 s10, $0x1;
	s10 =	sld [smem:$0x3FAC]  }
0x3d: {  	_ =	shalt  }
0x3e: {  	_ =	shalt  }
0x3f: {  	_ =	shalt  }
0x40: {  	_ =	shalt  }
0x41: {  	_ =	shalt  }
0x42: {  	_ =	shalt  }
0x43: {  	_ =	shalt  }
0x44: {  	_ =	shalt  }
0x45: {  	_ =	shalt  }
0x46: {  	_ =	shalt  }
0x47: {  	_ =	shalt  }
0x48: {  	_ =	shalt  }
0x49: {  	_ =	shalt  }
0x4a: {  	_ =	shalt  }
0x4b: {  	_ =	shalt  }
0x4c: {  	_ =	shalt  }
0x4d: {  	_ =	shalt  }
0x4e: {  	_ =	shalt  }
0x4f: {  	_ =	shalt  }
0x50: {  	_ =	shalt  }
0x51: {  	_ =	shalt  }
0x52: {  	_ =	shalt  }
0x53: {  	_ =	shalt  }
0x54: {  	_ =	shalt  }
0x55: {  	_ =	shalt  }
0x56: {  	_ =	shalt  }
0x57: {  	_ =	shalt  }
0x58: {  	_ =	shalt  }
0x59: {  	_ =	shalt  }
0x5a: {  	_ =	shalt  }
0x5b: {  	_ =	shalt  }
0x5c: {  	_ =	shalt  }
0x5d: {  	_ =	shalt  }
0x5e: {  	_ =	shalt  }
0x5f: {  	_ =	shalt  }
0x60: {  	_ =	shalt  }
0x61: {  	_ =	shalt  }
0x62: {  	_ =	shalt  }
0x63: {  	_ =	shalt  }
0x64: {  	_ =	shalt  }
0x65: {  	_ =	shalt  }
0x66: {  	_ =	shalt  }
0x67: {  	_ =	shalt  }
0x68: {  	_ =	shalt  }
0x69: {  	_ =	shalt  }
0x6a: {  	_ =	shalt  }
0x6b: {  	_ =	shalt  }
0x6c: {  	_ =	shalt  }
0x6d: {  	_ =	shalt  }
0x6e: {  	_ =	shalt  }
0x6f: {  	_ =	shalt  }
0x70: {  	_ =	shalt  }
0x71: {  	_ =	shalt  }
0x72: {  	_ =	shalt  }
0x73: {  	_ =	shalt  }
0x74: {  	_ =	shalt  }
0x75: {  	_ =	shalt  }
0x76: {  	_ =	shalt  }
0x77: {  	_ =	shalt  }
0x78: {  	_ =	shalt  }
0x79: {  	_ =	shalt  }
0x7a: {  	_ =	shalt  }
0x7b: {  	_ =	shalt  }
0x7c: {  	_ =	shalt  }
0x7d: {  	_ =	shalt  }
0x7e: {  	_ =	shalt  }
0x7f: {  	_ =	shalt  }
0x80: {  	_ =	shalt  }
0x81: {  	_ =	shalt  }
0x82: {  	_ =	shalt  }
0x83: {  	_ =	shalt  }
0x84: {  	_ =	shalt  }
0x85: {  	_ =	shalt  }
0x86: {  	_ =	shalt  }
0x87: {  	_ =	shalt  }
.Lfunc_end0:
.L_simem_size_0:
called_computation.1_lowered:
.L_overlay_start_0:
0x88: {  	s2 =	sld [smem:$0x3FD9]  }
0x89: {  	s3 =	sld [smem:$0x3FFE];
	_ =	sdelay $0x1  }
0x8a: {  	s1 =	srdreg.scid  }
0x8b: {  	s0 =	sand.u32 $0x1, s1  }
0x8c: {  	s16 =	sshll.u32 s0, $0xA;
	s2 =	sadd.s32 s3, s2  }
0x8d: {  	s2 =	sadd.s32 s2, s16  }
0x8e: {  	[smem:$0x3FB8] =	sst s2  }
0x8f: {  	_ = 	snop  }
0x90: {  	(tm) =	ssettm $0x1  }
0x91: {  	s17 =	sld [smem:$0x3FFB];
	_ =	sdelay $0x3  }
0x92: {  	_ =	strace s17  }
0x93: {  	s2 =	sld [smem:$0x3FFC];
	_ =	sdelay $0x3  }
0x94: {  	_ =	strace s2  }
0x95: {  	s2 =	sld [smem:$0x3FFD];
	_ =	sdelay $0x3  }
0x96: {  	_ =	strace s2  }
0x97: {  	_ =	strace $0x8FFFFFFF  }
0x98: {  	s18 =	sld [smem:$0x3FDB];
	_ =	sdelay $0x1  }
0x99: {  	s19 =	simm.s32 $_scs_section_size  }
0x9a: {  	s4 =	simm.s32 $_size__tile_overlayer_lowered;
	s5 =	simm.s32 $_tile_overlayer_lowered  }
0x9b: {  	s22 =	simm.s32 $0x1BFF;
	s21 =	sshll.u32 s5, $0x1;
	s2 =	sadd.s32 s19, s18  }
0x9c: {  	s6 =	simm.s32 $0x0;
	s20 =	sshll.u32 s4, $0x1;
	s4 =	sadd.s32 s21, s2  }
0x9d: {  	[timem:s6], [sflag:s22] =	dma.local [hbm:s4], s20  }
0x9e: {  	_ =	swait.ge [sflag:s22], s20  }
0x9f: {  	s3 =	ssub.s32 $0x0, s20;
	[sflag:s22] =	ssyncset.done $0x0  }
0xa0: {  	[sflag:s22] =	ssyncadd.s32 s3;
	_ =	sdelay $0x1  }
0xa1: {  	s23 =	simm.s32 $0x1B8B  }
0xa2: {  	_ =	swait.ge [sflag:s23], $0x1  }
0xa3: {  	[sflag:s23] =	ssyncset.done $0x0  }
0xa4: {  	s25 =	simm.s32 $0x1B8E;
	s24 =	sld [smem:$0x3FFE];
	[sflag:s23] =	ssyncadd.s32 $0xFFFFFFFF  }
0xa5: {  	s26 =	simm.s32 $execute0_lowered;
	[smem:$0x3FD2] =	sst s25  }
0xa6: {  	s4 =	sshll.u32 s26, $0x1;
	_ =	strace $0x80000049;
	[dreg:$0x1] =	wrdreg $0xFFFFFFFF  }
0xa7: {  	s28 =	simm.s32 $_size_execute0_lowered;
	s2 =	sadd.s32 s2, s4;
	[dreg:$0x0] =	wrdreg $0x0  }
0xa8: {  	s4 =	sshll.u32 s28, $0x1;
	[dreg:$0x2] =	wrdreg s2  }
0xa9: {  	[dreg:$0x3] =	wrdreg s4  }
0xaa: {  	[dreg:$0x4] =	wrdreg $0xC0  }
0xab: {  	_ =	task [dreg:s6], $0x5FFFF  }
0xac: {  	[dreg:$0x1] =	wrdreg $0xFFFFFFFF  }
0xad: {  	[dreg:$0x0] =	wrdreg $0x60  }
0xae: {  	[dreg:$0x2] =	wrdreg s24  }
0xaf: {  	[dreg:$0x3] =	wrdreg $0xB8000  }
0xb0: {  	[dreg:$0x4] =	wrdreg $0x9  }
0xb1: {  	_ =	task.clear_ibuf [dreg:s6], $0x5FFFF;
	_ =	strace $0x90000049  }
0xb2: {  	s29 =	simm.s32 $0x9;
	_ =	strace $0x8000004B  }
0xb3: {  	_ =	swait.ge [sflag:s29], $0x1  }
0xb4: {  	[sflag:s29] =	ssyncadd.s32 $0xFFFFFFFF  }
0xb5: {  	_ =	strace $0x9000004B  }
0xb6: {  	_ =	sfence  }
0xb7: {  	s30 =	sld [smem:$0x0];
	_ =	sdelay $0x2  }
0xb8: {  	s31 =	sshll.u32 s1, $0xD;
	s1 =	sshrl.u32 s1, $0x2  }
0xb9: {  	s3 =	sand.u32 $0x4000, s31;
	s1 =	sadd.s32 s1, s30  }
0xba: {  	s0 =	sor.u32 s3, s0;
	s1 =	sshll.u32 s1, $0x11  }
0xbb: {  	s0 =	sor.u32 s1, s0  }
0xbc: {  	s0 =	sadd.s32 $0x8F2B, s0  }
0xbd: {  	[sflag:s0] =	ssyncadd.remote.s32 $0x1  }
0xbe: {  	_ =	sfence.sel $0xFFFF  }
0xbf: {  	[dreg:$0x0] =	wrdreg $0xFFFFFFFF;
	(pc) =	sbr.abs _section_cstart, $3  }
0xc0: {  	[dreg:$0x1] =	wrdreg $0xFFFFFFFF  }
0xc1: {  	_ =	task.clear_ibuf [dreg:s6], $0x2FFFF;
	_ =	strace $0x9FFFFFFF  }
0xc2: {  	(tm) =	ssettm $0x7FFFFFFF  }
0xc3: {  	_ =	shalt  }
tec
execute0_lowered:
.L_overlay_start_1:
0x0: {  	(tag) =	ssettag $0x1  }
0x1: {  	s4 =	rddreg [dreg:$0x0]  }
0x2: {  	s1 =	rddreg [dreg:$0x1]  }
0x3: {  	s0 =	rddreg [dreg:$0x2];
	s3 =	srdreg.scid  }
0x4: {  	s10 =	stileid.u32;
	s2 =	simm.s32 $0x0;
	s15 =	simm.s32 $0x4  }
0x5: {  	s16 =	simm.s32 $0x5;
	s17 =	simm.s32 $0x6;
	s18 =	simm.s32 $0x0  }
0x6: {  	s5 =	sand.u32 $0x1, s3;
	s29 =	sshll.u32 s10, $0x1;
	[smem:$0x7FF] =	sst s2  }
0x7: {  	s7 =	sadd.s32 $0xA64000, s4;
	s13 =	smul.u32 $0x4E200, s10;
	p0 =	sne.s32 s10, $0x0  }
0x8: {  	s6 =	sor.u32 s5, s29;
	_ =	strace $0x8000004A;
	s8 =	smul.u32 $0x27100, s5  }
0x9: {  	s5 =	ssub.s32 $0x2, s5;
	s10 =	sshrl.u32 @!p0 s1, $0x3;
	s11 =	smul.u32 $0x27100, s6  }
0xa: {  	s3 =	sshll.u32 s6, $0xB;
	s6 =	smul.u32 $0x138800, s6;
	s30 =	sshrl.u32 s5, $0x1  }
0xb: {  	s31 =	sadd.s32 s13, s7;
	s13 =	simm.s32 $0x6800;
	s9 =	sadd.s32 s3, s4  }
0xc: {  	s3 =	sadd.s32 $0x29600, s4;
	s12 =	sadd.s32 s8, s4;
	s14 =	ssub.s32 s5, s30  }
0xd: {  	s4 =	sadd.s32 $0x9600, s9;
	s6 =	sshrl.u32 s6, $0x3;
	s5 =	sadd.s32 s7, s11  }
0xe: {  	s9 =	sadd.s32 s8, s31;
	s8 =	smax.u32 s14, $0x1;
	s11 =	simm.s32 $0x7  }
0xf: {  	s14 =	simm.s32 $0x50;
	s6 =	sadd.s32 s7, s6;
	s7 =	sadd.s32 $0x9EC00, s12  }
0x10: {  	s9 =	sadd.s32 $0xA00, s9;
	s12 =	simm.s32 $0x4000;
	s6 =	sadd.s32 $0x500, s6  }
.LBB2_1:
0x11: {  	s19 =	simm.s32 @!p0 $0x1C07  }
0x12: {  	[spmem:s10], [sflag:s19] =	dma.local @!p0 [hbm:s3], $0x27100  }
0x13: {  	s29 =	smul.u32 $0xAB, s2;
	s19 =	simm.s32 @!p0 $0x7  }
0x14: {  	p1 =	por $0x0, $0x0;
	s22 =	simm.s32 $0x2;
	_ =	swait.ge @!p0 [sflag:s19], $0x27100  }
0x15: {  	p2 =	por @!p1 $0x1, $0x1;
	s20 =	sshrl.u32 s29, $0x9;
	[sflag:s19] =	ssyncset.done @!p0 $0x0  }
0x16: {  	s20 =	sand.u32 $0x7F, s20;
	[sflag:s19] =	ssyncadd.s32 @!p0 $0xFFFD8F00;
	s19 =	sadd.s32 $0x156, s29  }
0x17: {  	[tilespmem:s2], [sflag:$0x7] =	stream.linear.gather [hbm4b:s4+s2], $0x3E80, $0x38;
	[tilespmem:$0x15440] =	vst v63  }
0x18: {  	s20 =	smul.u32 $0x3, s20;
	s19 =	sshrl.u32 s19, $0x9;
	_ =	swait.ge [sflag:s11], $0x3E80  }
0x19: {  	p2 =	por p2, p1;
	s19 =	sand.u32 $0x7F, s19;
	[sflag:s11] =	ssyncset.done $0x0  }
0x1a: {  	s20 =	ssub.s32 $0x0, s20;
	s21 =	smul.u32 $0x3, s19;
	[sflag:s11] =	ssyncadd.s32 $0xFFFFC180  }
0x1b: {  	s19 =	simm.s32 $0x1;
	s23 =	sand.u32 $0xFF, s20;
	[bflag:$0x0] =	sbarrier.arrive $0xFFFF  }
0x1c: {  	[tilespmem:s12], [sflag:$0x1] =	stream.linear.gather [hbm4b:s5+s2], $0x2800, $0x38;
	[tilespmem:$0x15440] =	vst v63  }
0x1d: {  	s31 =	sadd.s32 $0x1, s23;
	s25 =	smul.u32 $0xA000, s23;
	s30 =	ssub.s32 $0x0, s21  }
0x1e: {  	[tilespmem:s13], [sflag:$0x2] =	stream.linear.gather [hbm4b:s6+s2], $0x2800, $0x38;
	[tilespmem:$0x15440] =	vst v63  }
0x1f: {  	s26 =	sadd.s32 $0x4, s23;
	s20 =	sadd.s32 $0x2, s30;
	_ =	swait.ge [sflag:s31], $0x2800  }
0x20: {  	s25 =	sshrl.u32 s25, $0x2;
	s20 =	sand.u32 $0xFF, s20;
	[sflag:s31] =	ssyncset.done $0x0  }
0x21: {  	s24 =	smul.u32 @!p1 $0xA000, s20;
	s21 =	sadd.s32 @!p2 $0x4, s20;
	[sflag:s31] =	ssyncadd.s32 $0xFFFFD800  }
0x22: {  	s23 =	simm.s32 $0x0;
	s25 =	sadd.s32 $0x4000, s25;
	_ =	swait.ge @!p2 [sflag:s21], $0x1400  }
0x23: {  	s20 =	sadd.s32 @!p1 $0x1, s20;
	s24 =	sshrl.u32 @!p1 s24, $0x2;
	[sflag:s21] =	ssyncset.done @!p2 $0x0  }
0x24: {  	s24 =	sadd.s32 @!p1 $0x4000, s24;
	[sflag:s21] =	ssyncadd.s32 @!p2 $0xFFFFEC00;
	s21 =	simm.s32 @!p1 $0x0  }
0x25: {  	[tilespmem:s24], [sflag:s20] =	stream.linear.gather @!p1 [hbm4b:s9+s21], $0x2800, $0x38;
	[tilespmem:$0x15440] =	vst v63  }
0x26: {  	s21 =	sadd.s32 $0x500, s9;
	s20 =	simm.s32 $0x80;
	s24 =	smul.u32 $0xAB, s19  }
.LBB2_2:
0x27: {  	[spmem:s1] =	stream.indirect.scatter.add.f32 [tilespmem:s25], [sflag:s26], $0x40, s23, s14, $0xb8;
	[tilespmem:$0x15440] =	vst v63  }
0x28: {  	s25 =	smov.u32 s19;
	s19 =	smov.u32 s22;
	s26 =	smov.u32 s21  }
0x29: {  	s22 =	sadd.s32 $0x1, s22;
	s23 =	sshrl.u32 s24, $0x9;
	s24 =	sadd.s32 $0x156, s24  }
0x2a: {  	p1 =	sne.s32 s22, $0x7D;
	s23 =	sand.u32 $0x7F, s23;
	s24 =	sshrl.u32 s24, $0x9  }
0x2b: {  	s28 =	smul.u32 $0x3, s23;
	s24 =	sand.u32 $0x7F, s24;
	s23 =	smov.u32 s20  }
0x2c: {  	s24 =	smul.u32 $0x3, s24  }
0x2d: {  	s21 =	sadd.s32 $0x500, s21;
	s28 =	ssub.s32 s25, s28  }
0x2e: {  	p2 =	sgt.u32 s25, $0x7A;
	s28 =	sand.u32 $0xFF, s28;
	s24 =	ssub.s32 s25, s24  }
0x2f: {  	s24 =	sadd.s32 $0x2, s24;
	s29 =	sadd.s32 $0x1, s28;
	s30 =	smul.u32 $0xA000, s28  }
0x30: {  	p3 =	seq.s32 @!p2 s25, $0x0;
	s24 =	sand.u32 $0xFF, s24;
	_ =	swait.ge [sflag:s29], $0x2800  }
0x31: {  	p3 =	por p3, p2;
	[sflag:s29] =	ssyncset.done $0x0;
	s25 =	smul.u32 @!p2 $0xA000, s24  }
0x32: {  	s30 =	sshrl.u32 s30, $0x2;
	[sflag:s29] =	ssyncadd.s32 $0xFFFFD800;
	s29 =	sadd.s32 @!p3 $0x4, s24  }
.Ltmp0:
0x33: {  	_ =	swait.ge @!p3 [sflag:s29], $0x1400;
	s25 =	sshrl.u32 @!p2 s25, $0x2;
	(pc) =	sbr.rel @p1 .LBB2_2-.Ltmp0, $4  }
0x34: {  	s20 =	sadd.s32 $0x80, s20;
	[sflag:s29] =	ssyncset.done @!p3 $0x0;
	s25 =	sadd.s32 @!p2 $0x4000, s25  }
0x35: {  	s24 =	sadd.s32 @!p2 $0x1, s24;
	[sflag:s29] =	ssyncadd.s32 @!p3 $0xFFFFEC00;
	s29 =	simm.s32 @!p2 $0x0  }
0x36: {  	[tilespmem:s25], [sflag:s24] =	stream.linear.gather @!p2 [hbm4b:s26+s29], $0x2800, $0x38;
	[tilespmem:$0x15440] =	vst v63  }
0x37: {  	s24 =	smul.u32 $0xAB, s19;
	s25 =	sadd.s32 $0x4000, s30;
	s26 =	sadd.s32 $0x4, s28  }
0x38: {  	[spmem:s1] =	stream.indirect.scatter.add.f32 [tilespmem:s25], [sflag:s26], $0x40, s23, s14, $0xb8;
	[tilespmem:$0x15440] =	vst v63  }
0x39: {  	s22 =	sshrl.u32 s24, $0x9  }
0x3a: {  	s26 =	sadd.s32 $0x156, s24;
	s22 =	sand.u32 $0x7F, s22  }
0x3b: {  	s23 =	sshrl.u32 s26, $0x9;
	s22 =	smul.u32 $0x3, s22  }
0x3c: {  	s23 =	sand.u32 $0x7F, s23  }
0x3d: {  	s23 =	smul.u32 $0x3, s23;
	s22 =	ssub.s32 s19, s22  }
0x3e: {  	p1 =	sgt.u32 s19, $0x7A;
	s22 =	sand.u32 $0xFF, s22  }
0x3f: {  	p2 =	seq.s32 @!p1 s19, $0x0;
	s23 =	ssub.s32 s19, s23;
	s28 =	sadd.s32 $0x1, s22  }
0x40: {  	p2 =	por p2, p1;
	s23 =	sadd.s32 $0x2, s23;
	_ =	swait.ge [sflag:s28], $0x2800  }
0x41: {  	s29 =	smul.u32 $0xA000, s22;
	s23 =	sand.u32 $0xFF, s23;
	[sflag:s28] =	ssyncset.done $0x0  }
0x42: {  	s19 =	smul.u32 @!p1 $0xA000, s23;
	s24 =	sadd.s32 @!p2 $0x4, s23;
	[sflag:s28] =	ssyncadd.s32 $0xFFFFD800  }
0x43: {  	s25 =	sshrl.u32 s29, $0x2;
	_ =	swait.ge @!p2 [sflag:s24], $0x1400  }
0x44: {  	s23 =	sadd.s32 @!p1 $0x1, s23;
	s19 =	sshrl.u32 @!p1 s19, $0x2;
	[sflag:s24] =	ssyncset.done @!p2 $0x0  }
0x45: {  	s19 =	sadd.s32 @!p1 $0x4000, s19;
	[sflag:s24] =	ssyncadd.s32 @!p2 $0xFFFFEC00;
	s24 =	simm.s32 @!p1 $0x0  }
0x46: {  	[tilespmem:s19], [sflag:s23] =	stream.linear.gather @!p1 [hbm4b:s21+s24], $0x2800, $0x38;
	[tilespmem:$0x15440] =	vst v63  }
0x47: {  	s31 =	sadd.s32 $0x4, s22;
	s30 =	sadd.s32 $0x4000, s25  }
0x48: {  	[spmem:s1] =	stream.indirect.scatter.add.f32 [tilespmem:s30], [sflag:s31], $0x40, s20, s14, $0xb8;
	[tilespmem:$0x15440] =	vst v63  }
0x49: {  	_ =	swait.ge [sflag:s15], $0x1400  }
0x4a: {  	[sflag:s15] =	ssyncset.done $0x0  }
0x4b: {  	[sflag:s15] =	ssyncadd.s32 $0xFFFFEC00  }
0x4c: {  	_ =	swait.ge [sflag:s16], $0x1400  }
0x4d: {  	[sflag:s16] =	ssyncset.done $0x0  }
0x4e: {  	[sflag:s16] =	ssyncadd.s32 $0xFFFFEC00  }
0x4f: {  	_ =	swait.ge [sflag:s17], $0x1400  }
0x50: {  	[sflag:s17] =	ssyncset.done $0x0  }
0x51: {  	s18 =	sadd.s32 $0x1, s18;
	[sflag:s17] =	ssyncadd.s32 $0xFFFFEC00  }
0x52: {  	s19 =	simm.s32 @!p0 $0x1C07;
	p1 =	sne.s32 s18, s8;
	[bflag:$0x0] =	sbarrier.arrive $0xFFFF  }
0x53: {  	[hbm:s7], [sflag:s19] =	dma.local @!p0 [spmem:s10], $0x27100  }
.Ltmp1:
0x54: {  	_ = 	snop;
	(pc) =	sbr.rel @p1 .LBB2_1-.Ltmp1, $4  }
0x55: {  	s19 =	simm.s32 @!p0 $0x7  }
0x56: {  	_ =	swait.ge @!p0 [sflag:s19], $0x27100  }
0x57: {  	[sflag:s19] =	ssyncset.done @!p0 $0x0  }
0x58: {  	[sflag:s19] =	ssyncadd.s32 @!p0 $0xFFFD8F00  }
0x59: {  	_ =	sfence.sel $0x180000  }
0x5a: {  	[bflag:$0x0] =	sbarrier.arrive $0xFFFF  }
0x5b: {  	_ =	strace $0x9000004A  }
0x5c: {  	s0 =	sadd.s32 @!p0 $0x100000, s0;
	[bflag:$0x2] =	sbarrier.arrive $0xFFFF  }
0x5d: {  	[sflag:s0] =	ssyncadd.tile.s32 @!p0 $0x1;
	_ =	shalt  }
.Lfunc_end2:
_tile_overlayer_lowered:
.L_overlay_start_2:
0x5e: {  	(tag) =	ssettag $0x2  }
0x5f: {  	s0 =	rddreg [dreg:$0x0];
	s2 =	stileid.u32  }
0x60: {  	s1 =	rddreg [dreg:$0x1];
	p0 =	sne.s32 s2, $0x0  }
0x61: {  	s3 =	rddreg [dreg:$0x2];
	[bflag:$0x3] =	sbarrier.arrive $0xFFFF;
	s2 =	simm.s32 @!p0 $0x1C07  }
0x62: {  	[timem:s3], [sflag:s2] =	dma.local @!p0 [hbm:s0], s1  }
0x63: {  	s0 =	simm.s32 @!p0 $0x7  }
0x64: {  	_ =	swait.ge @!p0 [sflag:s0], s1  }
0x65: {  	s1 =	ssub.s32 @!p0 $0x0, s1;
	[sflag:s0] =	ssyncset.done @!p0 $0x0  }
0x66: {  	[sflag:s0] =	ssyncadd.s32 @!p0 s1  }
0x67: {  	[bflag:$0x3] =	sbarrier.arrive $0xFFFF  }
0x68: {  	_ =	shalt  }

// kernel: kernel.21.cloned.1.call-start
scs
__scs_entry_jumppad:
0x0: {  	(pc) =	sbr.rel $0x88, $3  }
0x1: {  	(tag) =	ssettag $0x0;
	lr =	simm.s32 $0x1  }
0x2: {  	[smem:$0x3F91] =	sst lr;
	_ =	strace $0xD0000000  }
0x3: {  	_ = 	snop  }
0x4: {  	_ = 	snop  }
0x5: {  	_ = 	snop  }
0x6: {  	_ = 	snop  }
0x7: {  	_ = 	snop  }
__scs_overlays_trampoline_lowered:
0x8: {  	[smem:$0x3FA0] =	sst s0  }
0x9: {  	[smem:$0x3FA1] =	sst s1  }
0xa: {  	[smem:$0x3FA2] =	sst s2  }
0xb: {  	[smem:$0x3FA3] =	sst s3  }
0xc: {  	[smem:$0x3FA4] =	sst s4  }
0xd: {  	[smem:$0x3FA5] =	sst s5  }
0xe: {  	[smem:$0x3FA6] =	sst s6  }
0xf: {  	[smem:$0x3FA7] =	sst s7  }
0x10: {  	[smem:$0x3FA8] =	sst s8  }
0x11: {  	[smem:$0x3FA9] =	sst s9;
	s0 =	simm.s32 @!p0 $0x0  }
0x12: {  	s1 =	sld [smem:$0x3F8F];
	s0 =	simm.s32 @p0 $0x1  }
0x13: {  	[smem:$0x3FAA] =	sst s0;
	s0 =	simm.s32 @!p1 $0x0  }
0x14: {  	s2 =	sld [smem:$0x3F8E];
	s0 =	simm.s32 @p1 $0x1  }
0x15: {  	[smem:$0x3FAB] =	sst s0;
	s0 =	simm.s32 @!p2 $0x0  }
0x16: {  	s3 =	sld [smem:$0x3FDB];
	s0 =	simm.s32 @p2 $0x1  }
0x17: {  	s4 =	simm.s32 $0x1BF5;
	[smem:$0x3FAD] =	sst s0  }
0x18: {  	s0 =	sld [smem:$0x3F90];
	_ =	swait.ge [sflag:s4], $0x0  }
0x19: {  	s7 =	sld [smem:$0x3F91]  }
0x1a: {  	s8 =	sadd.s32 $0xFFFFE003, lr  }
0x1b: {  	s9 =	sadd.s32 $0xFFFFFEF7, lr;
	s5 =	simm.s32 $0xFFFFFFFF;
	p2 =	slt.u32 s8, $0xFFFFF086  }
0x1c: {  	p1 =	slt.u32 s9, $0xF7A;
	s5 =	simm.s32 @!p2 $0x0  }
0x1d: {  	s5 =	simm.s32 @p1 $0x1;
	p0 =	seq.s32 s7, s2  }
0x1e: {  	s7 =	smul.u32 @!p0 $0xF7A, s2;
	p2 =	seq.s32 @!p0 s5, $0x0  }
0x1f: {  	s9 =	smul.u32 $0xF7A, s1;
	s8 =	simm.s32 @!p0 $0x1BF5;
	p2 =	por !p2, p0  }
0x20: {  	[sflag:s8] =	ssyncset.s32 @!p0 $0xFFFFF086;
	s6 =	sadd.s32 @!p0 s3, s7;
	s7 =	simm.s32 @!p0 $0x108  }
0x21: {  	s3 =	sadd.s32 s3, s9;
	s6 =	sadd.s32 @!p0 $0x88, s6;
	s7 =	simm.s32 @p2 $0x1082  }
0x22: {  	[simem:s7], [sflag:s8] =	dma.local @!p0 [hbm:s6], $0xF7A  }
0x23: {  	s9 =	sor.u32 $0xD0000000, s2;
	s6 =	simm.s32 $0x108;
	_ =	swait.ge @!p0 [sflag:s8], $0x0  }
0x24: {  	s3 =	sadd.s32 $0x88, s3;
	s6 =	simm.s32 @!p1 $0x1082;
	[sflag:s4] =	ssyncset.s32 $0xFFFFF086  }
0x25: {  	[simem:s6], [sflag:s4] =	dma.local [hbm:s3], $0xF7A  }
0x26: {  	[smem:$0x3F91] =	sst s1;
	(tag) =	ssettag s2;
	_ =	strace s9  }
0x27: {  	s1 =	sld [smem:$0x3FA1]  }
0x28: {  	s2 =	sld [smem:$0x3FA2]  }
0x29: {  	s4 =	sld [smem:$0x3FA4]  }
0x2a: {  	p0 =	seq.s32 s5, $0x0;
	s5 =	sld [smem:$0x3FA5]  }
0x2b: {  	s6 =	sld [smem:$0x3FA6]  }
0x2c: {  	s7 =	sld [smem:$0x3FA7]  }
0x2d: {  	s3 =	simm.s32 $0x108;
	s8 =	sld [smem:$0x3FA8]  }
0x2e: {  	s3 =	simm.s32 @!p0 $0x1082;
	s9 =	sld [smem:$0x3FA9]  }
0x2f: {  	lr =	sadd.s32 s0, s3;
	s0 =	sld [smem:$0x3FA0]  }
0x30: {  	s3 =	sld [smem:$0x3FA3]  }
0x31: {  	[smem:$0x3FAC] =	sst s10  }
0x32: {  	s10 =	sld [smem:$0x3FAA];
	_ =	sdelay $0x3  }
0x33: {  	p0 =	seq.s32 s10, $0x1;
	s10 =	sld [smem:$0x3FAC];
	_ =	sdelay $0x3  }
0x34: {  	[smem:$0x3FAC] =	sst s10  }
0x35: {  	s10 =	sld [smem:$0x3FAB];
	_ =	sdelay $0x3  }
0x36: {  	p1 =	seq.s32 s10, $0x1;
	s10 =	sld [smem:$0x3FAC];
	_ =	sdelay $0x3  }
0x37: {  	[smem:$0x3FAC] =	sst s10  }
0x38: {  	s10 =	sld [smem:$0x3FAD]  }
0x39: {  	_ = 	snop;
	(pc) =	sbr.ind lr, $3  }
0x3a: {  	_ = 	snop  }
0x3b: {  	_ = 	snop  }
0x3c: {  	p2 =	seq.s32 s10, $0x1;
	s10 =	sld [smem:$0x3FAC]  }
0x3d: {  	_ =	shalt  }
0x3e: {  	_ =	shalt  }
0x3f: {  	_ =	shalt  }
0x40: {  	_ =	shalt  }
0x41: {  	_ =	shalt  }
0x42: {  	_ =	shalt  }
0x43: {  	_ =	shalt  }
0x44: {  	_ =	shalt  }
0x45: {  	_ =	shalt  }
0x46: {  	_ =	shalt  }
0x47: {  	_ =	shalt  }
0x48: {  	_ =	shalt  }
0x49: {  	_ =	shalt  }
0x4a: {  	_ =	shalt  }
0x4b: {  	_ =	shalt  }
0x4c: {  	_ =	shalt  }
0x4d: {  	_ =	shalt  }
0x4e: {  	_ =	shalt  }
0x4f: {  	_ =	shalt  }
0x50: {  	_ =	shalt  }
0x51: {  	_ =	shalt  }
0x52: {  	_ =	shalt  }
0x53: {  	_ =	shalt  }
0x54: {  	_ =	shalt  }
0x55: {  	_ =	shalt  }
0x56: {  	_ =	shalt  }
0x57: {  	_ =	shalt  }
0x58: {  	_ =	shalt  }
0x59: {  	_ =	shalt  }
0x5a: {  	_ =	shalt  }
0x5b: {  	_ =	shalt  }
0x5c: {  	_ =	shalt  }
0x5d: {  	_ =	shalt  }
0x5e: {  	_ =	shalt  }
0x5f: {  	_ =	shalt  }
0x60: {  	_ =	shalt  }
0x61: {  	_ =	shalt  }
0x62: {  	_ =	shalt  }
0x63: {  	_ =	shalt  }
0x64: {  	_ =	shalt  }
0x65: {  	_ =	shalt  }
0x66: {  	_ =	shalt  }
0x67: {  	_ =	shalt  }
0x68: {  	_ =	shalt  }
0x69: {  	_ =	shalt  }
0x6a: {  	_ =	shalt  }
0x6b: {  	_ =	shalt  }
0x6c: {  	_ =	shalt  }
0x6d: {  	_ =	shalt  }
0x6e: {  	_ =	shalt  }
0x6f: {  	_ =	shalt  }
0x70: {  	_ =	shalt  }
0x71: {  	_ =	shalt  }
0x72: {  	_ =	shalt  }
0x73: {  	_ =	shalt  }
0x74: {  	_ =	shalt  }
0x75: {  	_ =	shalt  }
0x76: {  	_ =	shalt  }
0x77: {  	_ =	shalt  }
0x78: {  	_ =	shalt  }
0x79: {  	_ =	shalt  }
0x7a: {  	_ =	shalt  }
0x7b: {  	_ =	shalt  }
0x7c: {  	_ =	shalt  }
0x7d: {  	_ =	shalt  }
0x7e: {  	_ =	shalt  }
0x7f: {  	_ =	shalt  }
0x80: {  	_ =	shalt  }
0x81: {  	_ =	shalt  }
0x82: {  	_ =	shalt  }
0x83: {  	_ =	shalt  }
0x84: {  	_ =	shalt  }
0x85: {  	_ =	shalt  }
0x86: {  	_ =	shalt  }
0x87: {  	_ =	shalt  }
.Lfunc_end0:
.L_simem_size_0:
called_computation.2_lowered:
.L_overlay_start_0:
0x88: {  	s2 =	sld [smem:$0x3FD9]  }
0x89: {  	s3 =	sld [smem:$0x3FFE];
	_ =	sdelay $0x1  }
0x8a: {  	s1 =	srdreg.scid  }
0x8b: {  	s0 =	sand.u32 $0x1, s1  }
0x8c: {  	s16 =	sshll.u32 s0, $0xA;
	s2 =	sadd.s32 s3, s2  }
0x8d: {  	s2 =	sadd.s32 s2, s16  }
0x8e: {  	[smem:$0x3FB8] =	sst s2  }
0x8f: {  	_ = 	snop  }
0x90: {  	(tm) =	ssettm $0x1  }
0x91: {  	s17 =	sld [smem:$0x3FFB];
	_ =	sdelay $0x3  }
0x92: {  	_ =	strace s17  }
0x93: {  	s2 =	sld [smem:$0x3FFC];
	_ =	sdelay $0x3  }
0x94: {  	_ =	strace s2  }
0x95: {  	s2 =	sld [smem:$0x3FFD];
	_ =	sdelay $0x3  }
0x96: {  	_ =	strace s2  }
0x97: {  	_ =	strace $0x8FFFFFFF  }
0x98: {  	s18 =	sld [smem:$0x3FDB];
	_ =	sdelay $0x1  }
0x99: {  	s19 =	simm.s32 $_scs_section_size  }
0x9a: {  	s4 =	simm.s32 $_size__tile_overlayer_lowered;
	s5 =	simm.s32 $_tile_overlayer_lowered  }
0x9b: {  	s22 =	simm.s32 $0x1BFF;
	s21 =	sshll.u32 s5, $0x1;
	s2 =	sadd.s32 s19, s18  }
0x9c: {  	s6 =	simm.s32 $0x0;
	s20 =	sshll.u32 s4, $0x1;
	s4 =	sadd.s32 s21, s2  }
0x9d: {  	[timem:s6], [sflag:s22] =	dma.local [hbm:s4], s20  }
0x9e: {  	_ =	swait.ge [sflag:s22], s20  }
0x9f: {  	s3 =	ssub.s32 $0x0, s20;
	[sflag:s22] =	ssyncset.done $0x0  }
0xa0: {  	[sflag:s22] =	ssyncadd.s32 s3;
	_ =	sdelay $0x1  }
0xa1: {  	s23 =	simm.s32 $0x1B8B  }
0xa2: {  	_ =	swait.ge [sflag:s23], $0x1  }
0xa3: {  	[sflag:s23] =	ssyncset.done $0x0  }
0xa4: {  	s25 =	simm.s32 $0x1B8E;
	s24 =	sld [smem:$0x3FFE];
	[sflag:s23] =	ssyncadd.s32 $0xFFFFFFFF  }
0xa5: {  	s26 =	simm.s32 $execute0_lowered;
	[smem:$0x3FD2] =	sst s25  }
0xa6: {  	s4 =	sshll.u32 s26, $0x1;
	_ =	strace $0x8000004C;
	[dreg:$0x1] =	wrdreg $0xFFFFFFFF  }
0xa7: {  	s28 =	simm.s32 $_size_execute0_lowered;
	s2 =	sadd.s32 s2, s4;
	[dreg:$0x0] =	wrdreg $0x0  }
0xa8: {  	s4 =	sshll.u32 s28, $0x1;
	[dreg:$0x2] =	wrdreg s2  }
0xa9: {  	[dreg:$0x3] =	wrdreg s4  }
0xaa: {  	[dreg:$0x4] =	wrdreg $0xC0  }
0xab: {  	_ =	task [dreg:s6], $0x5FFFF  }
0xac: {  	[dreg:$0x1] =	wrdreg $0xFFFFFFFF  }
0xad: {  	[dreg:$0x0] =	wrdreg $0x60  }
0xae: {  	[dreg:$0x2] =	wrdreg s24  }
0xaf: {  	[dreg:$0x3] =	wrdreg $0x9  }
0xb0: {  	_ =	task.clear_ibuf [dreg:s6], $0x4FFFF;
	_ =	strace $0x9000004C  }
0xb1: {  	s29 =	simm.s32 $0x9;
	_ =	strace $0x8000004E  }
0xb2: {  	_ =	swait.ge [sflag:s29], $0x1  }
0xb3: {  	[sflag:s29] =	ssyncadd.s32 $0xFFFFFFFF  }
0xb4: {  	_ =	strace $0x9000004E  }
0xb5: {  	_ =	sfence  }
0xb6: {  	s30 =	sld [smem:$0x0];
	_ =	sdelay $0x2  }
0xb7: {  	s31 =	sshll.u32 s1, $0xD;
	s1 =	sshrl.u32 s1, $0x2  }
0xb8: {  	s3 =	sand.u32 $0x4000, s31;
	s1 =	sadd.s32 s1, s30  }
0xb9: {  	s0 =	sor.u32 s3, s0;
	s1 =	sshll.u32 s1, $0x11  }
0xba: {  	s0 =	sor.u32 s1, s0  }
0xbb: {  	s0 =	sadd.s32 $0x8F2B, s0  }
0xbc: {  	[sflag:s0] =	ssyncadd.remote.s32 $0x1  }
0xbd: {  	_ =	sfence.sel $0xFFFF  }
0xbe: {  	[dreg:$0x0] =	wrdreg $0xFFFFFFFF;
	(pc) =	sbr.abs _section_cstart, $3  }
0xbf: {  	[dreg:$0x1] =	wrdreg $0xFFFFFFFF  }
0xc0: {  	_ =	task.clear_ibuf [dreg:s6], $0x2FFFF;
	_ =	strace $0x9FFFFFFF  }
0xc1: {  	(tm) =	ssettm $0x7FFFFFFF  }
tec
execute0_lowered:
.L_overlay_start_1:
0x0: {  	(tag) =	ssettag $0x1  }
0x1: {  	s0 =	rddreg [dreg:$0x0]  }
0x2: {  	s1 =	simm.s32 $0x0;
	s2 =	srdreg.scid;
	s7 =	stileid.u32  }
0x3: {  	s10 =	simm.s32 $0xD;
	s12 =	simm.s32 $0x50;
	s22 =	simm.s32 $0xB  }
0x4: {  	s23 =	simm.s32 $0x9;
	s24 =	simm.s32 $0xC;
	s25 =	simm.s32 $0x0  }
0x5: {  	[smem:$0x7FF] =	sst s1;
	s3 =	sadd.s32 $0x51400, s0;
	s2 =	sand.u32 $0x1, s2  }
0x6: {  	s4 =	sadd.s32 $0x78600, s0;
	s5 =	sshll.u32 s7, $0xC;
	s6 =	sshll.u32 s2, $0xB  }
0x7: {  	s26 =	smul.u32 $0x4E200, s7;
	_ =	strace $0x8000004D;
	s5 =	sor.u32 s6, s5  }
0x8: {  	s28 =	ssub.s32 $0x2, s2;
	s2 =	smul.u32 $0x27100, s2;
	s5 =	sadd.s32 s5, s0  }
0x9: {  	s8 =	sshrl.u32 s28, $0x1;
	s0 =	sadd.s32 s26, s0;
	s30 =	sadd.s32 $0x19600, s5  }
0xa: {  	s29 =	ssub.s32 s28, s8;
	s5 =	sadd.s32 $0x9600, s5;
	[dreg:$0x2] =	wrdreg s30  }
0xb: {  	s31 =	smax.u32 s29, $0x1;
	s0 =	sadd.s32 s2, s0;
	[dreg:$0x3] =	wrdreg s5  }
0xc: {  	[dreg:$0x4] =	wrdreg s31;
	s17 =	sadd.s32 $0xC6A00, s0;
	s15 =	sadd.s32 $0xA64000, s0  }
.LBB2_1:
0xd: {  	s0 =	rddreg [dreg:$0x2]  }
0xe: {  	[tilespmem:s1], [sflag:$0xD] =	stream.linear.gather [hbm4b:s0+s1], $0x3E80, $0x38;
	[tilespmem:$0x17000] =	vst v63  }
0xf: {  	_ =	swait.ge [sflag:s10], $0x3E80  }
0x10: {  	[sflag:s10] =	ssyncset.done $0x0  }
0x11: {  	s2 =	simm.s32 $0x4000;
	s8 =	rddreg [dreg:$0x3];
	[sflag:s10] =	ssyncadd.s32 $0xFFFFC180  }
0x12: {  	[tilespmem:s2], [sflag:$0xD] =	stream.linear.gather [hbm4b:s8+s1], $0x3E80, $0x38;
	[tilespmem:$0x17000] =	vst v63  }
0x13: {  	_ =	swait.ge [sflag:s10], $0x3E80  }
0x14: {  	s13 =	simm.s32 $0x2;
	[sflag:s10] =	ssyncset.done $0x0  }
0x15: {  	s9 =	simm.s32 $0x8000;
	s0 =	smul.u32 $0xAB, s13;
	[sflag:s10] =	ssyncadd.s32 $0xFFFFC180  }
0x16: {  	[tilespmem:s9], [sflag:$0x1] =	stream.indirect.gather [hbm4b:s3+s12], $0x80, s1, s12, $0xb8;
	[tilespmem:$0x17000] =	vst v63  }
0x17: {  	s11 =	simm.s32 $0xF800;
	s16 =	sadd.s32 $0xFFFFFEAA, s0  }
0x18: {  	[tilespmem:s11], [sflag:$0x4] =	stream.indirect.gather [hbm4b:s4+s12], $0x80, s2, s12, $0xb8;
	[tilespmem:$0x17000] =	vst v63  }
0x19: {  	s2 =	sshrl.u32 s16, $0x9  }
0x1a: {  	s14 =	simm.s32 $0x80;
	s5 =	simm.s32 $0xA800;
	s2 =	sand.u32 $0x7F, s2  }
0x1b: {  	[tilespmem:s5], [sflag:$0x2] =	stream.indirect.gather [hbm4b:s3+s12], $0x80, s14, s12, $0xb8;
	[tilespmem:$0x17000] =	vst v63  }
0x1c: {  	s18 =	simm.s32 $0x4080;
	s6 =	simm.s32 $0x12000;
	s2 =	smul.u32 $0x3, s2  }
0x1d: {  	[tilespmem:s6], [sflag:$0x5] =	stream.indirect.gather [hbm4b:s4+s12], $0x80, s18, s12, $0xb8;
	[tilespmem:$0x17000] =	vst v63  }
0x1e: {  	s2 =	ssub.s32 $0x0, s2  }
0x1f: {  	s30 =	simm.s32 $0x3;
	p0 =	por $0x0, $0x0;
	s2 =	sand.u32 $0xFF, s2  }
0x20: {  	s28 =	simm.s32 $0x4180;
	s19 =	sshrl.u32 s0, $0x9;
	s7 =	sadd.s32 $0x1, s2  }
0x21: {  	s29 =	simm.s32 $0x180;
	s5 =	sand.u32 $0x7F, s19;
	_ =	swait.ge [sflag:s7], $0x2800  }
0x22: {  	s26 =	sadd.s32 $0x500, s15;
	s5 =	smul.u32 $0x3, s5;
	[sflag:s7] =	ssyncset.done $0x0  }
0x23: {  	p1 =	por @!p0 $0x1, $0x1;
	s20 =	sor.u32 $0x4, s2;
	[sflag:s7] =	ssyncadd.s32 $0xFFFFD800  }
0x24: {  	p1 =	por p1, p0;
	s5 =	ssub.s32 $0x2, s5;
	_ =	swait.ge [sflag:s20], $0x2800  }
0x25: {  	s11 =	smul.u32 $0xAB, s30;
	s8 =	sand.u32 $0xFF, s5;
	[sflag:s20] =	ssyncset.done $0x0  }
0x26: {  	s31 =	sadd.s32 $0x500, s17;
	s5 =	sadd.s32 @!p1 $0x7, s8;
	[sflag:s20] =	ssyncadd.s32 $0xFFFFD800  }
0x27: {  	s13 =	simm.s32 $0x4;
	s19 =	sadd.s32 $0xFFFFFEAA, s11;
	_ =	swait.ge @!p1 [sflag:s5], $0x2800  }
0x28: {  	s0 =	simm.s32 $0x4100;
	s21 =	sshrl.u32 s19, $0x9;
	[sflag:s5] =	ssyncset.done @!p1 $0x0  }
0x29: {  	s9 =	sadd.s32 @!p1 $0xA, s8;
	s7 =	smul.u32 @!p0 $0x2800, s8;
	[sflag:s5] =	ssyncadd.s32 @!p1 $0xFFFFD800  }
0x2a: {  	s6 =	simm.s32 $0x100;
	s14 =	smul.u32 $0x2800, s2;
	_ =	swait.ge @!p1 [sflag:s9], $0x2800  }
0x2b: {  	s16 =	sadd.s32 $0xA, s2;
	s18 =	sadd.s32 @!p0 $0x8000, s7;
	[sflag:s9] =	ssyncset.done @!p1 $0x0  }
0x2c: {  	s5 =	simm.s32 @!p0 $0x50;
	[sflag:s9] =	ssyncadd.s32 @!p1 $0xFFFFD800;
	s9 =	sadd.s32 @!p0 $0x1, s8  }
0x2d: {  	[tilespmem:s18], [sflag:s9] =	stream.indirect.gather @!p0 [hbm4b:s3+s5], $0x80, s6, s5, $0xb8;
	[tilespmem:$0x17000] =	vst v63  }
0x2e: {  	s7 =	sadd.s32 @!p0 $0xF800, s7;
	s18 =	sshrl.u32 s11, $0x9;
	s6 =	sand.u32 $0x7F, s21  }
0x2f: {  	s11 =	sadd.s32 @!p0 $0x4, s8;
	s8 =	smov.u32 s17;
	s9 =	smov.u32 s15  }
.LBB2_2:
0x30: {  	[tilespmem:s7], [sflag:s11] =	stream.indirect.gather @!p0 [hbm4b:s4+s5], $0x80, s0, s5, $0xb8;
	[tilespmem:$0x17000] =	vst v63  }
0x31: {  	s5 =	smov.u32 s30;
	s30 =	smov.u32 s13;
	s0 =	smov.u32 s28  }
0x32: {  	s11 =	sor.u32 $0x8000, s14;
	s2 =	sadd.s32 $0x7, s2;
	s7 =	sadd.s32 $0xFFFFFFFE, s5  }
0x33: {  	[hbm4b:s8+s1] =	stream.linear.scatter [tilespmem:s11], [sflag:s2], $0x2800, $0x38;
	[tilespmem:$0x17000] =	vst v63  }
0x34: {  	s2 =	smul.u32 $0x3, s6;
	p0 =	sgt.u32 s7, $0x7A;
	s6 =	sadd.s32 $0xF800, s14  }
0x35: {  	[hbm4b:s9+s1] =	stream.linear.scatter [tilespmem:s6], [sflag:s16], $0x2800, $0x38;
	[tilespmem:$0x17000] =	vst v63  }
0x36: {  	p2 =	seq.s32 @!p0 s5, $0x2;
	s2 =	ssub.s32 s7, s2;
	s6 =	sand.u32 $0x7F, s18  }
0x37: {  	s13 =	sadd.s32 $0x1, s13;
	s7 =	smov.u32 s29;
	s2 =	sand.u32 $0xFF, s2  }
0x38: {  	p1 =	sne.s32 s13, $0x7F;
	s14 =	smul.u32 $0x2800, s2;
	s11 =	sadd.s32 $0x1, s2  }
0x39: {  	s8 =	smov.u32 s31;
	s9 =	smov.u32 s26;
	_ =	swait.ge [sflag:s11], $0x2800  }
0x3a: {  	s6 =	smul.u32 $0x3, s6;
	[sflag:s11] =	ssyncset.done $0x0  }
0x3b: {  	s28 =	sadd.s32 $0x80, s28;
	[sflag:s11] =	ssyncadd.s32 $0xFFFFD800;
	s11 =	sor.u32 $0x4, s2  }
0x3c: {  	s29 =	sadd.s32 $0x80, s29;
	s5 =	ssub.s32 s5, s6;
	_ =	swait.ge [sflag:s11], $0x2800  }
0x3d: {  	p2 =	por p2, p0;
	s19 =	sand.u32 $0xFF, s5;
	[sflag:s11] =	ssyncset.done $0x0  }
0x3e: {  	s26 =	sadd.s32 $0x500, s26;
	s6 =	sadd.s32 @!p2 $0x7, s19;
	[sflag:s11] =	ssyncadd.s32 $0xFFFFD800  }
0x3f: {  	s31 =	sadd.s32 $0x500, s31;
	s16 =	sadd.s32 $0xA, s2;
	_ =	swait.ge @!p2 [sflag:s6], $0x2800  }
0x40: {  	s5 =	simm.s32 @!p0 $0x50;
	s11 =	smul.u32 @!p0 $0x2800, s19;
	[sflag:s6] =	ssyncset.done @!p2 $0x0  }
0x41: {  	s18 =	smul.u32 $0xAB, s30;
	[sflag:s6] =	ssyncadd.s32 @!p2 $0xFFFFD800;
	s6 =	sadd.s32 @!p2 $0xA, s19  }
.Ltmp0:
0x42: {  	s20 =	sadd.s32 @!p0 $0x8000, s11;
	_ =	swait.ge @!p2 [sflag:s6], $0x2800;
	(pc) =	sbr.rel @p1 .LBB2_2-.Ltmp0, $4  }
0x43: {  	s21 =	sadd.s32 $0xFFFFFEAA, s18;
	s18 =	sshrl.u32 s18, $0x9;
	[sflag:s6] =	ssyncset.done @!p2 $0x0  }
0x44: {  	s21 =	sshrl.u32 s21, $0x9;
	[sflag:s6] =	ssyncadd.s32 @!p2 $0xFFFFD800;
	s6 =	sadd.s32 @!p0 $0x1, s19  }
0x45: {  	[tilespmem:s20], [sflag:s6] =	stream.indirect.gather @!p0 [hbm4b:s3+s5], $0x80, s7, s5, $0xb8;
	[tilespmem:$0x17000] =	vst v63  }
0x46: {  	s6 =	sand.u32 $0x7F, s21;
	s7 =	sadd.s32 @!p0 $0xF800, s11;
	s11 =	sadd.s32 @!p0 $0x4, s19  }
0x47: {  	[tilespmem:s7], [sflag:s11] =	stream.indirect.gather @!p0 [hbm4b:s4+s5], $0x80, s0, s5, $0xb8;
	[tilespmem:$0x17000] =	vst v63  }
0x48: {  	s5 =	sor.u32 $0x8000, s14  }
0x49: {  	s2 =	sadd.s32 $0x7, s2;
	s7 =	smul.u32 $0x3, s6;
	s11 =	sadd.s32 $0xFFFFFFFE, s30  }
0x4a: {  	[hbm4b:s8+s1] =	stream.linear.scatter [tilespmem:s5], [sflag:s2], $0x2800, $0x38;
	[tilespmem:$0x17000] =	vst v63  }
0x4b: {  	s0 =	ssub.s32 s11, s7  }
0x4c: {  	s8 =	sadd.s32 $0xF800, s14;
	s0 =	sand.u32 $0xFF, s0  }
0x4d: {  	[hbm4b:s9+s1] =	stream.linear.scatter [tilespmem:s8], [sflag:s16], $0x2800, $0x38;
	[tilespmem:$0x17000] =	vst v63  }
0x4e: {  	s13 =	sadd.s32 $0x1, s0  }
0x4f: {  	s14 =	sand.u32 $0x7F, s18;
	_ =	swait.ge [sflag:s13], $0x2800  }
0x50: {  	s6 =	smul.u32 $0x3, s14;
	[sflag:s13] =	ssyncset.done $0x0  }
0x51: {  	p0 =	sgt.u32 s11, $0x7A;
	s16 =	sor.u32 $0x4, s0;
	[sflag:s13] =	ssyncadd.s32 $0xFFFFD800  }
0x52: {  	p1 =	seq.s32 @!p0 s30, $0x2;
	s18 =	ssub.s32 s30, s6;
	_ =	swait.ge [sflag:s16], $0x2800  }
0x53: {  	p1 =	por p1, p0;
	s5 =	sand.u32 $0xFF, s18;
	[sflag:s16] =	ssyncset.done $0x0  }
0x54: {  	s2 =	sadd.s32 @!p1 $0x7, s5;
	[sflag:s16] =	ssyncadd.s32 $0xFFFFD800  }
0x55: {  	_ =	swait.ge @!p1 [sflag:s2], $0x2800  }
0x56: {  	[sflag:s2] =	ssyncset.done @!p1 $0x0  }
0x57: {  	[sflag:s2] =	ssyncadd.s32 @!p1 $0xFFFFD800;
	s2 =	sadd.s32 @!p1 $0xA, s5  }
0x58: {  	s6 =	smul.u32 @!p0 $0x2800, s5;
	_ =	swait.ge @!p1 [sflag:s2], $0x2800  }
0x59: {  	s7 =	simm.s32 @!p0 $0x50;
	[sflag:s2] =	ssyncset.done @!p1 $0x0  }
0x5a: {  	s8 =	sadd.s32 @!p0 $0x8000, s6;
	[sflag:s2] =	ssyncadd.s32 @!p1 $0xFFFFD800;
	s2 =	sadd.s32 @!p0 $0x1, s5  }
0x5b: {  	[tilespmem:s8], [sflag:s2] =	stream.indirect.gather @!p0 [hbm4b:s3+s7], $0x80, s29, s7, $0xb8;
	[tilespmem:$0x17000] =	vst v63  }
0x5c: {  	s19 =	smul.u32 $0x2800, s0;
	s6 =	sadd.s32 @!p0 $0xF800, s6;
	s5 =	sadd.s32 @!p0 $0x4, s5  }
0x5d: {  	[tilespmem:s6], [sflag:s5] =	stream.indirect.gather @!p0 [hbm4b:s4+s7], $0x80, s28, s7, $0xb8;
	[tilespmem:$0x17000] =	vst v63  }
0x5e: {  	s21 =	sadd.s32 $0x7, s0;
	s20 =	sor.u32 $0x8000, s19  }
0x5f: {  	[hbm4b:s31+s1] =	stream.linear.scatter [tilespmem:s20], [sflag:s21], $0x2800, $0x38;
	[tilespmem:$0x17000] =	vst v63  }
0x60: {  	s0 =	sadd.s32 $0xA, s0;
	s2 =	sadd.s32 $0xF800, s19;
	s28 =	simm.s32 $0x7  }
0x61: {  	[hbm4b:s26+s1] =	stream.linear.scatter [tilespmem:s2], [sflag:s0], $0x2800, $0x38;
	[tilespmem:$0x17000] =	vst v63  }
0x62: {  	_ =	swait.ge [sflag:s28], $0x2800  }
0x63: {  	[sflag:s28] =	ssyncset.done $0x0  }
0x64: {  	s29 =	simm.s32 $0xA;
	[sflag:s28] =	ssyncadd.s32 $0xFFFFD800  }
0x65: {  	_ =	swait.ge [sflag:s29], $0x2800  }
0x66: {  	[sflag:s29] =	ssyncset.done $0x0  }
0x67: {  	s30 =	simm.s32 $0x8;
	[sflag:s29] =	ssyncadd.s32 $0xFFFFD800  }
0x68: {  	_ =	swait.ge [sflag:s30], $0x2800  }
0x69: {  	[sflag:s30] =	ssyncset.done $0x0  }
0x6a: {  	[sflag:s30] =	ssyncadd.s32 $0xFFFFD800  }
0x6b: {  	_ =	swait.ge [sflag:s22], $0x2800  }
0x6c: {  	[sflag:s22] =	ssyncset.done $0x0  }
0x6d: {  	[sflag:s22] =	ssyncadd.s32 $0xFFFFD800  }
0x6e: {  	_ =	swait.ge [sflag:s23], $0x2800  }
0x6f: {  	[sflag:s23] =	ssyncset.done $0x0  }
0x70: {  	[sflag:s23] =	ssyncadd.s32 $0xFFFFD800  }
0x71: {  	_ =	swait.ge [sflag:s24], $0x2800  }
0x72: {  	s25 =	sadd.s32 $0x1, s25;
	s31 =	rddreg [dreg:$0x4]  }
0x73: {  	p0 =	sne.s32 s25, s31  }
.Ltmp1:
0x74: {  	_ = 	snop;
	(pc) =	sbr.rel @p0 .LBB2_1-.Ltmp1, $3  }
0x75: {  	_ =	sdelay $0x1  }
0x76: {  	[sflag:s24] =	ssyncset.done $0x0  }
0x77: {  	[sflag:s24] =	ssyncadd.s32 $0xFFFFD800  }
0x78: {  	_ =	sfence.sel $0x180000  }
0x79: {  	[bflag:$0x0] =	sbarrier.arrive $0xFFFF  }
0x7a: {  	_ =	strace $0x9000004D  }
0x7b: {  	s0 =	stileid.u32;
	[bflag:$0x2] =	sbarrier.arrive $0xFFFF  }
0x7c: {  	p0 =	sne.s32 s0, $0x0;
	s0 =	rddreg [dreg:$0x1]  }
0x7d: {  	s0 =	sadd.s32 @!p0 $0x100000, s0  }
0x7e: {  	[sflag:s0] =	ssyncadd.tile.s32 @!p0 $0x1;
	_ =	shalt  }
.Lfunc_end2:
_tile_overlayer_lowered:
.L_overlay_start_2:
0x7f: {  	(tag) =	ssettag $0x2  }
0x80: {  	s0 =	rddreg [dreg:$0x0];
	s2 =	stileid.u32  }
0x81: {  	s1 =	rddreg [dreg:$0x1];
	p0 =	sne.s32 s2, $0x0  }
0x82: {  	s3 =	rddreg [dreg:$0x2];
	[bflag:$0x3] =	sbarrier.arrive $0xFFFF;
	s2 =	simm.s32 @!p0 $0x1C0D  }
0x83: {  	[timem:s3], [sflag:s2] =	dma.local @!p0 [hbm:s0], s1  }
0x84: {  	s0 =	simm.s32 @!p0 $0xD  }
0x85: {  	_ =	swait.ge @!p0 [sflag:s0], s1  }
0x86: {  	s1 =	ssub.s32 @!p0 $0x0, s1;
	[sflag:s0] =	ssyncset.done @!p0 $0x0  }
0x87: {  	[sflag:s0] =	ssyncadd.s32 @!p0 s1  }
0x88: {  	[bflag:$0x3] =	sbarrier.arrive $0xFFFF  }
0x89: {  	_ =	shalt  }

// kernel: kernel.24.cloned.1.call-start
scs
__scs_entry_jumppad:
0x0: {  	(pc) =	sbr.rel $0x88, $3  }
0x1: {  	(tag) =	ssettag $0x0;
	lr =	simm.s32 $0x1  }
0x2: {  	[smem:$0x3F91] =	sst lr;
	_ =	strace $0xD0000000  }
0x3: {  	_ = 	snop  }
0x4: {  	_ = 	snop  }
0x5: {  	_ = 	snop  }
0x6: {  	_ = 	snop  }
0x7: {  	_ = 	snop  }
__scs_overlays_trampoline_lowered:
0x8: {  	[smem:$0x3FA0] =	sst s0  }
0x9: {  	[smem:$0x3FA1] =	sst s1  }
0xa: {  	[smem:$0x3FA2] =	sst s2  }
0xb: {  	[smem:$0x3FA3] =	sst s3  }
0xc: {  	[smem:$0x3FA4] =	sst s4  }
0xd: {  	[smem:$0x3FA5] =	sst s5  }
0xe: {  	[smem:$0x3FA6] =	sst s6  }
0xf: {  	[smem:$0x3FA7] =	sst s7  }
0x10: {  	[smem:$0x3FA8] =	sst s8  }
0x11: {  	[smem:$0x3FA9] =	sst s9;
	s0 =	simm.s32 @!p0 $0x0  }
0x12: {  	s1 =	sld [smem:$0x3F8F];
	s0 =	simm.s32 @p0 $0x1  }
0x13: {  	[smem:$0x3FAA] =	sst s0;
	s0 =	simm.s32 @!p1 $0x0  }
0x14: {  	s2 =	sld [smem:$0x3F8E];
	s0 =	simm.s32 @p1 $0x1  }
0x15: {  	[smem:$0x3FAB] =	sst s0;
	s0 =	simm.s32 @!p2 $0x0  }
0x16: {  	s3 =	sld [smem:$0x3FDB];
	s0 =	simm.s32 @p2 $0x1  }
0x17: {  	s4 =	simm.s32 $0x1BF5;
	[smem:$0x3FAD] =	sst s0  }
0x18: {  	s0 =	sld [smem:$0x3F90];
	_ =	swait.ge [sflag:s4], $0x0  }
0x19: {  	s7 =	sld [smem:$0x3F91]  }
0x1a: {  	s8 =	sadd.s32 $0xFFFFE003, lr  }
0x1b: {  	s9 =	sadd.s32 $0xFFFFFEF7, lr;
	s5 =	simm.s32 $0xFFFFFFFF;
	p2 =	slt.u32 s8, $0xFFFFF086  }
0x1c: {  	p1 =	slt.u32 s9, $0xF7A;
	s5 =	simm.s32 @!p2 $0x0  }
0x1d: {  	s5 =	simm.s32 @p1 $0x1;
	p0 =	seq.s32 s7, s2  }
0x1e: {  	s7 =	smul.u32 @!p0 $0xF7A, s2;
	p2 =	seq.s32 @!p0 s5, $0x0  }
0x1f: {  	s9 =	smul.u32 $0xF7A, s1;
	s8 =	simm.s32 @!p0 $0x1BF5;
	p2 =	por !p2, p0  }
0x20: {  	[sflag:s8] =	ssyncset.s32 @!p0 $0xFFFFF086;
	s6 =	sadd.s32 @!p0 s3, s7;
	s7 =	simm.s32 @!p0 $0x108  }
0x21: {  	s3 =	sadd.s32 s3, s9;
	s6 =	sadd.s32 @!p0 $0x88, s6;
	s7 =	simm.s32 @p2 $0x1082  }
0x22: {  	[simem:s7], [sflag:s8] =	dma.local @!p0 [hbm:s6], $0xF7A  }
0x23: {  	s9 =	sor.u32 $0xD0000000, s2;
	s6 =	simm.s32 $0x108;
	_ =	swait.ge @!p0 [sflag:s8], $0x0  }
0x24: {  	s3 =	sadd.s32 $0x88, s3;
	s6 =	simm.s32 @!p1 $0x1082;
	[sflag:s4] =	ssyncset.s32 $0xFFFFF086  }
0x25: {  	[simem:s6], [sflag:s4] =	dma.local [hbm:s3], $0xF7A  }
0x26: {  	[smem:$0x3F91] =	sst s1;
	(tag) =	ssettag s2;
	_ =	strace s9  }
0x27: {  	s1 =	sld [smem:$0x3FA1]  }
0x28: {  	s2 =	sld [smem:$0x3FA2]  }
0x29: {  	s4 =	sld [smem:$0x3FA4]  }
0x2a: {  	p0 =	seq.s32 s5, $0x0;
	s5 =	sld [smem:$0x3FA5]  }
0x2b: {  	s6 =	sld [smem:$0x3FA6]  }
0x2c: {  	s7 =	sld [smem:$0x3FA7]  }
0x2d: {  	s3 =	simm.s32 $0x108;
	s8 =	sld [smem:$0x3FA8]  }
0x2e: {  	s3 =	simm.s32 @!p0 $0x1082;
	s9 =	sld [smem:$0x3FA9]  }
0x2f: {  	lr =	sadd.s32 s0, s3;
	s0 =	sld [smem:$0x3FA0]  }
0x30: {  	s3 =	sld [smem:$0x3FA3]  }
0x31: {  	[smem:$0x3FAC] =	sst s10  }
0x32: {  	s10 =	sld [smem:$0x3FAA];
	_ =	sdelay $0x3  }
0x33: {  	p0 =	seq.s32 s10, $0x1;
	s10 =	sld [smem:$0x3FAC];
	_ =	sdelay $0x3  }
0x34: {  	[smem:$0x3FAC] =	sst s10  }
0x35: {  	s10 =	sld [smem:$0x3FAB];
	_ =	sdelay $0x3  }
0x36: {  	p1 =	seq.s32 s10, $0x1;
	s10 =	sld [smem:$0x3FAC];
	_ =	sdelay $0x3  }
0x37: {  	[smem:$0x3FAC] =	sst s10  }
0x38: {  	s10 =	sld [smem:$0x3FAD]  }
0x39: {  	_ = 	snop;
	(pc) =	sbr.ind lr, $3  }
0x3a: {  	_ = 	snop  }
0x3b: {  	_ = 	snop  }
0x3c: {  	p2 =	seq.s32 s10, $0x1;
	s10 =	sld [smem:$0x3FAC]  }
0x3d: {  	_ =	shalt  }
0x3e: {  	_ =	shalt  }
0x3f: {  	_ =	shalt  }
0x40: {  	_ =	shalt  }
0x41: {  	_ =	shalt  }
0x42: {  	_ =	shalt  }
0x43: {  	_ =	shalt  }
0x44: {  	_ =	shalt  }
0x45: {  	_ =	shalt  }
0x46: {  	_ =	shalt  }
0x47: {  	_ =	shalt  }
0x48: {  	_ =	shalt  }
0x49: {  	_ =	shalt  }
0x4a: {  	_ =	shalt  }
0x4b: {  	_ =	shalt  }
0x4c: {  	_ =	shalt  }
0x4d: {  	_ =	shalt  }
0x4e: {  	_ =	shalt  }
0x4f: {  	_ =	shalt  }
0x50: {  	_ =	shalt  }
0x51: {  	_ =	shalt  }
0x52: {  	_ =	shalt  }
0x53: {  	_ =	shalt  }
0x54: {  	_ =	shalt  }
0x55: {  	_ =	shalt  }
0x56: {  	_ =	shalt  }
0x57: {  	_ =	shalt  }
0x58: {  	_ =	shalt  }
0x59: {  	_ =	shalt  }
0x5a: {  	_ =	shalt  }
0x5b: {  	_ =	shalt  }
0x5c: {  	_ =	shalt  }
0x5d: {  	_ =	shalt  }
0x5e: {  	_ =	shalt  }
0x5f: {  	_ =	shalt  }
0x60: {  	_ =	shalt  }
0x61: {  	_ =	shalt  }
0x62: {  	_ =	shalt  }
0x63: {  	_ =	shalt  }
0x64: {  	_ =	shalt  }
0x65: {  	_ =	shalt  }
0x66: {  	_ =	shalt  }
0x67: {  	_ =	shalt  }
0x68: {  	_ =	shalt  }
0x69: {  	_ =	shalt  }
0x6a: {  	_ =	shalt  }
0x6b: {  	_ =	shalt  }
0x6c: {  	_ =	shalt  }
0x6d: {  	_ =	shalt  }
0x6e: {  	_ =	shalt  }
0x6f: {  	_ =	shalt  }
0x70: {  	_ =	shalt  }
0x71: {  	_ =	shalt  }
0x72: {  	_ =	shalt  }
0x73: {  	_ =	shalt  }
0x74: {  	_ =	shalt  }
0x75: {  	_ =	shalt  }
0x76: {  	_ =	shalt  }
0x77: {  	_ =	shalt  }
0x78: {  	_ =	shalt  }
0x79: {  	_ =	shalt  }
0x7a: {  	_ =	shalt  }
0x7b: {  	_ =	shalt  }
0x7c: {  	_ =	shalt  }
0x7d: {  	_ =	shalt  }
0x7e: {  	_ =	shalt  }
0x7f: {  	_ =	shalt  }
0x80: {  	_ =	shalt  }
0x81: {  	_ =	shalt  }
0x82: {  	_ =	shalt  }
0x83: {  	_ =	shalt  }
0x84: {  	_ =	shalt  }
0x85: {  	_ =	shalt  }
0x86: {  	_ =	shalt  }
0x87: {  	_ =	shalt  }
.Lfunc_end0:
.L_simem_size_0:
called_computation.3_lowered:
.L_overlay_start_0:
0x88: {  	s2 =	sld [smem:$0x3FD9]  }
0x89: {  	s3 =	sld [smem:$0x3FFE];
	_ =	sdelay $0x1  }
0x8a: {  	s1 =	srdreg.scid  }
0x8b: {  	s0 =	sand.u32 $0x1, s1  }
0x8c: {  	s16 =	sshll.u32 s0, $0xA;
	s2 =	sadd.s32 s3, s2  }
0x8d: {  	s2 =	sadd.s32 s2, s16  }
0x8e: {  	[smem:$0x3FB8] =	sst s2  }
0x8f: {  	_ = 	snop  }
0x90: {  	(tm) =	ssettm $0x1  }
0x91: {  	s17 =	sld [smem:$0x3FFB];
	_ =	sdelay $0x3  }
0x92: {  	_ =	strace s17  }
0x93: {  	s2 =	sld [smem:$0x3FFC];
	_ =	sdelay $0x3  }
0x94: {  	_ =	strace s2  }
0x95: {  	s2 =	sld [smem:$0x3FFD];
	_ =	sdelay $0x3  }
0x96: {  	_ =	strace s2  }
0x97: {  	_ =	strace $0x8FFFFFFF  }
0x98: {  	s18 =	sld [smem:$0x3FDB];
	_ =	sdelay $0x1  }
0x99: {  	s19 =	simm.s32 $_scs_section_size  }
0x9a: {  	s4 =	simm.s32 $_size__tile_overlayer_lowered;
	s5 =	simm.s32 $_tile_overlayer_lowered  }
0x9b: {  	s22 =	simm.s32 $0x1BFF;
	s21 =	sshll.u32 s5, $0x1;
	s2 =	sadd.s32 s19, s18  }
0x9c: {  	s6 =	simm.s32 $0x0;
	s20 =	sshll.u32 s4, $0x1;
	s4 =	sadd.s32 s21, s2  }
0x9d: {  	[timem:s6], [sflag:s22] =	dma.local [hbm:s4], s20  }
0x9e: {  	_ =	swait.ge [sflag:s22], s20  }
0x9f: {  	s3 =	ssub.s32 $0x0, s20;
	[sflag:s22] =	ssyncset.done $0x0  }
0xa0: {  	[sflag:s22] =	ssyncadd.s32 s3;
	_ =	sdelay $0x1  }
0xa1: {  	s23 =	simm.s32 $0x1B8B  }
0xa2: {  	_ =	swait.ge [sflag:s23], $0x1  }
0xa3: {  	[sflag:s23] =	ssyncset.done $0x0  }
0xa4: {  	s25 =	simm.s32 $0x1B8E;
	s24 =	sld [smem:$0x3FFE];
	[sflag:s23] =	ssyncadd.s32 $0xFFFFFFFF  }
0xa5: {  	s26 =	simm.s32 $execute0_lowered;
	[smem:$0x3FD2] =	sst s25  }
0xa6: {  	s4 =	sshll.u32 s26, $0x1;
	_ =	strace $0x8000004F;
	[dreg:$0x1] =	wrdreg $0xFFFFFFFF  }
0xa7: {  	s28 =	simm.s32 $_size_execute0_lowered;
	s2 =	sadd.s32 s2, s4;
	[dreg:$0x0] =	wrdreg $0x0  }
0xa8: {  	s4 =	sshll.u32 s28, $0x1;
	[dreg:$0x2] =	wrdreg s2  }
0xa9: {  	[dreg:$0x3] =	wrdreg s4  }
0xaa: {  	[dreg:$0x4] =	wrdreg $0xC0  }
0xab: {  	_ =	task [dreg:s6], $0x5FFFF  }
0xac: {  	[dreg:$0x1] =	wrdreg $0xFFFFFFFF  }
0xad: {  	[dreg:$0x0] =	wrdreg $0x60  }
0xae: {  	[dreg:$0x2] =	wrdreg s24  }
0xaf: {  	[dreg:$0x3] =	wrdreg $0xB8000  }
0xb0: {  	[dreg:$0x4] =	wrdreg $0x9  }
0xb1: {  	_ =	task.clear_ibuf [dreg:s6], $0x5FFFF;
	_ =	strace $0x9000004F  }
0xb2: {  	s29 =	simm.s32 $0x9;
	_ =	strace $0x80000051  }
0xb3: {  	_ =	swait.ge [sflag:s29], $0x1  }
0xb4: {  	[sflag:s29] =	ssyncadd.s32 $0xFFFFFFFF  }
0xb5: {  	_ =	strace $0x90000051  }
0xb6: {  	_ =	sfence  }
0xb7: {  	s30 =	sld [smem:$0x0];
	_ =	sdelay $0x2  }
0xb8: {  	s31 =	sshll.u32 s1, $0xD;
	s1 =	sshrl.u32 s1, $0x2  }
0xb9: {  	s3 =	sand.u32 $0x4000, s31;
	s1 =	sadd.s32 s1, s30  }
0xba: {  	s0 =	sor.u32 s3, s0;
	s1 =	sshll.u32 s1, $0x11  }
0xbb: {  	s0 =	sor.u32 s1, s0  }
0xbc: {  	s0 =	sadd.s32 $0x8F2B, s0  }
0xbd: {  	[sflag:s0] =	ssyncadd.remote.s32 $0x1  }
0xbe: {  	_ =	sfence.sel $0xFFFF  }
0xbf: {  	[dreg:$0x0] =	wrdreg $0xFFFFFFFF;
	(pc) =	sbr.abs _section_cstart, $3  }
0xc0: {  	[dreg:$0x1] =	wrdreg $0xFFFFFFFF  }
0xc1: {  	_ =	task.clear_ibuf [dreg:s6], $0x2FFFF;
	_ =	strace $0x9FFFFFFF  }
0xc2: {  	(tm) =	ssettm $0x7FFFFFFF  }
0xc3: {  	_ =	shalt  }
tec
execute0_lowered:
.L_overlay_start_1:
0x0: {  	(tag) =	ssettag $0x1  }
0x1: {  	s4 =	rddreg [dreg:$0x0]  }
0x2: {  	s1 =	rddreg [dreg:$0x1]  }
0x3: {  	s0 =	rddreg [dreg:$0x2];
	s3 =	srdreg.scid  }
0x4: {  	s10 =	stileid.u32;
	s2 =	simm.s32 $0x0;
	s15 =	simm.s32 $0x4  }
0x5: {  	s16 =	simm.s32 $0x5;
	s17 =	simm.s32 $0x6;
	s18 =	simm.s32 $0x0  }
0x6: {  	s5 =	sand.u32 $0x1, s3;
	s29 =	sshll.u32 s10, $0x1;
	[smem:$0x7FF] =	sst s2  }
0x7: {  	s7 =	sadd.s32 $0xF46000, s4;
	s13 =	smul.u32 $0x4E200, s10;
	p0 =	sne.s32 s10, $0x0  }
0x8: {  	s6 =	sor.u32 s5, s29;
	_ =	strace $0x80000050;
	s8 =	smul.u32 $0x27100, s5  }
0x9: {  	s5 =	ssub.s32 $0x2, s5;
	s10 =	sshrl.u32 @!p0 s1, $0x3;
	s11 =	smul.u32 $0x27100, s6  }
0xa: {  	s3 =	sshll.u32 s6, $0xB;
	s6 =	smul.u32 $0x138800, s6;
	s30 =	sshrl.u32 s5, $0x1  }
0xb: {  	s31 =	sadd.s32 s13, s7;
	s13 =	simm.s32 $0x6800;
	s9 =	sadd.s32 s3, s4  }
0xc: {  	s3 =	sadd.s32 $0x29600, s4;
	s12 =	sadd.s32 s8, s4;
	s14 =	ssub.s32 s5, s30  }
0xd: {  	s4 =	sadd.s32 $0x9600, s9;
	s6 =	sshrl.u32 s6, $0x3;
	s5 =	sadd.s32 s7, s11  }
0xe: {  	s9 =	sadd.s32 s8, s31;
	s8 =	smax.u32 s14, $0x1;
	s11 =	simm.s32 $0x7  }
0xf: {  	s14 =	simm.s32 $0x50;
	s6 =	sadd.s32 s7, s6;
	s7 =	sadd.s32 $0x51400, s12  }
0x10: {  	s9 =	sadd.s32 $0xA00, s9;
	s12 =	simm.s32 $0x4000;
	s6 =	sadd.s32 $0x500, s6  }
.LBB2_1:
0x11: {  	s19 =	simm.s32 @!p0 $0x1C07  }
0x12: {  	[spmem:s10], [sflag:s19] =	dma.local @!p0 [hbm:s3], $0x27100  }
0x13: {  	s29 =	smul.u32 $0xAB, s2;
	s19 =	simm.s32 @!p0 $0x7  }
0x14: {  	p1 =	por $0x0, $0x0;
	s22 =	simm.s32 $0x2;
	_ =	swait.ge @!p0 [sflag:s19], $0x27100  }
0x15: {  	p2 =	por @!p1 $0x1, $0x1;
	s20 =	sshrl.u32 s29, $0x9;
	[sflag:s19] =	ssyncset.done @!p0 $0x0  }
0x16: {  	s20 =	sand.u32 $0x7F, s20;
	[sflag:s19] =	ssyncadd.s32 @!p0 $0xFFFD8F00;
	s19 =	sadd.s32 $0x156, s29  }
0x17: {  	[tilespmem:s2], [sflag:$0x7] =	stream.linear.gather [hbm4b:s4+s2], $0x3E80, $0x38;
	[tilespmem:$0x15440] =	vst v63  }
0x18: {  	s20 =	smul.u32 $0x3, s20;
	s19 =	sshrl.u32 s19, $0x9;
	_ =	swait.ge [sflag:s11], $0x3E80  }
0x19: {  	p2 =	por p2, p1;
	s19 =	sand.u32 $0x7F, s19;
	[sflag:s11] =	ssyncset.done $0x0  }
0x1a: {  	s20 =	ssub.s32 $0x0, s20;
	s21 =	smul.u32 $0x3, s19;
	[sflag:s11] =	ssyncadd.s32 $0xFFFFC180  }
0x1b: {  	s19 =	simm.s32 $0x1;
	s23 =	sand.u32 $0xFF, s20;
	[bflag:$0x0] =	sbarrier.arrive $0xFFFF  }
0x1c: {  	[tilespmem:s12], [sflag:$0x1] =	stream.linear.gather [hbm4b:s5+s2], $0x2800, $0x38;
	[tilespmem:$0x15440] =	vst v63  }
0x1d: {  	s31 =	sadd.s32 $0x1, s23;
	s25 =	smul.u32 $0xA000, s23;
	s30 =	ssub.s32 $0x0, s21  }
0x1e: {  	[tilespmem:s13], [sflag:$0x2] =	stream.linear.gather [hbm4b:s6+s2], $0x2800, $0x38;
	[tilespmem:$0x15440] =	vst v63  }
0x1f: {  	s26 =	sadd.s32 $0x4, s23;
	s20 =	sadd.s32 $0x2, s30;
	_ =	swait.ge [sflag:s31], $0x2800  }
0x20: {  	s25 =	sshrl.u32 s25, $0x2;
	s20 =	sand.u32 $0xFF, s20;
	[sflag:s31] =	ssyncset.done $0x0  }
0x21: {  	s24 =	smul.u32 @!p1 $0xA000, s20;
	s21 =	sadd.s32 @!p2 $0x4, s20;
	[sflag:s31] =	ssyncadd.s32 $0xFFFFD800  }
0x22: {  	s23 =	simm.s32 $0x0;
	s25 =	sadd.s32 $0x4000, s25;
	_ =	swait.ge @!p2 [sflag:s21], $0x1400  }
0x23: {  	s20 =	sadd.s32 @!p1 $0x1, s20;
	s24 =	sshrl.u32 @!p1 s24, $0x2;
	[sflag:s21] =	ssyncset.done @!p2 $0x0  }
0x24: {  	s24 =	sadd.s32 @!p1 $0x4000, s24;
	[sflag:s21] =	ssyncadd.s32 @!p2 $0xFFFFEC00;
	s21 =	simm.s32 @!p1 $0x0  }
0x25: {  	[tilespmem:s24], [sflag:s20] =	stream.linear.gather @!p1 [hbm4b:s9+s21], $0x2800, $0x38;
	[tilespmem:$0x15440] =	vst v63  }
0x26: {  	s21 =	sadd.s32 $0x500, s9;
	s20 =	simm.s32 $0x80;
	s24 =	smul.u32 $0xAB, s19  }
.LBB2_2:
0x27: {  	[spmem:s1] =	stream.indirect.scatter.add.f32 [tilespmem:s25], [sflag:s26], $0x40, s23, s14, $0xb8;
	[tilespmem:$0x15440] =	vst v63  }
0x28: {  	s25 =	smov.u32 s19;
	s19 =	smov.u32 s22;
	s26 =	smov.u32 s21  }
0x29: {  	s22 =	sadd.s32 $0x1, s22;
	s23 =	sshrl.u32 s24, $0x9;
	s24 =	sadd.s32 $0x156, s24  }
0x2a: {  	p1 =	sne.s32 s22, $0x7D;
	s23 =	sand.u32 $0x7F, s23;
	s24 =	sshrl.u32 s24, $0x9  }
0x2b: {  	s28 =	smul.u32 $0x3, s23;
	s24 =	sand.u32 $0x7F, s24;
	s23 =	smov.u32 s20  }
0x2c: {  	s24 =	smul.u32 $0x3, s24  }
0x2d: {  	s21 =	sadd.s32 $0x500, s21;
	s28 =	ssub.s32 s25, s28  }
0x2e: {  	p2 =	sgt.u32 s25, $0x7A;
	s28 =	sand.u32 $0xFF, s28;
	s24 =	ssub.s32 s25, s24  }
0x2f: {  	s24 =	sadd.s32 $0x2, s24;
	s29 =	sadd.s32 $0x1, s28;
	s30 =	smul.u32 $0xA000, s28  }
0x30: {  	p3 =	seq.s32 @!p2 s25, $0x0;
	s24 =	sand.u32 $0xFF, s24;
	_ =	swait.ge [sflag:s29], $0x2800  }
0x31: {  	p3 =	por p3, p2;
	[sflag:s29] =	ssyncset.done $0x0;
	s25 =	smul.u32 @!p2 $0xA000, s24  }
0x32: {  	s30 =	sshrl.u32 s30, $0x2;
	[sflag:s29] =	ssyncadd.s32 $0xFFFFD800;
	s29 =	sadd.s32 @!p3 $0x4, s24  }
.Ltmp0:
0x33: {  	_ =	swait.ge @!p3 [sflag:s29], $0x1400;
	s25 =	sshrl.u32 @!p2 s25, $0x2;
	(pc) =	sbr.rel @p1 .LBB2_2-.Ltmp0, $4  }
0x34: {  	s20 =	sadd.s32 $0x80, s20;
	[sflag:s29] =	ssyncset.done @!p3 $0x0;
	s25 =	sadd.s32 @!p2 $0x4000, s25  }
0x35: {  	s24 =	sadd.s32 @!p2 $0x1, s24;
	[sflag:s29] =	ssyncadd.s32 @!p3 $0xFFFFEC00;
	s29 =	simm.s32 @!p2 $0x0  }
0x36: {  	[tilespmem:s25], [sflag:s24] =	stream.linear.gather @!p2 [hbm4b:s26+s29], $0x2800, $0x38;
	[tilespmem:$0x15440] =	vst v63  }
0x37: {  	s24 =	smul.u32 $0xAB, s19;
	s25 =	sadd.s32 $0x4000, s30;
	s26 =	sadd.s32 $0x4, s28  }
0x38: {  	[spmem:s1] =	stream.indirect.scatter.add.f32 [tilespmem:s25], [sflag:s26], $0x40, s23, s14, $0xb8;
	[tilespmem:$0x15440] =	vst v63  }
0x39: {  	s22 =	sshrl.u32 s24, $0x9  }
0x3a: {  	s26 =	sadd.s32 $0x156, s24;
	s22 =	sand.u32 $0x7F, s22  }
0x3b: {  	s23 =	sshrl.u32 s26, $0x9;
	s22 =	smul.u32 $0x3, s22  }
0x3c: {  	s23 =	sand.u32 $0x7F, s23  }
0x3d: {  	s23 =	smul.u32 $0x3, s23;
	s22 =	ssub.s32 s19, s22  }
0x3e: {  	p1 =	sgt.u32 s19, $0x7A;
	s22 =	sand.u32 $0xFF, s22  }
0x3f: {  	p2 =	seq.s32 @!p1 s19, $0x0;
	s23 =	ssub.s32 s19, s23;
	s28 =	sadd.s32 $0x1, s22  }
0x40: {  	p2 =	por p2, p1;
	s23 =	sadd.s32 $0x2, s23;
	_ =	swait.ge [sflag:s28], $0x2800  }
0x41: {  	s29 =	smul.u32 $0xA000, s22;
	s23 =	sand.u32 $0xFF, s23;
	[sflag:s28] =	ssyncset.done $0x0  }
0x42: {  	s19 =	smul.u32 @!p1 $0xA000, s23;
	s24 =	sadd.s32 @!p2 $0x4, s23;
	[sflag:s28] =	ssyncadd.s32 $0xFFFFD800  }
0x43: {  	s25 =	sshrl.u32 s29, $0x2;
	_ =	swait.ge @!p2 [sflag:s24], $0x1400  }
0x44: {  	s23 =	sadd.s32 @!p1 $0x1, s23;
	s19 =	sshrl.u32 @!p1 s19, $0x2;
	[sflag:s24] =	ssyncset.done @!p2 $0x0  }
0x45: {  	s19 =	sadd.s32 @!p1 $0x4000, s19;
	[sflag:s24] =	ssyncadd.s32 @!p2 $0xFFFFEC00;
	s24 =	simm.s32 @!p1 $0x0  }
0x46: {  	[tilespmem:s19], [sflag:s23] =	stream.linear.gather @!p1 [hbm4b:s21+s24], $0x2800, $0x38;
	[tilespmem:$0x15440] =	vst v63  }
0x47: {  	s31 =	sadd.s32 $0x4, s22;
	s30 =	sadd.s32 $0x4000, s25  }
0x48: {  	[spmem:s1] =	stream.indirect.scatter.add.f32 [tilespmem:s30], [sflag:s31], $0x40, s20, s14, $0xb8;
	[tilespmem:$0x15440] =	vst v63  }
0x49: {  	_ =	swait.ge [sflag:s15], $0x1400  }
0x4a: {  	[sflag:s15] =	ssyncset.done $0x0  }
0x4b: {  	[sflag:s15] =	ssyncadd.s32 $0xFFFFEC00  }
0x4c: {  	_ =	swait.ge [sflag:s16], $0x1400  }
0x4d: {  	[sflag:s16] =	ssyncset.done $0x0  }
0x4e: {  	[sflag:s16] =	ssyncadd.s32 $0xFFFFEC00  }
0x4f: {  	_ =	swait.ge [sflag:s17], $0x1400  }
0x50: {  	[sflag:s17] =	ssyncset.done $0x0  }
0x51: {  	s18 =	sadd.s32 $0x1, s18;
	[sflag:s17] =	ssyncadd.s32 $0xFFFFEC00  }
0x52: {  	s19 =	simm.s32 @!p0 $0x1C07;
	p1 =	sne.s32 s18, s8;
	[bflag:$0x0] =	sbarrier.arrive $0xFFFF  }
0x53: {  	[hbm:s7], [sflag:s19] =	dma.local @!p0 [spmem:s10], $0x27100  }
.Ltmp1:
0x54: {  	_ = 	snop;
	(pc) =	sbr.rel @p1 .LBB2_1-.Ltmp1, $4  }
0x55: {  	s19 =	simm.s32 @!p0 $0x7  }
0x56: {  	_ =	swait.ge @!p0 [sflag:s19], $0x27100  }
0x57: {  	[sflag:s19] =	ssyncset.done @!p0 $0x0  }
0x58: {  	[sflag:s19] =	ssyncadd.s32 @!p0 $0xFFFD8F00  }
0x59: {  	_ =	sfence.sel $0x180000  }
0x5a: {  	[bflag:$0x0] =	sbarrier.arrive $0xFFFF  }
0x5b: {  	_ =	strace $0x90000050  }
0x5c: {  	s0 =	sadd.s32 @!p0 $0x100000, s0;
	[bflag:$0x2] =	sbarrier.arrive $0xFFFF  }
0x5d: {  	[sflag:s0] =	ssyncadd.tile.s32 @!p0 $0x1;
	_ =	shalt  }
.Lfunc_end2:
_tile_overlayer_lowered:
.L_overlay_start_2:
0x5e: {  	(tag) =	ssettag $0x2  }
0x5f: {  	s0 =	rddreg [dreg:$0x0];
	s2 =	stileid.u32  }
0x60: {  	s1 =	rddreg [dreg:$0x1];
	p0 =	sne.s32 s2, $0x0  }
0x61: {  	s3 =	rddreg [dreg:$0x2];
	[bflag:$0x3] =	sbarrier.arrive $0xFFFF;
	s2 =	simm.s32 @!p0 $0x1C07  }
0x62: {  	[timem:s3], [sflag:s2] =	dma.local @!p0 [hbm:s0], s1  }
0x63: {  	s0 =	simm.s32 @!p0 $0x7  }
0x64: {  	_ =	swait.ge @!p0 [sflag:s0], s1  }
0x65: {  	s1 =	ssub.s32 @!p0 $0x0, s1;
	[sflag:s0] =	ssyncset.done @!p0 $0x0  }
0x66: {  	[sflag:s0] =	ssyncadd.s32 @!p0 s1  }
0x67: {  	[bflag:$0x3] =	sbarrier.arrive $0xFFFF  }
0x68: {  	_ =	shalt  }

// kernel: kernel.27.cloned.1.call-start
scs
__scs_entry_jumppad:
0x0: {  	(pc) =	sbr.rel $0x88, $3  }
0x1: {  	(tag) =	ssettag $0x0;
	lr =	simm.s32 $0x1  }
0x2: {  	[smem:$0x3F91] =	sst lr;
	_ =	strace $0xD0000000  }
0x3: {  	_ = 	snop  }
0x4: {  	_ = 	snop  }
0x5: {  	_ = 	snop  }
0x6: {  	_ = 	snop  }
0x7: {  	_ = 	snop  }
__scs_overlays_trampoline_lowered:
0x8: {  	[smem:$0x3FA0] =	sst s0  }
0x9: {  	[smem:$0x3FA1] =	sst s1  }
0xa: {  	[smem:$0x3FA2] =	sst s2  }
0xb: {  	[smem:$0x3FA3] =	sst s3  }
0xc: {  	[smem:$0x3FA4] =	sst s4  }
0xd: {  	[smem:$0x3FA5] =	sst s5  }
0xe: {  	[smem:$0x3FA6] =	sst s6  }
0xf: {  	[smem:$0x3FA7] =	sst s7  }
0x10: {  	[smem:$0x3FA8] =	sst s8  }
0x11: {  	[smem:$0x3FA9] =	sst s9;
	s0 =	simm.s32 @!p0 $0x0  }
0x12: {  	s1 =	sld [smem:$0x3F8F];
	s0 =	simm.s32 @p0 $0x1  }
0x13: {  	[smem:$0x3FAA] =	sst s0;
	s0 =	simm.s32 @!p1 $0x0  }
0x14: {  	s2 =	sld [smem:$0x3F8E];
	s0 =	simm.s32 @p1 $0x1  }
0x15: {  	[smem:$0x3FAB] =	sst s0;
	s0 =	simm.s32 @!p2 $0x0  }
0x16: {  	s3 =	sld [smem:$0x3FDB];
	s0 =	simm.s32 @p2 $0x1  }
0x17: {  	s4 =	simm.s32 $0x1BF5;
	[smem:$0x3FAD] =	sst s0  }
0x18: {  	s0 =	sld [smem:$0x3F90];
	_ =	swait.ge [sflag:s4], $0x0  }
0x19: {  	s7 =	sld [smem:$0x3F91]  }
0x1a: {  	s8 =	sadd.s32 $0xFFFFE003, lr  }
0x1b: {  	s9 =	sadd.s32 $0xFFFFFEF7, lr;
	s5 =	simm.s32 $0xFFFFFFFF;
	p2 =	slt.u32 s8, $0xFFFFF086  }
0x1c: {  	p1 =	slt.u32 s9, $0xF7A;
	s5 =	simm.s32 @!p2 $0x0  }
0x1d: {  	s5 =	simm.s32 @p1 $0x1;
	p0 =	seq.s32 s7, s2  }
0x1e: {  	s7 =	smul.u32 @!p0 $0xF7A, s2;
	p2 =	seq.s32 @!p0 s5, $0x0  }
0x1f: {  	s9 =	smul.u32 $0xF7A, s1;
	s8 =	simm.s32 @!p0 $0x1BF5;
	p2 =	por !p2, p0  }
0x20: {  	[sflag:s8] =	ssyncset.s32 @!p0 $0xFFFFF086;
	s6 =	sadd.s32 @!p0 s3, s7;
	s7 =	simm.s32 @!p0 $0x108  }
0x21: {  	s3 =	sadd.s32 s3, s9;
	s6 =	sadd.s32 @!p0 $0x88, s6;
	s7 =	simm.s32 @p2 $0x1082  }
0x22: {  	[simem:s7], [sflag:s8] =	dma.local @!p0 [hbm:s6], $0xF7A  }
0x23: {  	s9 =	sor.u32 $0xD0000000, s2;
	s6 =	simm.s32 $0x108;
	_ =	swait.ge @!p0 [sflag:s8], $0x0  }
0x24: {  	s3 =	sadd.s32 $0x88, s3;
	s6 =	simm.s32 @!p1 $0x1082;
	[sflag:s4] =	ssyncset.s32 $0xFFFFF086  }
0x25: {  	[simem:s6], [sflag:s4] =	dma.local [hbm:s3], $0xF7A  }
0x26: {  	[smem:$0x3F91] =	sst s1;
	(tag) =	ssettag s2;
	_ =	strace s9  }
0x27: {  	s1 =	sld [smem:$0x3FA1]  }
0x28: {  	s2 =	sld [smem:$0x3FA2]  }
0x29: {  	s4 =	sld [smem:$0x3FA4]  }
0x2a: {  	p0 =	seq.s32 s5, $0x0;
	s5 =	sld [smem:$0x3FA5]  }
0x2b: {  	s6 =	sld [smem:$0x3FA6]  }
0x2c: {  	s7 =	sld [smem:$0x3FA7]  }
0x2d: {  	s3 =	simm.s32 $0x108;
	s8 =	sld [smem:$0x3FA8]  }
0x2e: {  	s3 =	simm.s32 @!p0 $0x1082;
	s9 =	sld [smem:$0x3FA9]  }
0x2f: {  	lr =	sadd.s32 s0, s3;
	s0 =	sld [smem:$0x3FA0]  }
0x30: {  	s3 =	sld [smem:$0x3FA3]  }
0x31: {  	[smem:$0x3FAC] =	sst s10  }
0x32: {  	s10 =	sld [smem:$0x3FAA];
	_ =	sdelay $0x3  }
0x33: {  	p0 =	seq.s32 s10, $0x1;
	s10 =	sld [smem:$0x3FAC];
	_ =	sdelay $0x3  }
0x34: {  	[smem:$0x3FAC] =	sst s10  }
0x35: {  	s10 =	sld [smem:$0x3FAB];
	_ =	sdelay $0x3  }
0x36: {  	p1 =	seq.s32 s10, $0x1;
	s10 =	sld [smem:$0x3FAC];
	_ =	sdelay $0x3  }
0x37: {  	[smem:$0x3FAC] =	sst s10  }
0x38: {  	s10 =	sld [smem:$0x3FAD]  }
0x39: {  	_ = 	snop;
	(pc) =	sbr.ind lr, $3  }
0x3a: {  	_ = 	snop  }
0x3b: {  	_ = 	snop  }
0x3c: {  	p2 =	seq.s32 s10, $0x1;
	s10 =	sld [smem:$0x3FAC]  }
0x3d: {  	_ =	shalt  }
0x3e: {  	_ =	shalt  }
0x3f: {  	_ =	shalt  }
0x40: {  	_ =	shalt  }
0x41: {  	_ =	shalt  }
0x42: {  	_ =	shalt  }
0x43: {  	_ =	shalt  }
0x44: {  	_ =	shalt  }
0x45: {  	_ =	shalt  }
0x46: {  	_ =	shalt  }
0x47: {  	_ =	shalt  }
0x48: {  	_ =	shalt  }
0x49: {  	_ =	shalt  }
0x4a: {  	_ =	shalt  }
0x4b: {  	_ =	shalt  }
0x4c: {  	_ =	shalt  }
0x4d: {  	_ =	shalt  }
0x4e: {  	_ =	shalt  }
0x4f: {  	_ =	shalt  }
0x50: {  	_ =	shalt  }
0x51: {  	_ =	shalt  }
0x52: {  	_ =	shalt  }
0x53: {  	_ =	shalt  }
0x54: {  	_ =	shalt  }
0x55: {  	_ =	shalt  }
0x56: {  	_ =	shalt  }
0x57: {  	_ =	shalt  }
0x58: {  	_ =	shalt  }
0x59: {  	_ =	shalt  }
0x5a: {  	_ =	shalt  }
0x5b: {  	_ =	shalt  }
0x5c: {  	_ =	shalt  }
0x5d: {  	_ =	shalt  }
0x5e: {  	_ =	shalt  }
0x5f: {  	_ =	shalt  }
0x60: {  	_ =	shalt  }
0x61: {  	_ =	shalt  }
0x62: {  	_ =	shalt  }
0x63: {  	_ =	shalt  }
0x64: {  	_ =	shalt  }
0x65: {  	_ =	shalt  }
0x66: {  	_ =	shalt  }
0x67: {  	_ =	shalt  }
0x68: {  	_ =	shalt  }
0x69: {  	_ =	shalt  }
0x6a: {  	_ =	shalt  }
0x6b: {  	_ =	shalt  }
0x6c: {  	_ =	shalt  }
0x6d: {  	_ =	shalt  }
0x6e: {  	_ =	shalt  }
0x6f: {  	_ =	shalt  }
0x70: {  	_ =	shalt  }
0x71: {  	_ =	shalt  }
0x72: {  	_ =	shalt  }
0x73: {  	_ =	shalt  }
0x74: {  	_ =	shalt  }
0x75: {  	_ =	shalt  }
0x76: {  	_ =	shalt  }
0x77: {  	_ =	shalt  }
0x78: {  	_ =	shalt  }
0x79: {  	_ =	shalt  }
0x7a: {  	_ =	shalt  }
0x7b: {  	_ =	shalt  }
0x7c: {  	_ =	shalt  }
0x7d: {  	_ =	shalt  }
0x7e: {  	_ =	shalt  }
0x7f: {  	_ =	shalt  }
0x80: {  	_ =	shalt  }
0x81: {  	_ =	shalt  }
0x82: {  	_ =	shalt  }
0x83: {  	_ =	shalt  }
0x84: {  	_ =	shalt  }
0x85: {  	_ =	shalt  }
0x86: {  	_ =	shalt  }
0x87: {  	_ =	shalt  }
.Lfunc_end0:
.L_simem_size_0:
called_computation.4_lowered:
.L_overlay_start_0:
0x88: {  	s2 =	sld [smem:$0x3FD9]  }
0x89: {  	s3 =	sld [smem:$0x3FFE];
	_ =	sdelay $0x1  }
0x8a: {  	s1 =	srdreg.scid  }
0x8b: {  	s0 =	sand.u32 $0x1, s1  }
0x8c: {  	s16 =	sshll.u32 s0, $0xA;
	s2 =	sadd.s32 s3, s2  }
0x8d: {  	s2 =	sadd.s32 s2, s16  }
0x8e: {  	[smem:$0x3FB8] =	sst s2  }
0x8f: {  	_ = 	snop  }
0x90: {  	(tm) =	ssettm $0x1  }
0x91: {  	s17 =	sld [smem:$0x3FFB];
	_ =	sdelay $0x3  }
0x92: {  	_ =	strace s17  }
0x93: {  	s2 =	sld [smem:$0x3FFC];
	_ =	sdelay $0x3  }
0x94: {  	_ =	strace s2  }
0x95: {  	s2 =	sld [smem:$0x3FFD];
	_ =	sdelay $0x3  }
0x96: {  	_ =	strace s2  }
0x97: {  	_ =	strace $0x8FFFFFFF  }
0x98: {  	s18 =	sld [smem:$0x3FDB];
	_ =	sdelay $0x1  }
0x99: {  	s19 =	simm.s32 $_scs_section_size  }
0x9a: {  	s4 =	simm.s32 $_size__tile_overlayer_lowered;
	s5 =	simm.s32 $_tile_overlayer_lowered  }
0x9b: {  	s22 =	simm.s32 $0x1BFF;
	s21 =	sshll.u32 s5, $0x1;
	s2 =	sadd.s32 s19, s18  }
0x9c: {  	s6 =	simm.s32 $0x0;
	s20 =	sshll.u32 s4, $0x1;
	s4 =	sadd.s32 s21, s2  }
0x9d: {  	[timem:s6], [sflag:s22] =	dma.local [hbm:s4], s20  }
0x9e: {  	_ =	swait.ge [sflag:s22], s20  }
0x9f: {  	s3 =	ssub.s32 $0x0, s20;
	[sflag:s22] =	ssyncset.done $0x0  }
0xa0: {  	[sflag:s22] =	ssyncadd.s32 s3;
	_ =	sdelay $0x1  }
0xa1: {  	s23 =	simm.s32 $0x1B8B  }
0xa2: {  	_ =	swait.ge [sflag:s23], $0x1  }
0xa3: {  	[sflag:s23] =	ssyncset.done $0x0  }
0xa4: {  	s25 =	simm.s32 $0x1B8E;
	s24 =	sld [smem:$0x3FFE];
	[sflag:s23] =	ssyncadd.s32 $0xFFFFFFFF  }
0xa5: {  	s26 =	simm.s32 $execute0_lowered;
	[smem:$0x3FD2] =	sst s25  }
0xa6: {  	s4 =	sshll.u32 s26, $0x1;
	_ =	strace $0x80000052;
	[dreg:$0x1] =	wrdreg $0xFFFFFFFF  }
0xa7: {  	s28 =	simm.s32 $_size_execute0_lowered;
	s2 =	sadd.s32 s2, s4;
	[dreg:$0x0] =	wrdreg $0x0  }
0xa8: {  	s4 =	sshll.u32 s28, $0x1;
	[dreg:$0x2] =	wrdreg s2  }
0xa9: {  	[dreg:$0x3] =	wrdreg s4  }
0xaa: {  	[dreg:$0x4] =	wrdreg $0xC0  }
0xab: {  	_ =	task [dreg:s6], $0x5FFFF  }
0xac: {  	[dreg:$0x1] =	wrdreg $0xFFFFFFFF  }
0xad: {  	[dreg:$0x0] =	wrdreg $0x60  }
0xae: {  	[dreg:$0x2] =	wrdreg s24  }
0xaf: {  	[dreg:$0x3] =	wrdreg $0x9  }
0xb0: {  	_ =	task.clear_ibuf [dreg:s6], $0x4FFFF;
	_ =	strace $0x90000052  }
0xb1: {  	s29 =	simm.s32 $0x9;
	_ =	strace $0x80000054  }
0xb2: {  	_ =	swait.ge [sflag:s29], $0x1  }
0xb3: {  	[sflag:s29] =	ssyncadd.s32 $0xFFFFFFFF  }
0xb4: {  	_ =	strace $0x90000054  }
0xb5: {  	_ =	sfence  }
0xb6: {  	s30 =	sld [smem:$0x0];
	_ =	sdelay $0x2  }
0xb7: {  	s31 =	sshll.u32 s1, $0xD;
	s1 =	sshrl.u32 s1, $0x2  }
0xb8: {  	s3 =	sand.u32 $0x4000, s31;
	s1 =	sadd.s32 s1, s30  }
0xb9: {  	s0 =	sor.u32 s3, s0;
	s1 =	sshll.u32 s1, $0x11  }
0xba: {  	s0 =	sor.u32 s1, s0  }
0xbb: {  	s0 =	sadd.s32 $0x8F2B, s0  }
0xbc: {  	[sflag:s0] =	ssyncadd.remote.s32 $0x1  }
0xbd: {  	_ =	sfence.sel $0xFFFF  }
0xbe: {  	[dreg:$0x0] =	wrdreg $0xFFFFFFFF;
	(pc) =	sbr.abs _section_cstart, $3  }
0xbf: {  	[dreg:$0x1] =	wrdreg $0xFFFFFFFF  }
0xc0: {  	_ =	task.clear_ibuf [dreg:s6], $0x2FFFF;
	_ =	strace $0x9FFFFFFF  }
0xc1: {  	(tm) =	ssettm $0x7FFFFFFF  }
tec
execute0_lowered:
.L_overlay_start_1:
0x0: {  	(tag) =	ssettag $0x1  }
0x1: {  	s0 =	rddreg [dreg:$0x0]  }
0x2: {  	s1 =	simm.s32 $0x0;
	s2 =	srdreg.scid;
	s7 =	stileid.u32  }
0x3: {  	s10 =	simm.s32 $0xD;
	s12 =	simm.s32 $0x50;
	s22 =	simm.s32 $0xB  }
0x4: {  	s23 =	simm.s32 $0x9;
	s24 =	simm.s32 $0xC;
	s25 =	simm.s32 $0x0  }
0x5: {  	[smem:$0x7FF] =	sst s1;
	s3 =	sadd.s32 $0x51400, s0;
	s2 =	sand.u32 $0x1, s2  }
0x6: {  	s4 =	sadd.s32 $0x78600, s0;
	s5 =	sshll.u32 s7, $0xC;
	s6 =	sshll.u32 s2, $0xB  }
0x7: {  	s26 =	smul.u32 $0x4E200, s7;
	_ =	strace $0x80000053;
	s5 =	sor.u32 s6, s5  }
0x8: {  	s28 =	ssub.s32 $0x2, s2;
	s2 =	smul.u32 $0x27100, s2;
	s5 =	sadd.s32 s5, s0  }
0x9: {  	s8 =	sshrl.u32 s28, $0x1;
	s0 =	sadd.s32 s26, s0;
	s30 =	sadd.s32 $0x19600, s5  }
0xa: {  	s29 =	ssub.s32 s28, s8;
	s5 =	sadd.s32 $0x9600, s5;
	[dreg:$0x2] =	wrdreg s30  }
0xb: {  	s31 =	smax.u32 s29, $0x1;
	s0 =	sadd.s32 s2, s0;
	[dreg:$0x3] =	wrdreg s5  }
0xc: {  	[dreg:$0x4] =	wrdreg s31;
	s17 =	sadd.s32 $0xC6A00, s0;
	s15 =	sadd.s32 $0xA63C00, s0  }
.LBB2_1:
0xd: {  	s0 =	rddreg [dreg:$0x2]  }
0xe: {  	[tilespmem:s1], [sflag:$0xD] =	stream.linear.gather [hbm4b:s0+s1], $0x3E80, $0x38;
	[tilespmem:$0x17000] =	vst v63  }
0xf: {  	_ =	swait.ge [sflag:s10], $0x3E80  }
0x10: {  	[sflag:s10] =	ssyncset.done $0x0  }
0x11: {  	s2 =	simm.s32 $0x4000;
	s8 =	rddreg [dreg:$0x3];
	[sflag:s10] =	ssyncadd.s32 $0xFFFFC180  }
0x12: {  	[tilespmem:s2], [sflag:$0xD] =	stream.linear.gather [hbm4b:s8+s1], $0x3E80, $0x38;
	[tilespmem:$0x17000] =	vst v63  }
0x13: {  	_ =	swait.ge [sflag:s10], $0x3E80  }
0x14: {  	s13 =	simm.s32 $0x2;
	[sflag:s10] =	ssyncset.done $0x0  }
0x15: {  	s9 =	simm.s32 $0x8000;
	s0 =	smul.u32 $0xAB, s13;
	[sflag:s10] =	ssyncadd.s32 $0xFFFFC180  }
0x16: {  	[tilespmem:s9], [sflag:$0x1] =	stream.indirect.gather [hbm4b:s3+s12], $0x80, s1, s12, $0xb8;
	[tilespmem:$0x17000] =	vst v63  }
0x17: {  	s11 =	simm.s32 $0xF800;
	s16 =	sadd.s32 $0xFFFFFEAA, s0  }
0x18: {  	[tilespmem:s11], [sflag:$0x4] =	stream.indirect.gather [hbm4b:s4+s12], $0x80, s2, s12, $0xb8;
	[tilespmem:$0x17000] =	vst v63  }
0x19: {  	s2 =	sshrl.u32 s16, $0x9  }
0x1a: {  	s14 =	simm.s32 $0x80;
	s5 =	simm.s32 $0xA800;
	s2 =	sand.u32 $0x7F, s2  }
0x1b: {  	[tilespmem:s5], [sflag:$0x2] =	stream.indirect.gather [hbm4b:s3+s12], $0x80, s14, s12, $0xb8;
	[tilespmem:$0x17000] =	vst v63  }
0x1c: {  	s18 =	simm.s32 $0x4080;
	s6 =	simm.s32 $0x12000;
	s2 =	smul.u32 $0x3, s2  }
0x1d: {  	[tilespmem:s6], [sflag:$0x5] =	stream.indirect.gather [hbm4b:s4+s12], $0x80, s18, s12, $0xb8;
	[tilespmem:$0x17000] =	vst v63  }
0x1e: {  	s2 =	ssub.s32 $0x0, s2  }
0x1f: {  	s30 =	simm.s32 $0x3;
	p0 =	por $0x0, $0x0;
	s2 =	sand.u32 $0xFF, s2  }
0x20: {  	s28 =	simm.s32 $0x4180;
	s19 =	sshrl.u32 s0, $0x9;
	s7 =	sadd.s32 $0x1, s2  }
0x21: {  	s29 =	simm.s32 $0x180;
	s5 =	sand.u32 $0x7F, s19;
	_ =	swait.ge [sflag:s7], $0x2800  }
0x22: {  	s26 =	sadd.s32 $0x500, s15;
	s5 =	smul.u32 $0x3, s5;
	[sflag:s7] =	ssyncset.done $0x0  }
0x23: {  	p1 =	por @!p0 $0x1, $0x1;
	s20 =	sor.u32 $0x4, s2;
	[sflag:s7] =	ssyncadd.s32 $0xFFFFD800  }
0x24: {  	p1 =	por p1, p0;
	s5 =	ssub.s32 $0x2, s5;
	_ =	swait.ge [sflag:s20], $0x2800  }
0x25: {  	s11 =	smul.u32 $0xAB, s30;
	s8 =	sand.u32 $0xFF, s5;
	[sflag:s20] =	ssyncset.done $0x0  }
0x26: {  	s31 =	sadd.s32 $0x500, s17;
	s5 =	sadd.s32 @!p1 $0x7, s8;
	[sflag:s20] =	ssyncadd.s32 $0xFFFFD800  }
0x27: {  	s13 =	simm.s32 $0x4;
	s19 =	sadd.s32 $0xFFFFFEAA, s11;
	_ =	swait.ge @!p1 [sflag:s5], $0x2800  }
0x28: {  	s0 =	simm.s32 $0x4100;
	s21 =	sshrl.u32 s19, $0x9;
	[sflag:s5] =	ssyncset.done @!p1 $0x0  }
0x29: {  	s9 =	sadd.s32 @!p1 $0xA, s8;
	s7 =	smul.u32 @!p0 $0x2800, s8;
	[sflag:s5] =	ssyncadd.s32 @!p1 $0xFFFFD800  }
0x2a: {  	s6 =	simm.s32 $0x100;
	s14 =	smul.u32 $0x2800, s2;
	_ =	swait.ge @!p1 [sflag:s9], $0x2800  }
0x2b: {  	s16 =	sadd.s32 $0xA, s2;
	s18 =	sadd.s32 @!p0 $0x8000, s7;
	[sflag:s9] =	ssyncset.done @!p1 $0x0  }
0x2c: {  	s5 =	simm.s32 @!p0 $0x50;
	[sflag:s9] =	ssyncadd.s32 @!p1 $0xFFFFD800;
	s9 =	sadd.s32 @!p0 $0x1, s8  }
0x2d: {  	[tilespmem:s18], [sflag:s9] =	stream.indirect.gather @!p0 [hbm4b:s3+s5], $0x80, s6, s5, $0xb8;
	[tilespmem:$0x17000] =	vst v63  }
0x2e: {  	s7 =	sadd.s32 @!p0 $0xF800, s7;
	s18 =	sshrl.u32 s11, $0x9;
	s6 =	sand.u32 $0x7F, s21  }
0x2f: {  	s11 =	sadd.s32 @!p0 $0x4, s8;
	s8 =	smov.u32 s17;
	s9 =	smov.u32 s15  }
.LBB2_2:
0x30: {  	[tilespmem:s7], [sflag:s11] =	stream.indirect.gather @!p0 [hbm4b:s4+s5], $0x80, s0, s5, $0xb8;
	[tilespmem:$0x17000] =	vst v63  }
0x31: {  	s5 =	smov.u32 s30;
	s30 =	smov.u32 s13;
	s0 =	smov.u32 s28  }
0x32: {  	s11 =	sor.u32 $0x8000, s14;
	s2 =	sadd.s32 $0x7, s2;
	s7 =	sadd.s32 $0xFFFFFFFE, s5  }
0x33: {  	[hbm4b:s8+s1] =	stream.linear.scatter [tilespmem:s11], [sflag:s2], $0x2800, $0x38;
	[tilespmem:$0x17000] =	vst v63  }
0x34: {  	s2 =	smul.u32 $0x3, s6;
	p0 =	sgt.u32 s7, $0x7A;
	s6 =	sadd.s32 $0xF800, s14  }
0x35: {  	[hbm4b:s9+s1] =	stream.linear.scatter [tilespmem:s6], [sflag:s16], $0x2800, $0x38;
	[tilespmem:$0x17000] =	vst v63  }
0x36: {  	p2 =	seq.s32 @!p0 s5, $0x2;
	s2 =	ssub.s32 s7, s2;
	s6 =	sand.u32 $0x7F, s18  }
0x37: {  	s13 =	sadd.s32 $0x1, s13;
	s7 =	smov.u32 s29;
	s2 =	sand.u32 $0xFF, s2  }
0x38: {  	p1 =	sne.s32 s13, $0x7F;
	s14 =	smul.u32 $0x2800, s2;
	s11 =	sadd.s32 $0x1, s2  }
0x39: {  	s8 =	smov.u32 s31;
	s9 =	smov.u32 s26;
	_ =	swait.ge [sflag:s11], $0x2800  }
0x3a: {  	s6 =	smul.u32 $0x3, s6;
	[sflag:s11] =	ssyncset.done $0x0  }
0x3b: {  	s28 =	sadd.s32 $0x80, s28;
	[sflag:s11] =	ssyncadd.s32 $0xFFFFD800;
	s11 =	sor.u32 $0x4, s2  }
0x3c: {  	s29 =	sadd.s32 $0x80, s29;
	s5 =	ssub.s32 s5, s6;
	_ =	swait.ge [sflag:s11], $0x2800  }
0x3d: {  	p2 =	por p2, p0;
	s19 =	sand.u32 $0xFF, s5;
	[sflag:s11] =	ssyncset.done $0x0  }
0x3e: {  	s26 =	sadd.s32 $0x500, s26;
	s6 =	sadd.s32 @!p2 $0x7, s19;
	[sflag:s11] =	ssyncadd.s32 $0xFFFFD800  }
0x3f: {  	s31 =	sadd.s32 $0x500, s31;
	s16 =	sadd.s32 $0xA, s2;
	_ =	swait.ge @!p2 [sflag:s6], $0x2800  }
0x40: {  	s5 =	simm.s32 @!p0 $0x50;
	s11 =	smul.u32 @!p0 $0x2800, s19;
	[sflag:s6] =	ssyncset.done @!p2 $0x0  }
0x41: {  	s18 =	smul.u32 $0xAB, s30;
	[sflag:s6] =	ssyncadd.s32 @!p2 $0xFFFFD800;
	s6 =	sadd.s32 @!p2 $0xA, s19  }
.Ltmp0:
0x42: {  	s20 =	sadd.s32 @!p0 $0x8000, s11;
	_ =	swait.ge @!p2 [sflag:s6], $0x2800;
	(pc) =	sbr.rel @p1 .LBB2_2-.Ltmp0, $4  }
0x43: {  	s21 =	sadd.s32 $0xFFFFFEAA, s18;
	s18 =	sshrl.u32 s18, $0x9;
	[sflag:s6] =	ssyncset.done @!p2 $0x0  }
0x44: {  	s21 =	sshrl.u32 s21, $0x9;
	[sflag:s6] =	ssyncadd.s32 @!p2 $0xFFFFD800;
	s6 =	sadd.s32 @!p0 $0x1, s19  }
0x45: {  	[tilespmem:s20], [sflag:s6] =	stream.indirect.gather @!p0 [hbm4b:s3+s5], $0x80, s7, s5, $0xb8;
	[tilespmem:$0x17000] =	vst v63  }
0x46: {  	s6 =	sand.u32 $0x7F, s21;
	s7 =	sadd.s32 @!p0 $0xF800, s11;
	s11 =	sadd.s32 @!p0 $0x4, s19  }
0x47: {  	[tilespmem:s7], [sflag:s11] =	stream.indirect.gather @!p0 [hbm4b:s4+s5], $0x80, s0, s5, $0xb8;
	[tilespmem:$0x17000] =	vst v63  }
0x48: {  	s5 =	sor.u32 $0x8000, s14  }
0x49: {  	s2 =	sadd.s32 $0x7, s2;
	s7 =	smul.u32 $0x3, s6;
	s11 =	sadd.s32 $0xFFFFFFFE, s30  }
0x4a: {  	[hbm4b:s8+s1] =	stream.linear.scatter [tilespmem:s5], [sflag:s2], $0x2800, $0x38;
	[tilespmem:$0x17000] =	vst v63  }
0x4b: {  	s0 =	ssub.s32 s11, s7  }
0x4c: {  	s8 =	sadd.s32 $0xF800, s14;
	s0 =	sand.u32 $0xFF, s0  }
0x4d: {  	[hbm4b:s9+s1] =	stream.linear.scatter [tilespmem:s8], [sflag:s16], $0x2800, $0x38;
	[tilespmem:$0x17000] =	vst v63  }
0x4e: {  	s13 =	sadd.s32 $0x1, s0  }
0x4f: {  	s14 =	sand.u32 $0x7F, s18;
	_ =	swait.ge [sflag:s13], $0x2800  }
0x50: {  	s6 =	smul.u32 $0x3, s14;
	[sflag:s13] =	ssyncset.done $0x0  }
0x51: {  	p0 =	sgt.u32 s11, $0x7A;
	s16 =	sor.u32 $0x4, s0;
	[sflag:s13] =	ssyncadd.s32 $0xFFFFD800  }
0x52: {  	p1 =	seq.s32 @!p0 s30, $0x2;
	s18 =	ssub.s32 s30, s6;
	_ =	swait.ge [sflag:s16], $0x2800  }
0x53: {  	p1 =	por p1, p0;
	s5 =	sand.u32 $0xFF, s18;
	[sflag:s16] =	ssyncset.done $0x0  }
0x54: {  	s2 =	sadd.s32 @!p1 $0x7, s5;
	[sflag:s16] =	ssyncadd.s32 $0xFFFFD800  }
0x55: {  	_ =	swait.ge @!p1 [sflag:s2], $0x2800  }
0x56: {  	[sflag:s2] =	ssyncset.done @!p1 $0x0  }
0x57: {  	[sflag:s2] =	ssyncadd.s32 @!p1 $0xFFFFD800;
	s2 =	sadd.s32 @!p1 $0xA, s5  }
0x58: {  	s6 =	smul.u32 @!p0 $0x2800, s5;
	_ =	swait.ge @!p1 [sflag:s2], $0x2800  }
0x59: {  	s7 =	simm.s32 @!p0 $0x50;
	[sflag:s2] =	ssyncset.done @!p1 $0x0  }
0x5a: {  	s8 =	sadd.s32 @!p0 $0x8000, s6;
	[sflag:s2] =	ssyncadd.s32 @!p1 $0xFFFFD800;
	s2 =	sadd.s32 @!p0 $0x1, s5  }
0x5b: {  	[tilespmem:s8], [sflag:s2] =	stream.indirect.gather @!p0 [hbm4b:s3+s7], $0x80, s29, s7, $0xb8;
	[tilespmem:$0x17000] =	vst v63  }
0x5c: {  	s19 =	smul.u32 $0x2800, s0;
	s6 =	sadd.s32 @!p0 $0xF800, s6;
	s5 =	sadd.s32 @!p0 $0x4, s5  }
0x5d: {  	[tilespmem:s6], [sflag:s5] =	stream.indirect.gather @!p0 [hbm4b:s4+s7], $0x80, s28, s7, $0xb8;
	[tilespmem:$0x17000] =	vst v63  }
0x5e: {  	s21 =	sadd.s32 $0x7, s0;
	s20 =	sor.u32 $0x8000, s19  }
0x5f: {  	[hbm4b:s31+s1] =	stream.linear.scatter [tilespmem:s20], [sflag:s21], $0x2800, $0x38;
	[tilespmem:$0x17000] =	vst v63  }
0x60: {  	s0 =	sadd.s32 $0xA, s0;
	s2 =	sadd.s32 $0xF800, s19;
	s28 =	simm.s32 $0x7  }
0x61: {  	[hbm4b:s26+s1] =	stream.linear.scatter [tilespmem:s2], [sflag:s0], $0x2800, $0x38;
	[tilespmem:$0x17000] =	vst v63  }
0x62: {  	_ =	swait.ge [sflag:s28], $0x2800  }
0x63: {  	[sflag:s28] =	ssyncset.done $0x0  }
0x64: {  	s29 =	simm.s32 $0xA;
	[sflag:s28] =	ssyncadd.s32 $0xFFFFD800  }
0x65: {  	_ =	swait.ge [sflag:s29], $0x2800  }
0x66: {  	[sflag:s29] =	ssyncset.done $0x0  }
0x67: {  	s30 =	simm.s32 $0x8;
	[sflag:s29] =	ssyncadd.s32 $0xFFFFD800  }
0x68: {  	_ =	swait.ge [sflag:s30], $0x2800  }
0x69: {  	[sflag:s30] =	ssyncset.done $0x0  }
0x6a: {  	[sflag:s30] =	ssyncadd.s32 $0xFFFFD800  }
0x6b: {  	_ =	swait.ge [sflag:s22], $0x2800  }
0x6c: {  	[sflag:s22] =	ssyncset.done $0x0  }
0x6d: {  	[sflag:s22] =	ssyncadd.s32 $0xFFFFD800  }
0x6e: {  	_ =	swait.ge [sflag:s23], $0x2800  }
0x6f: {  	[sflag:s23] =	ssyncset.done $0x0  }
0x70: {  	[sflag:s23] =	ssyncadd.s32 $0xFFFFD800  }
0x71: {  	_ =	swait.ge [sflag:s24], $0x2800  }
0x72: {  	s25 =	sadd.s32 $0x1, s25;
	s31 =	rddreg [dreg:$0x4]  }
0x73: {  	p0 =	sne.s32 s25, s31  }
.Ltmp1:
0x74: {  	_ = 	snop;
	(pc) =	sbr.rel @p0 .LBB2_1-.Ltmp1, $3  }
0x75: {  	_ =	sdelay $0x1  }
0x76: {  	[sflag:s24] =	ssyncset.done $0x0  }
0x77: {  	[sflag:s24] =	ssyncadd.s32 $0xFFFFD800  }
0x78: {  	_ =	sfence.sel $0x180000  }
0x79: {  	[bflag:$0x0] =	sbarrier.arrive $0xFFFF  }
0x7a: {  	_ =	strace $0x90000053  }
0x7b: {  	s0 =	stileid.u32;
	[bflag:$0x2] =	sbarrier.arrive $0xFFFF  }
0x7c: {  	p0 =	sne.s32 s0, $0x0;
	s0 =	rddreg [dreg:$0x1]  }
0x7d: {  	s0 =	sadd.s32 @!p0 $0x100000, s0  }
0x7e: {  	[sflag:s0] =	ssyncadd.tile.s32 @!p0 $0x1;
	_ =	shalt  }
.Lfunc_end2:
_tile_overlayer_lowered:
.L_overlay_start_2:
0x7f: {  	(tag) =	ssettag $0x2  }
0x80: {  	s0 =	rddreg [dreg:$0x0];
	s2 =	stileid.u32  }
0x81: {  	s1 =	rddreg [dreg:$0x1];
	p0 =	sne.s32 s2, $0x0  }
0x82: {  	s3 =	rddreg [dreg:$0x2];
	[bflag:$0x3] =	sbarrier.arrive $0xFFFF;
	s2 =	simm.s32 @!p0 $0x1C0D  }
0x83: {  	[timem:s3], [sflag:s2] =	dma.local @!p0 [hbm:s0], s1  }
0x84: {  	s0 =	simm.s32 @!p0 $0xD  }
0x85: {  	_ =	swait.ge @!p0 [sflag:s0], s1  }
0x86: {  	s1 =	ssub.s32 @!p0 $0x0, s1;
	[sflag:s0] =	ssyncset.done @!p0 $0x0  }
0x87: {  	[sflag:s0] =	ssyncadd.s32 @!p0 s1  }
0x88: {  	[bflag:$0x3] =	sbarrier.arrive $0xFFFF  }
0x89: {  	_ =	shalt  }

// kernel: kernel.30.cloned.1.call-start
scs
__scs_entry_jumppad:
0x0: {  	(pc) =	sbr.rel $0x88, $3  }
0x1: {  	(tag) =	ssettag $0x0;
	lr =	simm.s32 $0x1  }
0x2: {  	[smem:$0x3F91] =	sst lr;
	_ =	strace $0xD0000000  }
0x3: {  	_ = 	snop  }
0x4: {  	_ = 	snop  }
0x5: {  	_ = 	snop  }
0x6: {  	_ = 	snop  }
0x7: {  	_ = 	snop  }
__scs_overlays_trampoline_lowered:
0x8: {  	[smem:$0x3FA0] =	sst s0  }
0x9: {  	[smem:$0x3FA1] =	sst s1  }
0xa: {  	[smem:$0x3FA2] =	sst s2  }
0xb: {  	[smem:$0x3FA3] =	sst s3  }
0xc: {  	[smem:$0x3FA4] =	sst s4  }
0xd: {  	[smem:$0x3FA5] =	sst s5  }
0xe: {  	[smem:$0x3FA6] =	sst s6  }
0xf: {  	[smem:$0x3FA7] =	sst s7  }
0x10: {  	[smem:$0x3FA8] =	sst s8  }
0x11: {  	[smem:$0x3FA9] =	sst s9;
	s0 =	simm.s32 @!p0 $0x0  }
0x12: {  	s1 =	sld [smem:$0x3F8F];
	s0 =	simm.s32 @p0 $0x1  }
0x13: {  	[smem:$0x3FAA] =	sst s0;
	s0 =	simm.s32 @!p1 $0x0  }
0x14: {  	s2 =	sld [smem:$0x3F8E];
	s0 =	simm.s32 @p1 $0x1  }
0x15: {  	[smem:$0x3FAB] =	sst s0;
	s0 =	simm.s32 @!p2 $0x0  }
0x16: {  	s3 =	sld [smem:$0x3FDB];
	s0 =	simm.s32 @p2 $0x1  }
0x17: {  	s4 =	simm.s32 $0x1BF5;
	[smem:$0x3FAD] =	sst s0  }
0x18: {  	s0 =	sld [smem:$0x3F90];
	_ =	swait.ge [sflag:s4], $0x0  }
0x19: {  	s7 =	sld [smem:$0x3F91]  }
0x1a: {  	s8 =	sadd.s32 $0xFFFFE003, lr  }
0x1b: {  	s9 =	sadd.s32 $0xFFFFFEF7, lr;
	s5 =	simm.s32 $0xFFFFFFFF;
	p2 =	slt.u32 s8, $0xFFFFF086  }
0x1c: {  	p1 =	slt.u32 s9, $0xF7A;
	s5 =	simm.s32 @!p2 $0x0  }
0x1d: {  	s5 =	simm.s32 @p1 $0x1;
	p0 =	seq.s32 s7, s2  }
0x1e: {  	s7 =	smul.u32 @!p0 $0xF7A, s2;
	p2 =	seq.s32 @!p0 s5, $0x0  }
0x1f: {  	s9 =	smul.u32 $0xF7A, s1;
	s8 =	simm.s32 @!p0 $0x1BF5;
	p2 =	por !p2, p0  }
0x20: {  	[sflag:s8] =	ssyncset.s32 @!p0 $0xFFFFF086;
	s6 =	sadd.s32 @!p0 s3, s7;
	s7 =	simm.s32 @!p0 $0x108  }
0x21: {  	s3 =	sadd.s32 s3, s9;
	s6 =	sadd.s32 @!p0 $0x88, s6;
	s7 =	simm.s32 @p2 $0x1082  }
0x22: {  	[simem:s7], [sflag:s8] =	dma.local @!p0 [hbm:s6], $0xF7A  }
0x23: {  	s9 =	sor.u32 $0xD0000000, s2;
	s6 =	simm.s32 $0x108;
	_ =	swait.ge @!p0 [sflag:s8], $0x0  }
0x24: {  	s3 =	sadd.s32 $0x88, s3;
	s6 =	simm.s32 @!p1 $0x1082;
	[sflag:s4] =	ssyncset.s32 $0xFFFFF086  }
0x25: {  	[simem:s6], [sflag:s4] =	dma.local [hbm:s3], $0xF7A  }
0x26: {  	[smem:$0x3F91] =	sst s1;
	(tag) =	ssettag s2;
	_ =	strace s9  }
0x27: {  	s1 =	sld [smem:$0x3FA1]  }
0x28: {  	s2 =	sld [smem:$0x3FA2]  }
0x29: {  	s4 =	sld [smem:$0x3FA4]  }
0x2a: {  	p0 =	seq.s32 s5, $0x0;
	s5 =	sld [smem:$0x3FA5]  }
0x2b: {  	s6 =	sld [smem:$0x3FA6]  }
0x2c: {  	s7 =	sld [smem:$0x3FA7]  }
0x2d: {  	s3 =	simm.s32 $0x108;
	s8 =	sld [smem:$0x3FA8]  }
0x2e: {  	s3 =	simm.s32 @!p0 $0x1082;
	s9 =	sld [smem:$0x3FA9]  }
0x2f: {  	lr =	sadd.s32 s0, s3;
	s0 =	sld [smem:$0x3FA0]  }
0x30: {  	s3 =	sld [smem:$0x3FA3]  }
0x31: {  	[smem:$0x3FAC] =	sst s10  }
0x32: {  	s10 =	sld [smem:$0x3FAA];
	_ =	sdelay $0x3  }
0x33: {  	p0 =	seq.s32 s10, $0x1;
	s10 =	sld [smem:$0x3FAC];
	_ =	sdelay $0x3  }
0x34: {  	[smem:$0x3FAC] =	sst s10  }
0x35: {  	s10 =	sld [smem:$0x3FAB];
	_ =	sdelay $0x3  }
0x36: {  	p1 =	seq.s32 s10, $0x1;
	s10 =	sld [smem:$0x3FAC];
	_ =	sdelay $0x3  }
0x37: {  	[smem:$0x3FAC] =	sst s10  }
0x38: {  	s10 =	sld [smem:$0x3FAD]  }
0x39: {  	_ = 	snop;
	(pc) =	sbr.ind lr, $3  }
0x3a: {  	_ = 	snop  }
0x3b: {  	_ = 	snop  }
0x3c: {  	p2 =	seq.s32 s10, $0x1;
	s10 =	sld [smem:$0x3FAC]  }
0x3d: {  	_ =	shalt  }
0x3e: {  	_ =	shalt  }
0x3f: {  	_ =	shalt  }
0x40: {  	_ =	shalt  }
0x41: {  	_ =	shalt  }
0x42: {  	_ =	shalt  }
0x43: {  	_ =	shalt  }
0x44: {  	_ =	shalt  }
0x45: {  	_ =	shalt  }
0x46: {  	_ =	shalt  }
0x47: {  	_ =	shalt  }
0x48: {  	_ =	shalt  }
0x49: {  	_ =	shalt  }
0x4a: {  	_ =	shalt  }
0x4b: {  	_ =	shalt  }
0x4c: {  	_ =	shalt  }
0x4d: {  	_ =	shalt  }
0x4e: {  	_ =	shalt  }
0x4f: {  	_ =	shalt  }
0x50: {  	_ =	shalt  }
0x51: {  	_ =	shalt  }
0x52: {  	_ =	shalt  }
0x53: {  	_ =	shalt  }
0x54: {  	_ =	shalt  }
0x55: {  	_ =	shalt  }
0x56: {  	_ =	shalt  }
0x57: {  	_ =	shalt  }
0x58: {  	_ =	shalt  }
0x59: {  	_ =	shalt  }
0x5a: {  	_ =	shalt  }
0x5b: {  	_ =	shalt  }
0x5c: {  	_ =	shalt  }
0x5d: {  	_ =	shalt  }
0x5e: {  	_ =	shalt  }
0x5f: {  	_ =	shalt  }
0x60: {  	_ =	shalt  }
0x61: {  	_ =	shalt  }
0x62: {  	_ =	shalt  }
0x63: {  	_ =	shalt  }
0x64: {  	_ =	shalt  }
0x65: {  	_ =	shalt  }
0x66: {  	_ =	shalt  }
0x67: {  	_ =	shalt  }
0x68: {  	_ =	shalt  }
0x69: {  	_ =	shalt  }
0x6a: {  	_ =	shalt  }
0x6b: {  	_ =	shalt  }
0x6c: {  	_ =	shalt  }
0x6d: {  	_ =	shalt  }
0x6e: {  	_ =	shalt  }
0x6f: {  	_ =	shalt  }
0x70: {  	_ =	shalt  }
0x71: {  	_ =	shalt  }
0x72: {  	_ =	shalt  }
0x73: {  	_ =	shalt  }
0x74: {  	_ =	shalt  }
0x75: {  	_ =	shalt  }
0x76: {  	_ =	shalt  }
0x77: {  	_ =	shalt  }
0x78: {  	_ =	shalt  }
0x79: {  	_ =	shalt  }
0x7a: {  	_ =	shalt  }
0x7b: {  	_ =	shalt  }
0x7c: {  	_ =	shalt  }
0x7d: {  	_ =	shalt  }
0x7e: {  	_ =	shalt  }
0x7f: {  	_ =	shalt  }
0x80: {  	_ =	shalt  }
0x81: {  	_ =	shalt  }
0x82: {  	_ =	shalt  }
0x83: {  	_ =	shalt  }
0x84: {  	_ =	shalt  }
0x85: {  	_ =	shalt  }
0x86: {  	_ =	shalt  }
0x87: {  	_ =	shalt  }
.Lfunc_end0:
.L_simem_size_0:
called_computation.5_lowered:
.L_overlay_start_0:
0x88: {  	s2 =	sld [smem:$0x3FD9]  }
0x89: {  	s3 =	sld [smem:$0x3FFE];
	_ =	sdelay $0x1  }
0x8a: {  	s1 =	srdreg.scid  }
0x8b: {  	s0 =	sand.u32 $0x1, s1  }
0x8c: {  	s16 =	sshll.u32 s0, $0xA;
	s2 =	sadd.s32 s3, s2  }
0x8d: {  	s2 =	sadd.s32 s2, s16  }
0x8e: {  	[smem:$0x3FB8] =	sst s2  }
0x8f: {  	_ = 	snop  }
0x90: {  	(tm) =	ssettm $0x1  }
0x91: {  	s17 =	sld [smem:$0x3FFB];
	_ =	sdelay $0x3  }
0x92: {  	_ =	strace s17  }
0x93: {  	s2 =	sld [smem:$0x3FFC];
	_ =	sdelay $0x3  }
0x94: {  	_ =	strace s2  }
0x95: {  	s2 =	sld [smem:$0x3FFD];
	_ =	sdelay $0x3  }
0x96: {  	_ =	strace s2  }
0x97: {  	_ =	strace $0x8FFFFFFF  }
0x98: {  	s18 =	sld [smem:$0x3FDB];
	_ =	sdelay $0x1  }
0x99: {  	s19 =	simm.s32 $_scs_section_size  }
0x9a: {  	s4 =	simm.s32 $_size__tile_overlayer_lowered;
	s5 =	simm.s32 $_tile_overlayer_lowered  }
0x9b: {  	s22 =	simm.s32 $0x1BFF;
	s21 =	sshll.u32 s5, $0x1;
	s2 =	sadd.s32 s19, s18  }
0x9c: {  	s6 =	simm.s32 $0x0;
	s20 =	sshll.u32 s4, $0x1;
	s4 =	sadd.s32 s21, s2  }
0x9d: {  	[timem:s6], [sflag:s22] =	dma.local [hbm:s4], s20  }
0x9e: {  	_ =	swait.ge [sflag:s22], s20  }
0x9f: {  	s3 =	ssub.s32 $0x0, s20;
	[sflag:s22] =	ssyncset.done $0x0  }
0xa0: {  	[sflag:s22] =	ssyncadd.s32 s3;
	_ =	sdelay $0x1  }
0xa1: {  	s23 =	simm.s32 $0x1B8B  }
0xa2: {  	_ =	swait.ge [sflag:s23], $0x1  }
0xa3: {  	[sflag:s23] =	ssyncset.done $0x0  }
0xa4: {  	s25 =	simm.s32 $0x1B8E;
	s24 =	sld [smem:$0x3FFE];
	[sflag:s23] =	ssyncadd.s32 $0xFFFFFFFF  }
0xa5: {  	s26 =	simm.s32 $execute0_lowered;
	[smem:$0x3FD2] =	sst s25  }
0xa6: {  	s4 =	sshll.u32 s26, $0x1;
	_ =	strace $0x80000055;
	[dreg:$0x1] =	wrdreg $0xFFFFFFFF  }
0xa7: {  	s28 =	simm.s32 $_size_execute0_lowered;
	s2 =	sadd.s32 s2, s4;
	[dreg:$0x0] =	wrdreg $0x0  }
0xa8: {  	s4 =	sshll.u32 s28, $0x1;
	[dreg:$0x2] =	wrdreg s2  }
0xa9: {  	[dreg:$0x3] =	wrdreg s4  }
0xaa: {  	[dreg:$0x4] =	wrdreg $0xC0  }
0xab: {  	_ =	task [dreg:s6], $0x5FFFF  }
0xac: {  	[dreg:$0x1] =	wrdreg $0xFFFFFFFF  }
0xad: {  	[dreg:$0x0] =	wrdreg $0x60  }
0xae: {  	[dreg:$0x2] =	wrdreg s24  }
0xaf: {  	[dreg:$0x3] =	wrdreg $0xB8000  }
0xb0: {  	[dreg:$0x4] =	wrdreg $0x9  }
0xb1: {  	_ =	task.clear_ibuf [dreg:s6], $0x5FFFF;
	_ =	strace $0x90000055  }
0xb2: {  	s29 =	simm.s32 $0x9;
	_ =	strace $0x80000057  }
0xb3: {  	_ =	swait.ge [sflag:s29], $0x1  }
0xb4: {  	[sflag:s29] =	ssyncadd.s32 $0xFFFFFFFF  }
0xb5: {  	_ =	strace $0x90000057  }
0xb6: {  	_ =	sfence  }
0xb7: {  	s30 =	sld [smem:$0x0];
	_ =	sdelay $0x2  }
0xb8: {  	s31 =	sshll.u32 s1, $0xD;
	s1 =	sshrl.u32 s1, $0x2  }
0xb9: {  	s3 =	sand.u32 $0x4000, s31;
	s1 =	sadd.s32 s1, s30  }
0xba: {  	s0 =	sor.u32 s3, s0;
	s1 =	sshll.u32 s1, $0x11  }
0xbb: {  	s0 =	sor.u32 s1, s0  }
0xbc: {  	s0 =	sadd.s32 $0x8F2B, s0  }
0xbd: {  	[sflag:s0] =	ssyncadd.remote.s32 $0x1  }
0xbe: {  	_ =	sfence.sel $0xFFFF  }
0xbf: {  	[dreg:$0x0] =	wrdreg $0xFFFFFFFF;
	(pc) =	sbr.abs _section_cstart, $3  }
0xc0: {  	[dreg:$0x1] =	wrdreg $0xFFFFFFFF  }
0xc1: {  	_ =	task.clear_ibuf [dreg:s6], $0x2FFFF;
	_ =	strace $0x9FFFFFFF  }
0xc2: {  	(tm) =	ssettm $0x7FFFFFFF  }
0xc3: {  	_ =	shalt  }
tec
execute0_lowered:
.L_overlay_start_1:
0x0: {  	(tag) =	ssettag $0x1  }
0x1: {  	s4 =	rddreg [dreg:$0x0]  }
0x2: {  	s1 =	rddreg [dreg:$0x1]  }
0x3: {  	s0 =	rddreg [dreg:$0x2];
	s3 =	srdreg.scid  }
0x4: {  	s10 =	stileid.u32;
	s2 =	simm.s32 $0x0;
	s15 =	simm.s32 $0x4  }
0x5: {  	s16 =	simm.s32 $0x5;
	s17 =	simm.s32 $0x6;
	s18 =	simm.s32 $0x0  }
0x6: {  	s5 =	sand.u32 $0x1, s3;
	s29 =	sshll.u32 s10, $0x1;
	[smem:$0x7FF] =	sst s2  }
0x7: {  	s7 =	sadd.s32 $0xF45C00, s4;
	s13 =	smul.u32 $0x4E200, s10;
	p0 =	sne.s32 s10, $0x0  }
0x8: {  	s6 =	sor.u32 s5, s29;
	_ =	strace $0x80000056;
	s8 =	smul.u32 $0x27100, s5  }
0x9: {  	s5 =	ssub.s32 $0x2, s5;
	s10 =	sshrl.u32 @!p0 s1, $0x3;
	s11 =	smul.u32 $0x27100, s6  }
0xa: {  	s3 =	sshll.u32 s6, $0xB;
	s6 =	smul.u32 $0x138800, s6;
	s30 =	sshrl.u32 s5, $0x1  }
0xb: {  	s31 =	sadd.s32 s13, s7;
	s13 =	simm.s32 $0x6800;
	s9 =	sadd.s32 s3, s4  }
0xc: {  	s3 =	sadd.s32 $0x29600, s4;
	s12 =	sadd.s32 s8, s4;
	s14 =	ssub.s32 s5, s30  }
0xd: {  	s4 =	sadd.s32 $0x9600, s9;
	s6 =	sshrl.u32 s6, $0x3;
	s5 =	sadd.s32 s7, s11  }
0xe: {  	s9 =	sadd.s32 s8, s31;
	s8 =	smax.u32 s14, $0x1;
	s11 =	simm.s32 $0x7  }
0xf: {  	s14 =	simm.s32 $0x50;
	s6 =	sadd.s32 s7, s6;
	s7 =	sadd.s32 $0x51400, s12  }
0x10: {  	s9 =	sadd.s32 $0xA00, s9;
	s12 =	simm.s32 $0x4000;
	s6 =	sadd.s32 $0x500, s6  }
.LBB2_1:
0x11: {  	s19 =	simm.s32 @!p0 $0x1C07  }
0x12: {  	[spmem:s10], [sflag:s19] =	dma.local @!p0 [hbm:s3], $0x27100  }
0x13: {  	s29 =	smul.u32 $0xAB, s2;
	s19 =	simm.s32 @!p0 $0x7  }
0x14: {  	p1 =	por $0x0, $0x0;
	s22 =	simm.s32 $0x2;
	_ =	swait.ge @!p0 [sflag:s19], $0x27100  }
0x15: {  	p2 =	por @!p1 $0x1, $0x1;
	s20 =	sshrl.u32 s29, $0x9;
	[sflag:s19] =	ssyncset.done @!p0 $0x0  }
0x16: {  	s20 =	sand.u32 $0x7F, s20;
	[sflag:s19] =	ssyncadd.s32 @!p0 $0xFFFD8F00;
	s19 =	sadd.s32 $0x156, s29  }
0x17: {  	[tilespmem:s2], [sflag:$0x7] =	stream.linear.gather [hbm4b:s4+s2], $0x3E80, $0x38;
	[tilespmem:$0x15440] =	vst v63  }
0x18: {  	s20 =	smul.u32 $0x3, s20;
	s19 =	sshrl.u32 s19, $0x9;
	_ =	swait.ge [sflag:s11], $0x3E80  }
0x19: {  	p2 =	por p2, p1;
	s19 =	sand.u32 $0x7F, s19;
	[sflag:s11] =	ssyncset.done $0x0  }
0x1a: {  	s20 =	ssub.s32 $0x0, s20;
	s21 =	smul.u32 $0x3, s19;
	[sflag:s11] =	ssyncadd.s32 $0xFFFFC180  }
0x1b: {  	s19 =	simm.s32 $0x1;
	s23 =	sand.u32 $0xFF, s20;
	[bflag:$0x0] =	sbarrier.arrive $0xFFFF  }
0x1c: {  	[tilespmem:s12], [sflag:$0x1] =	stream.linear.gather [hbm4b:s5+s2], $0x2800, $0x38;
	[tilespmem:$0x15440] =	vst v63  }
0x1d: {  	s31 =	sadd.s32 $0x1, s23;
	s25 =	smul.u32 $0xA000, s23;
	s30 =	ssub.s32 $0x0, s21  }
0x1e: {  	[tilespmem:s13], [sflag:$0x2] =	stream.linear.gather [hbm4b:s6+s2], $0x2800, $0x38;
	[tilespmem:$0x15440] =	vst v63  }
0x1f: {  	s26 =	sadd.s32 $0x4, s23;
	s20 =	sadd.s32 $0x2, s30;
	_ =	swait.ge [sflag:s31], $0x2800  }
0x20: {  	s25 =	sshrl.u32 s25, $0x2;
	s20 =	sand.u32 $0xFF, s20;
	[sflag:s31] =	ssyncset.done $0x0  }
0x21: {  	s24 =	smul.u32 @!p1 $0xA000, s20;
	s21 =	sadd.s32 @!p2 $0x4, s20;
	[sflag:s31] =	ssyncadd.s32 $0xFFFFD800  }
0x22: {  	s23 =	simm.s32 $0x0;
	s25 =	sadd.s32 $0x4000, s25;
	_ =	swait.ge @!p2 [sflag:s21], $0x1400  }
0x23: {  	s20 =	sadd.s32 @!p1 $0x1, s20;
	s24 =	sshrl.u32 @!p1 s24, $0x2;
	[sflag:s21] =	ssyncset.done @!p2 $0x0  }
0x24: {  	s24 =	sadd.s32 @!p1 $0x4000, s24;
	[sflag:s21] =	ssyncadd.s32 @!p2 $0xFFFFEC00;
	s21 =	simm.s32 @!p1 $0x0  }
0x25: {  	[tilespmem:s24], [sflag:s20] =	stream.linear.gather @!p1 [hbm4b:s9+s21], $0x2800, $0x38;
	[tilespmem:$0x15440] =	vst v63  }
0x26: {  	s21 =	sadd.s32 $0x500, s9;
	s20 =	simm.s32 $0x80;
	s24 =	smul.u32 $0xAB, s19  }
.LBB2_2:
0x27: {  	[spmem:s1] =	stream.indirect.scatter.add.f32 [tilespmem:s25], [sflag:s26], $0x40, s23, s14, $0xb8;
	[tilespmem:$0x15440] =	vst v63  }
0x28: {  	s25 =	smov.u32 s19;
	s19 =	smov.u32 s22;
	s26 =	smov.u32 s21  }
0x29: {  	s22 =	sadd.s32 $0x1, s22;
	s23 =	sshrl.u32 s24, $0x9;
	s24 =	sadd.s32 $0x156, s24  }
0x2a: {  	p1 =	sne.s32 s22, $0x7D;
	s23 =	sand.u32 $0x7F, s23;
	s24 =	sshrl.u32 s24, $0x9  }
0x2b: {  	s28 =	smul.u32 $0x3, s23;
	s24 =	sand.u32 $0x7F, s24;
	s23 =	smov.u32 s20  }
0x2c: {  	s24 =	smul.u32 $0x3, s24  }
0x2d: {  	s21 =	sadd.s32 $0x500, s21;
	s28 =	ssub.s32 s25, s28  }
0x2e: {  	p2 =	sgt.u32 s25, $0x7A;
	s28 =	sand.u32 $0xFF, s28;
	s24 =	ssub.s32 s25, s24  }
0x2f: {  	s24 =	sadd.s32 $0x2, s24;
	s29 =	sadd.s32 $0x1, s28;
	s30 =	smul.u32 $0xA000, s28  }
0x30: {  	p3 =	seq.s32 @!p2 s25, $0x0;
	s24 =	sand.u32 $0xFF, s24;
	_ =	swait.ge [sflag:s29], $0x2800  }
0x31: {  	p3 =	por p3, p2;
	[sflag:s29] =	ssyncset.done $0x0;
	s25 =	smul.u32 @!p2 $0xA000, s24  }
0x32: {  	s30 =	sshrl.u32 s30, $0x2;
	[sflag:s29] =	ssyncadd.s32 $0xFFFFD800;
	s29 =	sadd.s32 @!p3 $0x4, s24  }
.Ltmp0:
0x33: {  	_ =	swait.ge @!p3 [sflag:s29], $0x1400;
	s25 =	sshrl.u32 @!p2 s25, $0x2;
	(pc) =	sbr.rel @p1 .LBB2_2-.Ltmp0, $4  }
0x34: {  	s20 =	sadd.s32 $0x80, s20;
	[sflag:s29] =	ssyncset.done @!p3 $0x0;
	s25 =	sadd.s32 @!p2 $0x4000, s25  }
0x35: {  	s24 =	sadd.s32 @!p2 $0x1, s24;
	[sflag:s29] =	ssyncadd.s32 @!p3 $0xFFFFEC00;
	s29 =	simm.s32 @!p2 $0x0  }
0x36: {  	[tilespmem:s25], [sflag:s24] =	stream.linear.gather @!p2 [hbm4b:s26+s29], $0x2800, $0x38;
	[tilespmem:$0x15440] =	vst v63  }
0x37: {  	s24 =	smul.u32 $0xAB, s19;
	s25 =	sadd.s32 $0x4000, s30;
	s26 =	sadd.s32 $0x4, s28  }
0x38: {  	[spmem:s1] =	stream.indirect.scatter.add.f32 [tilespmem:s25], [sflag:s26], $0x40, s23, s14, $0xb8;
	[tilespmem:$0x15440] =	vst v63  }
0x39: {  	s22 =	sshrl.u32 s24, $0x9  }
0x3a: {  	s26 =	sadd.s32 $0x156, s24;
	s22 =	sand.u32 $0x7F, s22  }
0x3b: {  	s23 =	sshrl.u32 s26, $0x9;
	s22 =	smul.u32 $0x3, s22  }
0x3c: {  	s23 =	sand.u32 $0x7F, s23  }
0x3d: {  	s23 =	smul.u32 $0x3, s23;
	s22 =	ssub.s32 s19, s22  }
0x3e: {  	p1 =	sgt.u32 s19, $0x7A;
	s22 =	sand.u32 $0xFF, s22  }
0x3f: {  	p2 =	seq.s32 @!p1 s19, $0x0;
	s23 =	ssub.s32 s19, s23;
	s28 =	sadd.s32 $0x1, s22  }
0x40: {  	p2 =	por p2, p1;
	s23 =	sadd.s32 $0x2, s23;
	_ =	swait.ge [sflag:s28], $0x2800  }
0x41: {  	s29 =	smul.u32 $0xA000, s22;
	s23 =	sand.u32 $0xFF, s23;
	[sflag:s28] =	ssyncset.done $0x0  }
0x42: {  	s19 =	smul.u32 @!p1 $0xA000, s23;
	s24 =	sadd.s32 @!p2 $0x4, s23;
	[sflag:s28] =	ssyncadd.s32 $0xFFFFD800  }
0x43: {  	s25 =	sshrl.u32 s29, $0x2;
	_ =	swait.ge @!p2 [sflag:s24], $0x1400  }
0x44: {  	s23 =	sadd.s32 @!p1 $0x1, s23;
	s19 =	sshrl.u32 @!p1 s19, $0x2;
	[sflag:s24] =	ssyncset.done @!p2 $0x0  }
0x45: {  	s19 =	sadd.s32 @!p1 $0x4000, s19;
	[sflag:s24] =	ssyncadd.s32 @!p2 $0xFFFFEC00;
	s24 =	simm.s32 @!p1 $0x0  }
0x46: {  	[tilespmem:s19], [sflag:s23] =	stream.linear.gather @!p1 [hbm4b:s21+s24], $0x2800, $0x38;
	[tilespmem:$0x15440] =	vst v63  }
0x47: {  	s31 =	sadd.s32 $0x4, s22;
	s30 =	sadd.s32 $0x4000, s25  }
0x48: {  	[spmem:s1] =	stream.indirect.scatter.add.f32 [tilespmem:s30], [sflag:s31], $0x40, s20, s14, $0xb8;
	[tilespmem:$0x15440] =	vst v63  }
0x49: {  	_ =	swait.ge [sflag:s15], $0x1400  }
0x4a: {  	[sflag:s15] =	ssyncset.done $0x0  }
0x4b: {  	[sflag:s15] =	ssyncadd.s32 $0xFFFFEC00  }
0x4c: {  	_ =	swait.ge [sflag:s16], $0x1400  }
0x4d: {  	[sflag:s16] =	ssyncset.done $0x0  }
0x4e: {  	[sflag:s16] =	ssyncadd.s32 $0xFFFFEC00  }
0x4f: {  	_ =	swait.ge [sflag:s17], $0x1400  }
0x50: {  	[sflag:s17] =	ssyncset.done $0x0  }
0x51: {  	s18 =	sadd.s32 $0x1, s18;
	[sflag:s17] =	ssyncadd.s32 $0xFFFFEC00  }
0x52: {  	s19 =	simm.s32 @!p0 $0x1C07;
	p1 =	sne.s32 s18, s8;
	[bflag:$0x0] =	sbarrier.arrive $0xFFFF  }
0x53: {  	[hbm:s7], [sflag:s19] =	dma.local @!p0 [spmem:s10], $0x27100  }
.Ltmp1:
0x54: {  	_ = 	snop;
	(pc) =	sbr.rel @p1 .LBB2_1-.Ltmp1, $4  }
0x55: {  	s19 =	simm.s32 @!p0 $0x7  }
0x56: {  	_ =	swait.ge @!p0 [sflag:s19], $0x27100  }
0x57: {  	[sflag:s19] =	ssyncset.done @!p0 $0x0  }
0x58: {  	[sflag:s19] =	ssyncadd.s32 @!p0 $0xFFFD8F00  }
0x59: {  	_ =	sfence.sel $0x180000  }
0x5a: {  	[bflag:$0x0] =	sbarrier.arrive $0xFFFF  }
0x5b: {  	_ =	strace $0x90000056  }
0x5c: {  	s0 =	sadd.s32 @!p0 $0x100000, s0;
	[bflag:$0x2] =	sbarrier.arrive $0xFFFF  }
0x5d: {  	[sflag:s0] =	ssyncadd.tile.s32 @!p0 $0x1;
	_ =	shalt  }
.Lfunc_end2:
_tile_overlayer_lowered:
.L_overlay_start_2:
0x5e: {  	(tag) =	ssettag $0x2  }
0x5f: {  	s0 =	rddreg [dreg:$0x0];
	s2 =	stileid.u32  }
0x60: {  	s1 =	rddreg [dreg:$0x1];
	p0 =	sne.s32 s2, $0x0  }
0x61: {  	s3 =	rddreg [dreg:$0x2];
	[bflag:$0x3] =	sbarrier.arrive $0xFFFF;
	s2 =	simm.s32 @!p0 $0x1C07  }
0x62: {  	[timem:s3], [sflag:s2] =	dma.local @!p0 [hbm:s0], s1  }
0x63: {  	s0 =	simm.s32 @!p0 $0x7  }
0x64: {  	_ =	swait.ge @!p0 [sflag:s0], s1  }
0x65: {  	s1 =	ssub.s32 @!p0 $0x0, s1;
	[sflag:s0] =	ssyncset.done @!p0 $0x0  }
0x66: {  	[sflag:s0] =	ssyncadd.s32 @!p0 s1  }
0x67: {  	[bflag:$0x3] =	sbarrier.arrive $0xFFFF  }
0x68: {  	_ =	shalt  }

</sc_bundles>
